<compile_context>
chip_gen: v7x
topology: tpu7x:2x2x1
jax: 0.10.2.dev20260603
libtpu: 0.0.44.dev20260713+nightly
codegen_flags: <defaults>
</compile_context>

<pallas_src>
import functools

import jax
import jax.numpy as jnp
from jax import lax
from jax.experimental import pallas as pl
from jax.experimental.pallas import tpu as pltpu
from jax.experimental.pallas import tpu_sc as plsc

N = 256
_INFO = plsc.get_sparse_core_info()
NC, NS, L = _INFO.num_cores, _INFO.num_subcores, _INFO.num_lanes
NW = NC * NS
RPW = N // NW
CHUNK = RPW * N
NCOL = N // L

_SQRT2 = 1.4142135623730951
_C1 = 2.885390081777927
_C3 = 0.9617966939259756
_C5 = 0.5770780163555854
_C7 = 0.4121985945111324
_C9 = 0.3205988979753252


def _log2(u):
    bits = lax.bitcast_convert_type(u, jnp.int32)
    e = (bits >> 23) - 127
    m = lax.bitcast_convert_type((bits & 0x7FFFFF) | 0x3F800000, jnp.float32)
    big = m >= jnp.float32(_SQRT2)
    m2 = jnp.where(big, m * jnp.float32(0.5), m)
    ef = e.astype(jnp.float32) + jnp.where(big, jnp.float32(1.0), jnp.float32(0.0))
    z = (m2 - jnp.float32(1.0)) / (m2 + jnp.float32(1.0))
    z2 = z * z
    pz = z * (jnp.float32(_C1) + z2 * (jnp.float32(_C3) + z2 * (
        jnp.float32(_C5) + z2 * (jnp.float32(_C7) + z2 * jnp.float32(_C9)))))
    return ef + pz


def _bit(p, u0, u1):
    w0 = -_log2(u0)
    w1 = -_log2(u1)
    t = jnp.exp(jnp.float32(2.0) * p - jnp.float32(1.0))
    return jnp.where(w1 * t >= w0, jnp.float32(1.0), jnp.float32(0.0))


def _body(rp_h, ur0_h, ur1_h, ep_h, u0_h, u1_h, ept_h, u0t_h, u1t_h, out_h,
          rp_v, ur0_v, ur1_v, croot_v,
          ep_v, u0_v, u1_v, ept_v, u0t_v, u1t_v, out_v,
          idx_v, g0_v, g1_v, g2_v, sem):
    wid = lax.axis_index("s") * NC + lax.axis_index("c")
    base = wid * CHUNK

    pltpu.sync_copy(rp_h, rp_v)
    pltpu.sync_copy(ur0_h, ur0_v)
    pltpu.sync_copy(ur1_h, ur1_v)
    pltpu.sync_copy(ep_h.at[pl.ds(base, CHUNK)], ep_v)
    pltpu.sync_copy(u0_h.at[pl.ds(base, CHUNK)], u0_v)
    pltpu.sync_copy(u1_h.at[pl.ds(base, CHUNK)], u1_v)
    pltpu.sync_copy(ept_h.at[pl.ds(base, CHUNK)], ept_v)
    pltpu.sync_copy(u0t_h.at[pl.ds(base, CHUNK)], u0t_v)
    pltpu.sync_copy(u1t_h.at[pl.ds(base, CHUNK)], u1t_v)

    def croot_body(c, carry):
        s = c * L
        bit = _bit(rp_v[pl.ds(s, L)], ur0_v[pl.ds(s, L)], ur1_v[pl.ds(s, L)])
        croot_v[pl.ds(s, L)] = jnp.float32(1.0) - bit
        return carry

    lax.fori_loop(0, NCOL, croot_body, 0)

    lanes = lax.iota(jnp.int32, L)
    for li in range(RPW):
        i = wid * RPW + li
        iv = jnp.zeros((L,), jnp.int32) + i
        idx_v[...] = iv
        pltpu.async_copy(rp_h.at[idx_v], g0_v, sem).wait()
        pltpu.async_copy(ur0_h.at[idx_v], g1_v, sem).wait()
        pltpu.async_copy(ur1_h.at[idx_v], g2_v, sem).wait()
        ci = jnp.float32(1.0) - _bit(g0_v[...], g1_v[...], g2_v[...])

        def col_body(c, carry, li=li, i=i, ci=ci):
            s = c * L
            off = li * N + s
            e_bit = _bit(ep_v[pl.ds(off, L)], u0_v[pl.ds(off, L)],
                         u1_v[pl.ds(off, L)])
            et_bit = _bit(ept_v[pl.ds(off, L)], u0t_v[pl.ds(off, L)],
                          u1t_v[pl.ds(off, L)])
            m = e_bit * croot_v[pl.ds(s, L)]
            mt = et_bit * ci
            jv = lanes + s
            keep = jnp.float32(1.0) - jnp.where(jv < i, mt, jnp.float32(0.0))
            dag = jnp.where(jv == i, jnp.float32(0.0), m * keep)
            out_v[pl.ds(off, L)] = dag
            return carry

        lax.fori_loop(0, NCOL, col_body, 0)

    pltpu.sync_copy(out_v, out_h.at[pl.ds(base, CHUNK)])


_sc_call = functools.partial(
    pl.kernel,
    out_type=jax.ShapeDtypeStruct((N * N,), jnp.float32),
    mesh=plsc.VectorSubcoreMesh(core_axis_name="c", subcore_axis_name="s"),
    scratch_types=[
        pltpu.VMEM((N,), jnp.float32),
        pltpu.VMEM((N,), jnp.float32),
        pltpu.VMEM((N,), jnp.float32),
        pltpu.VMEM((N,), jnp.float32),
        pltpu.VMEM((CHUNK,), jnp.float32),
        pltpu.VMEM((CHUNK,), jnp.float32),
        pltpu.VMEM((CHUNK,), jnp.float32),
        pltpu.VMEM((CHUNK,), jnp.float32),
        pltpu.VMEM((CHUNK,), jnp.float32),
        pltpu.VMEM((CHUNK,), jnp.float32),
        pltpu.VMEM((CHUNK,), jnp.float32),
        pltpu.VMEM((L,), jnp.int32),
        pltpu.VMEM((L,), jnp.float32),
        pltpu.VMEM((L,), jnp.float32),
        pltpu.VMEM((L,), jnp.float32),
        pltpu.SemaphoreType.DMA,
    ],
)(_body)


def kernel(root_probs, edge_probs, u_root, u_edge):
    u0 = u_edge[:, :, 0]
    u1 = u_edge[:, :, 1]
    out = _sc_call(
        root_probs,
        u_root[:, 0], u_root[:, 1],
        edge_probs.reshape(-1),
        u0.reshape(-1), u1.reshape(-1),
        edge_probs.T.reshape(-1),
        u0.T.reshape(-1), u1.T.reshape(-1),
    )
    return out.reshape(N, N)

# --- scband reference (transcript-rebuilt; emitter-appended) ---
"""Pipeline reference for scband-probabilistic-dag-generator-17806934409651 (READ-ONLY COPY).

The authoritative reference and input builder live on the scoring server;
editing this copy changes nothing except your own understanding.
"""

import jax, jax.numpy as jnp
import numpy as np

N_NODES = 256


def _gumbel_softmax_hard0(logits, u, tau=1.0):
    # torch.nn.functional.gumbel_softmax(logits, hard=True)[..., 0]
    g = -jnp.log(-jnp.log(u))
    y = jax.nn.softmax((logits + g) / tau, axis=-1)
    idx = jnp.argmax(y, axis=-1)
    y_hard = jax.nn.one_hot(idx, logits.shape[-1], dtype=y.dtype)
    y_st = jax.lax.stop_gradient(y_hard - y) + y  # straight-through
    return y_st[..., 0]


def setup_inputs(seed: int = 0) -> dict:
    key = jax.random.key(seed)
    k1, k2, k3, k4 = jax.random.split(key, 4)
    # learned parameters (torch: self.root_probs, self.edge_probs = torch.rand)
    root_probs = jax.random.uniform(k1, (N_NODES,), dtype=jnp.float32)
    edge_probs = jax.random.uniform(k2, (N_NODES, N_NODES), dtype=jnp.float32)
    # pre-sampled uniform noise for the gumbel draws (torch samples internally)
    u_root = jax.random.uniform(k3, (N_NODES, 2), dtype=jnp.float32, minval=1e-9, maxval=1.0)
    u_edge = jax.random.uniform(k4, (N_NODES, N_NODES, 2), dtype=jnp.float32, minval=1e-9, maxval=1.0)
    return {"root_probs": root_probs, "edge_probs": edge_probs, "u_root": u_root, "u_edge": u_edge}


def reference(root_probs, edge_probs, u_root, u_edge):
    n = root_probs.shape[0]
    # roots_one_hot[i] = gumbel_softmax([p_i, 1-p_i], hard=True)[0]
    root_logits = jnp.stack([root_probs, 1.0 - root_probs], axis=-1)        # [n, 2]
    roots_one_hot = _gumbel_softmax_hard0(root_logits, u_root)              # [n]
    # per-edge hard gumbel samples (pre-sampled; applied row by row below)
    edge_logits = jnp.stack([edge_probs, 1.0 - edge_probs], axis=-1)        # [n, n, 2]
    edge_samples = _gumbel_softmax_hard0(edge_logits, u_edge)               # [n, n]

    # anc[j, k] = 1 iff k in ancestors[j]; initialized with ancestors[k] = {k}
    anc0 = jnp.eye(n, dtype=jnp.float32)

    def step(anc, i):
        # candidates = (1 - roots_one_hot) * (zero out ancestors of i)
        candidates = (1.0 - roots_one_hot) * (1.0 - anc[i])
        row = edge_samples[i] * candidates                                   # dag[i, :]
        # if dag[i, j] == 1: ancestors[j].add(i)  (discrete set update -> stop_gradient)
        anc = anc.at[:, i].set(jnp.maximum(anc[:, i], jax.lax.stop_gradient(row)))
        return anc, row

    _, dag = jax.lax.scan(step, anc0, jnp.arange(n))                         # dag: [n, n]
    return dag

if __name__ == "__main__":
    import jax
    _d = setup_inputs()
    print(jax.jit(kernel)(*tuple(_d.values())))

</pallas_src>

<mosaic_0001>
#map = affine_map<(d0, d1) -> (0)>
module attributes {stable_mosaic.version = 14 : i64} {
  func.func @_body(%arg0: i32, %arg1: i32, %arg2: memref<256xf32, #tpu.memory_space<hbm>>, %arg3: memref<256xf32, #tpu.memory_space<hbm>>, %arg4: memref<256xf32, #tpu.memory_space<hbm>>, %arg5: memref<65536xf32, #tpu.memory_space<hbm>>, %arg6: memref<65536xf32, #tpu.memory_space<hbm>>, %arg7: memref<65536xf32, #tpu.memory_space<hbm>>, %arg8: memref<65536xf32, #tpu.memory_space<hbm>>, %arg9: memref<65536xf32, #tpu.memory_space<hbm>>, %arg10: memref<65536xf32, #tpu.memory_space<hbm>>, %arg11: memref<65536xf32, #tpu.memory_space<hbm>>, %arg12: memref<256xf32, #tpu.memory_space<vmem>>, %arg13: memref<256xf32, #tpu.memory_space<vmem>>, %arg14: memref<256xf32, #tpu.memory_space<vmem>>, %arg15: memref<256xf32, #tpu.memory_space<vmem>>, %arg16: memref<2048xf32, #tpu.memory_space<vmem>>, %arg17: memref<2048xf32, #tpu.memory_space<vmem>>, %arg18: memref<2048xf32, #tpu.memory_space<vmem>>, %arg19: memref<2048xf32, #tpu.memory_space<vmem>>, %arg20: memref<2048xf32, #tpu.memory_space<vmem>>, %arg21: memref<2048xf32, #tpu.memory_space<vmem>>, %arg22: memref<2048xf32, #tpu.memory_space<vmem>>, %arg23: memref<16xi32, #tpu.memory_space<vmem>>, %arg24: memref<16xf32, #tpu.memory_space<vmem>>, %arg25: memref<16xf32, #tpu.memory_space<vmem>>, %arg26: memref<16xf32, #tpu.memory_space<vmem>>, %arg27: memref<!tpu.dma_semaphore, #tpu.memory_space<semaphore_mem>>) attributes {dimension_semantics = [#tpu.dimension_semantics<core_parallel>, #tpu.dimension_semantics<subcore_parallel>], iteration_bounds = array<i64: 2, 16>, scalar_prefetch = 0 : i64, scratch_operands = 16 : i64, tpu.core_type = #tpu.core_type<sc_vector_subcore>, window_params = [{transform_indices = #map}, {transform_indices = #map}, {transform_indices = #map}, {transform_indices = #map}, {transform_indices = #map}, {transform_indices = #map}, {transform_indices = #map}, {transform_indices = #map}, {transform_indices = #map}, {transform_indices = #map}]} {
    %mul3A = arith.constant 2 : i32
    %mul3A_0 = arith.muli %arg1, %mul3A : i32
    %add3A = arith.addi %mul3A_0, %arg0 : i32
    %mul3A_1 = arith.constant 2048 : i32
    %mul3A_2 = arith.muli %add3A, %mul3A_1 : i32
    "tpu.region"() ({
      %run_scoped3A = tpu.sem_alloc : memref<!tpu.dma_semaphore, #tpu.memory_space<semaphore_mem>>
      tpu.enqueue_dma source(%arg2 : memref<256xf32, #tpu.memory_space<hbm>>) target(%arg12 : memref<256xf32, #tpu.memory_space<vmem>>) target_semaphore(%run_scoped3A : memref<!tpu.dma_semaphore, #tpu.memory_space<semaphore_mem>>)
      tpu.wait_dma2 semaphore(%run_scoped3A : memref<!tpu.dma_semaphore, #tpu.memory_space<semaphore_mem>>) src(%arg2 : memref<256xf32, #tpu.memory_space<hbm>>) dst(%arg12 : memref<256xf32, #tpu.memory_space<vmem>>)
      tpu.yield
    }) : () -> ()
    "tpu.region"() ({
      %run_scoped3A = tpu.sem_alloc : memref<!tpu.dma_semaphore, #tpu.memory_space<semaphore_mem>>
      tpu.enqueue_dma source(%arg3 : memref<256xf32, #tpu.memory_space<hbm>>) target(%arg13 : memref<256xf32, #tpu.memory_space<vmem>>) target_semaphore(%run_scoped3A : memref<!tpu.dma_semaphore, #tpu.memory_space<semaphore_mem>>)
      tpu.wait_dma2 semaphore(%run_scoped3A : memref<!tpu.dma_semaphore, #tpu.memory_space<semaphore_mem>>) src(%arg3 : memref<256xf32, #tpu.memory_space<hbm>>) dst(%arg13 : memref<256xf32, #tpu.memory_space<vmem>>)
      tpu.yield
    }) : () -> ()
    "tpu.region"() ({
      %run_scoped3A = tpu.sem_alloc : memref<!tpu.dma_semaphore, #tpu.memory_space<semaphore_mem>>
      tpu.enqueue_dma source(%arg4 : memref<256xf32, #tpu.memory_space<hbm>>) target(%arg14 : memref<256xf32, #tpu.memory_space<vmem>>) target_semaphore(%run_scoped3A : memref<!tpu.dma_semaphore, #tpu.memory_space<semaphore_mem>>)
      tpu.wait_dma2 semaphore(%run_scoped3A : memref<!tpu.dma_semaphore, #tpu.memory_space<semaphore_mem>>) src(%arg4 : memref<256xf32, #tpu.memory_space<hbm>>) dst(%arg14 : memref<256xf32, #tpu.memory_space<vmem>>)
      tpu.yield
    }) : () -> ()
    "tpu.region"() ({
      %run_scoped3A = tpu.sem_alloc : memref<!tpu.dma_semaphore, #tpu.memory_space<semaphore_mem>>
      %dma_start3A_1383 = tpu.memref_slice %arg5[%mul3A_2] : memref<65536xf32, #tpu.memory_space<hbm>> -> memref<2048xf32, #tpu.memory_space<hbm>>
      %dma_start3A_1384 = tpu.memref_slice %arg5[%mul3A_2] : memref<65536xf32, #tpu.memory_space<hbm>> -> memref<2048xf32, #tpu.memory_space<hbm>>
      tpu.enqueue_dma source(%dma_start3A_1384 : memref<2048xf32, #tpu.memory_space<hbm>>) target(%arg16 : memref<2048xf32, #tpu.memory_space<vmem>>) target_semaphore(%run_scoped3A : memref<!tpu.dma_semaphore, #tpu.memory_space<semaphore_mem>>)
      %dma_wait3A_1385 = tpu.memref_slice %arg5[%mul3A_2] : memref<65536xf32, #tpu.memory_space<hbm>> -> memref<2048xf32, #tpu.memory_space<hbm>>
      %dma_wait3A_1386 = tpu.memref_slice %arg5[%mul3A_2] : memref<65536xf32, #tpu.memory_space<hbm>> -> memref<2048xf32, #tpu.memory_space<hbm>>
      tpu.wait_dma2 semaphore(%run_scoped3A : memref<!tpu.dma_semaphore, #tpu.memory_space<semaphore_mem>>) src(%dma_wait3A_1386 : memref<2048xf32, #tpu.memory_space<hbm>>) dst(%arg16 : memref<2048xf32, #tpu.memory_space<vmem>>)
      tpu.yield
    }) : () -> ()
    "tpu.region"() ({
      %run_scoped3A = tpu.sem_alloc : memref<!tpu.dma_semaphore, #tpu.memory_space<semaphore_mem>>
      %dma_start3A_1383 = tpu.memref_slice %arg6[%mul3A_2] : memref<65536xf32, #tpu.memory_space<hbm>> -> memref<2048xf32, #tpu.memory_space<hbm>>
      %dma_start3A_1384 = tpu.memref_slice %arg6[%mul3A_2] : memref<65536xf32, #tpu.memory_space<hbm>> -> memref<2048xf32, #tpu.memory_space<hbm>>
      tpu.enqueue_dma source(%dma_start3A_1384 : memref<2048xf32, #tpu.memory_space<hbm>>) target(%arg17 : memref<2048xf32, #tpu.memory_space<vmem>>) target_semaphore(%run_scoped3A : memref<!tpu.dma_semaphore, #tpu.memory_space<semaphore_mem>>)
      %dma_wait3A_1385 = tpu.memref_slice %arg6[%mul3A_2] : memref<65536xf32, #tpu.memory_space<hbm>> -> memref<2048xf32, #tpu.memory_space<hbm>>
      %dma_wait3A_1386 = tpu.memref_slice %arg6[%mul3A_2] : memref<65536xf32, #tpu.memory_space<hbm>> -> memref<2048xf32, #tpu.memory_space<hbm>>
      tpu.wait_dma2 semaphore(%run_scoped3A : memref<!tpu.dma_semaphore, #tpu.memory_space<semaphore_mem>>) src(%dma_wait3A_1386 : memref<2048xf32, #tpu.memory_space<hbm>>) dst(%arg17 : memref<2048xf32, #tpu.memory_space<vmem>>)
      tpu.yield
    }) : () -> ()
    "tpu.region"() ({
      %run_scoped3A = tpu.sem_alloc : memref<!tpu.dma_semaphore, #tpu.memory_space<semaphore_mem>>
      %dma_start3A_1383 = tpu.memref_slice %arg7[%mul3A_2] : memref<65536xf32, #tpu.memory_space<hbm>> -> memref<2048xf32, #tpu.memory_space<hbm>>
      %dma_start3A_1384 = tpu.memref_slice %arg7[%mul3A_2] : memref<65536xf32, #tpu.memory_space<hbm>> -> memref<2048xf32, #tpu.memory_space<hbm>>
      tpu.enqueue_dma source(%dma_start3A_1384 : memref<2048xf32, #tpu.memory_space<hbm>>) target(%arg18 : memref<2048xf32, #tpu.memory_space<vmem>>) target_semaphore(%run_scoped3A : memref<!tpu.dma_semaphore, #tpu.memory_space<semaphore_mem>>)
      %dma_wait3A_1385 = tpu.memref_slice %arg7[%mul3A_2] : memref<65536xf32, #tpu.memory_space<hbm>> -> memref<2048xf32, #tpu.memory_space<hbm>>
      %dma_wait3A_1386 = tpu.memref_slice %arg7[%mul3A_2] : memref<65536xf32, #tpu.memory_space<hbm>> -> memref<2048xf32, #tpu.memory_space<hbm>>
      tpu.wait_dma2 semaphore(%run_scoped3A : memref<!tpu.dma_semaphore, #tpu.memory_space<semaphore_mem>>) src(%dma_wait3A_1386 : memref<2048xf32, #tpu.memory_space<hbm>>) dst(%arg18 : memref<2048xf32, #tpu.memory_space<vmem>>)
      tpu.yield
    }) : () -> ()
    "tpu.region"() ({
      %run_scoped3A = tpu.sem_alloc : memref<!tpu.dma_semaphore, #tpu.memory_space<semaphore_mem>>
      %dma_start3A_1383 = tpu.memref_slice %arg8[%mul3A_2] : memref<65536xf32, #tpu.memory_space<hbm>> -> memref<2048xf32, #tpu.memory_space<hbm>>
      %dma_start3A_1384 = tpu.memref_slice %arg8[%mul3A_2] : memref<65536xf32, #tpu.memory_space<hbm>> -> memref<2048xf32, #tpu.memory_space<hbm>>
      tpu.enqueue_dma source(%dma_start3A_1384 : memref<2048xf32, #tpu.memory_space<hbm>>) target(%arg19 : memref<2048xf32, #tpu.memory_space<vmem>>) target_semaphore(%run_scoped3A : memref<!tpu.dma_semaphore, #tpu.memory_space<semaphore_mem>>)
      %dma_wait3A_1385 = tpu.memref_slice %arg8[%mul3A_2] : memref<65536xf32, #tpu.memory_space<hbm>> -> memref<2048xf32, #tpu.memory_space<hbm>>
      %dma_wait3A_1386 = tpu.memref_slice %arg8[%mul3A_2] : memref<65536xf32, #tpu.memory_space<hbm>> -> memref<2048xf32, #tpu.memory_space<hbm>>
      tpu.wait_dma2 semaphore(%run_scoped3A : memref<!tpu.dma_semaphore, #tpu.memory_space<semaphore_mem>>) src(%dma_wait3A_1386 : memref<2048xf32, #tpu.memory_space<hbm>>) dst(%arg19 : memref<2048xf32, #tpu.memory_space<vmem>>)
      tpu.yield
    }) : () -> ()
    "tpu.region"() ({
      %run_scoped3A = tpu.sem_alloc : memref<!tpu.dma_semaphore, #tpu.memory_space<semaphore_mem>>
      %dma_start3A_1383 = tpu.memref_slice %arg9[%mul3A_2] : memref<65536xf32, #tpu.memory_space<hbm>> -> memref<2048xf32, #tpu.memory_space<hbm>>
      %dma_start3A_1384 = tpu.memref_slice %arg9[%mul3A_2] : memref<65536xf32, #tpu.memory_space<hbm>> -> memref<2048xf32, #tpu.memory_space<hbm>>
      tpu.enqueue_dma source(%dma_start3A_1384 : memref<2048xf32, #tpu.memory_space<hbm>>) target(%arg20 : memref<2048xf32, #tpu.memory_space<vmem>>) target_semaphore(%run_scoped3A : memref<!tpu.dma_semaphore, #tpu.memory_space<semaphore_mem>>)
      %dma_wait3A_1385 = tpu.memref_slice %arg9[%mul3A_2] : memref<65536xf32, #tpu.memory_space<hbm>> -> memref<2048xf32, #tpu.memory_space<hbm>>
      %dma_wait3A_1386 = tpu.memref_slice %arg9[%mul3A_2] : memref<65536xf32, #tpu.memory_space<hbm>> -> memref<2048xf32, #tpu.memory_space<hbm>>
      tpu.wait_dma2 semaphore(%run_scoped3A : memref<!tpu.dma_semaphore, #tpu.memory_space<semaphore_mem>>) src(%dma_wait3A_1386 : memref<2048xf32, #tpu.memory_space<hbm>>) dst(%arg20 : memref<2048xf32, #tpu.memory_space<vmem>>)
      tpu.yield
    }) : () -> ()
    "tpu.region"() ({
      %run_scoped3A = tpu.sem_alloc : memref<!tpu.dma_semaphore, #tpu.memory_space<semaphore_mem>>
      %dma_start3A_1383 = tpu.memref_slice %arg10[%mul3A_2] : memref<65536xf32, #tpu.memory_space<hbm>> -> memref<2048xf32, #tpu.memory_space<hbm>>
      %dma_start3A_1384 = tpu.memref_slice %arg10[%mul3A_2] : memref<65536xf32, #tpu.memory_space<hbm>> -> memref<2048xf32, #tpu.memory_space<hbm>>
      tpu.enqueue_dma source(%dma_start3A_1384 : memref<2048xf32, #tpu.memory_space<hbm>>) target(%arg21 : memref<2048xf32, #tpu.memory_space<vmem>>) target_semaphore(%run_scoped3A : memref<!tpu.dma_semaphore, #tpu.memory_space<semaphore_mem>>)
      %dma_wait3A_1385 = tpu.memref_slice %arg10[%mul3A_2] : memref<65536xf32, #tpu.memory_space<hbm>> -> memref<2048xf32, #tpu.memory_space<hbm>>
      %dma_wait3A_1386 = tpu.memref_slice %arg10[%mul3A_2] : memref<65536xf32, #tpu.memory_space<hbm>> -> memref<2048xf32, #tpu.memory_space<hbm>>
      tpu.wait_dma2 semaphore(%run_scoped3A : memref<!tpu.dma_semaphore, #tpu.memory_space<semaphore_mem>>) src(%dma_wait3A_1386 : memref<2048xf32, #tpu.memory_space<hbm>>) dst(%arg21 : memref<2048xf32, #tpu.memory_space<vmem>>)
      tpu.yield
    }) : () -> ()
    %scan3A = arith.constant 0 : i32
    %scan3A_3 = arith.constant 0 : i32
    %scan3A_4 = arith.constant 16 : i32
    %scan3A_5 = arith.addi %scan3A_3, %scan3A_4 : i32
    %scan3A_6 = arith.constant 1 : i32
    scf.for %scan3A_1383 = %scan3A_3 to %scan3A_5 step %scan3A_6  : i32 {
      %mul3A_1384 = arith.constant 16 : i32
      %mul3A_1385 = arith.muli %scan3A_1383, %mul3A_1384 : i32
      %get3A_1386 = arith.index_cast %mul3A_1385 : i32 to index
      %get3A_1387 = tpu.vector_load %arg12[%get3A_1386] {strides = array<i32>} : memref<256xf32, #tpu.memory_space<vmem>>, vector<16xf32>,
      %get3A_1388 = vector.shape_cast %get3A_1387 : vector<16xf32> to vector<16xf32>
      %get3A_1389 = arith.index_cast %mul3A_1385 : i32 to index
      %get3A_1390 = tpu.vector_load %arg13[%get3A_1389] {strides = array<i32>} : memref<256xf32, #tpu.memory_space<vmem>>, vector<16xf32>,
      %get3A_1391 = vector.shape_cast %get3A_1390 : vector<16xf32> to vector<16xf32>
      %get3A_1392 = arith.index_cast %mul3A_1385 : i32 to index
      %get3A_1393 = tpu.vector_load %arg14[%get3A_1392] {strides = array<i32>} : memref<256xf32, #tpu.memory_space<vmem>>, vector<16xf32>,
      %get3A_1394 = vector.shape_cast %get3A_1393 : vector<16xf32> to vector<16xf32>
      %bitcast_convert_type3A_1395 = tpu.bitcast %get3A_1391 : vector<16xf32> -> vector<16xi32>
      %shift_right_arithmetic3A_1396 = arith.constant 23 : i32
      %shift_right_arithmetic3A_1397 = vector.broadcast %shift_right_arithmetic3A_1396 : i32 to vector<16xi32>
      %shift_right_arithmetic3A_1398 = arith.shrsi %bitcast_convert_type3A_1395, %shift_right_arithmetic3A_1397 : vector<16xi32>
      %sub3A_1399 = arith.constant 127 : i32
      %sub3A_1400 = vector.broadcast %sub3A_1399 : i32 to vector<16xi32>
      %sub3A_1401 = arith.subi %shift_right_arithmetic3A_1398, %sub3A_1400 : vector<16xi32>
      %and3A_1402 = arith.constant 8388607 : i32
      %and3A_1403 = vector.broadcast %and3A_1402 : i32 to vector<16xi32>
      %and3A_1404 = arith.andi %bitcast_convert_type3A_1395, %and3A_1403 : vector<16xi32>
      %or3A_1405 = arith.constant 1065353216 : i32
      %or3A_1406 = vector.broadcast %or3A_1405 : i32 to vector<16xi32>
      %or3A_1407 = arith.ori %and3A_1404, %or3A_1406 : vector<16xi32>
      %bitcast_convert_type3A_1408 = tpu.bitcast %or3A_1407 : vector<16xi32> -> vector<16xf32>
      %ge3A_1409 = arith.constant 1.41421354 : f32
      %ge3A_1410 = vector.broadcast %ge3A_1409 : f32 to vector<16xf32>
      %ge3A_1411 = arith.cmpf oge, %bitcast_convert_type3A_1408, %ge3A_1410 : vector<16xf32>
      %mul3A_1412 = arith.constant 5.000000e-01 : f32
      %mul3A_1413 = vector.broadcast %mul3A_1412 : f32 to vector<16xf32>
      %mul3A_1414 = arith.mulf %bitcast_convert_type3A_1408, %mul3A_1413 : vector<16xf32>
      %select_n3A_1415 = arith.select %ge3A_1411, %mul3A_1414, %bitcast_convert_type3A_1408 : vector<16xi1>, vector<16xf32>
      %convert_element_type3A_1416 = arith.sitofp %sub3A_1401 : vector<16xi32> to vector<16xf32>
      %jit3A_1417 = arith.constant 1.000000e+00 : f32
      %jit3A_1418 = arith.constant 0.000000e+00 : f32
      %broadcast_in_dim3A_1419 = vector.broadcast %jit3A_1417 : f32 to vector<16xf32>
      %broadcast_in_dim3A_1420 = vector.broadcast %jit3A_1418 : f32 to vector<16xf32>
      %select_n3A_1421 = arith.select %ge3A_1411, %broadcast_in_dim3A_1419, %broadcast_in_dim3A_1420 : vector<16xi1>, vector<16xf32>
      %add3A_1422 = arith.addf %convert_element_type3A_1416, %select_n3A_1421 : vector<16xf32>
      %sub3A_1423 = arith.constant 1.000000e+00 : f32
      %sub3A_1424 = vector.broadcast %sub3A_1423 : f32 to vector<16xf32>
      %sub3A_1425 = arith.subf %select_n3A_1415, %sub3A_1424 : vector<16xf32>
      %add3A_1426 = arith.constant 1.000000e+00 : f32
      %add3A_1427 = vector.broadcast %add3A_1426 : f32 to vector<16xf32>
      %add3A_1428 = arith.addf %select_n3A_1415, %add3A_1427 : vector<16xf32>
      %div3A_1429 = arith.divf %sub3A_1425, %add3A_1428 : vector<16xf32>
      %mul3A_1430 = arith.mulf %div3A_1429, %div3A_1429 : vector<16xf32>
      %mul3A_1431 = arith.constant 0.3205989 : f32
      %mul3A_1432 = vector.broadcast %mul3A_1431 : f32 to vector<16xf32>
      %mul3A_1433 = arith.mulf %mul3A_1430, %mul3A_1432 : vector<16xf32>
      %add3A_1434 = arith.constant 0.412198603 : f32
      %add3A_1435 = vector.broadcast %add3A_1434 : f32 to vector<16xf32>
      %add3A_1436 = arith.addf %add3A_1435, %mul3A_1433 : vector<16xf32>
      %mul3A_1437 = arith.mulf %mul3A_1430, %add3A_1436 : vector<16xf32>
      %add3A_1438 = arith.constant 0.577078044 : f32
      %add3A_1439 = vector.broadcast %add3A_1438 : f32 to vector<16xf32>
      %add3A_1440 = arith.addf %add3A_1439, %mul3A_1437 : vector<16xf32>
      %mul3A_1441 = arith.mulf %mul3A_1430, %add3A_1440 : vector<16xf32>
      %add3A_1442 = arith.constant 0.9617967 : f32
      %add3A_1443 = vector.broadcast %add3A_1442 : f32 to vector<16xf32>
      %add3A_1444 = arith.addf %add3A_1443, %mul3A_1441 : vector<16xf32>
      %mul3A_1445 = arith.mulf %mul3A_1430, %add3A_1444 : vector<16xf32>
      %add3A_1446 = arith.constant 2.885390e+00 : f32
      %add3A_1447 = vector.broadcast %add3A_1446 : f32 to vector<16xf32>
      %add3A_1448 = arith.addf %add3A_1447, %mul3A_1445 : vector<16xf32>
      %mul3A_1449 = arith.mulf %div3A_1429, %add3A_1448 : vector<16xf32>
      %add3A_1450 = arith.addf %add3A_1422, %mul3A_1449 : vector<16xf32>
      %neg3A_1451 = arith.constant 0.000000e+00 : f32
      %neg3A_1452 = vector.broadcast %neg3A_1451 : f32 to vector<16xf32>
      %neg3A_1453 = arith.subf %neg3A_1452, %add3A_1450 : vector<16xf32>
      %bitcast_convert_type3A_1454 = tpu.bitcast %get3A_1394 : vector<16xf32> -> vector<16xi32>
      %shift_right_arithmetic3A_1455 = arith.constant 23 : i32
      %shift_right_arithmetic3A_1456 = vector.broadcast %shift_right_arithmetic3A_1455 : i32 to vector<16xi32>
      %shift_right_arithmetic3A_1457 = arith.shrsi %bitcast_convert_type3A_1454, %shift_right_arithmetic3A_1456 : vector<16xi32>
      %sub3A_1458 = arith.constant 127 : i32
      %sub3A_1459 = vector.broadcast %sub3A_1458 : i32 to vector<16xi32>
      %sub3A_1460 = arith.subi %shift_right_arithmetic3A_1457, %sub3A_1459 : vector<16xi32>
      %and3A_1461 = arith.constant 8388607 : i32
      %and3A_1462 = vector.broadcast %and3A_1461 : i32 to vector<16xi32>
      %and3A_1463 = arith.andi %bitcast_convert_type3A_1454, %and3A_1462 : vector<16xi32>
      %or3A_1464 = arith.constant 1065353216 : i32
      %or3A_1465 = vector.broadcast %or3A_1464 : i32 to vector<16xi32>
      %or3A_1466 = arith.ori %and3A_1463, %or3A_1465 : vector<16xi32>
      %bitcast_convert_type3A_1467 = tpu.bitcast %or3A_1466 : vector<16xi32> -> vector<16xf32>
      %ge3A_1468 = arith.constant 1.41421354 : f32
      %ge3A_1469 = vector.broadcast %ge3A_1468 : f32 to vector<16xf32>
      %ge3A_1470 = arith.cmpf oge, %bitcast_convert_type3A_1467, %ge3A_1469 : vector<16xf32>
      %mul3A_1471 = arith.constant 5.000000e-01 : f32
      %mul3A_1472 = vector.broadcast %mul3A_1471 : f32 to vector<16xf32>
      %mul3A_1473 = arith.mulf %bitcast_convert_type3A_1467, %mul3A_1472 : vector<16xf32>
      %select_n3A_1474 = arith.select %ge3A_1470, %mul3A_1473, %bitcast_convert_type3A_1467 : vector<16xi1>, vector<16xf32>
      %convert_element_type3A_1475 = arith.sitofp %sub3A_1460 : vector<16xi32> to vector<16xf32>
      %jit3A_1476 = arith.constant 1.000000e+00 : f32
      %jit3A_1477 = arith.constant 0.000000e+00 : f32
      %broadcast_in_dim3A_1478 = vector.broadcast %jit3A_1476 : f32 to vector<16xf32>
      %broadcast_in_dim3A_1479 = vector.broadcast %jit3A_1477 : f32 to vector<16xf32>
      %select_n3A_1480 = arith.select %ge3A_1470, %broadcast_in_dim3A_1478, %broadcast_in_dim3A_1479 : vector<16xi1>, vector<16xf32>
      %add3A_1481 = arith.addf %convert_element_type3A_1475, %select_n3A_1480 : vector<16xf32>
      %sub3A_1482 = arith.constant 1.000000e+00 : f32
      %sub3A_1483 = vector.broadcast %sub3A_1482 : f32 to vector<16xf32>
      %sub3A_1484 = arith.subf %select_n3A_1474, %sub3A_1483 : vector<16xf32>
      %add3A_1485 = arith.constant 1.000000e+00 : f32
      %add3A_1486 = vector.broadcast %add3A_1485 : f32 to vector<16xf32>
      %add3A_1487 = arith.addf %select_n3A_1474, %add3A_1486 : vector<16xf32>
      %div3A_1488 = arith.divf %sub3A_1484, %add3A_1487 : vector<16xf32>
      %mul3A_1489 = arith.mulf %div3A_1488, %div3A_1488 : vector<16xf32>
      %mul3A_1490 = arith.constant 0.3205989 : f32
      %mul3A_1491 = vector.broadcast %mul3A_1490 : f32 to vector<16xf32>
      %mul3A_1492 = arith.mulf %mul3A_1489, %mul3A_1491 : vector<16xf32>
      %add3A_1493 = arith.constant 0.412198603 : f32
      %add3A_1494 = vector.broadcast %add3A_1493 : f32 to vector<16xf32>
      %add3A_1495 = arith.addf %add3A_1494, %mul3A_1492 : vector<16xf32>
      %mul3A_1496 = arith.mulf %mul3A_1489, %add3A_1495 : vector<16xf32>
      %add3A_1497 = arith.constant 0.577078044 : f32
      %add3A_1498 = vector.broadcast %add3A_1497 : f32 to vector<16xf32>
      %add3A_1499 = arith.addf %add3A_1498, %mul3A_1496 : vector<16xf32>
      %mul3A_1500 = arith.mulf %mul3A_1489, %add3A_1499 : vector<16xf32>
      %add3A_1501 = arith.constant 0.9617967 : f32
      %add3A_1502 = vector.broadcast %add3A_1501 : f32 to vector<16xf32>
      %add3A_1503 = arith.addf %add3A_1502, %mul3A_1500 : vector<16xf32>
      %mul3A_1504 = arith.mulf %mul3A_1489, %add3A_1503 : vector<16xf32>
      %add3A_1505 = arith.constant 2.885390e+00 : f32
      %add3A_1506 = vector.broadcast %add3A_1505 : f32 to vector<16xf32>
      %add3A_1507 = arith.addf %add3A_1506, %mul3A_1504 : vector<16xf32>
      %mul3A_1508 = arith.mulf %div3A_1488, %add3A_1507 : vector<16xf32>
      %add3A_1509 = arith.addf %add3A_1481, %mul3A_1508 : vector<16xf32>
      %neg3A_1510 = arith.constant 0.000000e+00 : f32
      %neg3A_1511 = vector.broadcast %neg3A_1510 : f32 to vector<16xf32>
      %neg3A_1512 = arith.subf %neg3A_1511, %add3A_1509 : vector<16xf32>
      %mul3A_1513 = arith.constant 2.000000e+00 : f32
      %mul3A_1514 = vector.broadcast %mul3A_1513 : f32 to vector<16xf32>
      %mul3A_1515 = arith.mulf %mul3A_1514, %get3A_1388 : vector<16xf32>
      %sub3A_1516 = arith.constant 1.000000e+00 : f32
      %sub3A_1517 = vector.broadcast %sub3A_1516 : f32 to vector<16xf32>
      %sub3A_1518 = arith.subf %mul3A_1515, %sub3A_1517 : vector<16xf32>
      %exp3A_1519 = math.exp %sub3A_1518 : vector<16xf32>
      %mul3A_1520 = arith.mulf %neg3A_1512, %exp3A_1519 : vector<16xf32>
      %ge3A_1521 = arith.cmpf oge, %mul3A_1520, %neg3A_1453 : vector<16xf32>
      %jit3A_1522 = arith.constant 1.000000e+00 : f32
      %jit3A_1523 = arith.constant 0.000000e+00 : f32
      %broadcast_in_dim3A_1524 = vector.broadcast %jit3A_1522 : f32 to vector<16xf32>
      %broadcast_in_dim3A_1525 = vector.broadcast %jit3A_1523 : f32 to vector<16xf32>
      %select_n3A_1526 = arith.select %ge3A_1521, %broadcast_in_dim3A_1524, %broadcast_in_dim3A_1525 : vector<16xi1>, vector<16xf32>
      %sub3A_1527 = arith.constant 1.000000e+00 : f32
      %sub3A_1528 = vector.broadcast %sub3A_1527 : f32 to vector<16xf32>
      %sub3A_1529 = arith.subf %sub3A_1528, %select_n3A_1526 : vector<16xf32>
      %swap3A_1530 = arith.index_cast %mul3A_1385 : i32 to index
      %swap3A_1531 = tpu.vector_load %arg15[%swap3A_1530] {strides = array<i32>} : memref<256xf32, #tpu.memory_space<vmem>>, vector<16xf32>,
      %swap3A_1532 = vector.shape_cast %swap3A_1531 : vector<16xf32> to vector<16xf32>
      %swap3A_1533 = vector.shape_cast %sub3A_1529 : vector<16xf32> to vector<16xf32>
      tpu.vector_store %arg15[%swap3A_1530], %swap3A_1533 {strides = array<i32>} : memref<256xf32, #tpu.memory_space<vmem>>, vector<16xf32>,
    }
    %scan3A_7 = arith.constant 16 : i32
    %iota3A = tpu.iota {dimensions = array<i32: 0>} : vector<16xi32>
    %mul3A_8 = arith.constant 8 : i32
    %mul3A_9 = arith.muli %add3A, %mul3A_8 : i32
    %add3A_10 = arith.constant 0 : i32
    %add3A_11 = arith.addi %mul3A_9, %add3A_10 : i32
    %broadcast_in_dim3A = arith.constant 0 : i32
    %broadcast_in_dim3A_12 = vector.broadcast %broadcast_in_dim3A : i32 to vector<16xi32>
    %add3A_13 = vector.broadcast %add3A_11 : i32 to vector<16xi32>
    %add3A_14 = arith.addi %broadcast_in_dim3A_12, %add3A_13 : vector<16xi32>
    %swap3A = arith.constant 0 : index
    %swap3A_15 = tpu.vector_load %arg23[%swap3A] {strides = array<i32>} : memref<16xi32, #tpu.memory_space<vmem>>, vector<16xi32>,
    %swap3A_16 = vector.shape_cast %swap3A_15 : vector<16xi32> to vector<16xi32>
    %swap3A_17 = vector.shape_cast %add3A_14 : vector<16xi32> to vector<16xi32>
    tpu.vector_store %arg23[%swap3A], %swap3A_17 {strides = array<i32>} : memref<16xi32, #tpu.memory_space<vmem>>, vector<16xi32>,
    %dma_start3A = arith.constant 0 : i32
    %dma_start3A_18 = tpu.memref_slice %arg2[%dma_start3A] : memref<256xf32, #tpu.memory_space<hbm>> -> memref<256xf32, #tpu.memory_space<hbm>>
    tpu.enqueue_indirect_dma source(%dma_start3A_18 : memref<256xf32, #tpu.memory_space<hbm>>) target(%arg24 : memref<16xf32, #tpu.memory_space<vmem>>) offsets(%arg23 : memref<16xi32, #tpu.memory_space<vmem>>) semaphore(%arg27 : memref<!tpu.dma_semaphore, #tpu.memory_space<semaphore_mem>>)
    %dma_wait3A = arith.constant 0 : i32
    %dma_wait3A_19 = tpu.memref_slice %arg2[%dma_wait3A] : memref<256xf32, #tpu.memory_space<hbm>> -> memref<256xf32, #tpu.memory_space<hbm>>
    tpu.wait_indirect_dma semaphore(%arg27 : memref<!tpu.dma_semaphore, #tpu.memory_space<semaphore_mem>>) src(%dma_wait3A_19 : memref<256xf32, #tpu.memory_space<hbm>>) dst(%arg24 : memref<16xf32, #tpu.memory_space<vmem>>)
    %dma_start3A_20 = arith.constant 0 : i32
    %dma_start3A_21 = tpu.memref_slice %arg3[%dma_start3A_20] : memref<256xf32, #tpu.memory_space<hbm>> -> memref<256xf32, #tpu.memory_space<hbm>>
    tpu.enqueue_indirect_dma source(%dma_start3A_21 : memref<256xf32, #tpu.memory_space<hbm>>) target(%arg25 : memref<16xf32, #tpu.memory_space<vmem>>) offsets(%arg23 : memref<16xi32, #tpu.memory_space<vmem>>) semaphore(%arg27 : memref<!tpu.dma_semaphore, #tpu.memory_space<semaphore_mem>>)
    %dma_wait3A_22 = arith.constant 0 : i32
    %dma_wait3A_23 = tpu.memref_slice %arg3[%dma_wait3A_22] : memref<256xf32, #tpu.memory_space<hbm>> -> memref<256xf32, #tpu.memory_space<hbm>>
    tpu.wait_indirect_dma semaphore(%arg27 : memref<!tpu.dma_semaphore, #tpu.memory_space<semaphore_mem>>) src(%dma_wait3A_23 : memref<256xf32, #tpu.memory_space<hbm>>) dst(%arg25 : memref<16xf32, #tpu.memory_space<vmem>>)
    %dma_start3A_24 = arith.constant 0 : i32
    %dma_start3A_25 = tpu.memref_slice %arg4[%dma_start3A_24] : memref<256xf32, #tpu.memory_space<hbm>> -> memref<256xf32, #tpu.memory_space<hbm>>
    tpu.enqueue_indirect_dma source(%dma_start3A_25 : memref<256xf32, #tpu.memory_space<hbm>>) target(%arg26 : memref<16xf32, #tpu.memory_space<vmem>>) offsets(%arg23 : memref<16xi32, #tpu.memory_space<vmem>>) semaphore(%arg27 : memref<!tpu.dma_semaphore, #tpu.memory_space<semaphore_mem>>)
    %dma_wait3A_26 = arith.constant 0 : i32
    %dma_wait3A_27 = tpu.memref_slice %arg4[%dma_wait3A_26] : memref<256xf32, #tpu.memory_space<hbm>> -> memref<256xf32, #tpu.memory_space<hbm>>
    tpu.wait_indirect_dma semaphore(%arg27 : memref<!tpu.dma_semaphore, #tpu.memory_space<semaphore_mem>>) src(%dma_wait3A_27 : memref<256xf32, #tpu.memory_space<hbm>>) dst(%arg26 : memref<16xf32, #tpu.memory_space<vmem>>)
    %get3A = arith.constant 0 : index
    %get3A_28 = tpu.vector_load %arg24[%get3A] {strides = array<i32>} : memref<16xf32, #tpu.memory_space<vmem>>, vector<16xf32>,
    %get3A_29 = vector.shape_cast %get3A_28 : vector<16xf32> to vector<16xf32>
    %get3A_30 = arith.constant 0 : index
    %get3A_31 = tpu.vector_load %arg25[%get3A_30] {strides = array<i32>} : memref<16xf32, #tpu.memory_space<vmem>>, vector<16xf32>,
    %get3A_32 = vector.shape_cast %get3A_31 : vector<16xf32> to vector<16xf32>
    %get3A_33 = arith.constant 0 : index
    %get3A_34 = tpu.vector_load %arg26[%get3A_33] {strides = array<i32>} : memref<16xf32, #tpu.memory_space<vmem>>, vector<16xf32>,
    %get3A_35 = vector.shape_cast %get3A_34 : vector<16xf32> to vector<16xf32>
    %bitcast_convert_type3A = tpu.bitcast %get3A_32 : vector<16xf32> -> vector<16xi32>
    %shift_right_arithmetic3A = arith.constant 23 : i32
    %shift_right_arithmetic3A_36 = vector.broadcast %shift_right_arithmetic3A : i32 to vector<16xi32>
    %shift_right_arithmetic3A_37 = arith.shrsi %bitcast_convert_type3A, %shift_right_arithmetic3A_36 : vector<16xi32>
    %sub3A = arith.constant 127 : i32
    %sub3A_38 = vector.broadcast %sub3A : i32 to vector<16xi32>
    %sub3A_39 = arith.subi %shift_right_arithmetic3A_37, %sub3A_38 : vector<16xi32>
    %and3A = arith.constant 8388607 : i32
    %and3A_40 = vector.broadcast %and3A : i32 to vector<16xi32>
    %and3A_41 = arith.andi %bitcast_convert_type3A, %and3A_40 : vector<16xi32>
    %or3A = arith.constant 1065353216 : i32
    %or3A_42 = vector.broadcast %or3A : i32 to vector<16xi32>
    %or3A_43 = arith.ori %and3A_41, %or3A_42 : vector<16xi32>
    %bitcast_convert_type3A_44 = tpu.bitcast %or3A_43 : vector<16xi32> -> vector<16xf32>
    %ge3A = arith.constant 1.41421354 : f32
    %ge3A_45 = vector.broadcast %ge3A : f32 to vector<16xf32>
    %ge3A_46 = arith.cmpf oge, %bitcast_convert_type3A_44, %ge3A_45 : vector<16xf32>
    %mul3A_47 = arith.constant 5.000000e-01 : f32
    %mul3A_48 = vector.broadcast %mul3A_47 : f32 to vector<16xf32>
    %mul3A_49 = arith.mulf %bitcast_convert_type3A_44, %mul3A_48 : vector<16xf32>
    %select_n3A = arith.select %ge3A_46, %mul3A_49, %bitcast_convert_type3A_44 : vector<16xi1>, vector<16xf32>
    %convert_element_type3A = arith.sitofp %sub3A_39 : vector<16xi32> to vector<16xf32>
    %jit3A = arith.constant 1.000000e+00 : f32
    %jit3A_50 = arith.constant 0.000000e+00 : f32
    %broadcast_in_dim3A_51 = vector.broadcast %jit3A : f32 to vector<16xf32>
    %broadcast_in_dim3A_52 = vector.broadcast %jit3A_50 : f32 to vector<16xf32>
    %select_n3A_53 = arith.select %ge3A_46, %broadcast_in_dim3A_51, %broadcast_in_dim3A_52 : vector<16xi1>, vector<16xf32>
    %add3A_54 = arith.addf %convert_element_type3A, %select_n3A_53 : vector<16xf32>
    %sub3A_55 = arith.constant 1.000000e+00 : f32
    %sub3A_56 = vector.broadcast %sub3A_55 : f32 to vector<16xf32>
    %sub3A_57 = arith.subf %select_n3A, %sub3A_56 : vector<16xf32>
    %add3A_58 = arith.constant 1.000000e+00 : f32
    %add3A_59 = vector.broadcast %add3A_58 : f32 to vector<16xf32>
    %add3A_60 = arith.addf %select_n3A, %add3A_59 : vector<16xf32>
    %div3A = arith.divf %sub3A_57, %add3A_60 : vector<16xf32>
    %mul3A_61 = arith.mulf %div3A, %div3A : vector<16xf32>
    %mul3A_62 = arith.constant 0.3205989 : f32
    %mul3A_63 = vector.broadcast %mul3A_62 : f32 to vector<16xf32>
    %mul3A_64 = arith.mulf %mul3A_61, %mul3A_63 : vector<16xf32>
    %add3A_65 = arith.constant 0.412198603 : f32
    %add3A_66 = vector.broadcast %add3A_65 : f32 to vector<16xf32>
    %add3A_67 = arith.addf %add3A_66, %mul3A_64 : vector<16xf32>
    %mul3A_68 = arith.mulf %mul3A_61, %add3A_67 : vector<16xf32>
    %add3A_69 = arith.constant 0.577078044 : f32
    %add3A_70 = vector.broadcast %add3A_69 : f32 to vector<16xf32>
    %add3A_71 = arith.addf %add3A_70, %mul3A_68 : vector<16xf32>
    %mul3A_72 = arith.mulf %mul3A_61, %add3A_71 : vector<16xf32>
    %add3A_73 = arith.constant 0.9617967 : f32
    %add3A_74 = vector.broadcast %add3A_73 : f32 to vector<16xf32>
    %add3A_75 = arith.addf %add3A_74, %mul3A_72 : vector<16xf32>
    %mul3A_76 = arith.mulf %mul3A_61, %add3A_75 : vector<16xf32>
    %add3A_77 = arith.constant 2.885390e+00 : f32
    %add3A_78 = vector.broadcast %add3A_77 : f32 to vector<16xf32>
    %add3A_79 = arith.addf %add3A_78, %mul3A_76 : vector<16xf32>
    %mul3A_80 = arith.mulf %div3A, %add3A_79 : vector<16xf32>
    %add3A_81 = arith.addf %add3A_54, %mul3A_80 : vector<16xf32>
    %neg3A = arith.constant 0.000000e+00 : f32
    %neg3A_82 = vector.broadcast %neg3A : f32 to vector<16xf32>
    %neg3A_83 = arith.subf %neg3A_82, %add3A_81 : vector<16xf32>
    %bitcast_convert_type3A_84 = tpu.bitcast %get3A_35 : vector<16xf32> -> vector<16xi32>
    %shift_right_arithmetic3A_85 = arith.constant 23 : i32
    %shift_right_arithmetic3A_86 = vector.broadcast %shift_right_arithmetic3A_85 : i32 to vector<16xi32>
    %shift_right_arithmetic3A_87 = arith.shrsi %bitcast_convert_type3A_84, %shift_right_arithmetic3A_86 : vector<16xi32>
    %sub3A_88 = arith.constant 127 : i32
    %sub3A_89 = vector.broadcast %sub3A_88 : i32 to vector<16xi32>
    %sub3A_90 = arith.subi %shift_right_arithmetic3A_87, %sub3A_89 : vector<16xi32>
    %and3A_91 = arith.constant 8388607 : i32
    %and3A_92 = vector.broadcast %and3A_91 : i32 to vector<16xi32>
    %and3A_93 = arith.andi %bitcast_convert_type3A_84, %and3A_92 : vector<16xi32>
    %or3A_94 = arith.constant 1065353216 : i32
    %or3A_95 = vector.broadcast %or3A_94 : i32 to vector<16xi32>
    %or3A_96 = arith.ori %and3A_93, %or3A_95 : vector<16xi32>
    %bitcast_convert_type3A_97 = tpu.bitcast %or3A_96 : vector<16xi32> -> vector<16xf32>
    %ge3A_98 = arith.constant 1.41421354 : f32
    %ge3A_99 = vector.broadcast %ge3A_98 : f32 to vector<16xf32>
    %ge3A_100 = arith.cmpf oge, %bitcast_convert_type3A_97, %ge3A_99 : vector<16xf32>
    %mul3A_101 = arith.constant 5.000000e-01 : f32
    %mul3A_102 = vector.broadcast %mul3A_101 : f32 to vector<16xf32>
    %mul3A_103 = arith.mulf %bitcast_convert_type3A_97, %mul3A_102 : vector<16xf32>
    %select_n3A_104 = arith.select %ge3A_100, %mul3A_103, %bitcast_convert_type3A_97 : vector<16xi1>, vector<16xf32>
    %convert_element_type3A_105 = arith.sitofp %sub3A_90 : vector<16xi32> to vector<16xf32>
    %jit3A_106 = arith.constant 1.000000e+00 : f32
    %jit3A_107 = arith.constant 0.000000e+00 : f32
    %broadcast_in_dim3A_108 = vector.broadcast %jit3A_106 : f32 to vector<16xf32>
    %broadcast_in_dim3A_109 = vector.broadcast %jit3A_107 : f32 to vector<16xf32>
    %select_n3A_110 = arith.select %ge3A_100, %broadcast_in_dim3A_108, %broadcast_in_dim3A_109 : vector<16xi1>, vector<16xf32>
    %add3A_111 = arith.addf %convert_element_type3A_105, %select_n3A_110 : vector<16xf32>
    %sub3A_112 = arith.constant 1.000000e+00 : f32
    %sub3A_113 = vector.broadcast %sub3A_112 : f32 to vector<16xf32>
    %sub3A_114 = arith.subf %select_n3A_104, %sub3A_113 : vector<16xf32>
    %add3A_115 = arith.constant 1.000000e+00 : f32
    %add3A_116 = vector.broadcast %add3A_115 : f32 to vector<16xf32>
    %add3A_117 = arith.addf %select_n3A_104, %add3A_116 : vector<16xf32>
    %div3A_118 = arith.divf %sub3A_114, %add3A_117 : vector<16xf32>
    %mul3A_119 = arith.mulf %div3A_118, %div3A_118 : vector<16xf32>
    %mul3A_120 = arith.constant 0.3205989 : f32
    %mul3A_121 = vector.broadcast %mul3A_120 : f32 to vector<16xf32>
    %mul3A_122 = arith.mulf %mul3A_119, %mul3A_121 : vector<16xf32>
    %add3A_123 = arith.constant 0.412198603 : f32
    %add3A_124 = vector.broadcast %add3A_123 : f32 to vector<16xf32>
    %add3A_125 = arith.addf %add3A_124, %mul3A_122 : vector<16xf32>
    %mul3A_126 = arith.mulf %mul3A_119, %add3A_125 : vector<16xf32>
    %add3A_127 = arith.constant 0.577078044 : f32
    %add3A_128 = vector.broadcast %add3A_127 : f32 to vector<16xf32>
    %add3A_129 = arith.addf %add3A_128, %mul3A_126 : vector<16xf32>
    %mul3A_130 = arith.mulf %mul3A_119, %add3A_129 : vector<16xf32>
    %add3A_131 = arith.constant 0.9617967 : f32
    %add3A_132 = vector.broadcast %add3A_131 : f32 to vector<16xf32>
    %add3A_133 = arith.addf %add3A_132, %mul3A_130 : vector<16xf32>
    %mul3A_134 = arith.mulf %mul3A_119, %add3A_133 : vector<16xf32>
    %add3A_135 = arith.constant 2.885390e+00 : f32
    %add3A_136 = vector.broadcast %add3A_135 : f32 to vector<16xf32>
    %add3A_137 = arith.addf %add3A_136, %mul3A_134 : vector<16xf32>
    %mul3A_138 = arith.mulf %div3A_118, %add3A_137 : vector<16xf32>
    %add3A_139 = arith.addf %add3A_111, %mul3A_138 : vector<16xf32>
    %neg3A_140 = arith.constant 0.000000e+00 : f32
    %neg3A_141 = vector.broadcast %neg3A_140 : f32 to vector<16xf32>
    %neg3A_142 = arith.subf %neg3A_141, %add3A_139 : vector<16xf32>
    %mul3A_143 = arith.constant 2.000000e+00 : f32
    %mul3A_144 = vector.broadcast %mul3A_143 : f32 to vector<16xf32>
    %mul3A_145 = arith.mulf %mul3A_144, %get3A_29 : vector<16xf32>
    %sub3A_146 = arith.constant 1.000000e+00 : f32
    %sub3A_147 = vector.broadcast %sub3A_146 : f32 to vector<16xf32>
    %sub3A_148 = arith.subf %mul3A_145, %sub3A_147 : vector<16xf32>
    %exp3A = math.exp %sub3A_148 : vector<16xf32>
    %mul3A_149 = arith.mulf %neg3A_142, %exp3A : vector<16xf32>
    %ge3A_150 = arith.cmpf oge, %mul3A_149, %neg3A_83 : vector<16xf32>
    %jit3A_151 = arith.constant 1.000000e+00 : f32
    %jit3A_152 = arith.constant 0.000000e+00 : f32
    %broadcast_in_dim3A_153 = vector.broadcast %jit3A_151 : f32 to vector<16xf32>
    %broadcast_in_dim3A_154 = vector.broadcast %jit3A_152 : f32 to vector<16xf32>
    %select_n3A_155 = arith.select %ge3A_150, %broadcast_in_dim3A_153, %broadcast_in_dim3A_154 : vector<16xi1>, vector<16xf32>
    %sub3A_156 = arith.constant 1.000000e+00 : f32
    %sub3A_157 = vector.broadcast %sub3A_156 : f32 to vector<16xf32>
    %sub3A_158 = arith.subf %sub3A_157, %select_n3A_155 : vector<16xf32>
    %scan3A_159 = arith.constant 0 : i32
    %scan3A_160 = arith.constant 0 : i32
    %scan3A_161 = arith.constant 16 : i32
    %scan3A_162 = arith.addi %scan3A_160, %scan3A_161 : i32
    %scan3A_163 = arith.constant 1 : i32
    scf.for %scan3A_1383 = %scan3A_160 to %scan3A_162 step %scan3A_163  : i32 {
      %mul3A_1384 = arith.constant 16 : i32
      %mul3A_1385 = arith.muli %scan3A_1383, %mul3A_1384 : i32
      %add3A_1386 = arith.constant 0 : i32
      %add3A_1387 = arith.addi %add3A_1386, %mul3A_1385 : i32
      %get3A_1388 = arith.index_cast %add3A_1387 : i32 to index
      %get3A_1389 = tpu.vector_load %arg16[%get3A_1388] {strides = array<i32>} : memref<2048xf32, #tpu.memory_space<vmem>>, vector<16xf32>,
      %get3A_1390 = vector.shape_cast %get3A_1389 : vector<16xf32> to vector<16xf32>
      %get3A_1391 = arith.index_cast %add3A_1387 : i32 to index
      %get3A_1392 = tpu.vector_load %arg17[%get3A_1391] {strides = array<i32>} : memref<2048xf32, #tpu.memory_space<vmem>>, vector<16xf32>,
      %get3A_1393 = vector.shape_cast %get3A_1392 : vector<16xf32> to vector<16xf32>
      %get3A_1394 = arith.index_cast %add3A_1387 : i32 to index
      %get3A_1395 = tpu.vector_load %arg18[%get3A_1394] {strides = array<i32>} : memref<2048xf32, #tpu.memory_space<vmem>>, vector<16xf32>,
      %get3A_1396 = vector.shape_cast %get3A_1395 : vector<16xf32> to vector<16xf32>
      %bitcast_convert_type3A_1397 = tpu.bitcast %get3A_1393 : vector<16xf32> -> vector<16xi32>
      %shift_right_arithmetic3A_1398 = arith.constant 23 : i32
      %shift_right_arithmetic3A_1399 = vector.broadcast %shift_right_arithmetic3A_1398 : i32 to vector<16xi32>
      %shift_right_arithmetic3A_1400 = arith.shrsi %bitcast_convert_type3A_1397, %shift_right_arithmetic3A_1399 : vector<16xi32>
      %sub3A_1401 = arith.constant 127 : i32
      %sub3A_1402 = vector.broadcast %sub3A_1401 : i32 to vector<16xi32>
      %sub3A_1403 = arith.subi %shift_right_arithmetic3A_1400, %sub3A_1402 : vector<16xi32>
      %and3A_1404 = arith.constant 8388607 : i32
      %and3A_1405 = vector.broadcast %and3A_1404 : i32 to vector<16xi32>
      %and3A_1406 = arith.andi %bitcast_convert_type3A_1397, %and3A_1405 : vector<16xi32>
      %or3A_1407 = arith.constant 1065353216 : i32
      %or3A_1408 = vector.broadcast %or3A_1407 : i32 to vector<16xi32>
      %or3A_1409 = arith.ori %and3A_1406, %or3A_1408 : vector<16xi32>
      %bitcast_convert_type3A_1410 = tpu.bitcast %or3A_1409 : vector<16xi32> -> vector<16xf32>
      %ge3A_1411 = arith.constant 1.41421354 : f32
      %ge3A_1412 = vector.broadcast %ge3A_1411 : f32 to vector<16xf32>
      %ge3A_1413 = arith.cmpf oge, %bitcast_convert_type3A_1410, %ge3A_1412 : vector<16xf32>
      %mul3A_1414 = arith.constant 5.000000e-01 : f32
      %mul3A_1415 = vector.broadcast %mul3A_1414 : f32 to vector<16xf32>
      %mul3A_1416 = arith.mulf %bitcast_convert_type3A_1410, %mul3A_1415 : vector<16xf32>
      %select_n3A_1417 = arith.select %ge3A_1413, %mul3A_1416, %bitcast_convert_type3A_1410 : vector<16xi1>, vector<16xf32>
      %convert_element_type3A_1418 = arith.sitofp %sub3A_1403 : vector<16xi32> to vector<16xf32>
      %jit3A_1419 = arith.constant 1.000000e+00 : f32
      %jit3A_1420 = arith.constant 0.000000e+00 : f32
      %broadcast_in_dim3A_1421 = vector.broadcast %jit3A_1419 : f32 to vector<16xf32>
      %broadcast_in_dim3A_1422 = vector.broadcast %jit3A_1420 : f32 to vector<16xf32>
      %select_n3A_1423 = arith.select %ge3A_1413, %broadcast_in_dim3A_1421, %broadcast_in_dim3A_1422 : vector<16xi1>, vector<16xf32>
      %add3A_1424 = arith.addf %convert_element_type3A_1418, %select_n3A_1423 : vector<16xf32>
      %sub3A_1425 = arith.constant 1.000000e+00 : f32
      %sub3A_1426 = vector.broadcast %sub3A_1425 : f32 to vector<16xf32>
      %sub3A_1427 = arith.subf %select_n3A_1417, %sub3A_1426 : vector<16xf32>
      %add3A_1428 = arith.constant 1.000000e+00 : f32
      %add3A_1429 = vector.broadcast %add3A_1428 : f32 to vector<16xf32>
      %add3A_1430 = arith.addf %select_n3A_1417, %add3A_1429 : vector<16xf32>
      %div3A_1431 = arith.divf %sub3A_1427, %add3A_1430 : vector<16xf32>
      %mul3A_1432 = arith.mulf %div3A_1431, %div3A_1431 : vector<16xf32>
      %mul3A_1433 = arith.constant 0.3205989 : f32
      %mul3A_1434 = vector.broadcast %mul3A_1433 : f32 to vector<16xf32>
      %mul3A_1435 = arith.mulf %mul3A_1432, %mul3A_1434 : vector<16xf32>
      %add3A_1436 = arith.constant 0.412198603 : f32
      %add3A_1437 = vector.broadcast %add3A_1436 : f32 to vector<16xf32>
      %add3A_1438 = arith.addf %add3A_1437, %mul3A_1435 : vector<16xf32>
      %mul3A_1439 = arith.mulf %mul3A_1432, %add3A_1438 : vector<16xf32>
      %add3A_1440 = arith.constant 0.577078044 : f32
      %add3A_1441 = vector.broadcast %add3A_1440 : f32 to vector<16xf32>
      %add3A_1442 = arith.addf %add3A_1441, %mul3A_1439 : vector<16xf32>
      %mul3A_1443 = arith.mulf %mul3A_1432, %add3A_1442 : vector<16xf32>
      %add3A_1444 = arith.constant 0.9617967 : f32
      %add3A_1445 = vector.broadcast %add3A_1444 : f32 to vector<16xf32>
      %add3A_1446 = arith.addf %add3A_1445, %mul3A_1443 : vector<16xf32>
      %mul3A_1447 = arith.mulf %mul3A_1432, %add3A_1446 : vector<16xf32>
      %add3A_1448 = arith.constant 2.885390e+00 : f32
      %add3A_1449 = vector.broadcast %add3A_1448 : f32 to vector<16xf32>
      %add3A_1450 = arith.addf %add3A_1449, %mul3A_1447 : vector<16xf32>
      %mul3A_1451 = arith.mulf %div3A_1431, %add3A_1450 : vector<16xf32>
      %add3A_1452 = arith.addf %add3A_1424, %mul3A_1451 : vector<16xf32>
      %neg3A_1453 = arith.constant 0.000000e+00 : f32
      %neg3A_1454 = vector.broadcast %neg3A_1453 : f32 to vector<16xf32>
      %neg3A_1455 = arith.subf %neg3A_1454, %add3A_1452 : vector<16xf32>
      %bitcast_convert_type3A_1456 = tpu.bitcast %get3A_1396 : vector<16xf32> -> vector<16xi32>
      %shift_right_arithmetic3A_1457 = arith.constant 23 : i32
      %shift_right_arithmetic3A_1458 = vector.broadcast %shift_right_arithmetic3A_1457 : i32 to vector<16xi32>
      %shift_right_arithmetic3A_1459 = arith.shrsi %bitcast_convert_type3A_1456, %shift_right_arithmetic3A_1458 : vector<16xi32>
      %sub3A_1460 = arith.constant 127 : i32
      %sub3A_1461 = vector.broadcast %sub3A_1460 : i32 to vector<16xi32>
      %sub3A_1462 = arith.subi %shift_right_arithmetic3A_1459, %sub3A_1461 : vector<16xi32>
      %and3A_1463 = arith.constant 8388607 : i32
      %and3A_1464 = vector.broadcast %and3A_1463 : i32 to vector<16xi32>
      %and3A_1465 = arith.andi %bitcast_convert_type3A_1456, %and3A_1464 : vector<16xi32>
      %or3A_1466 = arith.constant 1065353216 : i32
      %or3A_1467 = vector.broadcast %or3A_1466 : i32 to vector<16xi32>
      %or3A_1468 = arith.ori %and3A_1465, %or3A_1467 : vector<16xi32>
      %bitcast_convert_type3A_1469 = tpu.bitcast %or3A_1468 : vector<16xi32> -> vector<16xf32>
      %ge3A_1470 = arith.constant 1.41421354 : f32
      %ge3A_1471 = vector.broadcast %ge3A_1470 : f32 to vector<16xf32>
      %ge3A_1472 = arith.cmpf oge, %bitcast_convert_type3A_1469, %ge3A_1471 : vector<16xf32>
      %mul3A_1473 = arith.constant 5.000000e-01 : f32
      %mul3A_1474 = vector.broadcast %mul3A_1473 : f32 to vector<16xf32>
      %mul3A_1475 = arith.mulf %bitcast_convert_type3A_1469, %mul3A_1474 : vector<16xf32>
      %select_n3A_1476 = arith.select %ge3A_1472, %mul3A_1475, %bitcast_convert_type3A_1469 : vector<16xi1>, vector<16xf32>
      %convert_element_type3A_1477 = arith.sitofp %sub3A_1462 : vector<16xi32> to vector<16xf32>
      %jit3A_1478 = arith.constant 1.000000e+00 : f32
      %jit3A_1479 = arith.constant 0.000000e+00 : f32
      %broadcast_in_dim3A_1480 = vector.broadcast %jit3A_1478 : f32 to vector<16xf32>
      %broadcast_in_dim3A_1481 = vector.broadcast %jit3A_1479 : f32 to vector<16xf32>
      %select_n3A_1482 = arith.select %ge3A_1472, %broadcast_in_dim3A_1480, %broadcast_in_dim3A_1481 : vector<16xi1>, vector<16xf32>
      %add3A_1483 = arith.addf %convert_element_type3A_1477, %select_n3A_1482 : vector<16xf32>
      %sub3A_1484 = arith.constant 1.000000e+00 : f32
      %sub3A_1485 = vector.broadcast %sub3A_1484 : f32 to vector<16xf32>
      %sub3A_1486 = arith.subf %select_n3A_1476, %sub3A_1485 : vector<16xf32>
      %add3A_1487 = arith.constant 1.000000e+00 : f32
      %add3A_1488 = vector.broadcast %add3A_1487 : f32 to vector<16xf32>
      %add3A_1489 = arith.addf %select_n3A_1476, %add3A_1488 : vector<16xf32>
      %div3A_1490 = arith.divf %sub3A_1486, %add3A_1489 : vector<16xf32>
      %mul3A_1491 = arith.mulf %div3A_1490, %div3A_1490 : vector<16xf32>
      %mul3A_1492 = arith.constant 0.3205989 : f32
      %mul3A_1493 = vector.broadcast %mul3A_1492 : f32 to vector<16xf32>
      %mul3A_1494 = arith.mulf %mul3A_1491, %mul3A_1493 : vector<16xf32>
      %add3A_1495 = arith.constant 0.412198603 : f32
      %add3A_1496 = vector.broadcast %add3A_1495 : f32 to vector<16xf32>
      %add3A_1497 = arith.addf %add3A_1496, %mul3A_1494 : vector<16xf32>
      %mul3A_1498 = arith.mulf %mul3A_1491, %add3A_1497 : vector<16xf32>
      %add3A_1499 = arith.constant 0.577078044 : f32
      %add3A_1500 = vector.broadcast %add3A_1499 : f32 to vector<16xf32>
      %add3A_1501 = arith.addf %add3A_1500, %mul3A_1498 : vector<16xf32>
      %mul3A_1502 = arith.mulf %mul3A_1491, %add3A_1501 : vector<16xf32>
      %add3A_1503 = arith.constant 0.9617967 : f32
      %add3A_1504 = vector.broadcast %add3A_1503 : f32 to vector<16xf32>
      %add3A_1505 = arith.addf %add3A_1504, %mul3A_1502 : vector<16xf32>
      %mul3A_1506 = arith.mulf %mul3A_1491, %add3A_1505 : vector<16xf32>
      %add3A_1507 = arith.constant 2.885390e+00 : f32
      %add3A_1508 = vector.broadcast %add3A_1507 : f32 to vector<16xf32>
      %add3A_1509 = arith.addf %add3A_1508, %mul3A_1506 : vector<16xf32>
      %mul3A_1510 = arith.mulf %div3A_1490, %add3A_1509 : vector<16xf32>
      %add3A_1511 = arith.addf %add3A_1483, %mul3A_1510 : vector<16xf32>
      %neg3A_1512 = arith.constant 0.000000e+00 : f32
      %neg3A_1513 = vector.broadcast %neg3A_1512 : f32 to vector<16xf32>
      %neg3A_1514 = arith.subf %neg3A_1513, %add3A_1511 : vector<16xf32>
      %mul3A_1515 = arith.constant 2.000000e+00 : f32
      %mul3A_1516 = vector.broadcast %mul3A_1515 : f32 to vector<16xf32>
      %mul3A_1517 = arith.mulf %mul3A_1516, %get3A_1390 : vector<16xf32>
      %sub3A_1518 = arith.constant 1.000000e+00 : f32
      %sub3A_1519 = vector.broadcast %sub3A_1518 : f32 to vector<16xf32>
      %sub3A_1520 = arith.subf %mul3A_1517, %sub3A_1519 : vector<16xf32>
      %exp3A_1521 = math.exp %sub3A_1520 : vector<16xf32>
      %mul3A_1522 = arith.mulf %neg3A_1514, %exp3A_1521 : vector<16xf32>
      %ge3A_1523 = arith.cmpf oge, %mul3A_1522, %neg3A_1455 : vector<16xf32>
      %jit3A_1524 = arith.constant 1.000000e+00 : f32
      %jit3A_1525 = arith.constant 0.000000e+00 : f32
      %broadcast_in_dim3A_1526 = vector.broadcast %jit3A_1524 : f32 to vector<16xf32>
      %broadcast_in_dim3A_1527 = vector.broadcast %jit3A_1525 : f32 to vector<16xf32>
      %select_n3A_1528 = arith.select %ge3A_1523, %broadcast_in_dim3A_1526, %broadcast_in_dim3A_1527 : vector<16xi1>, vector<16xf32>
      %get3A_1529 = arith.index_cast %add3A_1387 : i32 to index
      %get3A_1530 = tpu.vector_load %arg19[%get3A_1529] {strides = array<i32>} : memref<2048xf32, #tpu.memory_space<vmem>>, vector<16xf32>,
      %get3A_1531 = vector.shape_cast %get3A_1530 : vector<16xf32> to vector<16xf32>
      %get3A_1532 = arith.index_cast %add3A_1387 : i32 to index
      %get3A_1533 = tpu.vector_load %arg20[%get3A_1532] {strides = array<i32>} : memref<2048xf32, #tpu.memory_space<vmem>>, vector<16xf32>,
      %get3A_1534 = vector.shape_cast %get3A_1533 : vector<16xf32> to vector<16xf32>
      %get3A_1535 = arith.index_cast %add3A_1387 : i32 to index
      %get3A_1536 = tpu.vector_load %arg21[%get3A_1535] {strides = array<i32>} : memref<2048xf32, #tpu.memory_space<vmem>>, vector<16xf32>,
      %get3A_1537 = vector.shape_cast %get3A_1536 : vector<16xf32> to vector<16xf32>
      %bitcast_convert_type3A_1538 = tpu.bitcast %get3A_1534 : vector<16xf32> -> vector<16xi32>
      %shift_right_arithmetic3A_1539 = arith.constant 23 : i32
      %shift_right_arithmetic3A_1540 = vector.broadcast %shift_right_arithmetic3A_1539 : i32 to vector<16xi32>
      %shift_right_arithmetic3A_1541 = arith.shrsi %bitcast_convert_type3A_1538, %shift_right_arithmetic3A_1540 : vector<16xi32>
      %sub3A_1542 = arith.constant 127 : i32
      %sub3A_1543 = vector.broadcast %sub3A_1542 : i32 to vector<16xi32>
      %sub3A_1544 = arith.subi %shift_right_arithmetic3A_1541, %sub3A_1543 : vector<16xi32>
      %and3A_1545 = arith.constant 8388607 : i32
      %and3A_1546 = vector.broadcast %and3A_1545 : i32 to vector<16xi32>
      %and3A_1547 = arith.andi %bitcast_convert_type3A_1538, %and3A_1546 : vector<16xi32>
      %or3A_1548 = arith.constant 1065353216 : i32
      %or3A_1549 = vector.broadcast %or3A_1548 : i32 to vector<16xi32>
      %or3A_1550 = arith.ori %and3A_1547, %or3A_1549 : vector<16xi32>
      %bitcast_convert_type3A_1551 = tpu.bitcast %or3A_1550 : vector<16xi32> -> vector<16xf32>
      %ge3A_1552 = arith.constant 1.41421354 : f32
      %ge3A_1553 = vector.broadcast %ge3A_1552 : f32 to vector<16xf32>
      %ge3A_1554 = arith.cmpf oge, %bitcast_convert_type3A_1551, %ge3A_1553 : vector<16xf32>
      %mul3A_1555 = arith.constant 5.000000e-01 : f32
      %mul3A_1556 = vector.broadcast %mul3A_1555 : f32 to vector<16xf32>
      %mul3A_1557 = arith.mulf %bitcast_convert_type3A_1551, %mul3A_1556 : vector<16xf32>
      %select_n3A_1558 = arith.select %ge3A_1554, %mul3A_1557, %bitcast_convert_type3A_1551 : vector<16xi1>, vector<16xf32>
      %convert_element_type3A_1559 = arith.sitofp %sub3A_1544 : vector<16xi32> to vector<16xf32>
      %jit3A_1560 = arith.constant 1.000000e+00 : f32
      %jit3A_1561 = arith.constant 0.000000e+00 : f32
      %broadcast_in_dim3A_1562 = vector.broadcast %jit3A_1560 : f32 to vector<16xf32>
      %broadcast_in_dim3A_1563 = vector.broadcast %jit3A_1561 : f32 to vector<16xf32>
      %select_n3A_1564 = arith.select %ge3A_1554, %broadcast_in_dim3A_1562, %broadcast_in_dim3A_1563 : vector<16xi1>, vector<16xf32>
      %add3A_1565 = arith.addf %convert_element_type3A_1559, %select_n3A_1564 : vector<16xf32>
      %sub3A_1566 = arith.constant 1.000000e+00 : f32
      %sub3A_1567 = vector.broadcast %sub3A_1566 : f32 to vector<16xf32>
      %sub3A_1568 = arith.subf %select_n3A_1558, %sub3A_1567 : vector<16xf32>
      %add3A_1569 = arith.constant 1.000000e+00 : f32
      %add3A_1570 = vector.broadcast %add3A_1569 : f32 to vector<16xf32>
      %add3A_1571 = arith.addf %select_n3A_1558, %add3A_1570 : vector<16xf32>
      %div3A_1572 = arith.divf %sub3A_1568, %add3A_1571 : vector<16xf32>
      %mul3A_1573 = arith.mulf %div3A_1572, %div3A_1572 : vector<16xf32>
      %mul3A_1574 = arith.constant 0.3205989 : f32
      %mul3A_1575 = vector.broadcast %mul3A_1574 : f32 to vector<16xf32>
      %mul3A_1576 = arith.mulf %mul3A_1573, %mul3A_1575 : vector<16xf32>
      %add3A_1577 = arith.constant 0.412198603 : f32
      %add3A_1578 = vector.broadcast %add3A_1577 : f32 to vector<16xf32>
      %add3A_1579 = arith.addf %add3A_1578, %mul3A_1576 : vector<16xf32>
      %mul3A_1580 = arith.mulf %mul3A_1573, %add3A_1579 : vector<16xf32>
      %add3A_1581 = arith.constant 0.577078044 : f32
      %add3A_1582 = vector.broadcast %add3A_1581 : f32 to vector<16xf32>
      %add3A_1583 = arith.addf %add3A_1582, %mul3A_1580 : vector<16xf32>
      %mul3A_1584 = arith.mulf %mul3A_1573, %add3A_1583 : vector<16xf32>
      %add3A_1585 = arith.constant 0.9617967 : f32
      %add3A_1586 = vector.broadcast %add3A_1585 : f32 to vector<16xf32>
      %add3A_1587 = arith.addf %add3A_1586, %mul3A_1584 : vector<16xf32>
      %mul3A_1588 = arith.mulf %mul3A_1573, %add3A_1587 : vector<16xf32>
      %add3A_1589 = arith.constant 2.885390e+00 : f32
      %add3A_1590 = vector.broadcast %add3A_1589 : f32 to vector<16xf32>
      %add3A_1591 = arith.addf %add3A_1590, %mul3A_1588 : vector<16xf32>
      %mul3A_1592 = arith.mulf %div3A_1572, %add3A_1591 : vector<16xf32>
      %add3A_1593 = arith.addf %add3A_1565, %mul3A_1592 : vector<16xf32>
      %neg3A_1594 = arith.constant 0.000000e+00 : f32
      %neg3A_1595 = vector.broadcast %neg3A_1594 : f32 to vector<16xf32>
      %neg3A_1596 = arith.subf %neg3A_1595, %add3A_1593 : vector<16xf32>
      %bitcast_convert_type3A_1597 = tpu.bitcast %get3A_1537 : vector<16xf32> -> vector<16xi32>
      %shift_right_arithmetic3A_1598 = arith.constant 23 : i32
      %shift_right_arithmetic3A_1599 = vector.broadcast %shift_right_arithmetic3A_1598 : i32 to vector<16xi32>
      %shift_right_arithmetic3A_1600 = arith.shrsi %bitcast_convert_type3A_1597, %shift_right_arithmetic3A_1599 : vector<16xi32>
      %sub3A_1601 = arith.constant 127 : i32
      %sub3A_1602 = vector.broadcast %sub3A_1601 : i32 to vector<16xi32>
      %sub3A_1603 = arith.subi %shift_right_arithmetic3A_1600, %sub3A_1602 : vector<16xi32>
      %and3A_1604 = arith.constant 8388607 : i32
      %and3A_1605 = vector.broadcast %and3A_1604 : i32 to vector<16xi32>
      %and3A_1606 = arith.andi %bitcast_convert_type3A_1597, %and3A_1605 : vector<16xi32>
      %or3A_1607 = arith.constant 1065353216 : i32
      %or3A_1608 = vector.broadcast %or3A_1607 : i32 to vector<16xi32>
      %or3A_1609 = arith.ori %and3A_1606, %or3A_1608 : vector<16xi32>
      %bitcast_convert_type3A_1610 = tpu.bitcast %or3A_1609 : vector<16xi32> -> vector<16xf32>
      %ge3A_1611 = arith.constant 1.41421354 : f32
      %ge3A_1612 = vector.broadcast %ge3A_1611 : f32 to vector<16xf32>
      %ge3A_1613 = arith.cmpf oge, %bitcast_convert_type3A_1610, %ge3A_1612 : vector<16xf32>
      %mul3A_1614 = arith.constant 5.000000e-01 : f32
      %mul3A_1615 = vector.broadcast %mul3A_1614 : f32 to vector<16xf32>
      %mul3A_1616 = arith.mulf %bitcast_convert_type3A_1610, %mul3A_1615 : vector<16xf32>
      %select_n3A_1617 = arith.select %ge3A_1613, %mul3A_1616, %bitcast_convert_type3A_1610 : vector<16xi1>, vector<16xf32>
      %convert_element_type3A_1618 = arith.sitofp %sub3A_1603 : vector<16xi32> to vector<16xf32>
      %jit3A_1619 = arith.constant 1.000000e+00 : f32
      %jit3A_1620 = arith.constant 0.000000e+00 : f32
      %broadcast_in_dim3A_1621 = vector.broadcast %jit3A_1619 : f32 to vector<16xf32>
      %broadcast_in_dim3A_1622 = vector.broadcast %jit3A_1620 : f32 to vector<16xf32>
      %select_n3A_1623 = arith.select %ge3A_1613, %broadcast_in_dim3A_1621, %broadcast_in_dim3A_1622 : vector<16xi1>, vector<16xf32>
      %add3A_1624 = arith.addf %convert_element_type3A_1618, %select_n3A_1623 : vector<16xf32>
      %sub3A_1625 = arith.constant 1.000000e+00 : f32
      %sub3A_1626 = vector.broadcast %sub3A_1625 : f32 to vector<16xf32>
      %sub3A_1627 = arith.subf %select_n3A_1617, %sub3A_1626 : vector<16xf32>
      %add3A_1628 = arith.constant 1.000000e+00 : f32
      %add3A_1629 = vector.broadcast %add3A_1628 : f32 to vector<16xf32>
      %add3A_1630 = arith.addf %select_n3A_1617, %add3A_1629 : vector<16xf32>
      %div3A_1631 = arith.divf %sub3A_1627, %add3A_1630 : vector<16xf32>
      %mul3A_1632 = arith.mulf %div3A_1631, %div3A_1631 : vector<16xf32>
      %mul3A_1633 = arith.constant 0.3205989 : f32
      %mul3A_1634 = vector.broadcast %mul3A_1633 : f32 to vector<16xf32>
      %mul3A_1635 = arith.mulf %mul3A_1632, %mul3A_1634 : vector<16xf32>
      %add3A_1636 = arith.constant 0.412198603 : f32
      %add3A_1637 = vector.broadcast %add3A_1636 : f32 to vector<16xf32>
      %add3A_1638 = arith.addf %add3A_1637, %mul3A_1635 : vector<16xf32>
      %mul3A_1639 = arith.mulf %mul3A_1632, %add3A_1638 : vector<16xf32>
      %add3A_1640 = arith.constant 0.577078044 : f32
      %add3A_1641 = vector.broadcast %add3A_1640 : f32 to vector<16xf32>
      %add3A_1642 = arith.addf %add3A_1641, %mul3A_1639 : vector<16xf32>
      %mul3A_1643 = arith.mulf %mul3A_1632, %add3A_1642 : vector<16xf32>
      %add3A_1644 = arith.constant 0.9617967 : f32
      %add3A_1645 = vector.broadcast %add3A_1644 : f32 to vector<16xf32>
      %add3A_1646 = arith.addf %add3A_1645, %mul3A_1643 : vector<16xf32>
      %mul3A_1647 = arith.mulf %mul3A_1632, %add3A_1646 : vector<16xf32>
      %add3A_1648 = arith.constant 2.885390e+00 : f32
      %add3A_1649 = vector.broadcast %add3A_1648 : f32 to vector<16xf32>
      %add3A_1650 = arith.addf %add3A_1649, %mul3A_1647 : vector<16xf32>
      %mul3A_1651 = arith.mulf %div3A_1631, %add3A_1650 : vector<16xf32>
      %add3A_1652 = arith.addf %add3A_1624, %mul3A_1651 : vector<16xf32>
      %neg3A_1653 = arith.constant 0.000000e+00 : f32
      %neg3A_1654 = vector.broadcast %neg3A_1653 : f32 to vector<16xf32>
      %neg3A_1655 = arith.subf %neg3A_1654, %add3A_1652 : vector<16xf32>
      %mul3A_1656 = arith.constant 2.000000e+00 : f32
      %mul3A_1657 = vector.broadcast %mul3A_1656 : f32 to vector<16xf32>
      %mul3A_1658 = arith.mulf %mul3A_1657, %get3A_1531 : vector<16xf32>
      %sub3A_1659 = arith.constant 1.000000e+00 : f32
      %sub3A_1660 = vector.broadcast %sub3A_1659 : f32 to vector<16xf32>
      %sub3A_1661 = arith.subf %mul3A_1658, %sub3A_1660 : vector<16xf32>
      %exp3A_1662 = math.exp %sub3A_1661 : vector<16xf32>
      %mul3A_1663 = arith.mulf %neg3A_1655, %exp3A_1662 : vector<16xf32>
      %ge3A_1664 = arith.cmpf oge, %mul3A_1663, %neg3A_1596 : vector<16xf32>
      %jit3A_1665 = arith.constant 1.000000e+00 : f32
      %jit3A_1666 = arith.constant 0.000000e+00 : f32
      %broadcast_in_dim3A_1667 = vector.broadcast %jit3A_1665 : f32 to vector<16xf32>
      %broadcast_in_dim3A_1668 = vector.broadcast %jit3A_1666 : f32 to vector<16xf32>
      %select_n3A_1669 = arith.select %ge3A_1664, %broadcast_in_dim3A_1667, %broadcast_in_dim3A_1668 : vector<16xi1>, vector<16xf32>
      %get3A_1670 = arith.index_cast %mul3A_1385 : i32 to index
      %get3A_1671 = tpu.vector_load %arg15[%get3A_1670] {strides = array<i32>} : memref<256xf32, #tpu.memory_space<vmem>>, vector<16xf32>,
      %get3A_1672 = vector.shape_cast %get3A_1671 : vector<16xf32> to vector<16xf32>
      %mul3A_1673 = arith.mulf %select_n3A_1528, %get3A_1672 : vector<16xf32>
      %mul3A_1674 = arith.mulf %select_n3A_1669, %sub3A_158 : vector<16xf32>
      %add3A_1675 = vector.broadcast %mul3A_1385 : i32 to vector<16xi32>
      %add3A_1676 = arith.addi %iota3A, %add3A_1675 : vector<16xi32>
      %lt3A = vector.broadcast %add3A_11 : i32 to vector<16xi32>
      %lt3A_1677 = arith.cmpi slt, %add3A_1676, %lt3A : vector<16xi32>
      %jit3A_1678 = arith.constant 0.000000e+00 : f32
      %broadcast_in_dim3A_1679 = vector.broadcast %jit3A_1678 : f32 to vector<16xf32>
      %select_n3A_1680 = arith.select %lt3A_1677, %mul3A_1674, %broadcast_in_dim3A_1679 : vector<16xi1>, vector<16xf32>
      %sub3A_1681 = arith.constant 1.000000e+00 : f32
      %sub3A_1682 = vector.broadcast %sub3A_1681 : f32 to vector<16xf32>
      %sub3A_1683 = arith.subf %sub3A_1682, %select_n3A_1680 : vector<16xf32>
      %eq3A = vector.broadcast %add3A_11 : i32 to vector<16xi32>
      %eq3A_1684 = arith.cmpi eq, %add3A_1676, %eq3A : vector<16xi32>
      %mul3A_1685 = arith.mulf %mul3A_1673, %sub3A_1683 : vector<16xf32>
      %jit3A_1686 = arith.constant 0.000000e+00 : f32
      %broadcast_in_dim3A_1687 = vector.broadcast %jit3A_1686 : f32 to vector<16xf32>
      %select_n3A_1688 = arith.select %eq3A_1684, %broadcast_in_dim3A_1687, %mul3A_1685 : vector<16xi1>, vector<16xf32>
      %swap3A_1689 = arith.index_cast %add3A_1387 : i32 to index
      %swap3A_1690 = tpu.vector_load %arg22[%swap3A_1689] {strides = array<i32>} : memref<2048xf32, #tpu.memory_space<vmem>>, vector<16xf32>,
      %swap3A_1691 = vector.shape_cast %swap3A_1690 : vector<16xf32> to vector<16xf32>
      %swap3A_1692 = vector.shape_cast %select_n3A_1688 : vector<16xf32> to vector<16xf32>
      tpu.vector_store %arg22[%swap3A_1689], %swap3A_1692 {strides = array<i32>} : memref<2048xf32, #tpu.memory_space<vmem>>, vector<16xf32>,
    }
    %scan3A_164 = arith.constant 16 : i32
    %mul3A_165 = arith.constant 8 : i32
    %mul3A_166 = arith.muli %add3A, %mul3A_165 : i32
    %add3A_167 = arith.constant 1 : i32
    %add3A_168 = arith.addi %mul3A_166, %add3A_167 : i32
    %broadcast_in_dim3A_169 = arith.constant 0 : i32
    %broadcast_in_dim3A_170 = vector.broadcast %broadcast_in_dim3A_169 : i32 to vector<16xi32>
    %add3A_171 = vector.broadcast %add3A_168 : i32 to vector<16xi32>
    %add3A_172 = arith.addi %broadcast_in_dim3A_170, %add3A_171 : vector<16xi32>
    %swap3A_173 = arith.constant 0 : index
    %swap3A_174 = tpu.vector_load %arg23[%swap3A_173] {strides = array<i32>} : memref<16xi32, #tpu.memory_space<vmem>>, vector<16xi32>,
    %swap3A_175 = vector.shape_cast %swap3A_174 : vector<16xi32> to vector<16xi32>
    %swap3A_176 = vector.shape_cast %add3A_172 : vector<16xi32> to vector<16xi32>
    tpu.vector_store %arg23[%swap3A_173], %swap3A_176 {strides = array<i32>} : memref<16xi32, #tpu.memory_space<vmem>>, vector<16xi32>,
    %dma_start3A_177 = arith.constant 0 : i32
    %dma_start3A_178 = tpu.memref_slice %arg2[%dma_start3A_177] : memref<256xf32, #tpu.memory_space<hbm>> -> memref<256xf32, #tpu.memory_space<hbm>>
    tpu.enqueue_indirect_dma source(%dma_start3A_178 : memref<256xf32, #tpu.memory_space<hbm>>) target(%arg24 : memref<16xf32, #tpu.memory_space<vmem>>) offsets(%arg23 : memref<16xi32, #tpu.memory_space<vmem>>) semaphore(%arg27 : memref<!tpu.dma_semaphore, #tpu.memory_space<semaphore_mem>>)
    %dma_wait3A_179 = arith.constant 0 : i32
    %dma_wait3A_180 = tpu.memref_slice %arg2[%dma_wait3A_179] : memref<256xf32, #tpu.memory_space<hbm>> -> memref<256xf32, #tpu.memory_space<hbm>>
    tpu.wait_indirect_dma semaphore(%arg27 : memref<!tpu.dma_semaphore, #tpu.memory_space<semaphore_mem>>) src(%dma_wait3A_180 : memref<256xf32, #tpu.memory_space<hbm>>) dst(%arg24 : memref<16xf32, #tpu.memory_space<vmem>>)
    %dma_start3A_181 = arith.constant 0 : i32
    %dma_start3A_182 = tpu.memref_slice %arg3[%dma_start3A_181] : memref<256xf32, #tpu.memory_space<hbm>> -> memref<256xf32, #tpu.memory_space<hbm>>
    tpu.enqueue_indirect_dma source(%dma_start3A_182 : memref<256xf32, #tpu.memory_space<hbm>>) target(%arg25 : memref<16xf32, #tpu.memory_space<vmem>>) offsets(%arg23 : memref<16xi32, #tpu.memory_space<vmem>>) semaphore(%arg27 : memref<!tpu.dma_semaphore, #tpu.memory_space<semaphore_mem>>)
    %dma_wait3A_183 = arith.constant 0 : i32
    %dma_wait3A_184 = tpu.memref_slice %arg3[%dma_wait3A_183] : memref<256xf32, #tpu.memory_space<hbm>> -> memref<256xf32, #tpu.memory_space<hbm>>
    tpu.wait_indirect_dma semaphore(%arg27 : memref<!tpu.dma_semaphore, #tpu.memory_space<semaphore_mem>>) src(%dma_wait3A_184 : memref<256xf32, #tpu.memory_space<hbm>>) dst(%arg25 : memref<16xf32, #tpu.memory_space<vmem>>)
    %dma_start3A_185 = arith.constant 0 : i32
    %dma_start3A_186 = tpu.memref_slice %arg4[%dma_start3A_185] : memref<256xf32, #tpu.memory_space<hbm>> -> memref<256xf32, #tpu.memory_space<hbm>>
    tpu.enqueue_indirect_dma source(%dma_start3A_186 : memref<256xf32, #tpu.memory_space<hbm>>) target(%arg26 : memref<16xf32, #tpu.memory_space<vmem>>) offsets(%arg23 : memref<16xi32, #tpu.memory_space<vmem>>) semaphore(%arg27 : memref<!tpu.dma_semaphore, #tpu.memory_space<semaphore_mem>>)
    %dma_wait3A_187 = arith.constant 0 : i32
    %dma_wait3A_188 = tpu.memref_slice %arg4[%dma_wait3A_187] : memref<256xf32, #tpu.memory_space<hbm>> -> memref<256xf32, #tpu.memory_space<hbm>>
    tpu.wait_indirect_dma semaphore(%arg27 : memref<!tpu.dma_semaphore, #tpu.memory_space<semaphore_mem>>) src(%dma_wait3A_188 : memref<256xf32, #tpu.memory_space<hbm>>) dst(%arg26 : memref<16xf32, #tpu.memory_space<vmem>>)
    %get3A_189 = arith.constant 0 : index
    %get3A_190 = tpu.vector_load %arg24[%get3A_189] {strides = array<i32>} : memref<16xf32, #tpu.memory_space<vmem>>, vector<16xf32>,
    %get3A_191 = vector.shape_cast %get3A_190 : vector<16xf32> to vector<16xf32>
    %get3A_192 = arith.constant 0 : index
    %get3A_193 = tpu.vector_load %arg25[%get3A_192] {strides = array<i32>} : memref<16xf32, #tpu.memory_space<vmem>>, vector<16xf32>,
    %get3A_194 = vector.shape_cast %get3A_193 : vector<16xf32> to vector<16xf32>
    %get3A_195 = arith.constant 0 : index
    %get3A_196 = tpu.vector_load %arg26[%get3A_195] {strides = array<i32>} : memref<16xf32, #tpu.memory_space<vmem>>, vector<16xf32>,
    %get3A_197 = vector.shape_cast %get3A_196 : vector<16xf32> to vector<16xf32>
    %bitcast_convert_type3A_198 = tpu.bitcast %get3A_194 : vector<16xf32> -> vector<16xi32>
    %shift_right_arithmetic3A_199 = arith.constant 23 : i32
    %shift_right_arithmetic3A_200 = vector.broadcast %shift_right_arithmetic3A_199 : i32 to vector<16xi32>
    %shift_right_arithmetic3A_201 = arith.shrsi %bitcast_convert_type3A_198, %shift_right_arithmetic3A_200 : vector<16xi32>
    %sub3A_202 = arith.constant 127 : i32
    %sub3A_203 = vector.broadcast %sub3A_202 : i32 to vector<16xi32>
    %sub3A_204 = arith.subi %shift_right_arithmetic3A_201, %sub3A_203 : vector<16xi32>
    %and3A_205 = arith.constant 8388607 : i32
    %and3A_206 = vector.broadcast %and3A_205 : i32 to vector<16xi32>
    %and3A_207 = arith.andi %bitcast_convert_type3A_198, %and3A_206 : vector<16xi32>
    %or3A_208 = arith.constant 1065353216 : i32
    %or3A_209 = vector.broadcast %or3A_208 : i32 to vector<16xi32>
    %or3A_210 = arith.ori %and3A_207, %or3A_209 : vector<16xi32>
    %bitcast_convert_type3A_211 = tpu.bitcast %or3A_210 : vector<16xi32> -> vector<16xf32>
    %ge3A_212 = arith.constant 1.41421354 : f32
    %ge3A_213 = vector.broadcast %ge3A_212 : f32 to vector<16xf32>
    %ge3A_214 = arith.cmpf oge, %bitcast_convert_type3A_211, %ge3A_213 : vector<16xf32>
    %mul3A_215 = arith.constant 5.000000e-01 : f32
    %mul3A_216 = vector.broadcast %mul3A_215 : f32 to vector<16xf32>
    %mul3A_217 = arith.mulf %bitcast_convert_type3A_211, %mul3A_216 : vector<16xf32>
    %select_n3A_218 = arith.select %ge3A_214, %mul3A_217, %bitcast_convert_type3A_211 : vector<16xi1>, vector<16xf32>
    %convert_element_type3A_219 = arith.sitofp %sub3A_204 : vector<16xi32> to vector<16xf32>
    %jit3A_220 = arith.constant 1.000000e+00 : f32
    %jit3A_221 = arith.constant 0.000000e+00 : f32
    %broadcast_in_dim3A_222 = vector.broadcast %jit3A_220 : f32 to vector<16xf32>
    %broadcast_in_dim3A_223 = vector.broadcast %jit3A_221 : f32 to vector<16xf32>
    %select_n3A_224 = arith.select %ge3A_214, %broadcast_in_dim3A_222, %broadcast_in_dim3A_223 : vector<16xi1>, vector<16xf32>
    %add3A_225 = arith.addf %convert_element_type3A_219, %select_n3A_224 : vector<16xf32>
    %sub3A_226 = arith.constant 1.000000e+00 : f32
    %sub3A_227 = vector.broadcast %sub3A_226 : f32 to vector<16xf32>
    %sub3A_228 = arith.subf %select_n3A_218, %sub3A_227 : vector<16xf32>
    %add3A_229 = arith.constant 1.000000e+00 : f32
    %add3A_230 = vector.broadcast %add3A_229 : f32 to vector<16xf32>
    %add3A_231 = arith.addf %select_n3A_218, %add3A_230 : vector<16xf32>
    %div3A_232 = arith.divf %sub3A_228, %add3A_231 : vector<16xf32>
    %mul3A_233 = arith.mulf %div3A_232, %div3A_232 : vector<16xf32>
    %mul3A_234 = arith.constant 0.3205989 : f32
    %mul3A_235 = vector.broadcast %mul3A_234 : f32 to vector<16xf32>
    %mul3A_236 = arith.mulf %mul3A_233, %mul3A_235 : vector<16xf32>
    %add3A_237 = arith.constant 0.412198603 : f32
    %add3A_238 = vector.broadcast %add3A_237 : f32 to vector<16xf32>
    %add3A_239 = arith.addf %add3A_238, %mul3A_236 : vector<16xf32>
    %mul3A_240 = arith.mulf %mul3A_233, %add3A_239 : vector<16xf32>
    %add3A_241 = arith.constant 0.577078044 : f32
    %add3A_242 = vector.broadcast %add3A_241 : f32 to vector<16xf32>
    %add3A_243 = arith.addf %add3A_242, %mul3A_240 : vector<16xf32>
    %mul3A_244 = arith.mulf %mul3A_233, %add3A_243 : vector<16xf32>
    %add3A_245 = arith.constant 0.9617967 : f32
    %add3A_246 = vector.broadcast %add3A_245 : f32 to vector<16xf32>
    %add3A_247 = arith.addf %add3A_246, %mul3A_244 : vector<16xf32>
    %mul3A_248 = arith.mulf %mul3A_233, %add3A_247 : vector<16xf32>
    %add3A_249 = arith.constant 2.885390e+00 : f32
    %add3A_250 = vector.broadcast %add3A_249 : f32 to vector<16xf32>
    %add3A_251 = arith.addf %add3A_250, %mul3A_248 : vector<16xf32>
    %mul3A_252 = arith.mulf %div3A_232, %add3A_251 : vector<16xf32>
    %add3A_253 = arith.addf %add3A_225, %mul3A_252 : vector<16xf32>
    %neg3A_254 = arith.constant 0.000000e+00 : f32
    %neg3A_255 = vector.broadcast %neg3A_254 : f32 to vector<16xf32>
    %neg3A_256 = arith.subf %neg3A_255, %add3A_253 : vector<16xf32>
    %bitcast_convert_type3A_257 = tpu.bitcast %get3A_197 : vector<16xf32> -> vector<16xi32>
    %shift_right_arithmetic3A_258 = arith.constant 23 : i32
    %shift_right_arithmetic3A_259 = vector.broadcast %shift_right_arithmetic3A_258 : i32 to vector<16xi32>
    %shift_right_arithmetic3A_260 = arith.shrsi %bitcast_convert_type3A_257, %shift_right_arithmetic3A_259 : vector<16xi32>
    %sub3A_261 = arith.constant 127 : i32
    %sub3A_262 = vector.broadcast %sub3A_261 : i32 to vector<16xi32>
    %sub3A_263 = arith.subi %shift_right_arithmetic3A_260, %sub3A_262 : vector<16xi32>
    %and3A_264 = arith.constant 8388607 : i32
    %and3A_265 = vector.broadcast %and3A_264 : i32 to vector<16xi32>
    %and3A_266 = arith.andi %bitcast_convert_type3A_257, %and3A_265 : vector<16xi32>
    %or3A_267 = arith.constant 1065353216 : i32
    %or3A_268 = vector.broadcast %or3A_267 : i32 to vector<16xi32>
    %or3A_269 = arith.ori %and3A_266, %or3A_268 : vector<16xi32>
    %bitcast_convert_type3A_270 = tpu.bitcast %or3A_269 : vector<16xi32> -> vector<16xf32>
    %ge3A_271 = arith.constant 1.41421354 : f32
    %ge3A_272 = vector.broadcast %ge3A_271 : f32 to vector<16xf32>
    %ge3A_273 = arith.cmpf oge, %bitcast_convert_type3A_270, %ge3A_272 : vector<16xf32>
    %mul3A_274 = arith.constant 5.000000e-01 : f32
    %mul3A_275 = vector.broadcast %mul3A_274 : f32 to vector<16xf32>
    %mul3A_276 = arith.mulf %bitcast_convert_type3A_270, %mul3A_275 : vector<16xf32>
    %select_n3A_277 = arith.select %ge3A_273, %mul3A_276, %bitcast_convert_type3A_270 : vector<16xi1>, vector<16xf32>
    %convert_element_type3A_278 = arith.sitofp %sub3A_263 : vector<16xi32> to vector<16xf32>
    %jit3A_279 = arith.constant 1.000000e+00 : f32
    %jit3A_280 = arith.constant 0.000000e+00 : f32
    %broadcast_in_dim3A_281 = vector.broadcast %jit3A_279 : f32 to vector<16xf32>
    %broadcast_in_dim3A_282 = vector.broadcast %jit3A_280 : f32 to vector<16xf32>
    %select_n3A_283 = arith.select %ge3A_273, %broadcast_in_dim3A_281, %broadcast_in_dim3A_282 : vector<16xi1>, vector<16xf32>
    %add3A_284 = arith.addf %convert_element_type3A_278, %select_n3A_283 : vector<16xf32>
    %sub3A_285 = arith.constant 1.000000e+00 : f32
    %sub3A_286 = vector.broadcast %sub3A_285 : f32 to vector<16xf32>
    %sub3A_287 = arith.subf %select_n3A_277, %sub3A_286 : vector<16xf32>
    %add3A_288 = arith.constant 1.000000e+00 : f32
    %add3A_289 = vector.broadcast %add3A_288 : f32 to vector<16xf32>
    %add3A_290 = arith.addf %select_n3A_277, %add3A_289 : vector<16xf32>
    %div3A_291 = arith.divf %sub3A_287, %add3A_290 : vector<16xf32>
    %mul3A_292 = arith.mulf %div3A_291, %div3A_291 : vector<16xf32>
    %mul3A_293 = arith.constant 0.3205989 : f32
    %mul3A_294 = vector.broadcast %mul3A_293 : f32 to vector<16xf32>
    %mul3A_295 = arith.mulf %mul3A_292, %mul3A_294 : vector<16xf32>
    %add3A_296 = arith.constant 0.412198603 : f32
    %add3A_297 = vector.broadcast %add3A_296 : f32 to vector<16xf32>
    %add3A_298 = arith.addf %add3A_297, %mul3A_295 : vector<16xf32>
    %mul3A_299 = arith.mulf %mul3A_292, %add3A_298 : vector<16xf32>
    %add3A_300 = arith.constant 0.577078044 : f32
    %add3A_301 = vector.broadcast %add3A_300 : f32 to vector<16xf32>
    %add3A_302 = arith.addf %add3A_301, %mul3A_299 : vector<16xf32>
    %mul3A_303 = arith.mulf %mul3A_292, %add3A_302 : vector<16xf32>
    %add3A_304 = arith.constant 0.9617967 : f32
    %add3A_305 = vector.broadcast %add3A_304 : f32 to vector<16xf32>
    %add3A_306 = arith.addf %add3A_305, %mul3A_303 : vector<16xf32>
    %mul3A_307 = arith.mulf %mul3A_292, %add3A_306 : vector<16xf32>
    %add3A_308 = arith.constant 2.885390e+00 : f32
    %add3A_309 = vector.broadcast %add3A_308 : f32 to vector<16xf32>
    %add3A_310 = arith.addf %add3A_309, %mul3A_307 : vector<16xf32>
    %mul3A_311 = arith.mulf %div3A_291, %add3A_310 : vector<16xf32>
    %add3A_312 = arith.addf %add3A_284, %mul3A_311 : vector<16xf32>
    %neg3A_313 = arith.constant 0.000000e+00 : f32
    %neg3A_314 = vector.broadcast %neg3A_313 : f32 to vector<16xf32>
    %neg3A_315 = arith.subf %neg3A_314, %add3A_312 : vector<16xf32>
    %mul3A_316 = arith.constant 2.000000e+00 : f32
    %mul3A_317 = vector.broadcast %mul3A_316 : f32 to vector<16xf32>
    %mul3A_318 = arith.mulf %mul3A_317, %get3A_191 : vector<16xf32>
    %sub3A_319 = arith.constant 1.000000e+00 : f32
    %sub3A_320 = vector.broadcast %sub3A_319 : f32 to vector<16xf32>
    %sub3A_321 = arith.subf %mul3A_318, %sub3A_320 : vector<16xf32>
    %exp3A_322 = math.exp %sub3A_321 : vector<16xf32>
    %mul3A_323 = arith.mulf %neg3A_315, %exp3A_322 : vector<16xf32>
    %ge3A_324 = arith.cmpf oge, %mul3A_323, %neg3A_256 : vector<16xf32>
    %jit3A_325 = arith.constant 1.000000e+00 : f32
    %jit3A_326 = arith.constant 0.000000e+00 : f32
    %broadcast_in_dim3A_327 = vector.broadcast %jit3A_325 : f32 to vector<16xf32>
    %broadcast_in_dim3A_328 = vector.broadcast %jit3A_326 : f32 to vector<16xf32>
    %select_n3A_329 = arith.select %ge3A_324, %broadcast_in_dim3A_327, %broadcast_in_dim3A_328 : vector<16xi1>, vector<16xf32>
    %sub3A_330 = arith.constant 1.000000e+00 : f32
    %sub3A_331 = vector.broadcast %sub3A_330 : f32 to vector<16xf32>
    %sub3A_332 = arith.subf %sub3A_331, %select_n3A_329 : vector<16xf32>
    %scan3A_333 = arith.constant 0 : i32
    %scan3A_334 = arith.constant 0 : i32
    %scan3A_335 = arith.constant 16 : i32
    %scan3A_336 = arith.addi %scan3A_334, %scan3A_335 : i32
    %scan3A_337 = arith.constant 1 : i32
    scf.for %scan3A_1383 = %scan3A_334 to %scan3A_336 step %scan3A_337  : i32 {
      %mul3A_1384 = arith.constant 16 : i32
      %mul3A_1385 = arith.muli %scan3A_1383, %mul3A_1384 : i32
      %add3A_1386 = arith.constant 256 : i32
      %add3A_1387 = arith.addi %add3A_1386, %mul3A_1385 : i32
      %get3A_1388 = arith.index_cast %add3A_1387 : i32 to index
      %get3A_1389 = tpu.vector_load %arg16[%get3A_1388] {strides = array<i32>} : memref<2048xf32, #tpu.memory_space<vmem>>, vector<16xf32>,
      %get3A_1390 = vector.shape_cast %get3A_1389 : vector<16xf32> to vector<16xf32>
      %get3A_1391 = arith.index_cast %add3A_1387 : i32 to index
      %get3A_1392 = tpu.vector_load %arg17[%get3A_1391] {strides = array<i32>} : memref<2048xf32, #tpu.memory_space<vmem>>, vector<16xf32>,
      %get3A_1393 = vector.shape_cast %get3A_1392 : vector<16xf32> to vector<16xf32>
      %get3A_1394 = arith.index_cast %add3A_1387 : i32 to index
      %get3A_1395 = tpu.vector_load %arg18[%get3A_1394] {strides = array<i32>} : memref<2048xf32, #tpu.memory_space<vmem>>, vector<16xf32>,
      %get3A_1396 = vector.shape_cast %get3A_1395 : vector<16xf32> to vector<16xf32>
      %bitcast_convert_type3A_1397 = tpu.bitcast %get3A_1393 : vector<16xf32> -> vector<16xi32>
      %shift_right_arithmetic3A_1398 = arith.constant 23 : i32
      %shift_right_arithmetic3A_1399 = vector.broadcast %shift_right_arithmetic3A_1398 : i32 to vector<16xi32>
      %shift_right_arithmetic3A_1400 = arith.shrsi %bitcast_convert_type3A_1397, %shift_right_arithmetic3A_1399 : vector<16xi32>
      %sub3A_1401 = arith.constant 127 : i32
      %sub3A_1402 = vector.broadcast %sub3A_1401 : i32 to vector<16xi32>
      %sub3A_1403 = arith.subi %shift_right_arithmetic3A_1400, %sub3A_1402 : vector<16xi32>
      %and3A_1404 = arith.constant 8388607 : i32
      %and3A_1405 = vector.broadcast %and3A_1404 : i32 to vector<16xi32>
      %and3A_1406 = arith.andi %bitcast_convert_type3A_1397, %and3A_1405 : vector<16xi32>
      %or3A_1407 = arith.constant 1065353216 : i32
      %or3A_1408 = vector.broadcast %or3A_1407 : i32 to vector<16xi32>
      %or3A_1409 = arith.ori %and3A_1406, %or3A_1408 : vector<16xi32>
      %bitcast_convert_type3A_1410 = tpu.bitcast %or3A_1409 : vector<16xi32> -> vector<16xf32>
      %ge3A_1411 = arith.constant 1.41421354 : f32
      %ge3A_1412 = vector.broadcast %ge3A_1411 : f32 to vector<16xf32>
      %ge3A_1413 = arith.cmpf oge, %bitcast_convert_type3A_1410, %ge3A_1412 : vector<16xf32>
      %mul3A_1414 = arith.constant 5.000000e-01 : f32
      %mul3A_1415 = vector.broadcast %mul3A_1414 : f32 to vector<16xf32>
      %mul3A_1416 = arith.mulf %bitcast_convert_type3A_1410, %mul3A_1415 : vector<16xf32>
      %select_n3A_1417 = arith.select %ge3A_1413, %mul3A_1416, %bitcast_convert_type3A_1410 : vector<16xi1>, vector<16xf32>
      %convert_element_type3A_1418 = arith.sitofp %sub3A_1403 : vector<16xi32> to vector<16xf32>
      %jit3A_1419 = arith.constant 1.000000e+00 : f32
      %jit3A_1420 = arith.constant 0.000000e+00 : f32
      %broadcast_in_dim3A_1421 = vector.broadcast %jit3A_1419 : f32 to vector<16xf32>
      %broadcast_in_dim3A_1422 = vector.broadcast %jit3A_1420 : f32 to vector<16xf32>
      %select_n3A_1423 = arith.select %ge3A_1413, %broadcast_in_dim3A_1421, %broadcast_in_dim3A_1422 : vector<16xi1>, vector<16xf32>
      %add3A_1424 = arith.addf %convert_element_type3A_1418, %select_n3A_1423 : vector<16xf32>
      %sub3A_1425 = arith.constant 1.000000e+00 : f32
      %sub3A_1426 = vector.broadcast %sub3A_1425 : f32 to vector<16xf32>
      %sub3A_1427 = arith.subf %select_n3A_1417, %sub3A_1426 : vector<16xf32>
      %add3A_1428 = arith.constant 1.000000e+00 : f32
      %add3A_1429 = vector.broadcast %add3A_1428 : f32 to vector<16xf32>
      %add3A_1430 = arith.addf %select_n3A_1417, %add3A_1429 : vector<16xf32>
      %div3A_1431 = arith.divf %sub3A_1427, %add3A_1430 : vector<16xf32>
      %mul3A_1432 = arith.mulf %div3A_1431, %div3A_1431 : vector<16xf32>
      %mul3A_1433 = arith.constant 0.3205989 : f32
      %mul3A_1434 = vector.broadcast %mul3A_1433 : f32 to vector<16xf32>
      %mul3A_1435 = arith.mulf %mul3A_1432, %mul3A_1434 : vector<16xf32>
      %add3A_1436 = arith.constant 0.412198603 : f32
      %add3A_1437 = vector.broadcast %add3A_1436 : f32 to vector<16xf32>
      %add3A_1438 = arith.addf %add3A_1437, %mul3A_1435 : vector<16xf32>
      %mul3A_1439 = arith.mulf %mul3A_1432, %add3A_1438 : vector<16xf32>
      %add3A_1440 = arith.constant 0.577078044 : f32
      %add3A_1441 = vector.broadcast %add3A_1440 : f32 to vector<16xf32>
      %add3A_1442 = arith.addf %add3A_1441, %mul3A_1439 : vector<16xf32>
      %mul3A_1443 = arith.mulf %mul3A_1432, %add3A_1442 : vector<16xf32>
      %add3A_1444 = arith.constant 0.9617967 : f32
      %add3A_1445 = vector.broadcast %add3A_1444 : f32 to vector<16xf32>
      %add3A_1446 = arith.addf %add3A_1445, %mul3A_1443 : vector<16xf32>
      %mul3A_1447 = arith.mulf %mul3A_1432, %add3A_1446 : vector<16xf32>
      %add3A_1448 = arith.constant 2.885390e+00 : f32
      %add3A_1449 = vector.broadcast %add3A_1448 : f32 to vector<16xf32>
      %add3A_1450 = arith.addf %add3A_1449, %mul3A_1447 : vector<16xf32>
      %mul3A_1451 = arith.mulf %div3A_1431, %add3A_1450 : vector<16xf32>
      %add3A_1452 = arith.addf %add3A_1424, %mul3A_1451 : vector<16xf32>
      %neg3A_1453 = arith.constant 0.000000e+00 : f32
      %neg3A_1454 = vector.broadcast %neg3A_1453 : f32 to vector<16xf32>
      %neg3A_1455 = arith.subf %neg3A_1454, %add3A_1452 : vector<16xf32>
      %bitcast_convert_type3A_1456 = tpu.bitcast %get3A_1396 : vector<16xf32> -> vector<16xi32>
      %shift_right_arithmetic3A_1457 = arith.constant 23 : i32
      %shift_right_arithmetic3A_1458 = vector.broadcast %shift_right_arithmetic3A_1457 : i32 to vector<16xi32>
      %shift_right_arithmetic3A_1459 = arith.shrsi %bitcast_convert_type3A_1456, %shift_right_arithmetic3A_1458 : vector<16xi32>
      %sub3A_1460 = arith.constant 127 : i32
      %sub3A_1461 = vector.broadcast %sub3A_1460 : i32 to vector<16xi32>
      %sub3A_1462 = arith.subi %shift_right_arithmetic3A_1459, %sub3A_1461 : vector<16xi32>
      %and3A_1463 = arith.constant 8388607 : i32
      %and3A_1464 = vector.broadcast %and3A_1463 : i32 to vector<16xi32>
      %and3A_1465 = arith.andi %bitcast_convert_type3A_1456, %and3A_1464 : vector<16xi32>
      %or3A_1466 = arith.constant 1065353216 : i32
      %or3A_1467 = vector.broadcast %or3A_1466 : i32 to vector<16xi32>
      %or3A_1468 = arith.ori %and3A_1465, %or3A_1467 : vector<16xi32>
      %bitcast_convert_type3A_1469 = tpu.bitcast %or3A_1468 : vector<16xi32> -> vector<16xf32>
      %ge3A_1470 = arith.constant 1.41421354 : f32
      %ge3A_1471 = vector.broadcast %ge3A_1470 : f32 to vector<16xf32>
      %ge3A_1472 = arith.cmpf oge, %bitcast_convert_type3A_1469, %ge3A_1471 : vector<16xf32>
      %mul3A_1473 = arith.constant 5.000000e-01 : f32
      %mul3A_1474 = vector.broadcast %mul3A_1473 : f32 to vector<16xf32>
      %mul3A_1475 = arith.mulf %bitcast_convert_type3A_1469, %mul3A_1474 : vector<16xf32>
      %select_n3A_1476 = arith.select %ge3A_1472, %mul3A_1475, %bitcast_convert_type3A_1469 : vector<16xi1>, vector<16xf32>
      %convert_element_type3A_1477 = arith.sitofp %sub3A_1462 : vector<16xi32> to vector<16xf32>
      %jit3A_1478 = arith.constant 1.000000e+00 : f32
      %jit3A_1479 = arith.constant 0.000000e+00 : f32
      %broadcast_in_dim3A_1480 = vector.broadcast %jit3A_1478 : f32 to vector<16xf32>
      %broadcast_in_dim3A_1481 = vector.broadcast %jit3A_1479 : f32 to vector<16xf32>
      %select_n3A_1482 = arith.select %ge3A_1472, %broadcast_in_dim3A_1480, %broadcast_in_dim3A_1481 : vector<16xi1>, vector<16xf32>
      %add3A_1483 = arith.addf %convert_element_type3A_1477, %select_n3A_1482 : vector<16xf32>
      %sub3A_1484 = arith.constant 1.000000e+00 : f32
      %sub3A_1485 = vector.broadcast %sub3A_1484 : f32 to vector<16xf32>
      %sub3A_1486 = arith.subf %select_n3A_1476, %sub3A_1485 : vector<16xf32>
      %add3A_1487 = arith.constant 1.000000e+00 : f32
      %add3A_1488 = vector.broadcast %add3A_1487 : f32 to vector<16xf32>
      %add3A_1489 = arith.addf %select_n3A_1476, %add3A_1488 : vector<16xf32>
      %div3A_1490 = arith.divf %sub3A_1486, %add3A_1489 : vector<16xf32>
      %mul3A_1491 = arith.mulf %div3A_1490, %div3A_1490 : vector<16xf32>
      %mul3A_1492 = arith.constant 0.3205989 : f32
      %mul3A_1493 = vector.broadcast %mul3A_1492 : f32 to vector<16xf32>
      %mul3A_1494 = arith.mulf %mul3A_1491, %mul3A_1493 : vector<16xf32>
      %add3A_1495 = arith.constant 0.412198603 : f32
      %add3A_1496 = vector.broadcast %add3A_1495 : f32 to vector<16xf32>
      %add3A_1497 = arith.addf %add3A_1496, %mul3A_1494 : vector<16xf32>
      %mul3A_1498 = arith.mulf %mul3A_1491, %add3A_1497 : vector<16xf32>
      %add3A_1499 = arith.constant 0.577078044 : f32
      %add3A_1500 = vector.broadcast %add3A_1499 : f32 to vector<16xf32>
      %add3A_1501 = arith.addf %add3A_1500, %mul3A_1498 : vector<16xf32>
      %mul3A_1502 = arith.mulf %mul3A_1491, %add3A_1501 : vector<16xf32>
      %add3A_1503 = arith.constant 0.9617967 : f32
      %add3A_1504 = vector.broadcast %add3A_1503 : f32 to vector<16xf32>
      %add3A_1505 = arith.addf %add3A_1504, %mul3A_1502 : vector<16xf32>
      %mul3A_1506 = arith.mulf %mul3A_1491, %add3A_1505 : vector<16xf32>
      %add3A_1507 = arith.constant 2.885390e+00 : f32
      %add3A_1508 = vector.broadcast %add3A_1507 : f32 to vector<16xf32>
      %add3A_1509 = arith.addf %add3A_1508, %mul3A_1506 : vector<16xf32>
      %mul3A_1510 = arith.mulf %div3A_1490, %add3A_1509 : vector<16xf32>
      %add3A_1511 = arith.addf %add3A_1483, %mul3A_1510 : vector<16xf32>
      %neg3A_1512 = arith.constant 0.000000e+00 : f32
      %neg3A_1513 = vector.broadcast %neg3A_1512 : f32 to vector<16xf32>
      %neg3A_1514 = arith.subf %neg3A_1513, %add3A_1511 : vector<16xf32>
      %mul3A_1515 = arith.constant 2.000000e+00 : f32
      %mul3A_1516 = vector.broadcast %mul3A_1515 : f32 to vector<16xf32>
      %mul3A_1517 = arith.mulf %mul3A_1516, %get3A_1390 : vector<16xf32>
      %sub3A_1518 = arith.constant 1.000000e+00 : f32
      %sub3A_1519 = vector.broadcast %sub3A_1518 : f32 to vector<16xf32>
      %sub3A_1520 = arith.subf %mul3A_1517, %sub3A_1519 : vector<16xf32>
      %exp3A_1521 = math.exp %sub3A_1520 : vector<16xf32>
      %mul3A_1522 = arith.mulf %neg3A_1514, %exp3A_1521 : vector<16xf32>
      %ge3A_1523 = arith.cmpf oge, %mul3A_1522, %neg3A_1455 : vector<16xf32>
      %jit3A_1524 = arith.constant 1.000000e+00 : f32
      %jit3A_1525 = arith.constant 0.000000e+00 : f32
      %broadcast_in_dim3A_1526 = vector.broadcast %jit3A_1524 : f32 to vector<16xf32>
      %broadcast_in_dim3A_1527 = vector.broadcast %jit3A_1525 : f32 to vector<16xf32>
      %select_n3A_1528 = arith.select %ge3A_1523, %broadcast_in_dim3A_1526, %broadcast_in_dim3A_1527 : vector<16xi1>, vector<16xf32>
      %get3A_1529 = arith.index_cast %add3A_1387 : i32 to index
      %get3A_1530 = tpu.vector_load %arg19[%get3A_1529] {strides = array<i32>} : memref<2048xf32, #tpu.memory_space<vmem>>, vector<16xf32>,
      %get3A_1531 = vector.shape_cast %get3A_1530 : vector<16xf32> to vector<16xf32>
      %get3A_1532 = arith.index_cast %add3A_1387 : i32 to index
      %get3A_1533 = tpu.vector_load %arg20[%get3A_1532] {strides = array<i32>} : memref<2048xf32, #tpu.memory_space<vmem>>, vector<16xf32>,
      %get3A_1534 = vector.shape_cast %get3A_1533 : vector<16xf32> to vector<16xf32>
      %get3A_1535 = arith.index_cast %add3A_1387 : i32 to index
      %get3A_1536 = tpu.vector_load %arg21[%get3A_1535] {strides = array<i32>} : memref<2048xf32, #tpu.memory_space<vmem>>, vector<16xf32>,
      %get3A_1537 = vector.shape_cast %get3A_1536 : vector<16xf32> to vector<16xf32>
      %bitcast_convert_type3A_1538 = tpu.bitcast %get3A_1534 : vector<16xf32> -> vector<16xi32>
      %shift_right_arithmetic3A_1539 = arith.constant 23 : i32
      %shift_right_arithmetic3A_1540 = vector.broadcast %shift_right_arithmetic3A_1539 : i32 to vector<16xi32>
      %shift_right_arithmetic3A_1541 = arith.shrsi %bitcast_convert_type3A_1538, %shift_right_arithmetic3A_1540 : vector<16xi32>
      %sub3A_1542 = arith.constant 127 : i32
      %sub3A_1543 = vector.broadcast %sub3A_1542 : i32 to vector<16xi32>
      %sub3A_1544 = arith.subi %shift_right_arithmetic3A_1541, %sub3A_1543 : vector<16xi32>
      %and3A_1545 = arith.constant 8388607 : i32
      %and3A_1546 = vector.broadcast %and3A_1545 : i32 to vector<16xi32>
      %and3A_1547 = arith.andi %bitcast_convert_type3A_1538, %and3A_1546 : vector<16xi32>
      %or3A_1548 = arith.constant 1065353216 : i32
      %or3A_1549 = vector.broadcast %or3A_1548 : i32 to vector<16xi32>
      %or3A_1550 = arith.ori %and3A_1547, %or3A_1549 : vector<16xi32>
      %bitcast_convert_type3A_1551 = tpu.bitcast %or3A_1550 : vector<16xi32> -> vector<16xf32>
      %ge3A_1552 = arith.constant 1.41421354 : f32
      %ge3A_1553 = vector.broadcast %ge3A_1552 : f32 to vector<16xf32>
      %ge3A_1554 = arith.cmpf oge, %bitcast_convert_type3A_1551, %ge3A_1553 : vector<16xf32>
      %mul3A_1555 = arith.constant 5.000000e-01 : f32
      %mul3A_1556 = vector.broadcast %mul3A_1555 : f32 to vector<16xf32>
      %mul3A_1557 = arith.mulf %bitcast_convert_type3A_1551, %mul3A_1556 : vector<16xf32>
      %select_n3A_1558 = arith.select %ge3A_1554, %mul3A_1557, %bitcast_convert_type3A_1551 : vector<16xi1>, vector<16xf32>
      %convert_element_type3A_1559 = arith.sitofp %sub3A_1544 : vector<16xi32> to vector<16xf32>
      %jit3A_1560 = arith.constant 1.000000e+00 : f32
      %jit3A_1561 = arith.constant 0.000000e+00 : f32
      %broadcast_in_dim3A_1562 = vector.broadcast %jit3A_1560 : f32 to vector<16xf32>
      %broadcast_in_dim3A_1563 = vector.broadcast %jit3A_1561 : f32 to vector<16xf32>
      %select_n3A_1564 = arith.select %ge3A_1554, %broadcast_in_dim3A_1562, %broadcast_in_dim3A_1563 : vector<16xi1>, vector<16xf32>
      %add3A_1565 = arith.addf %convert_element_type3A_1559, %select_n3A_1564 : vector<16xf32>
      %sub3A_1566 = arith.constant 1.000000e+00 : f32
      %sub3A_1567 = vector.broadcast %sub3A_1566 : f32 to vector<16xf32>
      %sub3A_1568 = arith.subf %select_n3A_1558, %sub3A_1567 : vector<16xf32>
      %add3A_1569 = arith.constant 1.000000e+00 : f32
      %add3A_1570 = vector.broadcast %add3A_1569 : f32 to vector<16xf32>
      %add3A_1571 = arith.addf %select_n3A_1558, %add3A_1570 : vector<16xf32>
      %div3A_1572 = arith.divf %sub3A_1568, %add3A_1571 : vector<16xf32>
      %mul3A_1573 = arith.mulf %div3A_1572, %div3A_1572 : vector<16xf32>
      %mul3A_1574 = arith.constant 0.3205989 : f32
      %mul3A_1575 = vector.broadcast %mul3A_1574 : f32 to vector<16xf32>
      %mul3A_1576 = arith.mulf %mul3A_1573, %mul3A_1575 : vector<16xf32>
      %add3A_1577 = arith.constant 0.412198603 : f32
      %add3A_1578 = vector.broadcast %add3A_1577 : f32 to vector<16xf32>
      %add3A_1579 = arith.addf %add3A_1578, %mul3A_1576 : vector<16xf32>
      %mul3A_1580 = arith.mulf %mul3A_1573, %add3A_1579 : vector<16xf32>
      %add3A_1581 = arith.constant 0.577078044 : f32
      %add3A_1582 = vector.broadcast %add3A_1581 : f32 to vector<16xf32>
      %add3A_1583 = arith.addf %add3A_1582, %mul3A_1580 : vector<16xf32>
      %mul3A_1584 = arith.mulf %mul3A_1573, %add3A_1583 : vector<16xf32>
      %add3A_1585 = arith.constant 0.9617967 : f32
      %add3A_1586 = vector.broadcast %add3A_1585 : f32 to vector<16xf32>
      %add3A_1587 = arith.addf %add3A_1586, %mul3A_1584 : vector<16xf32>
      %mul3A_1588 = arith.mulf %mul3A_1573, %add3A_1587 : vector<16xf32>
      %add3A_1589 = arith.constant 2.885390e+00 : f32
      %add3A_1590 = vector.broadcast %add3A_1589 : f32 to vector<16xf32>
      %add3A_1591 = arith.addf %add3A_1590, %mul3A_1588 : vector<16xf32>
      %mul3A_1592 = arith.mulf %div3A_1572, %add3A_1591 : vector<16xf32>
      %add3A_1593 = arith.addf %add3A_1565, %mul3A_1592 : vector<16xf32>
      %neg3A_1594 = arith.constant 0.000000e+00 : f32
      %neg3A_1595 = vector.broadcast %neg3A_1594 : f32 to vector<16xf32>
      %neg3A_1596 = arith.subf %neg3A_1595, %add3A_1593 : vector<16xf32>
      %bitcast_convert_type3A_1597 = tpu.bitcast %get3A_1537 : vector<16xf32> -> vector<16xi32>
      %shift_right_arithmetic3A_1598 = arith.constant 23 : i32
      %shift_right_arithmetic3A_1599 = vector.broadcast %shift_right_arithmetic3A_1598 : i32 to vector<16xi32>
      %shift_right_arithmetic3A_1600 = arith.shrsi %bitcast_convert_type3A_1597, %shift_right_arithmetic3A_1599 : vector<16xi32>
      %sub3A_1601 = arith.constant 127 : i32
      %sub3A_1602 = vector.broadcast %sub3A_1601 : i32 to vector<16xi32>
      %sub3A_1603 = arith.subi %shift_right_arithmetic3A_1600, %sub3A_1602 : vector<16xi32>
      %and3A_1604 = arith.constant 8388607 : i32
      %and3A_1605 = vector.broadcast %and3A_1604 : i32 to vector<16xi32>
      %and3A_1606 = arith.andi %bitcast_convert_type3A_1597, %and3A_1605 : vector<16xi32>
      %or3A_1607 = arith.constant 1065353216 : i32
      %or3A_1608 = vector.broadcast %or3A_1607 : i32 to vector<16xi32>
      %or3A_1609 = arith.ori %and3A_1606, %or3A_1608 : vector<16xi32>
      %bitcast_convert_type3A_1610 = tpu.bitcast %or3A_1609 : vector<16xi32> -> vector<16xf32>
      %ge3A_1611 = arith.constant 1.41421354 : f32
      %ge3A_1612 = vector.broadcast %ge3A_1611 : f32 to vector<16xf32>
      %ge3A_1613 = arith.cmpf oge, %bitcast_convert_type3A_1610, %ge3A_1612 : vector<16xf32>
      %mul3A_1614 = arith.constant 5.000000e-01 : f32
      %mul3A_1615 = vector.broadcast %mul3A_1614 : f32 to vector<16xf32>
      %mul3A_1616 = arith.mulf %bitcast_convert_type3A_1610, %mul3A_1615 : vector<16xf32>
      %select_n3A_1617 = arith.select %ge3A_1613, %mul3A_1616, %bitcast_convert_type3A_1610 : vector<16xi1>, vector<16xf32>
      %convert_element_type3A_1618 = arith.sitofp %sub3A_1603 : vector<16xi32> to vector<16xf32>
      %jit3A_1619 = arith.constant 1.000000e+00 : f32
      %jit3A_1620 = arith.constant 0.000000e+00 : f32
      %broadcast_in_dim3A_1621 = vector.broadcast %jit3A_1619 : f32 to vector<16xf32>
      %broadcast_in_dim3A_1622 = vector.broadcast %jit3A_1620 : f32 to vector<16xf32>
      %select_n3A_1623 = arith.select %ge3A_1613, %broadcast_in_dim3A_1621, %broadcast_in_dim3A_1622 : vector<16xi1>, vector<16xf32>
      %add3A_1624 = arith.addf %convert_element_type3A_1618, %select_n3A_1623 : vector<16xf32>
      %sub3A_1625 = arith.constant 1.000000e+00 : f32
      %sub3A_1626 = vector.broadcast %sub3A_1625 : f32 to vector<16xf32>
      %sub3A_1627 = arith.subf %select_n3A_1617, %sub3A_1626 : vector<16xf32>
      %add3A_1628 = arith.constant 1.000000e+00 : f32
      %add3A_1629 = vector.broadcast %add3A_1628 : f32 to vector<16xf32>
      %add3A_1630 = arith.addf %select_n3A_1617, %add3A_1629 : vector<16xf32>
      %div3A_1631 = arith.divf %sub3A_1627, %add3A_1630 : vector<16xf32>
      %mul3A_1632 = arith.mulf %div3A_1631, %div3A_1631 : vector<16xf32>
      %mul3A_1633 = arith.constant 0.3205989 : f32
      %mul3A_1634 = vector.broadcast %mul3A_1633 : f32 to vector<16xf32>
      %mul3A_1635 = arith.mulf %mul3A_1632, %mul3A_1634 : vector<16xf32>
      %add3A_1636 = arith.constant 0.412198603 : f32
      %add3A_1637 = vector.broadcast %add3A_1636 : f32 to vector<16xf32>
      %add3A_1638 = arith.addf %add3A_1637, %mul3A_1635 : vector<16xf32>
      %mul3A_1639 = arith.mulf %mul3A_1632, %add3A_1638 : vector<16xf32>
      %add3A_1640 = arith.constant 0.577078044 : f32
      %add3A_1641 = vector.broadcast %add3A_1640 : f32 to vector<16xf32>
      %add3A_1642 = arith.addf %add3A_1641, %mul3A_1639 : vector<16xf32>
      %mul3A_1643 = arith.mulf %mul3A_1632, %add3A_1642 : vector<16xf32>
      %add3A_1644 = arith.constant 0.9617967 : f32
      %add3A_1645 = vector.broadcast %add3A_1644 : f32 to vector<16xf32>
      %add3A_1646 = arith.addf %add3A_1645, %mul3A_1643 : vector<16xf32>
      %mul3A_1647 = arith.mulf %mul3A_1632, %add3A_1646 : vector<16xf32>
      %add3A_1648 = arith.constant 2.885390e+00 : f32
      %add3A_1649 = vector.broadcast %add3A_1648 : f32 to vector<16xf32>
      %add3A_1650 = arith.addf %add3A_1649, %mul3A_1647 : vector<16xf32>
      %mul3A_1651 = arith.mulf %div3A_1631, %add3A_1650 : vector<16xf32>
      %add3A_1652 = arith.addf %add3A_1624, %mul3A_1651 : vector<16xf32>
      %neg3A_1653 = arith.constant 0.000000e+00 : f32
      %neg3A_1654 = vector.broadcast %neg3A_1653 : f32 to vector<16xf32>
      %neg3A_1655 = arith.subf %neg3A_1654, %add3A_1652 : vector<16xf32>
      %mul3A_1656 = arith.constant 2.000000e+00 : f32
      %mul3A_1657 = vector.broadcast %mul3A_1656 : f32 to vector<16xf32>
      %mul3A_1658 = arith.mulf %mul3A_1657, %get3A_1531 : vector<16xf32>
      %sub3A_1659 = arith.constant 1.000000e+00 : f32
      %sub3A_1660 = vector.broadcast %sub3A_1659 : f32 to vector<16xf32>
      %sub3A_1661 = arith.subf %mul3A_1658, %sub3A_1660 : vector<16xf32>
      %exp3A_1662 = math.exp %sub3A_1661 : vector<16xf32>
      %mul3A_1663 = arith.mulf %neg3A_1655, %exp3A_1662 : vector<16xf32>
      %ge3A_1664 = arith.cmpf oge, %mul3A_1663, %neg3A_1596 : vector<16xf32>
      %jit3A_1665 = arith.constant 1.000000e+00 : f32
      %jit3A_1666 = arith.constant 0.000000e+00 : f32
      %broadcast_in_dim3A_1667 = vector.broadcast %jit3A_1665 : f32 to vector<16xf32>
      %broadcast_in_dim3A_1668 = vector.broadcast %jit3A_1666 : f32 to vector<16xf32>
      %select_n3A_1669 = arith.select %ge3A_1664, %broadcast_in_dim3A_1667, %broadcast_in_dim3A_1668 : vector<16xi1>, vector<16xf32>
      %get3A_1670 = arith.index_cast %mul3A_1385 : i32 to index
      %get3A_1671 = tpu.vector_load %arg15[%get3A_1670] {strides = array<i32>} : memref<256xf32, #tpu.memory_space<vmem>>, vector<16xf32>,
      %get3A_1672 = vector.shape_cast %get3A_1671 : vector<16xf32> to vector<16xf32>
      %mul3A_1673 = arith.mulf %select_n3A_1528, %get3A_1672 : vector<16xf32>
      %mul3A_1674 = arith.mulf %select_n3A_1669, %sub3A_332 : vector<16xf32>
      %add3A_1675 = vector.broadcast %mul3A_1385 : i32 to vector<16xi32>
      %add3A_1676 = arith.addi %iota3A, %add3A_1675 : vector<16xi32>
      %lt3A = vector.broadcast %add3A_168 : i32 to vector<16xi32>
      %lt3A_1677 = arith.cmpi slt, %add3A_1676, %lt3A : vector<16xi32>
      %jit3A_1678 = arith.constant 0.000000e+00 : f32
      %broadcast_in_dim3A_1679 = vector.broadcast %jit3A_1678 : f32 to vector<16xf32>
      %select_n3A_1680 = arith.select %lt3A_1677, %mul3A_1674, %broadcast_in_dim3A_1679 : vector<16xi1>, vector<16xf32>
      %sub3A_1681 = arith.constant 1.000000e+00 : f32
      %sub3A_1682 = vector.broadcast %sub3A_1681 : f32 to vector<16xf32>
      %sub3A_1683 = arith.subf %sub3A_1682, %select_n3A_1680 : vector<16xf32>
      %eq3A = vector.broadcast %add3A_168 : i32 to vector<16xi32>
      %eq3A_1684 = arith.cmpi eq, %add3A_1676, %eq3A : vector<16xi32>
      %mul3A_1685 = arith.mulf %mul3A_1673, %sub3A_1683 : vector<16xf32>
      %jit3A_1686 = arith.constant 0.000000e+00 : f32
      %broadcast_in_dim3A_1687 = vector.broadcast %jit3A_1686 : f32 to vector<16xf32>
      %select_n3A_1688 = arith.select %eq3A_1684, %broadcast_in_dim3A_1687, %mul3A_1685 : vector<16xi1>, vector<16xf32>
      %swap3A_1689 = arith.index_cast %add3A_1387 : i32 to index
      %swap3A_1690 = tpu.vector_load %arg22[%swap3A_1689] {strides = array<i32>} : memref<2048xf32, #tpu.memory_space<vmem>>, vector<16xf32>,
      %swap3A_1691 = vector.shape_cast %swap3A_1690 : vector<16xf32> to vector<16xf32>
      %swap3A_1692 = vector.shape_cast %select_n3A_1688 : vector<16xf32> to vector<16xf32>
      tpu.vector_store %arg22[%swap3A_1689], %swap3A_1692 {strides = array<i32>} : memref<2048xf32, #tpu.memory_space<vmem>>, vector<16xf32>,
    }
    %scan3A_338 = arith.constant 16 : i32
    %mul3A_339 = arith.constant 8 : i32
    %mul3A_340 = arith.muli %add3A, %mul3A_339 : i32
    %add3A_341 = arith.constant 2 : i32
    %add3A_342 = arith.addi %mul3A_340, %add3A_341 : i32
    %broadcast_in_dim3A_343 = arith.constant 0 : i32
    %broadcast_in_dim3A_344 = vector.broadcast %broadcast_in_dim3A_343 : i32 to vector<16xi32>
    %add3A_345 = vector.broadcast %add3A_342 : i32 to vector<16xi32>
    %add3A_346 = arith.addi %broadcast_in_dim3A_344, %add3A_345 : vector<16xi32>
    %swap3A_347 = arith.constant 0 : index
    %swap3A_348 = tpu.vector_load %arg23[%swap3A_347] {strides = array<i32>} : memref<16xi32, #tpu.memory_space<vmem>>, vector<16xi32>,
    %swap3A_349 = vector.shape_cast %swap3A_348 : vector<16xi32> to vector<16xi32>
    %swap3A_350 = vector.shape_cast %add3A_346 : vector<16xi32> to vector<16xi32>
    tpu.vector_store %arg23[%swap3A_347], %swap3A_350 {strides = array<i32>} : memref<16xi32, #tpu.memory_space<vmem>>, vector<16xi32>,
    %dma_start3A_351 = arith.constant 0 : i32
    %dma_start3A_352 = tpu.memref_slice %arg2[%dma_start3A_351] : memref<256xf32, #tpu.memory_space<hbm>> -> memref<256xf32, #tpu.memory_space<hbm>>
    tpu.enqueue_indirect_dma source(%dma_start3A_352 : memref<256xf32, #tpu.memory_space<hbm>>) target(%arg24 : memref<16xf32, #tpu.memory_space<vmem>>) offsets(%arg23 : memref<16xi32, #tpu.memory_space<vmem>>) semaphore(%arg27 : memref<!tpu.dma_semaphore, #tpu.memory_space<semaphore_mem>>)
    %dma_wait3A_353 = arith.constant 0 : i32
    %dma_wait3A_354 = tpu.memref_slice %arg2[%dma_wait3A_353] : memref<256xf32, #tpu.memory_space<hbm>> -> memref<256xf32, #tpu.memory_space<hbm>>
    tpu.wait_indirect_dma semaphore(%arg27 : memref<!tpu.dma_semaphore, #tpu.memory_space<semaphore_mem>>) src(%dma_wait3A_354 : memref<256xf32, #tpu.memory_space<hbm>>) dst(%arg24 : memref<16xf32, #tpu.memory_space<vmem>>)
    %dma_start3A_355 = arith.constant 0 : i32
    %dma_start3A_356 = tpu.memref_slice %arg3[%dma_start3A_355] : memref<256xf32, #tpu.memory_space<hbm>> -> memref<256xf32, #tpu.memory_space<hbm>>
    tpu.enqueue_indirect_dma source(%dma_start3A_356 : memref<256xf32, #tpu.memory_space<hbm>>) target(%arg25 : memref<16xf32, #tpu.memory_space<vmem>>) offsets(%arg23 : memref<16xi32, #tpu.memory_space<vmem>>) semaphore(%arg27 : memref<!tpu.dma_semaphore, #tpu.memory_space<semaphore_mem>>)
    %dma_wait3A_357 = arith.constant 0 : i32
    %dma_wait3A_358 = tpu.memref_slice %arg3[%dma_wait3A_357] : memref<256xf32, #tpu.memory_space<hbm>> -> memref<256xf32, #tpu.memory_space<hbm>>
    tpu.wait_indirect_dma semaphore(%arg27 : memref<!tpu.dma_semaphore, #tpu.memory_space<semaphore_mem>>) src(%dma_wait3A_358 : memref<256xf32, #tpu.memory_space<hbm>>) dst(%arg25 : memref<16xf32, #tpu.memory_space<vmem>>)
    %dma_start3A_359 = arith.constant 0 : i32
    %dma_start3A_360 = tpu.memref_slice %arg4[%dma_start3A_359] : memref<256xf32, #tpu.memory_space<hbm>> -> memref<256xf32, #tpu.memory_space<hbm>>
    tpu.enqueue_indirect_dma source(%dma_start3A_360 : memref<256xf32, #tpu.memory_space<hbm>>) target(%arg26 : memref<16xf32, #tpu.memory_space<vmem>>) offsets(%arg23 : memref<16xi32, #tpu.memory_space<vmem>>) semaphore(%arg27 : memref<!tpu.dma_semaphore, #tpu.memory_space<semaphore_mem>>)
    %dma_wait3A_361 = arith.constant 0 : i32
    %dma_wait3A_362 = tpu.memref_slice %arg4[%dma_wait3A_361] : memref<256xf32, #tpu.memory_space<hbm>> -> memref<256xf32, #tpu.memory_space<hbm>>
    tpu.wait_indirect_dma semaphore(%arg27 : memref<!tpu.dma_semaphore, #tpu.memory_space<semaphore_mem>>) src(%dma_wait3A_362 : memref<256xf32, #tpu.memory_space<hbm>>) dst(%arg26 : memref<16xf32, #tpu.memory_space<vmem>>)
    %get3A_363 = arith.constant 0 : index
    %get3A_364 = tpu.vector_load %arg24[%get3A_363] {strides = array<i32>} : memref<16xf32, #tpu.memory_space<vmem>>, vector<16xf32>,
    %get3A_365 = vector.shape_cast %get3A_364 : vector<16xf32> to vector<16xf32>
    %get3A_366 = arith.constant 0 : index
    %get3A_367 = tpu.vector_load %arg25[%get3A_366] {strides = array<i32>} : memref<16xf32, #tpu.memory_space<vmem>>, vector<16xf32>,
    %get3A_368 = vector.shape_cast %get3A_367 : vector<16xf32> to vector<16xf32>
    %get3A_369 = arith.constant 0 : index
    %get3A_370 = tpu.vector_load %arg26[%get3A_369] {strides = array<i32>} : memref<16xf32, #tpu.memory_space<vmem>>, vector<16xf32>,
    %get3A_371 = vector.shape_cast %get3A_370 : vector<16xf32> to vector<16xf32>
    %bitcast_convert_type3A_372 = tpu.bitcast %get3A_368 : vector<16xf32> -> vector<16xi32>
    %shift_right_arithmetic3A_373 = arith.constant 23 : i32
    %shift_right_arithmetic3A_374 = vector.broadcast %shift_right_arithmetic3A_373 : i32 to vector<16xi32>
    %shift_right_arithmetic3A_375 = arith.shrsi %bitcast_convert_type3A_372, %shift_right_arithmetic3A_374 : vector<16xi32>
    %sub3A_376 = arith.constant 127 : i32
    %sub3A_377 = vector.broadcast %sub3A_376 : i32 to vector<16xi32>
    %sub3A_378 = arith.subi %shift_right_arithmetic3A_375, %sub3A_377 : vector<16xi32>
    %and3A_379 = arith.constant 8388607 : i32
    %and3A_380 = vector.broadcast %and3A_379 : i32 to vector<16xi32>
    %and3A_381 = arith.andi %bitcast_convert_type3A_372, %and3A_380 : vector<16xi32>
    %or3A_382 = arith.constant 1065353216 : i32
    %or3A_383 = vector.broadcast %or3A_382 : i32 to vector<16xi32>
    %or3A_384 = arith.ori %and3A_381, %or3A_383 : vector<16xi32>
    %bitcast_convert_type3A_385 = tpu.bitcast %or3A_384 : vector<16xi32> -> vector<16xf32>
    %ge3A_386 = arith.constant 1.41421354 : f32
    %ge3A_387 = vector.broadcast %ge3A_386 : f32 to vector<16xf32>
    %ge3A_388 = arith.cmpf oge, %bitcast_convert_type3A_385, %ge3A_387 : vector<16xf32>
    %mul3A_389 = arith.constant 5.000000e-01 : f32
    %mul3A_390 = vector.broadcast %mul3A_389 : f32 to vector<16xf32>
    %mul3A_391 = arith.mulf %bitcast_convert_type3A_385, %mul3A_390 : vector<16xf32>
    %select_n3A_392 = arith.select %ge3A_388, %mul3A_391, %bitcast_convert_type3A_385 : vector<16xi1>, vector<16xf32>
    %convert_element_type3A_393 = arith.sitofp %sub3A_378 : vector<16xi32> to vector<16xf32>
    %jit3A_394 = arith.constant 1.000000e+00 : f32
    %jit3A_395 = arith.constant 0.000000e+00 : f32
    %broadcast_in_dim3A_396 = vector.broadcast %jit3A_394 : f32 to vector<16xf32>
    %broadcast_in_dim3A_397 = vector.broadcast %jit3A_395 : f32 to vector<16xf32>
    %select_n3A_398 = arith.select %ge3A_388, %broadcast_in_dim3A_396, %broadcast_in_dim3A_397 : vector<16xi1>, vector<16xf32>
    %add3A_399 = arith.addf %convert_element_type3A_393, %select_n3A_398 : vector<16xf32>
    %sub3A_400 = arith.constant 1.000000e+00 : f32
    %sub3A_401 = vector.broadcast %sub3A_400 : f32 to vector<16xf32>
    %sub3A_402 = arith.subf %select_n3A_392, %sub3A_401 : vector<16xf32>
    %add3A_403 = arith.constant 1.000000e+00 : f32
    %add3A_404 = vector.broadcast %add3A_403 : f32 to vector<16xf32>
    %add3A_405 = arith.addf %select_n3A_392, %add3A_404 : vector<16xf32>
    %div3A_406 = arith.divf %sub3A_402, %add3A_405 : vector<16xf32>
    %mul3A_407 = arith.mulf %div3A_406, %div3A_406 : vector<16xf32>
    %mul3A_408 = arith.constant 0.3205989 : f32
    %mul3A_409 = vector.broadcast %mul3A_408 : f32 to vector<16xf32>
    %mul3A_410 = arith.mulf %mul3A_407, %mul3A_409 : vector<16xf32>
    %add3A_411 = arith.constant 0.412198603 : f32
    %add3A_412 = vector.broadcast %add3A_411 : f32 to vector<16xf32>
    %add3A_413 = arith.addf %add3A_412, %mul3A_410 : vector<16xf32>
    %mul3A_414 = arith.mulf %mul3A_407, %add3A_413 : vector<16xf32>
    %add3A_415 = arith.constant 0.577078044 : f32
    %add3A_416 = vector.broadcast %add3A_415 : f32 to vector<16xf32>
    %add3A_417 = arith.addf %add3A_416, %mul3A_414 : vector<16xf32>
    %mul3A_418 = arith.mulf %mul3A_407, %add3A_417 : vector<16xf32>
    %add3A_419 = arith.constant 0.9617967 : f32
    %add3A_420 = vector.broadcast %add3A_419 : f32 to vector<16xf32>
    %add3A_421 = arith.addf %add3A_420, %mul3A_418 : vector<16xf32>
    %mul3A_422 = arith.mulf %mul3A_407, %add3A_421 : vector<16xf32>
    %add3A_423 = arith.constant 2.885390e+00 : f32
    %add3A_424 = vector.broadcast %add3A_423 : f32 to vector<16xf32>
    %add3A_425 = arith.addf %add3A_424, %mul3A_422 : vector<16xf32>
    %mul3A_426 = arith.mulf %div3A_406, %add3A_425 : vector<16xf32>
    %add3A_427 = arith.addf %add3A_399, %mul3A_426 : vector<16xf32>
    %neg3A_428 = arith.constant 0.000000e+00 : f32
    %neg3A_429 = vector.broadcast %neg3A_428 : f32 to vector<16xf32>
    %neg3A_430 = arith.subf %neg3A_429, %add3A_427 : vector<16xf32>
    %bitcast_convert_type3A_431 = tpu.bitcast %get3A_371 : vector<16xf32> -> vector<16xi32>
    %shift_right_arithmetic3A_432 = arith.constant 23 : i32
    %shift_right_arithmetic3A_433 = vector.broadcast %shift_right_arithmetic3A_432 : i32 to vector<16xi32>
    %shift_right_arithmetic3A_434 = arith.shrsi %bitcast_convert_type3A_431, %shift_right_arithmetic3A_433 : vector<16xi32>
    %sub3A_435 = arith.constant 127 : i32
    %sub3A_436 = vector.broadcast %sub3A_435 : i32 to vector<16xi32>
    %sub3A_437 = arith.subi %shift_right_arithmetic3A_434, %sub3A_436 : vector<16xi32>
    %and3A_438 = arith.constant 8388607 : i32
    %and3A_439 = vector.broadcast %and3A_438 : i32 to vector<16xi32>
    %and3A_440 = arith.andi %bitcast_convert_type3A_431, %and3A_439 : vector<16xi32>
    %or3A_441 = arith.constant 1065353216 : i32
    %or3A_442 = vector.broadcast %or3A_441 : i32 to vector<16xi32>
    %or3A_443 = arith.ori %and3A_440, %or3A_442 : vector<16xi32>
    %bitcast_convert_type3A_444 = tpu.bitcast %or3A_443 : vector<16xi32> -> vector<16xf32>
    %ge3A_445 = arith.constant 1.41421354 : f32
    %ge3A_446 = vector.broadcast %ge3A_445 : f32 to vector<16xf32>
    %ge3A_447 = arith.cmpf oge, %bitcast_convert_type3A_444, %ge3A_446 : vector<16xf32>
    %mul3A_448 = arith.constant 5.000000e-01 : f32
    %mul3A_449 = vector.broadcast %mul3A_448 : f32 to vector<16xf32>
    %mul3A_450 = arith.mulf %bitcast_convert_type3A_444, %mul3A_449 : vector<16xf32>
    %select_n3A_451 = arith.select %ge3A_447, %mul3A_450, %bitcast_convert_type3A_444 : vector<16xi1>, vector<16xf32>
    %convert_element_type3A_452 = arith.sitofp %sub3A_437 : vector<16xi32> to vector<16xf32>
    %jit3A_453 = arith.constant 1.000000e+00 : f32
    %jit3A_454 = arith.constant 0.000000e+00 : f32
    %broadcast_in_dim3A_455 = vector.broadcast %jit3A_453 : f32 to vector<16xf32>
    %broadcast_in_dim3A_456 = vector.broadcast %jit3A_454 : f32 to vector<16xf32>
    %select_n3A_457 = arith.select %ge3A_447, %broadcast_in_dim3A_455, %broadcast_in_dim3A_456 : vector<16xi1>, vector<16xf32>
    %add3A_458 = arith.addf %convert_element_type3A_452, %select_n3A_457 : vector<16xf32>
    %sub3A_459 = arith.constant 1.000000e+00 : f32
    %sub3A_460 = vector.broadcast %sub3A_459 : f32 to vector<16xf32>
    %sub3A_461 = arith.subf %select_n3A_451, %sub3A_460 : vector<16xf32>
    %add3A_462 = arith.constant 1.000000e+00 : f32
    %add3A_463 = vector.broadcast %add3A_462 : f32 to vector<16xf32>
    %add3A_464 = arith.addf %select_n3A_451, %add3A_463 : vector<16xf32>
    %div3A_465 = arith.divf %sub3A_461, %add3A_464 : vector<16xf32>
    %mul3A_466 = arith.mulf %div3A_465, %div3A_465 : vector<16xf32>
    %mul3A_467 = arith.constant 0.3205989 : f32
    %mul3A_468 = vector.broadcast %mul3A_467 : f32 to vector<16xf32>
    %mul3A_469 = arith.mulf %mul3A_466, %mul3A_468 : vector<16xf32>
    %add3A_470 = arith.constant 0.412198603 : f32
    %add3A_471 = vector.broadcast %add3A_470 : f32 to vector<16xf32>
    %add3A_472 = arith.addf %add3A_471, %mul3A_469 : vector<16xf32>
    %mul3A_473 = arith.mulf %mul3A_466, %add3A_472 : vector<16xf32>
    %add3A_474 = arith.constant 0.577078044 : f32
    %add3A_475 = vector.broadcast %add3A_474 : f32 to vector<16xf32>
    %add3A_476 = arith.addf %add3A_475, %mul3A_473 : vector<16xf32>
    %mul3A_477 = arith.mulf %mul3A_466, %add3A_476 : vector<16xf32>
    %add3A_478 = arith.constant 0.9617967 : f32
    %add3A_479 = vector.broadcast %add3A_478 : f32 to vector<16xf32>
    %add3A_480 = arith.addf %add3A_479, %mul3A_477 : vector<16xf32>
    %mul3A_481 = arith.mulf %mul3A_466, %add3A_480 : vector<16xf32>
    %add3A_482 = arith.constant 2.885390e+00 : f32
    %add3A_483 = vector.broadcast %add3A_482 : f32 to vector<16xf32>
    %add3A_484 = arith.addf %add3A_483, %mul3A_481 : vector<16xf32>
    %mul3A_485 = arith.mulf %div3A_465, %add3A_484 : vector<16xf32>
    %add3A_486 = arith.addf %add3A_458, %mul3A_485 : vector<16xf32>
    %neg3A_487 = arith.constant 0.000000e+00 : f32
    %neg3A_488 = vector.broadcast %neg3A_487 : f32 to vector<16xf32>
    %neg3A_489 = arith.subf %neg3A_488, %add3A_486 : vector<16xf32>
    %mul3A_490 = arith.constant 2.000000e+00 : f32
    %mul3A_491 = vector.broadcast %mul3A_490 : f32 to vector<16xf32>
    %mul3A_492 = arith.mulf %mul3A_491, %get3A_365 : vector<16xf32>
    %sub3A_493 = arith.constant 1.000000e+00 : f32
    %sub3A_494 = vector.broadcast %sub3A_493 : f32 to vector<16xf32>
    %sub3A_495 = arith.subf %mul3A_492, %sub3A_494 : vector<16xf32>
    %exp3A_496 = math.exp %sub3A_495 : vector<16xf32>
    %mul3A_497 = arith.mulf %neg3A_489, %exp3A_496 : vector<16xf32>
    %ge3A_498 = arith.cmpf oge, %mul3A_497, %neg3A_430 : vector<16xf32>
    %jit3A_499 = arith.constant 1.000000e+00 : f32
    %jit3A_500 = arith.constant 0.000000e+00 : f32
    %broadcast_in_dim3A_501 = vector.broadcast %jit3A_499 : f32 to vector<16xf32>
    %broadcast_in_dim3A_502 = vector.broadcast %jit3A_500 : f32 to vector<16xf32>
    %select_n3A_503 = arith.select %ge3A_498, %broadcast_in_dim3A_501, %broadcast_in_dim3A_502 : vector<16xi1>, vector<16xf32>
    %sub3A_504 = arith.constant 1.000000e+00 : f32
    %sub3A_505 = vector.broadcast %sub3A_504 : f32 to vector<16xf32>
    %sub3A_506 = arith.subf %sub3A_505, %select_n3A_503 : vector<16xf32>
    %scan3A_507 = arith.constant 0 : i32
    %scan3A_508 = arith.constant 0 : i32
    %scan3A_509 = arith.constant 16 : i32
    %scan3A_510 = arith.addi %scan3A_508, %scan3A_509 : i32
    %scan3A_511 = arith.constant 1 : i32
    scf.for %scan3A_1383 = %scan3A_508 to %scan3A_510 step %scan3A_511  : i32 {
      %mul3A_1384 = arith.constant 16 : i32
      %mul3A_1385 = arith.muli %scan3A_1383, %mul3A_1384 : i32
      %add3A_1386 = arith.constant 512 : i32
      %add3A_1387 = arith.addi %add3A_1386, %mul3A_1385 : i32
      %get3A_1388 = arith.index_cast %add3A_1387 : i32 to index
      %get3A_1389 = tpu.vector_load %arg16[%get3A_1388] {strides = array<i32>} : memref<2048xf32, #tpu.memory_space<vmem>>, vector<16xf32>,
      %get3A_1390 = vector.shape_cast %get3A_1389 : vector<16xf32> to vector<16xf32>
      %get3A_1391 = arith.index_cast %add3A_1387 : i32 to index
      %get3A_1392 = tpu.vector_load %arg17[%get3A_1391] {strides = array<i32>} : memref<2048xf32, #tpu.memory_space<vmem>>, vector<16xf32>,
      %get3A_1393 = vector.shape_cast %get3A_1392 : vector<16xf32> to vector<16xf32>
      %get3A_1394 = arith.index_cast %add3A_1387 : i32 to index
      %get3A_1395 = tpu.vector_load %arg18[%get3A_1394] {strides = array<i32>} : memref<2048xf32, #tpu.memory_space<vmem>>, vector<16xf32>,
      %get3A_1396 = vector.shape_cast %get3A_1395 : vector<16xf32> to vector<16xf32>
      %bitcast_convert_type3A_1397 = tpu.bitcast %get3A_1393 : vector<16xf32> -> vector<16xi32>
      %shift_right_arithmetic3A_1398 = arith.constant 23 : i32
      %shift_right_arithmetic3A_1399 = vector.broadcast %shift_right_arithmetic3A_1398 : i32 to vector<16xi32>
      %shift_right_arithmetic3A_1400 = arith.shrsi %bitcast_convert_type3A_1397, %shift_right_arithmetic3A_1399 : vector<16xi32>
      %sub3A_1401 = arith.constant 127 : i32
      %sub3A_1402 = vector.broadcast %sub3A_1401 : i32 to vector<16xi32>
      %sub3A_1403 = arith.subi %shift_right_arithmetic3A_1400, %sub3A_1402 : vector<16xi32>
      %and3A_1404 = arith.constant 8388607 : i32
      %and3A_1405 = vector.broadcast %and3A_1404 : i32 to vector<16xi32>
      %and3A_1406 = arith.andi %bitcast_convert_type3A_1397, %and3A_1405 : vector<16xi32>
      %or3A_1407 = arith.constant 1065353216 : i32
      %or3A_1408 = vector.broadcast %or3A_1407 : i32 to vector<16xi32>
      %or3A_1409 = arith.ori %and3A_1406, %or3A_1408 : vector<16xi32>
      %bitcast_convert_type3A_1410 = tpu.bitcast %or3A_1409 : vector<16xi32> -> vector<16xf32>
      %ge3A_1411 = arith.constant 1.41421354 : f32
      %ge3A_1412 = vector.broadcast %ge3A_1411 : f32 to vector<16xf32>
      %ge3A_1413 = arith.cmpf oge, %bitcast_convert_type3A_1410, %ge3A_1412 : vector<16xf32>
      %mul3A_1414 = arith.constant 5.000000e-01 : f32
      %mul3A_1415 = vector.broadcast %mul3A_1414 : f32 to vector<16xf32>
      %mul3A_1416 = arith.mulf %bitcast_convert_type3A_1410, %mul3A_1415 : vector<16xf32>
      %select_n3A_1417 = arith.select %ge3A_1413, %mul3A_1416, %bitcast_convert_type3A_1410 : vector<16xi1>, vector<16xf32>
      %convert_element_type3A_1418 = arith.sitofp %sub3A_1403 : vector<16xi32> to vector<16xf32>
      %jit3A_1419 = arith.constant 1.000000e+00 : f32
      %jit3A_1420 = arith.constant 0.000000e+00 : f32
      %broadcast_in_dim3A_1421 = vector.broadcast %jit3A_1419 : f32 to vector<16xf32>
      %broadcast_in_dim3A_1422 = vector.broadcast %jit3A_1420 : f32 to vector<16xf32>
      %select_n3A_1423 = arith.select %ge3A_1413, %broadcast_in_dim3A_1421, %broadcast_in_dim3A_1422 : vector<16xi1>, vector<16xf32>
      %add3A_1424 = arith.addf %convert_element_type3A_1418, %select_n3A_1423 : vector<16xf32>
      %sub3A_1425 = arith.constant 1.000000e+00 : f32
      %sub3A_1426 = vector.broadcast %sub3A_1425 : f32 to vector<16xf32>
      %sub3A_1427 = arith.subf %select_n3A_1417, %sub3A_1426 : vector<16xf32>
      %add3A_1428 = arith.constant 1.000000e+00 : f32
      %add3A_1429 = vector.broadcast %add3A_1428 : f32 to vector<16xf32>
      %add3A_1430 = arith.addf %select_n3A_1417, %add3A_1429 : vector<16xf32>
      %div3A_1431 = arith.divf %sub3A_1427, %add3A_1430 : vector<16xf32>
      %mul3A_1432 = arith.mulf %div3A_1431, %div3A_1431 : vector<16xf32>
      %mul3A_1433 = arith.constant 0.3205989 : f32
      %mul3A_1434 = vector.broadcast %mul3A_1433 : f32 to vector<16xf32>
      %mul3A_1435 = arith.mulf %mul3A_1432, %mul3A_1434 : vector<16xf32>
      %add3A_1436 = arith.constant 0.412198603 : f32
      %add3A_1437 = vector.broadcast %add3A_1436 : f32 to vector<16xf32>
      %add3A_1438 = arith.addf %add3A_1437, %mul3A_1435 : vector<16xf32>
      %mul3A_1439 = arith.mulf %mul3A_1432, %add3A_1438 : vector<16xf32>
      %add3A_1440 = arith.constant 0.577078044 : f32
      %add3A_1441 = vector.broadcast %add3A_1440 : f32 to vector<16xf32>
      %add3A_1442 = arith.addf %add3A_1441, %mul3A_1439 : vector<16xf32>
      %mul3A_1443 = arith.mulf %mul3A_1432, %add3A_1442 : vector<16xf32>
      %add3A_1444 = arith.constant 0.9617967 : f32
      %add3A_1445 = vector.broadcast %add3A_1444 : f32 to vector<16xf32>
      %add3A_1446 = arith.addf %add3A_1445, %mul3A_1443 : vector<16xf32>
      %mul3A_1447 = arith.mulf %mul3A_1432, %add3A_1446 : vector<16xf32>
      %add3A_1448 = arith.constant 2.885390e+00 : f32
      %add3A_1449 = vector.broadcast %add3A_1448 : f32 to vector<16xf32>
      %add3A_1450 = arith.addf %add3A_1449, %mul3A_1447 : vector<16xf32>
      %mul3A_1451 = arith.mulf %div3A_1431, %add3A_1450 : vector<16xf32>
      %add3A_1452 = arith.addf %add3A_1424, %mul3A_1451 : vector<16xf32>
      %neg3A_1453 = arith.constant 0.000000e+00 : f32
      %neg3A_1454 = vector.broadcast %neg3A_1453 : f32 to vector<16xf32>
      %neg3A_1455 = arith.subf %neg3A_1454, %add3A_1452 : vector<16xf32>
      %bitcast_convert_type3A_1456 = tpu.bitcast %get3A_1396 : vector<16xf32> -> vector<16xi32>
      %shift_right_arithmetic3A_1457 = arith.constant 23 : i32
      %shift_right_arithmetic3A_1458 = vector.broadcast %shift_right_arithmetic3A_1457 : i32 to vector<16xi32>
      %shift_right_arithmetic3A_1459 = arith.shrsi %bitcast_convert_type3A_1456, %shift_right_arithmetic3A_1458 : vector<16xi32>
      %sub3A_1460 = arith.constant 127 : i32
      %sub3A_1461 = vector.broadcast %sub3A_1460 : i32 to vector<16xi32>
      %sub3A_1462 = arith.subi %shift_right_arithmetic3A_1459, %sub3A_1461 : vector<16xi32>
      %and3A_1463 = arith.constant 8388607 : i32
      %and3A_1464 = vector.broadcast %and3A_1463 : i32 to vector<16xi32>
      %and3A_1465 = arith.andi %bitcast_convert_type3A_1456, %and3A_1464 : vector<16xi32>
      %or3A_1466 = arith.constant 1065353216 : i32
      %or3A_1467 = vector.broadcast %or3A_1466 : i32 to vector<16xi32>
      %or3A_1468 = arith.ori %and3A_1465, %or3A_1467 : vector<16xi32>
      %bitcast_convert_type3A_1469 = tpu.bitcast %or3A_1468 : vector<16xi32> -> vector<16xf32>
      %ge3A_1470 = arith.constant 1.41421354 : f32
      %ge3A_1471 = vector.broadcast %ge3A_1470 : f32 to vector<16xf32>
      %ge3A_1472 = arith.cmpf oge, %bitcast_convert_type3A_1469, %ge3A_1471 : vector<16xf32>
      %mul3A_1473 = arith.constant 5.000000e-01 : f32
      %mul3A_1474 = vector.broadcast %mul3A_1473 : f32 to vector<16xf32>
      %mul3A_1475 = arith.mulf %bitcast_convert_type3A_1469, %mul3A_1474 : vector<16xf32>
      %select_n3A_1476 = arith.select %ge3A_1472, %mul3A_1475, %bitcast_convert_type3A_1469 : vector<16xi1>, vector<16xf32>
      %convert_element_type3A_1477 = arith.sitofp %sub3A_1462 : vector<16xi32> to vector<16xf32>
      %jit3A_1478 = arith.constant 1.000000e+00 : f32
      %jit3A_1479 = arith.constant 0.000000e+00 : f32
      %broadcast_in_dim3A_1480 = vector.broadcast %jit3A_1478 : f32 to vector<16xf32>
      %broadcast_in_dim3A_1481 = vector.broadcast %jit3A_1479 : f32 to vector<16xf32>
      %select_n3A_1482 = arith.select %ge3A_1472, %broadcast_in_dim3A_1480, %broadcast_in_dim3A_1481 : vector<16xi1>, vector<16xf32>
      %add3A_1483 = arith.addf %convert_element_type3A_1477, %select_n3A_1482 : vector<16xf32>
      %sub3A_1484 = arith.constant 1.000000e+00 : f32
      %sub3A_1485 = vector.broadcast %sub3A_1484 : f32 to vector<16xf32>
      %sub3A_1486 = arith.subf %select_n3A_1476, %sub3A_1485 : vector<16xf32>
      %add3A_1487 = arith.constant 1.000000e+00 : f32
      %add3A_1488 = vector.broadcast %add3A_1487 : f32 to vector<16xf32>
      %add3A_1489 = arith.addf %select_n3A_1476, %add3A_1488 : vector<16xf32>
      %div3A_1490 = arith.divf %sub3A_1486, %add3A_1489 : vector<16xf32>
      %mul3A_1491 = arith.mulf %div3A_1490, %div3A_1490 : vector<16xf32>
      %mul3A_1492 = arith.constant 0.3205989 : f32
      %mul3A_1493 = vector.broadcast %mul3A_1492 : f32 to vector<16xf32>
      %mul3A_1494 = arith.mulf %mul3A_1491, %mul3A_1493 : vector<16xf32>
      %add3A_1495 = arith.constant 0.412198603 : f32
      %add3A_1496 = vector.broadcast %add3A_1495 : f32 to vector<16xf32>
      %add3A_1497 = arith.addf %add3A_1496, %mul3A_1494 : vector<16xf32>
      %mul3A_1498 = arith.mulf %mul3A_1491, %add3A_1497 : vector<16xf32>
      %add3A_1499 = arith.constant 0.577078044 : f32
      %add3A_1500 = vector.broadcast %add3A_1499 : f32 to vector<16xf32>
      %add3A_1501 = arith.addf %add3A_1500, %mul3A_1498 : vector<16xf32>
      %mul3A_1502 = arith.mulf %mul3A_1491, %add3A_1501 : vector<16xf32>
      %add3A_1503 = arith.constant 0.9617967 : f32
      %add3A_1504 = vector.broadcast %add3A_1503 : f32 to vector<16xf32>
      %add3A_1505 = arith.addf %add3A_1504, %mul3A_1502 : vector<16xf32>
      %mul3A_1506 = arith.mulf %mul3A_1491, %add3A_1505 : vector<16xf32>
      %add3A_1507 = arith.constant 2.885390e+00 : f32
      %add3A_1508 = vector.broadcast %add3A_1507 : f32 to vector<16xf32>
      %add3A_1509 = arith.addf %add3A_1508, %mul3A_1506 : vector<16xf32>
      %mul3A_1510 = arith.mulf %div3A_1490, %add3A_1509 : vector<16xf32>
      %add3A_1511 = arith.addf %add3A_1483, %mul3A_1510 : vector<16xf32>
      %neg3A_1512 = arith.constant 0.000000e+00 : f32
      %neg3A_1513 = vector.broadcast %neg3A_1512 : f32 to vector<16xf32>
      %neg3A_1514 = arith.subf %neg3A_1513, %add3A_1511 : vector<16xf32>
      %mul3A_1515 = arith.constant 2.000000e+00 : f32
      %mul3A_1516 = vector.broadcast %mul3A_1515 : f32 to vector<16xf32>
      %mul3A_1517 = arith.mulf %mul3A_1516, %get3A_1390 : vector<16xf32>
      %sub3A_1518 = arith.constant 1.000000e+00 : f32
      %sub3A_1519 = vector.broadcast %sub3A_1518 : f32 to vector<16xf32>
      %sub3A_1520 = arith.subf %mul3A_1517, %sub3A_1519 : vector<16xf32>
      %exp3A_1521 = math.exp %sub3A_1520 : vector<16xf32>
      %mul3A_1522 = arith.mulf %neg3A_1514, %exp3A_1521 : vector<16xf32>
      %ge3A_1523 = arith.cmpf oge, %mul3A_1522, %neg3A_1455 : vector<16xf32>
      %jit3A_1524 = arith.constant 1.000000e+00 : f32
      %jit3A_1525 = arith.constant 0.000000e+00 : f32
      %broadcast_in_dim3A_1526 = vector.broadcast %jit3A_1524 : f32 to vector<16xf32>
      %broadcast_in_dim3A_1527 = vector.broadcast %jit3A_1525 : f32 to vector<16xf32>
      %select_n3A_1528 = arith.select %ge3A_1523, %broadcast_in_dim3A_1526, %broadcast_in_dim3A_1527 : vector<16xi1>, vector<16xf32>
      %get3A_1529 = arith.index_cast %add3A_1387 : i32 to index
      %get3A_1530 = tpu.vector_load %arg19[%get3A_1529] {strides = array<i32>} : memref<2048xf32, #tpu.memory_space<vmem>>, vector<16xf32>,
      %get3A_1531 = vector.shape_cast %get3A_1530 : vector<16xf32> to vector<16xf32>
      %get3A_1532 = arith.index_cast %add3A_1387 : i32 to index
      %get3A_1533 = tpu.vector_load %arg20[%get3A_1532] {strides = array<i32>} : memref<2048xf32, #tpu.memory_space<vmem>>, vector<16xf32>,
      %get3A_1534 = vector.shape_cast %get3A_1533 : vector<16xf32> to vector<16xf32>
      %get3A_1535 = arith.index_cast %add3A_1387 : i32 to index
      %get3A_1536 = tpu.vector_load %arg21[%get3A_1535] {strides = array<i32>} : memref<2048xf32, #tpu.memory_space<vmem>>, vector<16xf32>,
      %get3A_1537 = vector.shape_cast %get3A_1536 : vector<16xf32> to vector<16xf32>
      %bitcast_convert_type3A_1538 = tpu.bitcast %get3A_1534 : vector<16xf32> -> vector<16xi32>
      %shift_right_arithmetic3A_1539 = arith.constant 23 : i32
      %shift_right_arithmetic3A_1540 = vector.broadcast %shift_right_arithmetic3A_1539 : i32 to vector<16xi32>
      %shift_right_arithmetic3A_1541 = arith.shrsi %bitcast_convert_type3A_1538, %shift_right_arithmetic3A_1540 : vector<16xi32>
      %sub3A_1542 = arith.constant 127 : i32
      %sub3A_1543 = vector.broadcast %sub3A_1542 : i32 to vector<16xi32>
      %sub3A_1544 = arith.subi %shift_right_arithmetic3A_1541, %sub3A_1543 : vector<16xi32>
      %and3A_1545 = arith.constant 8388607 : i32
      %and3A_1546 = vector.broadcast %and3A_1545 : i32 to vector<16xi32>
      %and3A_1547 = arith.andi %bitcast_convert_type3A_1538, %and3A_1546 : vector<16xi32>
      %or3A_1548 = arith.constant 1065353216 : i32
      %or3A_1549 = vector.broadcast %or3A_1548 : i32 to vector<16xi32>
      %or3A_1550 = arith.ori %and3A_1547, %or3A_1549 : vector<16xi32>
      %bitcast_convert_type3A_1551 = tpu.bitcast %or3A_1550 : vector<16xi32> -> vector<16xf32>
      %ge3A_1552 = arith.constant 1.41421354 : f32
      %ge3A_1553 = vector.broadcast %ge3A_1552 : f32 to vector<16xf32>
      %ge3A_1554 = arith.cmpf oge, %bitcast_convert_type3A_1551, %ge3A_1553 : vector<16xf32>
      %mul3A_1555 = arith.constant 5.000000e-01 : f32
      %mul3A_1556 = vector.broadcast %mul3A_1555 : f32 to vector<16xf32>
      %mul3A_1557 = arith.mulf %bitcast_convert_type3A_1551, %mul3A_1556 : vector<16xf32>
      %select_n3A_1558 = arith.select %ge3A_1554, %mul3A_1557, %bitcast_convert_type3A_1551 : vector<16xi1>, vector<16xf32>
      %convert_element_type3A_1559 = arith.sitofp %sub3A_1544 : vector<16xi32> to vector<16xf32>
      %jit3A_1560 = arith.constant 1.000000e+00 : f32
      %jit3A_1561 = arith.constant 0.000000e+00 : f32
      %broadcast_in_dim3A_1562 = vector.broadcast %jit3A_1560 : f32 to vector<16xf32>
      %broadcast_in_dim3A_1563 = vector.broadcast %jit3A_1561 : f32 to vector<16xf32>
      %select_n3A_1564 = arith.select %ge3A_1554, %broadcast_in_dim3A_1562, %broadcast_in_dim3A_1563 : vector<16xi1>, vector<16xf32>
      %add3A_1565 = arith.addf %convert_element_type3A_1559, %select_n3A_1564 : vector<16xf32>
      %sub3A_1566 = arith.constant 1.000000e+00 : f32
      %sub3A_1567 = vector.broadcast %sub3A_1566 : f32 to vector<16xf32>
      %sub3A_1568 = arith.subf %select_n3A_1558, %sub3A_1567 : vector<16xf32>
      %add3A_1569 = arith.constant 1.000000e+00 : f32
      %add3A_1570 = vector.broadcast %add3A_1569 : f32 to vector<16xf32>
      %add3A_1571 = arith.addf %select_n3A_1558, %add3A_1570 : vector<16xf32>
      %div3A_1572 = arith.divf %sub3A_1568, %add3A_1571 : vector<16xf32>
      %mul3A_1573 = arith.mulf %div3A_1572, %div3A_1572 : vector<16xf32>
      %mul3A_1574 = arith.constant 0.3205989 : f32
      %mul3A_1575 = vector.broadcast %mul3A_1574 : f32 to vector<16xf32>
      %mul3A_1576 = arith.mulf %mul3A_1573, %mul3A_1575 : vector<16xf32>
      %add3A_1577 = arith.constant 0.412198603 : f32
      %add3A_1578 = vector.broadcast %add3A_1577 : f32 to vector<16xf32>
      %add3A_1579 = arith.addf %add3A_1578, %mul3A_1576 : vector<16xf32>
      %mul3A_1580 = arith.mulf %mul3A_1573, %add3A_1579 : vector<16xf32>
      %add3A_1581 = arith.constant 0.577078044 : f32
      %add3A_1582 = vector.broadcast %add3A_1581 : f32 to vector<16xf32>
      %add3A_1583 = arith.addf %add3A_1582, %mul3A_1580 : vector<16xf32>
      %mul3A_1584 = arith.mulf %mul3A_1573, %add3A_1583 : vector<16xf32>
      %add3A_1585 = arith.constant 0.9617967 : f32
      %add3A_1586 = vector.broadcast %add3A_1585 : f32 to vector<16xf32>
      %add3A_1587 = arith.addf %add3A_1586, %mul3A_1584 : vector<16xf32>
      %mul3A_1588 = arith.mulf %mul3A_1573, %add3A_1587 : vector<16xf32>
      %add3A_1589 = arith.constant 2.885390e+00 : f32
      %add3A_1590 = vector.broadcast %add3A_1589 : f32 to vector<16xf32>
      %add3A_1591 = arith.addf %add3A_1590, %mul3A_1588 : vector<16xf32>
      %mul3A_1592 = arith.mulf %div3A_1572, %add3A_1591 : vector<16xf32>
      %add3A_1593 = arith.addf %add3A_1565, %mul3A_1592 : vector<16xf32>
      %neg3A_1594 = arith.constant 0.000000e+00 : f32
      %neg3A_1595 = vector.broadcast %neg3A_1594 : f32 to vector<16xf32>
      %neg3A_1596 = arith.subf %neg3A_1595, %add3A_1593 : vector<16xf32>
      %bitcast_convert_type3A_1597 = tpu.bitcast %get3A_1537 : vector<16xf32> -> vector<16xi32>
      %shift_right_arithmetic3A_1598 = arith.constant 23 : i32
      %shift_right_arithmetic3A_1599 = vector.broadcast %shift_right_arithmetic3A_1598 : i32 to vector<16xi32>
      %shift_right_arithmetic3A_1600 = arith.shrsi %bitcast_convert_type3A_1597, %shift_right_arithmetic3A_1599 : vector<16xi32>
      %sub3A_1601 = arith.constant 127 : i32
      %sub3A_1602 = vector.broadcast %sub3A_1601 : i32 to vector<16xi32>
      %sub3A_1603 = arith.subi %shift_right_arithmetic3A_1600, %sub3A_1602 : vector<16xi32>
      %and3A_1604 = arith.constant 8388607 : i32
      %and3A_1605 = vector.broadcast %and3A_1604 : i32 to vector<16xi32>
      %and3A_1606 = arith.andi %bitcast_convert_type3A_1597, %and3A_1605 : vector<16xi32>
      %or3A_1607 = arith.constant 1065353216 : i32
      %or3A_1608 = vector.broadcast %or3A_1607 : i32 to vector<16xi32>
      %or3A_1609 = arith.ori %and3A_1606, %or3A_1608 : vector<16xi32>
      %bitcast_convert_type3A_1610 = tpu.bitcast %or3A_1609 : vector<16xi32> -> vector<16xf32>
      %ge3A_1611 = arith.constant 1.41421354 : f32
      %ge3A_1612 = vector.broadcast %ge3A_1611 : f32 to vector<16xf32>
      %ge3A_1613 = arith.cmpf oge, %bitcast_convert_type3A_1610, %ge3A_1612 : vector<16xf32>
      %mul3A_1614 = arith.constant 5.000000e-01 : f32
      %mul3A_1615 = vector.broadcast %mul3A_1614 : f32 to vector<16xf32>
      %mul3A_1616 = arith.mulf %bitcast_convert_type3A_1610, %mul3A_1615 : vector<16xf32>
      %select_n3A_1617 = arith.select %ge3A_1613, %mul3A_1616, %bitcast_convert_type3A_1610 : vector<16xi1>, vector<16xf32>
      %convert_element_type3A_1618 = arith.sitofp %sub3A_1603 : vector<16xi32> to vector<16xf32>
      %jit3A_1619 = arith.constant 1.000000e+00 : f32
      %jit3A_1620 = arith.constant 0.000000e+00 : f32
      %broadcast_in_dim3A_1621 = vector.broadcast %jit3A_1619 : f32 to vector<16xf32>
      %broadcast_in_dim3A_1622 = vector.broadcast %jit3A_1620 : f32 to vector<16xf32>
      %select_n3A_1623 = arith.select %ge3A_1613, %broadcast_in_dim3A_1621, %broadcast_in_dim3A_1622 : vector<16xi1>, vector<16xf32>
      %add3A_1624 = arith.addf %convert_element_type3A_1618, %select_n3A_1623 : vector<16xf32>
      %sub3A_1625 = arith.constant 1.000000e+00 : f32
      %sub3A_1626 = vector.broadcast %sub3A_1625 : f32 to vector<16xf32>
      %sub3A_1627 = arith.subf %select_n3A_1617, %sub3A_1626 : vector<16xf32>
      %add3A_1628 = arith.constant 1.000000e+00 : f32
      %add3A_1629 = vector.broadcast %add3A_1628 : f32 to vector<16xf32>
      %add3A_1630 = arith.addf %select_n3A_1617, %add3A_1629 : vector<16xf32>
      %div3A_1631 = arith.divf %sub3A_1627, %add3A_1630 : vector<16xf32>
      %mul3A_1632 = arith.mulf %div3A_1631, %div3A_1631 : vector<16xf32>
      %mul3A_1633 = arith.constant 0.3205989 : f32
      %mul3A_1634 = vector.broadcast %mul3A_1633 : f32 to vector<16xf32>
      %mul3A_1635 = arith.mulf %mul3A_1632, %mul3A_1634 : vector<16xf32>
      %add3A_1636 = arith.constant 0.412198603 : f32
      %add3A_1637 = vector.broadcast %add3A_1636 : f32 to vector<16xf32>
      %add3A_1638 = arith.addf %add3A_1637, %mul3A_1635 : vector<16xf32>
      %mul3A_1639 = arith.mulf %mul3A_1632, %add3A_1638 : vector<16xf32>
      %add3A_1640 = arith.constant 0.577078044 : f32
      %add3A_1641 = vector.broadcast %add3A_1640 : f32 to vector<16xf32>
      %add3A_1642 = arith.addf %add3A_1641, %mul3A_1639 : vector<16xf32>
      %mul3A_1643 = arith.mulf %mul3A_1632, %add3A_1642 : vector<16xf32>
      %add3A_1644 = arith.constant 0.9617967 : f32
      %add3A_1645 = vector.broadcast %add3A_1644 : f32 to vector<16xf32>
      %add3A_1646 = arith.addf %add3A_1645, %mul3A_1643 : vector<16xf32>
      %mul3A_1647 = arith.mulf %mul3A_1632, %add3A_1646 : vector<16xf32>
      %add3A_1648 = arith.constant 2.885390e+00 : f32
      %add3A_1649 = vector.broadcast %add3A_1648 : f32 to vector<16xf32>
      %add3A_1650 = arith.addf %add3A_1649, %mul3A_1647 : vector<16xf32>
      %mul3A_1651 = arith.mulf %div3A_1631, %add3A_1650 : vector<16xf32>
      %add3A_1652 = arith.addf %add3A_1624, %mul3A_1651 : vector<16xf32>
      %neg3A_1653 = arith.constant 0.000000e+00 : f32
      %neg3A_1654 = vector.broadcast %neg3A_1653 : f32 to vector<16xf32>
      %neg3A_1655 = arith.subf %neg3A_1654, %add3A_1652 : vector<16xf32>
      %mul3A_1656 = arith.constant 2.000000e+00 : f32
      %mul3A_1657 = vector.broadcast %mul3A_1656 : f32 to vector<16xf32>
      %mul3A_1658 = arith.mulf %mul3A_1657, %get3A_1531 : vector<16xf32>
      %sub3A_1659 = arith.constant 1.000000e+00 : f32
      %sub3A_1660 = vector.broadcast %sub3A_1659 : f32 to vector<16xf32>
      %sub3A_1661 = arith.subf %mul3A_1658, %sub3A_1660 : vector<16xf32>
      %exp3A_1662 = math.exp %sub3A_1661 : vector<16xf32>
      %mul3A_1663 = arith.mulf %neg3A_1655, %exp3A_1662 : vector<16xf32>
      %ge3A_1664 = arith.cmpf oge, %mul3A_1663, %neg3A_1596 : vector<16xf32>
      %jit3A_1665 = arith.constant 1.000000e+00 : f32
      %jit3A_1666 = arith.constant 0.000000e+00 : f32
      %broadcast_in_dim3A_1667 = vector.broadcast %jit3A_1665 : f32 to vector<16xf32>
      %broadcast_in_dim3A_1668 = vector.broadcast %jit3A_1666 : f32 to vector<16xf32>
      %select_n3A_1669 = arith.select %ge3A_1664, %broadcast_in_dim3A_1667, %broadcast_in_dim3A_1668 : vector<16xi1>, vector<16xf32>
      %get3A_1670 = arith.index_cast %mul3A_1385 : i32 to index
      %get3A_1671 = tpu.vector_load %arg15[%get3A_1670] {strides = array<i32>} : memref<256xf32, #tpu.memory_space<vmem>>, vector<16xf32>,
      %get3A_1672 = vector.shape_cast %get3A_1671 : vector<16xf32> to vector<16xf32>
      %mul3A_1673 = arith.mulf %select_n3A_1528, %get3A_1672 : vector<16xf32>
      %mul3A_1674 = arith.mulf %select_n3A_1669, %sub3A_506 : vector<16xf32>
      %add3A_1675 = vector.broadcast %mul3A_1385 : i32 to vector<16xi32>
      %add3A_1676 = arith.addi %iota3A, %add3A_1675 : vector<16xi32>
      %lt3A = vector.broadcast %add3A_342 : i32 to vector<16xi32>
      %lt3A_1677 = arith.cmpi slt, %add3A_1676, %lt3A : vector<16xi32>
      %jit3A_1678 = arith.constant 0.000000e+00 : f32
      %broadcast_in_dim3A_1679 = vector.broadcast %jit3A_1678 : f32 to vector<16xf32>
      %select_n3A_1680 = arith.select %lt3A_1677, %mul3A_1674, %broadcast_in_dim3A_1679 : vector<16xi1>, vector<16xf32>
      %sub3A_1681 = arith.constant 1.000000e+00 : f32
      %sub3A_1682 = vector.broadcast %sub3A_1681 : f32 to vector<16xf32>
      %sub3A_1683 = arith.subf %sub3A_1682, %select_n3A_1680 : vector<16xf32>
      %eq3A = vector.broadcast %add3A_342 : i32 to vector<16xi32>
      %eq3A_1684 = arith.cmpi eq, %add3A_1676, %eq3A : vector<16xi32>
      %mul3A_1685 = arith.mulf %mul3A_1673, %sub3A_1683 : vector<16xf32>
      %jit3A_1686 = arith.constant 0.000000e+00 : f32
      %broadcast_in_dim3A_1687 = vector.broadcast %jit3A_1686 : f32 to vector<16xf32>
      %select_n3A_1688 = arith.select %eq3A_1684, %broadcast_in_dim3A_1687, %mul3A_1685 : vector<16xi1>, vector<16xf32>
      %swap3A_1689 = arith.index_cast %add3A_1387 : i32 to index
      %swap3A_1690 = tpu.vector_load %arg22[%swap3A_1689] {strides = array<i32>} : memref<2048xf32, #tpu.memory_space<vmem>>, vector<16xf32>,
      %swap3A_1691 = vector.shape_cast %swap3A_1690 : vector<16xf32> to vector<16xf32>
      %swap3A_1692 = vector.shape_cast %select_n3A_1688 : vector<16xf32> to vector<16xf32>
      tpu.vector_store %arg22[%swap3A_1689], %swap3A_1692 {strides = array<i32>} : memref<2048xf32, #tpu.memory_space<vmem>>, vector<16xf32>,
    }
    %scan3A_512 = arith.constant 16 : i32
    %mul3A_513 = arith.constant 8 : i32
    %mul3A_514 = arith.muli %add3A, %mul3A_513 : i32
    %add3A_515 = arith.constant 3 : i32
    %add3A_516 = arith.addi %mul3A_514, %add3A_515 : i32
    %broadcast_in_dim3A_517 = arith.constant 0 : i32
    %broadcast_in_dim3A_518 = vector.broadcast %broadcast_in_dim3A_517 : i32 to vector<16xi32>
    %add3A_519 = vector.broadcast %add3A_516 : i32 to vector<16xi32>
    %add3A_520 = arith.addi %broadcast_in_dim3A_518, %add3A_519 : vector<16xi32>
    %swap3A_521 = arith.constant 0 : index
    %swap3A_522 = tpu.vector_load %arg23[%swap3A_521] {strides = array<i32>} : memref<16xi32, #tpu.memory_space<vmem>>, vector<16xi32>,
    %swap3A_523 = vector.shape_cast %swap3A_522 : vector<16xi32> to vector<16xi32>
    %swap3A_524 = vector.shape_cast %add3A_520 : vector<16xi32> to vector<16xi32>
    tpu.vector_store %arg23[%swap3A_521], %swap3A_524 {strides = array<i32>} : memref<16xi32, #tpu.memory_space<vmem>>, vector<16xi32>,
    %dma_start3A_525 = arith.constant 0 : i32
    %dma_start3A_526 = tpu.memref_slice %arg2[%dma_start3A_525] : memref<256xf32, #tpu.memory_space<hbm>> -> memref<256xf32, #tpu.memory_space<hbm>>
    tpu.enqueue_indirect_dma source(%dma_start3A_526 : memref<256xf32, #tpu.memory_space<hbm>>) target(%arg24 : memref<16xf32, #tpu.memory_space<vmem>>) offsets(%arg23 : memref<16xi32, #tpu.memory_space<vmem>>) semaphore(%arg27 : memref<!tpu.dma_semaphore, #tpu.memory_space<semaphore_mem>>)
    %dma_wait3A_527 = arith.constant 0 : i32
    %dma_wait3A_528 = tpu.memref_slice %arg2[%dma_wait3A_527] : memref<256xf32, #tpu.memory_space<hbm>> -> memref<256xf32, #tpu.memory_space<hbm>>
    tpu.wait_indirect_dma semaphore(%arg27 : memref<!tpu.dma_semaphore, #tpu.memory_space<semaphore_mem>>) src(%dma_wait3A_528 : memref<256xf32, #tpu.memory_space<hbm>>) dst(%arg24 : memref<16xf32, #tpu.memory_space<vmem>>)
    %dma_start3A_529 = arith.constant 0 : i32
    %dma_start3A_530 = tpu.memref_slice %arg3[%dma_start3A_529] : memref<256xf32, #tpu.memory_space<hbm>> -> memref<256xf32, #tpu.memory_space<hbm>>
    tpu.enqueue_indirect_dma source(%dma_start3A_530 : memref<256xf32, #tpu.memory_space<hbm>>) target(%arg25 : memref<16xf32, #tpu.memory_space<vmem>>) offsets(%arg23 : memref<16xi32, #tpu.memory_space<vmem>>) semaphore(%arg27 : memref<!tpu.dma_semaphore, #tpu.memory_space<semaphore_mem>>)
    %dma_wait3A_531 = arith.constant 0 : i32
    %dma_wait3A_532 = tpu.memref_slice %arg3[%dma_wait3A_531] : memref<256xf32, #tpu.memory_space<hbm>> -> memref<256xf32, #tpu.memory_space<hbm>>
    tpu.wait_indirect_dma semaphore(%arg27 : memref<!tpu.dma_semaphore, #tpu.memory_space<semaphore_mem>>) src(%dma_wait3A_532 : memref<256xf32, #tpu.memory_space<hbm>>) dst(%arg25 : memref<16xf32, #tpu.memory_space<vmem>>)
    %dma_start3A_533 = arith.constant 0 : i32
    %dma_start3A_534 = tpu.memref_slice %arg4[%dma_start3A_533] : memref<256xf32, #tpu.memory_space<hbm>> -> memref<256xf32, #tpu.memory_space<hbm>>
    tpu.enqueue_indirect_dma source(%dma_start3A_534 : memref<256xf32, #tpu.memory_space<hbm>>) target(%arg26 : memref<16xf32, #tpu.memory_space<vmem>>) offsets(%arg23 : memref<16xi32, #tpu.memory_space<vmem>>) semaphore(%arg27 : memref<!tpu.dma_semaphore, #tpu.memory_space<semaphore_mem>>)
    %dma_wait3A_535 = arith.constant 0 : i32
    %dma_wait3A_536 = tpu.memref_slice %arg4[%dma_wait3A_535] : memref<256xf32, #tpu.memory_space<hbm>> -> memref<256xf32, #tpu.memory_space<hbm>>
    tpu.wait_indirect_dma semaphore(%arg27 : memref<!tpu.dma_semaphore, #tpu.memory_space<semaphore_mem>>) src(%dma_wait3A_536 : memref<256xf32, #tpu.memory_space<hbm>>) dst(%arg26 : memref<16xf32, #tpu.memory_space<vmem>>)
    %get3A_537 = arith.constant 0 : index
    %get3A_538 = tpu.vector_load %arg24[%get3A_537] {strides = array<i32>} : memref<16xf32, #tpu.memory_space<vmem>>, vector<16xf32>,
    %get3A_539 = vector.shape_cast %get3A_538 : vector<16xf32> to vector<16xf32>
    %get3A_540 = arith.constant 0 : index
    %get3A_541 = tpu.vector_load %arg25[%get3A_540] {strides = array<i32>} : memref<16xf32, #tpu.memory_space<vmem>>, vector<16xf32>,
    %get3A_542 = vector.shape_cast %get3A_541 : vector<16xf32> to vector<16xf32>
    %get3A_543 = arith.constant 0 : index
    %get3A_544 = tpu.vector_load %arg26[%get3A_543] {strides = array<i32>} : memref<16xf32, #tpu.memory_space<vmem>>, vector<16xf32>,
    %get3A_545 = vector.shape_cast %get3A_544 : vector<16xf32> to vector<16xf32>
    %bitcast_convert_type3A_546 = tpu.bitcast %get3A_542 : vector<16xf32> -> vector<16xi32>
    %shift_right_arithmetic3A_547 = arith.constant 23 : i32
    %shift_right_arithmetic3A_548 = vector.broadcast %shift_right_arithmetic3A_547 : i32 to vector<16xi32>
    %shift_right_arithmetic3A_549 = arith.shrsi %bitcast_convert_type3A_546, %shift_right_arithmetic3A_548 : vector<16xi32>
    %sub3A_550 = arith.constant 127 : i32
    %sub3A_551 = vector.broadcast %sub3A_550 : i32 to vector<16xi32>
    %sub3A_552 = arith.subi %shift_right_arithmetic3A_549, %sub3A_551 : vector<16xi32>
    %and3A_553 = arith.constant 8388607 : i32
    %and3A_554 = vector.broadcast %and3A_553 : i32 to vector<16xi32>
    %and3A_555 = arith.andi %bitcast_convert_type3A_546, %and3A_554 : vector<16xi32>
    %or3A_556 = arith.constant 1065353216 : i32
    %or3A_557 = vector.broadcast %or3A_556 : i32 to vector<16xi32>
    %or3A_558 = arith.ori %and3A_555, %or3A_557 : vector<16xi32>
    %bitcast_convert_type3A_559 = tpu.bitcast %or3A_558 : vector<16xi32> -> vector<16xf32>
    %ge3A_560 = arith.constant 1.41421354 : f32
    %ge3A_561 = vector.broadcast %ge3A_560 : f32 to vector<16xf32>
    %ge3A_562 = arith.cmpf oge, %bitcast_convert_type3A_559, %ge3A_561 : vector<16xf32>
    %mul3A_563 = arith.constant 5.000000e-01 : f32
    %mul3A_564 = vector.broadcast %mul3A_563 : f32 to vector<16xf32>
    %mul3A_565 = arith.mulf %bitcast_convert_type3A_559, %mul3A_564 : vector<16xf32>
    %select_n3A_566 = arith.select %ge3A_562, %mul3A_565, %bitcast_convert_type3A_559 : vector<16xi1>, vector<16xf32>
    %convert_element_type3A_567 = arith.sitofp %sub3A_552 : vector<16xi32> to vector<16xf32>
    %jit3A_568 = arith.constant 1.000000e+00 : f32
    %jit3A_569 = arith.constant 0.000000e+00 : f32
    %broadcast_in_dim3A_570 = vector.broadcast %jit3A_568 : f32 to vector<16xf32>
    %broadcast_in_dim3A_571 = vector.broadcast %jit3A_569 : f32 to vector<16xf32>
    %select_n3A_572 = arith.select %ge3A_562, %broadcast_in_dim3A_570, %broadcast_in_dim3A_571 : vector<16xi1>, vector<16xf32>
    %add3A_573 = arith.addf %convert_element_type3A_567, %select_n3A_572 : vector<16xf32>
    %sub3A_574 = arith.constant 1.000000e+00 : f32
    %sub3A_575 = vector.broadcast %sub3A_574 : f32 to vector<16xf32>
    %sub3A_576 = arith.subf %select_n3A_566, %sub3A_575 : vector<16xf32>
    %add3A_577 = arith.constant 1.000000e+00 : f32
    %add3A_578 = vector.broadcast %add3A_577 : f32 to vector<16xf32>
    %add3A_579 = arith.addf %select_n3A_566, %add3A_578 : vector<16xf32>
    %div3A_580 = arith.divf %sub3A_576, %add3A_579 : vector<16xf32>
    %mul3A_581 = arith.mulf %div3A_580, %div3A_580 : vector<16xf32>
    %mul3A_582 = arith.constant 0.3205989 : f32
    %mul3A_583 = vector.broadcast %mul3A_582 : f32 to vector<16xf32>
    %mul3A_584 = arith.mulf %mul3A_581, %mul3A_583 : vector<16xf32>
    %add3A_585 = arith.constant 0.412198603 : f32
    %add3A_586 = vector.broadcast %add3A_585 : f32 to vector<16xf32>
    %add3A_587 = arith.addf %add3A_586, %mul3A_584 : vector<16xf32>
    %mul3A_588 = arith.mulf %mul3A_581, %add3A_587 : vector<16xf32>
    %add3A_589 = arith.constant 0.577078044 : f32
    %add3A_590 = vector.broadcast %add3A_589 : f32 to vector<16xf32>
    %add3A_591 = arith.addf %add3A_590, %mul3A_588 : vector<16xf32>
    %mul3A_592 = arith.mulf %mul3A_581, %add3A_591 : vector<16xf32>
    %add3A_593 = arith.constant 0.9617967 : f32
    %add3A_594 = vector.broadcast %add3A_593 : f32 to vector<16xf32>
    %add3A_595 = arith.addf %add3A_594, %mul3A_592 : vector<16xf32>
    %mul3A_596 = arith.mulf %mul3A_581, %add3A_595 : vector<16xf32>
    %add3A_597 = arith.constant 2.885390e+00 : f32
    %add3A_598 = vector.broadcast %add3A_597 : f32 to vector<16xf32>
    %add3A_599 = arith.addf %add3A_598, %mul3A_596 : vector<16xf32>
    %mul3A_600 = arith.mulf %div3A_580, %add3A_599 : vector<16xf32>
    %add3A_601 = arith.addf %add3A_573, %mul3A_600 : vector<16xf32>
    %neg3A_602 = arith.constant 0.000000e+00 : f32
    %neg3A_603 = vector.broadcast %neg3A_602 : f32 to vector<16xf32>
    %neg3A_604 = arith.subf %neg3A_603, %add3A_601 : vector<16xf32>
    %bitcast_convert_type3A_605 = tpu.bitcast %get3A_545 : vector<16xf32> -> vector<16xi32>
    %shift_right_arithmetic3A_606 = arith.constant 23 : i32
    %shift_right_arithmetic3A_607 = vector.broadcast %shift_right_arithmetic3A_606 : i32 to vector<16xi32>
    %shift_right_arithmetic3A_608 = arith.shrsi %bitcast_convert_type3A_605, %shift_right_arithmetic3A_607 : vector<16xi32>
    %sub3A_609 = arith.constant 127 : i32
    %sub3A_610 = vector.broadcast %sub3A_609 : i32 to vector<16xi32>
    %sub3A_611 = arith.subi %shift_right_arithmetic3A_608, %sub3A_610 : vector<16xi32>
    %and3A_612 = arith.constant 8388607 : i32
    %and3A_613 = vector.broadcast %and3A_612 : i32 to vector<16xi32>
    %and3A_614 = arith.andi %bitcast_convert_type3A_605, %and3A_613 : vector<16xi32>
    %or3A_615 = arith.constant 1065353216 : i32
    %or3A_616 = vector.broadcast %or3A_615 : i32 to vector<16xi32>
    %or3A_617 = arith.ori %and3A_614, %or3A_616 : vector<16xi32>
    %bitcast_convert_type3A_618 = tpu.bitcast %or3A_617 : vector<16xi32> -> vector<16xf32>
    %ge3A_619 = arith.constant 1.41421354 : f32
    %ge3A_620 = vector.broadcast %ge3A_619 : f32 to vector<16xf32>
    %ge3A_621 = arith.cmpf oge, %bitcast_convert_type3A_618, %ge3A_620 : vector<16xf32>
    %mul3A_622 = arith.constant 5.000000e-01 : f32
    %mul3A_623 = vector.broadcast %mul3A_622 : f32 to vector<16xf32>
    %mul3A_624 = arith.mulf %bitcast_convert_type3A_618, %mul3A_623 : vector<16xf32>
    %select_n3A_625 = arith.select %ge3A_621, %mul3A_624, %bitcast_convert_type3A_618 : vector<16xi1>, vector<16xf32>
    %convert_element_type3A_626 = arith.sitofp %sub3A_611 : vector<16xi32> to vector<16xf32>
    %jit3A_627 = arith.constant 1.000000e+00 : f32
    %jit3A_628 = arith.constant 0.000000e+00 : f32
    %broadcast_in_dim3A_629 = vector.broadcast %jit3A_627 : f32 to vector<16xf32>
    %broadcast_in_dim3A_630 = vector.broadcast %jit3A_628 : f32 to vector<16xf32>
    %select_n3A_631 = arith.select %ge3A_621, %broadcast_in_dim3A_629, %broadcast_in_dim3A_630 : vector<16xi1>, vector<16xf32>
    %add3A_632 = arith.addf %convert_element_type3A_626, %select_n3A_631 : vector<16xf32>
    %sub3A_633 = arith.constant 1.000000e+00 : f32
    %sub3A_634 = vector.broadcast %sub3A_633 : f32 to vector<16xf32>
    %sub3A_635 = arith.subf %select_n3A_625, %sub3A_634 : vector<16xf32>
    %add3A_636 = arith.constant 1.000000e+00 : f32
    %add3A_637 = vector.broadcast %add3A_636 : f32 to vector<16xf32>
    %add3A_638 = arith.addf %select_n3A_625, %add3A_637 : vector<16xf32>
    %div3A_639 = arith.divf %sub3A_635, %add3A_638 : vector<16xf32>
    %mul3A_640 = arith.mulf %div3A_639, %div3A_639 : vector<16xf32>
    %mul3A_641 = arith.constant 0.3205989 : f32
    %mul3A_642 = vector.broadcast %mul3A_641 : f32 to vector<16xf32>
    %mul3A_643 = arith.mulf %mul3A_640, %mul3A_642 : vector<16xf32>
    %add3A_644 = arith.constant 0.412198603 : f32
    %add3A_645 = vector.broadcast %add3A_644 : f32 to vector<16xf32>
    %add3A_646 = arith.addf %add3A_645, %mul3A_643 : vector<16xf32>
    %mul3A_647 = arith.mulf %mul3A_640, %add3A_646 : vector<16xf32>
    %add3A_648 = arith.constant 0.577078044 : f32
    %add3A_649 = vector.broadcast %add3A_648 : f32 to vector<16xf32>
    %add3A_650 = arith.addf %add3A_649, %mul3A_647 : vector<16xf32>
    %mul3A_651 = arith.mulf %mul3A_640, %add3A_650 : vector<16xf32>
    %add3A_652 = arith.constant 0.9617967 : f32
    %add3A_653 = vector.broadcast %add3A_652 : f32 to vector<16xf32>
    %add3A_654 = arith.addf %add3A_653, %mul3A_651 : vector<16xf32>
    %mul3A_655 = arith.mulf %mul3A_640, %add3A_654 : vector<16xf32>
    %add3A_656 = arith.constant 2.885390e+00 : f32
    %add3A_657 = vector.broadcast %add3A_656 : f32 to vector<16xf32>
    %add3A_658 = arith.addf %add3A_657, %mul3A_655 : vector<16xf32>
    %mul3A_659 = arith.mulf %div3A_639, %add3A_658 : vector<16xf32>
    %add3A_660 = arith.addf %add3A_632, %mul3A_659 : vector<16xf32>
    %neg3A_661 = arith.constant 0.000000e+00 : f32
    %neg3A_662 = vector.broadcast %neg3A_661 : f32 to vector<16xf32>
    %neg3A_663 = arith.subf %neg3A_662, %add3A_660 : vector<16xf32>
    %mul3A_664 = arith.constant 2.000000e+00 : f32
    %mul3A_665 = vector.broadcast %mul3A_664 : f32 to vector<16xf32>
    %mul3A_666 = arith.mulf %mul3A_665, %get3A_539 : vector<16xf32>
    %sub3A_667 = arith.constant 1.000000e+00 : f32
    %sub3A_668 = vector.broadcast %sub3A_667 : f32 to vector<16xf32>
    %sub3A_669 = arith.subf %mul3A_666, %sub3A_668 : vector<16xf32>
    %exp3A_670 = math.exp %sub3A_669 : vector<16xf32>
    %mul3A_671 = arith.mulf %neg3A_663, %exp3A_670 : vector<16xf32>
    %ge3A_672 = arith.cmpf oge, %mul3A_671, %neg3A_604 : vector<16xf32>
    %jit3A_673 = arith.constant 1.000000e+00 : f32
    %jit3A_674 = arith.constant 0.000000e+00 : f32
    %broadcast_in_dim3A_675 = vector.broadcast %jit3A_673 : f32 to vector<16xf32>
    %broadcast_in_dim3A_676 = vector.broadcast %jit3A_674 : f32 to vector<16xf32>
    %select_n3A_677 = arith.select %ge3A_672, %broadcast_in_dim3A_675, %broadcast_in_dim3A_676 : vector<16xi1>, vector<16xf32>
    %sub3A_678 = arith.constant 1.000000e+00 : f32
    %sub3A_679 = vector.broadcast %sub3A_678 : f32 to vector<16xf32>
    %sub3A_680 = arith.subf %sub3A_679, %select_n3A_677 : vector<16xf32>
    %scan3A_681 = arith.constant 0 : i32
    %scan3A_682 = arith.constant 0 : i32
    %scan3A_683 = arith.constant 16 : i32
    %scan3A_684 = arith.addi %scan3A_682, %scan3A_683 : i32
    %scan3A_685 = arith.constant 1 : i32
    scf.for %scan3A_1383 = %scan3A_682 to %scan3A_684 step %scan3A_685  : i32 {
      %mul3A_1384 = arith.constant 16 : i32
      %mul3A_1385 = arith.muli %scan3A_1383, %mul3A_1384 : i32
      %add3A_1386 = arith.constant 768 : i32
      %add3A_1387 = arith.addi %add3A_1386, %mul3A_1385 : i32
      %get3A_1388 = arith.index_cast %add3A_1387 : i32 to index
      %get3A_1389 = tpu.vector_load %arg16[%get3A_1388] {strides = array<i32>} : memref<2048xf32, #tpu.memory_space<vmem>>, vector<16xf32>,
      %get3A_1390 = vector.shape_cast %get3A_1389 : vector<16xf32> to vector<16xf32>
      %get3A_1391 = arith.index_cast %add3A_1387 : i32 to index
      %get3A_1392 = tpu.vector_load %arg17[%get3A_1391] {strides = array<i32>} : memref<2048xf32, #tpu.memory_space<vmem>>, vector<16xf32>,
      %get3A_1393 = vector.shape_cast %get3A_1392 : vector<16xf32> to vector<16xf32>
      %get3A_1394 = arith.index_cast %add3A_1387 : i32 to index
      %get3A_1395 = tpu.vector_load %arg18[%get3A_1394] {strides = array<i32>} : memref<2048xf32, #tpu.memory_space<vmem>>, vector<16xf32>,
      %get3A_1396 = vector.shape_cast %get3A_1395 : vector<16xf32> to vector<16xf32>
      %bitcast_convert_type3A_1397 = tpu.bitcast %get3A_1393 : vector<16xf32> -> vector<16xi32>
      %shift_right_arithmetic3A_1398 = arith.constant 23 : i32
      %shift_right_arithmetic3A_1399 = vector.broadcast %shift_right_arithmetic3A_1398 : i32 to vector<16xi32>
      %shift_right_arithmetic3A_1400 = arith.shrsi %bitcast_convert_type3A_1397, %shift_right_arithmetic3A_1399 : vector<16xi32>
      %sub3A_1401 = arith.constant 127 : i32
      %sub3A_1402 = vector.broadcast %sub3A_1401 : i32 to vector<16xi32>
      %sub3A_1403 = arith.subi %shift_right_arithmetic3A_1400, %sub3A_1402 : vector<16xi32>
      %and3A_1404 = arith.constant 8388607 : i32
      %and3A_1405 = vector.broadcast %and3A_1404 : i32 to vector<16xi32>
      %and3A_1406 = arith.andi %bitcast_convert_type3A_1397, %and3A_1405 : vector<16xi32>
      %or3A_1407 = arith.constant 1065353216 : i32
      %or3A_1408 = vector.broadcast %or3A_1407 : i32 to vector<16xi32>
      %or3A_1409 = arith.ori %and3A_1406, %or3A_1408 : vector<16xi32>
      %bitcast_convert_type3A_1410 = tpu.bitcast %or3A_1409 : vector<16xi32> -> vector<16xf32>
      %ge3A_1411 = arith.constant 1.41421354 : f32
      %ge3A_1412 = vector.broadcast %ge3A_1411 : f32 to vector<16xf32>
      %ge3A_1413 = arith.cmpf oge, %bitcast_convert_type3A_1410, %ge3A_1412 : vector<16xf32>
      %mul3A_1414 = arith.constant 5.000000e-01 : f32
      %mul3A_1415 = vector.broadcast %mul3A_1414 : f32 to vector<16xf32>
      %mul3A_1416 = arith.mulf %bitcast_convert_type3A_1410, %mul3A_1415 : vector<16xf32>
      %select_n3A_1417 = arith.select %ge3A_1413, %mul3A_1416, %bitcast_convert_type3A_1410 : vector<16xi1>, vector<16xf32>
      %convert_element_type3A_1418 = arith.sitofp %sub3A_1403 : vector<16xi32> to vector<16xf32>
      %jit3A_1419 = arith.constant 1.000000e+00 : f32
      %jit3A_1420 = arith.constant 0.000000e+00 : f32
      %broadcast_in_dim3A_1421 = vector.broadcast %jit3A_1419 : f32 to vector<16xf32>
      %broadcast_in_dim3A_1422 = vector.broadcast %jit3A_1420 : f32 to vector<16xf32>
      %select_n3A_1423 = arith.select %ge3A_1413, %broadcast_in_dim3A_1421, %broadcast_in_dim3A_1422 : vector<16xi1>, vector<16xf32>
      %add3A_1424 = arith.addf %convert_element_type3A_1418, %select_n3A_1423 : vector<16xf32>
      %sub3A_1425 = arith.constant 1.000000e+00 : f32
      %sub3A_1426 = vector.broadcast %sub3A_1425 : f32 to vector<16xf32>
      %sub3A_1427 = arith.subf %select_n3A_1417, %sub3A_1426 : vector<16xf32>
      %add3A_1428 = arith.constant 1.000000e+00 : f32
      %add3A_1429 = vector.broadcast %add3A_1428 : f32 to vector<16xf32>
      %add3A_1430 = arith.addf %select_n3A_1417, %add3A_1429 : vector<16xf32>
      %div3A_1431 = arith.divf %sub3A_1427, %add3A_1430 : vector<16xf32>
      %mul3A_1432 = arith.mulf %div3A_1431, %div3A_1431 : vector<16xf32>
      %mul3A_1433 = arith.constant 0.3205989 : f32
      %mul3A_1434 = vector.broadcast %mul3A_1433 : f32 to vector<16xf32>
      %mul3A_1435 = arith.mulf %mul3A_1432, %mul3A_1434 : vector<16xf32>
      %add3A_1436 = arith.constant 0.412198603 : f32
      %add3A_1437 = vector.broadcast %add3A_1436 : f32 to vector<16xf32>
      %add3A_1438 = arith.addf %add3A_1437, %mul3A_1435 : vector<16xf32>
      %mul3A_1439 = arith.mulf %mul3A_1432, %add3A_1438 : vector<16xf32>
      %add3A_1440 = arith.constant 0.577078044 : f32
      %add3A_1441 = vector.broadcast %add3A_1440 : f32 to vector<16xf32>
      %add3A_1442 = arith.addf %add3A_1441, %mul3A_1439 : vector<16xf32>
      %mul3A_1443 = arith.mulf %mul3A_1432, %add3A_1442 : vector<16xf32>
      %add3A_1444 = arith.constant 0.9617967 : f32
      %add3A_1445 = vector.broadcast %add3A_1444 : f32 to vector<16xf32>
      %add3A_1446 = arith.addf %add3A_1445, %mul3A_1443 : vector<16xf32>
      %mul3A_1447 = arith.mulf %mul3A_1432, %add3A_1446 : vector<16xf32>
      %add3A_1448 = arith.constant 2.885390e+00 : f32
      %add3A_1449 = vector.broadcast %add3A_1448 : f32 to vector<16xf32>
      %add3A_1450 = arith.addf %add3A_1449, %mul3A_1447 : vector<16xf32>
      %mul3A_1451 = arith.mulf %div3A_1431, %add3A_1450 : vector<16xf32>
      %add3A_1452 = arith.addf %add3A_1424, %mul3A_1451 : vector<16xf32>
      %neg3A_1453 = arith.constant 0.000000e+00 : f32
      %neg3A_1454 = vector.broadcast %neg3A_1453 : f32 to vector<16xf32>
      %neg3A_1455 = arith.subf %neg3A_1454, %add3A_1452 : vector<16xf32>
      %bitcast_convert_type3A_1456 = tpu.bitcast %get3A_1396 : vector<16xf32> -> vector<16xi32>
      %shift_right_arithmetic3A_1457 = arith.constant 23 : i32
      %shift_right_arithmetic3A_1458 = vector.broadcast %shift_right_arithmetic3A_1457 : i32 to vector<16xi32>
      %shift_right_arithmetic3A_1459 = arith.shrsi %bitcast_convert_type3A_1456, %shift_right_arithmetic3A_1458 : vector<16xi32>
      %sub3A_1460 = arith.constant 127 : i32
      %sub3A_1461 = vector.broadcast %sub3A_1460 : i32 to vector<16xi32>
      %sub3A_1462 = arith.subi %shift_right_arithmetic3A_1459, %sub3A_1461 : vector<16xi32>
      %and3A_1463 = arith.constant 8388607 : i32
      %and3A_1464 = vector.broadcast %and3A_1463 : i32 to vector<16xi32>
      %and3A_1465 = arith.andi %bitcast_convert_type3A_1456, %and3A_1464 : vector<16xi32>
      %or3A_1466 = arith.constant 1065353216 : i32
      %or3A_1467 = vector.broadcast %or3A_1466 : i32 to vector<16xi32>
      %or3A_1468 = arith.ori %and3A_1465, %or3A_1467 : vector<16xi32>
      %bitcast_convert_type3A_1469 = tpu.bitcast %or3A_1468 : vector<16xi32> -> vector<16xf32>
      %ge3A_1470 = arith.constant 1.41421354 : f32
      %ge3A_1471 = vector.broadcast %ge3A_1470 : f32 to vector<16xf32>
      %ge3A_1472 = arith.cmpf oge, %bitcast_convert_type3A_1469, %ge3A_1471 : vector<16xf32>
      %mul3A_1473 = arith.constant 5.000000e-01 : f32
      %mul3A_1474 = vector.broadcast %mul3A_1473 : f32 to vector<16xf32>
      %mul3A_1475 = arith.mulf %bitcast_convert_type3A_1469, %mul3A_1474 : vector<16xf32>
      %select_n3A_1476 = arith.select %ge3A_1472, %mul3A_1475, %bitcast_convert_type3A_1469 : vector<16xi1>, vector<16xf32>
      %convert_element_type3A_1477 = arith.sitofp %sub3A_1462 : vector<16xi32> to vector<16xf32>
      %jit3A_1478 = arith.constant 1.000000e+00 : f32
      %jit3A_1479 = arith.constant 0.000000e+00 : f32
      %broadcast_in_dim3A_1480 = vector.broadcast %jit3A_1478 : f32 to vector<16xf32>
      %broadcast_in_dim3A_1481 = vector.broadcast %jit3A_1479 : f32 to vector<16xf32>
      %select_n3A_1482 = arith.select %ge3A_1472, %broadcast_in_dim3A_1480, %broadcast_in_dim3A_1481 : vector<16xi1>, vector<16xf32>
      %add3A_1483 = arith.addf %convert_element_type3A_1477, %select_n3A_1482 : vector<16xf32>
      %sub3A_1484 = arith.constant 1.000000e+00 : f32
      %sub3A_1485 = vector.broadcast %sub3A_1484 : f32 to vector<16xf32>
      %sub3A_1486 = arith.subf %select_n3A_1476, %sub3A_1485 : vector<16xf32>
      %add3A_1487 = arith.constant 1.000000e+00 : f32
      %add3A_1488 = vector.broadcast %add3A_1487 : f32 to vector<16xf32>
      %add3A_1489 = arith.addf %select_n3A_1476, %add3A_1488 : vector<16xf32>
      %div3A_1490 = arith.divf %sub3A_1486, %add3A_1489 : vector<16xf32>
      %mul3A_1491 = arith.mulf %div3A_1490, %div3A_1490 : vector<16xf32>
      %mul3A_1492 = arith.constant 0.3205989 : f32
      %mul3A_1493 = vector.broadcast %mul3A_1492 : f32 to vector<16xf32>
      %mul3A_1494 = arith.mulf %mul3A_1491, %mul3A_1493 : vector<16xf32>
      %add3A_1495 = arith.constant 0.412198603 : f32
      %add3A_1496 = vector.broadcast %add3A_1495 : f32 to vector<16xf32>
      %add3A_1497 = arith.addf %add3A_1496, %mul3A_1494 : vector<16xf32>
      %mul3A_1498 = arith.mulf %mul3A_1491, %add3A_1497 : vector<16xf32>
      %add3A_1499 = arith.constant 0.577078044 : f32
      %add3A_1500 = vector.broadcast %add3A_1499 : f32 to vector<16xf32>
      %add3A_1501 = arith.addf %add3A_1500, %mul3A_1498 : vector<16xf32>
      %mul3A_1502 = arith.mulf %mul3A_1491, %add3A_1501 : vector<16xf32>
      %add3A_1503 = arith.constant 0.9617967 : f32
      %add3A_1504 = vector.broadcast %add3A_1503 : f32 to vector<16xf32>
      %add3A_1505 = arith.addf %add3A_1504, %mul3A_1502 : vector<16xf32>
      %mul3A_1506 = arith.mulf %mul3A_1491, %add3A_1505 : vector<16xf32>
      %add3A_1507 = arith.constant 2.885390e+00 : f32
      %add3A_1508 = vector.broadcast %add3A_1507 : f32 to vector<16xf32>
      %add3A_1509 = arith.addf %add3A_1508, %mul3A_1506 : vector<16xf32>
      %mul3A_1510 = arith.mulf %div3A_1490, %add3A_1509 : vector<16xf32>
      %add3A_1511 = arith.addf %add3A_1483, %mul3A_1510 : vector<16xf32>
      %neg3A_1512 = arith.constant 0.000000e+00 : f32
      %neg3A_1513 = vector.broadcast %neg3A_1512 : f32 to vector<16xf32>
      %neg3A_1514 = arith.subf %neg3A_1513, %add3A_1511 : vector<16xf32>
      %mul3A_1515 = arith.constant 2.000000e+00 : f32
      %mul3A_1516 = vector.broadcast %mul3A_1515 : f32 to vector<16xf32>
      %mul3A_1517 = arith.mulf %mul3A_1516, %get3A_1390 : vector<16xf32>
      %sub3A_1518 = arith.constant 1.000000e+00 : f32
      %sub3A_1519 = vector.broadcast %sub3A_1518 : f32 to vector<16xf32>
      %sub3A_1520 = arith.subf %mul3A_1517, %sub3A_1519 : vector<16xf32>
      %exp3A_1521 = math.exp %sub3A_1520 : vector<16xf32>
      %mul3A_1522 = arith.mulf %neg3A_1514, %exp3A_1521 : vector<16xf32>
      %ge3A_1523 = arith.cmpf oge, %mul3A_1522, %neg3A_1455 : vector<16xf32>
      %jit3A_1524 = arith.constant 1.000000e+00 : f32
      %jit3A_1525 = arith.constant 0.000000e+00 : f32
      %broadcast_in_dim3A_1526 = vector.broadcast %jit3A_1524 : f32 to vector<16xf32>
      %broadcast_in_dim3A_1527 = vector.broadcast %jit3A_1525 : f32 to vector<16xf32>
      %select_n3A_1528 = arith.select %ge3A_1523, %broadcast_in_dim3A_1526, %broadcast_in_dim3A_1527 : vector<16xi1>, vector<16xf32>
      %get3A_1529 = arith.index_cast %add3A_1387 : i32 to index
      %get3A_1530 = tpu.vector_load %arg19[%get3A_1529] {strides = array<i32>} : memref<2048xf32, #tpu.memory_space<vmem>>, vector<16xf32>,
      %get3A_1531 = vector.shape_cast %get3A_1530 : vector<16xf32> to vector<16xf32>
      %get3A_1532 = arith.index_cast %add3A_1387 : i32 to index
      %get3A_1533 = tpu.vector_load %arg20[%get3A_1532] {strides = array<i32>} : memref<2048xf32, #tpu.memory_space<vmem>>, vector<16xf32>,
      %get3A_1534 = vector.shape_cast %get3A_1533 : vector<16xf32> to vector<16xf32>
      %get3A_1535 = arith.index_cast %add3A_1387 : i32 to index
      %get3A_1536 = tpu.vector_load %arg21[%get3A_1535] {strides = array<i32>} : memref<2048xf32, #tpu.memory_space<vmem>>, vector<16xf32>,
      %get3A_1537 = vector.shape_cast %get3A_1536 : vector<16xf32> to vector<16xf32>
      %bitcast_convert_type3A_1538 = tpu.bitcast %get3A_1534 : vector<16xf32> -> vector<16xi32>
      %shift_right_arithmetic3A_1539 = arith.constant 23 : i32
      %shift_right_arithmetic3A_1540 = vector.broadcast %shift_right_arithmetic3A_1539 : i32 to vector<16xi32>
      %shift_right_arithmetic3A_1541 = arith.shrsi %bitcast_convert_type3A_1538, %shift_right_arithmetic3A_1540 : vector<16xi32>
      %sub3A_1542 = arith.constant 127 : i32
      %sub3A_1543 = vector.broadcast %sub3A_1542 : i32 to vector<16xi32>
      %sub3A_1544 = arith.subi %shift_right_arithmetic3A_1541, %sub3A_1543 : vector<16xi32>
      %and3A_1545 = arith.constant 8388607 : i32
      %and3A_1546 = vector.broadcast %and3A_1545 : i32 to vector<16xi32>
      %and3A_1547 = arith.andi %bitcast_convert_type3A_1538, %and3A_1546 : vector<16xi32>
      %or3A_1548 = arith.constant 1065353216 : i32
      %or3A_1549 = vector.broadcast %or3A_1548 : i32 to vector<16xi32>
      %or3A_1550 = arith.ori %and3A_1547, %or3A_1549 : vector<16xi32>
      %bitcast_convert_type3A_1551 = tpu.bitcast %or3A_1550 : vector<16xi32> -> vector<16xf32>
      %ge3A_1552 = arith.constant 1.41421354 : f32
      %ge3A_1553 = vector.broadcast %ge3A_1552 : f32 to vector<16xf32>
      %ge3A_1554 = arith.cmpf oge, %bitcast_convert_type3A_1551, %ge3A_1553 : vector<16xf32>
      %mul3A_1555 = arith.constant 5.000000e-01 : f32
      %mul3A_1556 = vector.broadcast %mul3A_1555 : f32 to vector<16xf32>
      %mul3A_1557 = arith.mulf %bitcast_convert_type3A_1551, %mul3A_1556 : vector<16xf32>
      %select_n3A_1558 = arith.select %ge3A_1554, %mul3A_1557, %bitcast_convert_type3A_1551 : vector<16xi1>, vector<16xf32>
      %convert_element_type3A_1559 = arith.sitofp %sub3A_1544 : vector<16xi32> to vector<16xf32>
      %jit3A_1560 = arith.constant 1.000000e+00 : f32
      %jit3A_1561 = arith.constant 0.000000e+00 : f32
      %broadcast_in_dim3A_1562 = vector.broadcast %jit3A_1560 : f32 to vector<16xf32>
      %broadcast_in_dim3A_1563 = vector.broadcast %jit3A_1561 : f32 to vector<16xf32>
      %select_n3A_1564 = arith.select %ge3A_1554, %broadcast_in_dim3A_1562, %broadcast_in_dim3A_1563 : vector<16xi1>, vector<16xf32>
      %add3A_1565 = arith.addf %convert_element_type3A_1559, %select_n3A_1564 : vector<16xf32>
      %sub3A_1566 = arith.constant 1.000000e+00 : f32
      %sub3A_1567 = vector.broadcast %sub3A_1566 : f32 to vector<16xf32>
      %sub3A_1568 = arith.subf %select_n3A_1558, %sub3A_1567 : vector<16xf32>
      %add3A_1569 = arith.constant 1.000000e+00 : f32
      %add3A_1570 = vector.broadcast %add3A_1569 : f32 to vector<16xf32>
      %add3A_1571 = arith.addf %select_n3A_1558, %add3A_1570 : vector<16xf32>
      %div3A_1572 = arith.divf %sub3A_1568, %add3A_1571 : vector<16xf32>
      %mul3A_1573 = arith.mulf %div3A_1572, %div3A_1572 : vector<16xf32>
      %mul3A_1574 = arith.constant 0.3205989 : f32
      %mul3A_1575 = vector.broadcast %mul3A_1574 : f32 to vector<16xf32>
      %mul3A_1576 = arith.mulf %mul3A_1573, %mul3A_1575 : vector<16xf32>
      %add3A_1577 = arith.constant 0.412198603 : f32
      %add3A_1578 = vector.broadcast %add3A_1577 : f32 to vector<16xf32>
      %add3A_1579 = arith.addf %add3A_1578, %mul3A_1576 : vector<16xf32>
      %mul3A_1580 = arith.mulf %mul3A_1573, %add3A_1579 : vector<16xf32>
      %add3A_1581 = arith.constant 0.577078044 : f32
      %add3A_1582 = vector.broadcast %add3A_1581 : f32 to vector<16xf32>
      %add3A_1583 = arith.addf %add3A_1582, %mul3A_1580 : vector<16xf32>
      %mul3A_1584 = arith.mulf %mul3A_1573, %add3A_1583 : vector<16xf32>
      %add3A_1585 = arith.constant 0.9617967 : f32
      %add3A_1586 = vector.broadcast %add3A_1585 : f32 to vector<16xf32>
      %add3A_1587 = arith.addf %add3A_1586, %mul3A_1584 : vector<16xf32>
      %mul3A_1588 = arith.mulf %mul3A_1573, %add3A_1587 : vector<16xf32>
      %add3A_1589 = arith.constant 2.885390e+00 : f32
      %add3A_1590 = vector.broadcast %add3A_1589 : f32 to vector<16xf32>
      %add3A_1591 = arith.addf %add3A_1590, %mul3A_1588 : vector<16xf32>
      %mul3A_1592 = arith.mulf %div3A_1572, %add3A_1591 : vector<16xf32>
      %add3A_1593 = arith.addf %add3A_1565, %mul3A_1592 : vector<16xf32>
      %neg3A_1594 = arith.constant 0.000000e+00 : f32
      %neg3A_1595 = vector.broadcast %neg3A_1594 : f32 to vector<16xf32>
      %neg3A_1596 = arith.subf %neg3A_1595, %add3A_1593 : vector<16xf32>
      %bitcast_convert_type3A_1597 = tpu.bitcast %get3A_1537 : vector<16xf32> -> vector<16xi32>
      %shift_right_arithmetic3A_1598 = arith.constant 23 : i32
      %shift_right_arithmetic3A_1599 = vector.broadcast %shift_right_arithmetic3A_1598 : i32 to vector<16xi32>
      %shift_right_arithmetic3A_1600 = arith.shrsi %bitcast_convert_type3A_1597, %shift_right_arithmetic3A_1599 : vector<16xi32>
      %sub3A_1601 = arith.constant 127 : i32
      %sub3A_1602 = vector.broadcast %sub3A_1601 : i32 to vector<16xi32>
      %sub3A_1603 = arith.subi %shift_right_arithmetic3A_1600, %sub3A_1602 : vector<16xi32>
      %and3A_1604 = arith.constant 8388607 : i32
      %and3A_1605 = vector.broadcast %and3A_1604 : i32 to vector<16xi32>
      %and3A_1606 = arith.andi %bitcast_convert_type3A_1597, %and3A_1605 : vector<16xi32>
      %or3A_1607 = arith.constant 1065353216 : i32
      %or3A_1608 = vector.broadcast %or3A_1607 : i32 to vector<16xi32>
      %or3A_1609 = arith.ori %and3A_1606, %or3A_1608 : vector<16xi32>
      %bitcast_convert_type3A_1610 = tpu.bitcast %or3A_1609 : vector<16xi32> -> vector<16xf32>
      %ge3A_1611 = arith.constant 1.41421354 : f32
      %ge3A_1612 = vector.broadcast %ge3A_1611 : f32 to vector<16xf32>
      %ge3A_1613 = arith.cmpf oge, %bitcast_convert_type3A_1610, %ge3A_1612 : vector<16xf32>
      %mul3A_1614 = arith.constant 5.000000e-01 : f32
      %mul3A_1615 = vector.broadcast %mul3A_1614 : f32 to vector<16xf32>
      %mul3A_1616 = arith.mulf %bitcast_convert_type3A_1610, %mul3A_1615 : vector<16xf32>
      %select_n3A_1617 = arith.select %ge3A_1613, %mul3A_1616, %bitcast_convert_type3A_1610 : vector<16xi1>, vector<16xf32>
      %convert_element_type3A_1618 = arith.sitofp %sub3A_1603 : vector<16xi32> to vector<16xf32>
      %jit3A_1619 = arith.constant 1.000000e+00 : f32
      %jit3A_1620 = arith.constant 0.000000e+00 : f32
      %broadcast_in_dim3A_1621 = vector.broadcast %jit3A_1619 : f32 to vector<16xf32>
      %broadcast_in_dim3A_1622 = vector.broadcast %jit3A_1620 : f32 to vector<16xf32>
      %select_n3A_1623 = arith.select %ge3A_1613, %broadcast_in_dim3A_1621, %broadcast_in_dim3A_1622 : vector<16xi1>, vector<16xf32>
      %add3A_1624 = arith.addf %convert_element_type3A_1618, %select_n3A_1623 : vector<16xf32>
      %sub3A_1625 = arith.constant 1.000000e+00 : f32
      %sub3A_1626 = vector.broadcast %sub3A_1625 : f32 to vector<16xf32>
      %sub3A_1627 = arith.subf %select_n3A_1617, %sub3A_1626 : vector<16xf32>
      %add3A_1628 = arith.constant 1.000000e+00 : f32
      %add3A_1629 = vector.broadcast %add3A_1628 : f32 to vector<16xf32>
      %add3A_1630 = arith.addf %select_n3A_1617, %add3A_1629 : vector<16xf32>
      %div3A_1631 = arith.divf %sub3A_1627, %add3A_1630 : vector<16xf32>
      %mul3A_1632 = arith.mulf %div3A_1631, %div3A_1631 : vector<16xf32>
      %mul3A_1633 = arith.constant 0.3205989 : f32
      %mul3A_1634 = vector.broadcast %mul3A_1633 : f32 to vector<16xf32>
      %mul3A_1635 = arith.mulf %mul3A_1632, %mul3A_1634 : vector<16xf32>
      %add3A_1636 = arith.constant 0.412198603 : f32
      %add3A_1637 = vector.broadcast %add3A_1636 : f32 to vector<16xf32>
      %add3A_1638 = arith.addf %add3A_1637, %mul3A_1635 : vector<16xf32>
      %mul3A_1639 = arith.mulf %mul3A_1632, %add3A_1638 : vector<16xf32>
      %add3A_1640 = arith.constant 0.577078044 : f32
      %add3A_1641 = vector.broadcast %add3A_1640 : f32 to vector<16xf32>
      %add3A_1642 = arith.addf %add3A_1641, %mul3A_1639 : vector<16xf32>
      %mul3A_1643 = arith.mulf %mul3A_1632, %add3A_1642 : vector<16xf32>
      %add3A_1644 = arith.constant 0.9617967 : f32
      %add3A_1645 = vector.broadcast %add3A_1644 : f32 to vector<16xf32>
      %add3A_1646 = arith.addf %add3A_1645, %mul3A_1643 : vector<16xf32>
      %mul3A_1647 = arith.mulf %mul3A_1632, %add3A_1646 : vector<16xf32>
      %add3A_1648 = arith.constant 2.885390e+00 : f32
      %add3A_1649 = vector.broadcast %add3A_1648 : f32 to vector<16xf32>
      %add3A_1650 = arith.addf %add3A_1649, %mul3A_1647 : vector<16xf32>
      %mul3A_1651 = arith.mulf %div3A_1631, %add3A_1650 : vector<16xf32>
      %add3A_1652 = arith.addf %add3A_1624, %mul3A_1651 : vector<16xf32>
      %neg3A_1653 = arith.constant 0.000000e+00 : f32
      %neg3A_1654 = vector.broadcast %neg3A_1653 : f32 to vector<16xf32>
      %neg3A_1655 = arith.subf %neg3A_1654, %add3A_1652 : vector<16xf32>
      %mul3A_1656 = arith.constant 2.000000e+00 : f32
      %mul3A_1657 = vector.broadcast %mul3A_1656 : f32 to vector<16xf32>
      %mul3A_1658 = arith.mulf %mul3A_1657, %get3A_1531 : vector<16xf32>
      %sub3A_1659 = arith.constant 1.000000e+00 : f32
      %sub3A_1660 = vector.broadcast %sub3A_1659 : f32 to vector<16xf32>
      %sub3A_1661 = arith.subf %mul3A_1658, %sub3A_1660 : vector<16xf32>
      %exp3A_1662 = math.exp %sub3A_1661 : vector<16xf32>
      %mul3A_1663 = arith.mulf %neg3A_1655, %exp3A_1662 : vector<16xf32>
      %ge3A_1664 = arith.cmpf oge, %mul3A_1663, %neg3A_1596 : vector<16xf32>
      %jit3A_1665 = arith.constant 1.000000e+00 : f32
      %jit3A_1666 = arith.constant 0.000000e+00 : f32
      %broadcast_in_dim3A_1667 = vector.broadcast %jit3A_1665 : f32 to vector<16xf32>
      %broadcast_in_dim3A_1668 = vector.broadcast %jit3A_1666 : f32 to vector<16xf32>
      %select_n3A_1669 = arith.select %ge3A_1664, %broadcast_in_dim3A_1667, %broadcast_in_dim3A_1668 : vector<16xi1>, vector<16xf32>
      %get3A_1670 = arith.index_cast %mul3A_1385 : i32 to index
      %get3A_1671 = tpu.vector_load %arg15[%get3A_1670] {strides = array<i32>} : memref<256xf32, #tpu.memory_space<vmem>>, vector<16xf32>,
      %get3A_1672 = vector.shape_cast %get3A_1671 : vector<16xf32> to vector<16xf32>
      %mul3A_1673 = arith.mulf %select_n3A_1528, %get3A_1672 : vector<16xf32>
      %mul3A_1674 = arith.mulf %select_n3A_1669, %sub3A_680 : vector<16xf32>
      %add3A_1675 = vector.broadcast %mul3A_1385 : i32 to vector<16xi32>
      %add3A_1676 = arith.addi %iota3A, %add3A_1675 : vector<16xi32>
      %lt3A = vector.broadcast %add3A_516 : i32 to vector<16xi32>
      %lt3A_1677 = arith.cmpi slt, %add3A_1676, %lt3A : vector<16xi32>
      %jit3A_1678 = arith.constant 0.000000e+00 : f32
      %broadcast_in_dim3A_1679 = vector.broadcast %jit3A_1678 : f32 to vector<16xf32>
      %select_n3A_1680 = arith.select %lt3A_1677, %mul3A_1674, %broadcast_in_dim3A_1679 : vector<16xi1>, vector<16xf32>
      %sub3A_1681 = arith.constant 1.000000e+00 : f32
      %sub3A_1682 = vector.broadcast %sub3A_1681 : f32 to vector<16xf32>
      %sub3A_1683 = arith.subf %sub3A_1682, %select_n3A_1680 : vector<16xf32>
      %eq3A = vector.broadcast %add3A_516 : i32 to vector<16xi32>
      %eq3A_1684 = arith.cmpi eq, %add3A_1676, %eq3A : vector<16xi32>
      %mul3A_1685 = arith.mulf %mul3A_1673, %sub3A_1683 : vector<16xf32>
      %jit3A_1686 = arith.constant 0.000000e+00 : f32
      %broadcast_in_dim3A_1687 = vector.broadcast %jit3A_1686 : f32 to vector<16xf32>
      %select_n3A_1688 = arith.select %eq3A_1684, %broadcast_in_dim3A_1687, %mul3A_1685 : vector<16xi1>, vector<16xf32>
      %swap3A_1689 = arith.index_cast %add3A_1387 : i32 to index
      %swap3A_1690 = tpu.vector_load %arg22[%swap3A_1689] {strides = array<i32>} : memref<2048xf32, #tpu.memory_space<vmem>>, vector<16xf32>,
      %swap3A_1691 = vector.shape_cast %swap3A_1690 : vector<16xf32> to vector<16xf32>
      %swap3A_1692 = vector.shape_cast %select_n3A_1688 : vector<16xf32> to vector<16xf32>
      tpu.vector_store %arg22[%swap3A_1689], %swap3A_1692 {strides = array<i32>} : memref<2048xf32, #tpu.memory_space<vmem>>, vector<16xf32>,
    }
    %scan3A_686 = arith.constant 16 : i32
    %mul3A_687 = arith.constant 8 : i32
    %mul3A_688 = arith.muli %add3A, %mul3A_687 : i32
    %add3A_689 = arith.constant 4 : i32
    %add3A_690 = arith.addi %mul3A_688, %add3A_689 : i32
    %broadcast_in_dim3A_691 = arith.constant 0 : i32
    %broadcast_in_dim3A_692 = vector.broadcast %broadcast_in_dim3A_691 : i32 to vector<16xi32>
    %add3A_693 = vector.broadcast %add3A_690 : i32 to vector<16xi32>
    %add3A_694 = arith.addi %broadcast_in_dim3A_692, %add3A_693 : vector<16xi32>
    %swap3A_695 = arith.constant 0 : index
    %swap3A_696 = tpu.vector_load %arg23[%swap3A_695] {strides = array<i32>} : memref<16xi32, #tpu.memory_space<vmem>>, vector<16xi32>,
    %swap3A_697 = vector.shape_cast %swap3A_696 : vector<16xi32> to vector<16xi32>
    %swap3A_698 = vector.shape_cast %add3A_694 : vector<16xi32> to vector<16xi32>
    tpu.vector_store %arg23[%swap3A_695], %swap3A_698 {strides = array<i32>} : memref<16xi32, #tpu.memory_space<vmem>>, vector<16xi32>,
    %dma_start3A_699 = arith.constant 0 : i32
    %dma_start3A_700 = tpu.memref_slice %arg2[%dma_start3A_699] : memref<256xf32, #tpu.memory_space<hbm>> -> memref<256xf32, #tpu.memory_space<hbm>>
    tpu.enqueue_indirect_dma source(%dma_start3A_700 : memref<256xf32, #tpu.memory_space<hbm>>) target(%arg24 : memref<16xf32, #tpu.memory_space<vmem>>) offsets(%arg23 : memref<16xi32, #tpu.memory_space<vmem>>) semaphore(%arg27 : memref<!tpu.dma_semaphore, #tpu.memory_space<semaphore_mem>>)
    %dma_wait3A_701 = arith.constant 0 : i32
    %dma_wait3A_702 = tpu.memref_slice %arg2[%dma_wait3A_701] : memref<256xf32, #tpu.memory_space<hbm>> -> memref<256xf32, #tpu.memory_space<hbm>>
    tpu.wait_indirect_dma semaphore(%arg27 : memref<!tpu.dma_semaphore, #tpu.memory_space<semaphore_mem>>) src(%dma_wait3A_702 : memref<256xf32, #tpu.memory_space<hbm>>) dst(%arg24 : memref<16xf32, #tpu.memory_space<vmem>>)
    %dma_start3A_703 = arith.constant 0 : i32
    %dma_start3A_704 = tpu.memref_slice %arg3[%dma_start3A_703] : memref<256xf32, #tpu.memory_space<hbm>> -> memref<256xf32, #tpu.memory_space<hbm>>
    tpu.enqueue_indirect_dma source(%dma_start3A_704 : memref<256xf32, #tpu.memory_space<hbm>>) target(%arg25 : memref<16xf32, #tpu.memory_space<vmem>>) offsets(%arg23 : memref<16xi32, #tpu.memory_space<vmem>>) semaphore(%arg27 : memref<!tpu.dma_semaphore, #tpu.memory_space<semaphore_mem>>)
    %dma_wait3A_705 = arith.constant 0 : i32
    %dma_wait3A_706 = tpu.memref_slice %arg3[%dma_wait3A_705] : memref<256xf32, #tpu.memory_space<hbm>> -> memref<256xf32, #tpu.memory_space<hbm>>
    tpu.wait_indirect_dma semaphore(%arg27 : memref<!tpu.dma_semaphore, #tpu.memory_space<semaphore_mem>>) src(%dma_wait3A_706 : memref<256xf32, #tpu.memory_space<hbm>>) dst(%arg25 : memref<16xf32, #tpu.memory_space<vmem>>)
    %dma_start3A_707 = arith.constant 0 : i32
    %dma_start3A_708 = tpu.memref_slice %arg4[%dma_start3A_707] : memref<256xf32, #tpu.memory_space<hbm>> -> memref<256xf32, #tpu.memory_space<hbm>>
    tpu.enqueue_indirect_dma source(%dma_start3A_708 : memref<256xf32, #tpu.memory_space<hbm>>) target(%arg26 : memref<16xf32, #tpu.memory_space<vmem>>) offsets(%arg23 : memref<16xi32, #tpu.memory_space<vmem>>) semaphore(%arg27 : memref<!tpu.dma_semaphore, #tpu.memory_space<semaphore_mem>>)
    %dma_wait3A_709 = arith.constant 0 : i32
    %dma_wait3A_710 = tpu.memref_slice %arg4[%dma_wait3A_709] : memref<256xf32, #tpu.memory_space<hbm>> -> memref<256xf32, #tpu.memory_space<hbm>>
    tpu.wait_indirect_dma semaphore(%arg27 : memref<!tpu.dma_semaphore, #tpu.memory_space<semaphore_mem>>) src(%dma_wait3A_710 : memref<256xf32, #tpu.memory_space<hbm>>) dst(%arg26 : memref<16xf32, #tpu.memory_space<vmem>>)
    %get3A_711 = arith.constant 0 : index
    %get3A_712 = tpu.vector_load %arg24[%get3A_711] {strides = array<i32>} : memref<16xf32, #tpu.memory_space<vmem>>, vector<16xf32>,
    %get3A_713 = vector.shape_cast %get3A_712 : vector<16xf32> to vector<16xf32>
    %get3A_714 = arith.constant 0 : index
    %get3A_715 = tpu.vector_load %arg25[%get3A_714] {strides = array<i32>} : memref<16xf32, #tpu.memory_space<vmem>>, vector<16xf32>,
    %get3A_716 = vector.shape_cast %get3A_715 : vector<16xf32> to vector<16xf32>
    %get3A_717 = arith.constant 0 : index
    %get3A_718 = tpu.vector_load %arg26[%get3A_717] {strides = array<i32>} : memref<16xf32, #tpu.memory_space<vmem>>, vector<16xf32>,
    %get3A_719 = vector.shape_cast %get3A_718 : vector<16xf32> to vector<16xf32>
    %bitcast_convert_type3A_720 = tpu.bitcast %get3A_716 : vector<16xf32> -> vector<16xi32>
    %shift_right_arithmetic3A_721 = arith.constant 23 : i32
    %shift_right_arithmetic3A_722 = vector.broadcast %shift_right_arithmetic3A_721 : i32 to vector<16xi32>
    %shift_right_arithmetic3A_723 = arith.shrsi %bitcast_convert_type3A_720, %shift_right_arithmetic3A_722 : vector<16xi32>
    %sub3A_724 = arith.constant 127 : i32
    %sub3A_725 = vector.broadcast %sub3A_724 : i32 to vector<16xi32>
    %sub3A_726 = arith.subi %shift_right_arithmetic3A_723, %sub3A_725 : vector<16xi32>
    %and3A_727 = arith.constant 8388607 : i32
    %and3A_728 = vector.broadcast %and3A_727 : i32 to vector<16xi32>
    %and3A_729 = arith.andi %bitcast_convert_type3A_720, %and3A_728 : vector<16xi32>
    %or3A_730 = arith.constant 1065353216 : i32
    %or3A_731 = vector.broadcast %or3A_730 : i32 to vector<16xi32>
    %or3A_732 = arith.ori %and3A_729, %or3A_731 : vector<16xi32>
    %bitcast_convert_type3A_733 = tpu.bitcast %or3A_732 : vector<16xi32> -> vector<16xf32>
    %ge3A_734 = arith.constant 1.41421354 : f32
    %ge3A_735 = vector.broadcast %ge3A_734 : f32 to vector<16xf32>
    %ge3A_736 = arith.cmpf oge, %bitcast_convert_type3A_733, %ge3A_735 : vector<16xf32>
    %mul3A_737 = arith.constant 5.000000e-01 : f32
    %mul3A_738 = vector.broadcast %mul3A_737 : f32 to vector<16xf32>
    %mul3A_739 = arith.mulf %bitcast_convert_type3A_733, %mul3A_738 : vector<16xf32>
    %select_n3A_740 = arith.select %ge3A_736, %mul3A_739, %bitcast_convert_type3A_733 : vector<16xi1>, vector<16xf32>
    %convert_element_type3A_741 = arith.sitofp %sub3A_726 : vector<16xi32> to vector<16xf32>
    %jit3A_742 = arith.constant 1.000000e+00 : f32
    %jit3A_743 = arith.constant 0.000000e+00 : f32
    %broadcast_in_dim3A_744 = vector.broadcast %jit3A_742 : f32 to vector<16xf32>
    %broadcast_in_dim3A_745 = vector.broadcast %jit3A_743 : f32 to vector<16xf32>
    %select_n3A_746 = arith.select %ge3A_736, %broadcast_in_dim3A_744, %broadcast_in_dim3A_745 : vector<16xi1>, vector<16xf32>
    %add3A_747 = arith.addf %convert_element_type3A_741, %select_n3A_746 : vector<16xf32>
    %sub3A_748 = arith.constant 1.000000e+00 : f32
    %sub3A_749 = vector.broadcast %sub3A_748 : f32 to vector<16xf32>
    %sub3A_750 = arith.subf %select_n3A_740, %sub3A_749 : vector<16xf32>
    %add3A_751 = arith.constant 1.000000e+00 : f32
    %add3A_752 = vector.broadcast %add3A_751 : f32 to vector<16xf32>
    %add3A_753 = arith.addf %select_n3A_740, %add3A_752 : vector<16xf32>
    %div3A_754 = arith.divf %sub3A_750, %add3A_753 : vector<16xf32>
    %mul3A_755 = arith.mulf %div3A_754, %div3A_754 : vector<16xf32>
    %mul3A_756 = arith.constant 0.3205989 : f32
    %mul3A_757 = vector.broadcast %mul3A_756 : f32 to vector<16xf32>
    %mul3A_758 = arith.mulf %mul3A_755, %mul3A_757 : vector<16xf32>
    %add3A_759 = arith.constant 0.412198603 : f32
    %add3A_760 = vector.broadcast %add3A_759 : f32 to vector<16xf32>
    %add3A_761 = arith.addf %add3A_760, %mul3A_758 : vector<16xf32>
    %mul3A_762 = arith.mulf %mul3A_755, %add3A_761 : vector<16xf32>
    %add3A_763 = arith.constant 0.577078044 : f32
    %add3A_764 = vector.broadcast %add3A_763 : f32 to vector<16xf32>
    %add3A_765 = arith.addf %add3A_764, %mul3A_762 : vector<16xf32>
    %mul3A_766 = arith.mulf %mul3A_755, %add3A_765 : vector<16xf32>
    %add3A_767 = arith.constant 0.9617967 : f32
    %add3A_768 = vector.broadcast %add3A_767 : f32 to vector<16xf32>
    %add3A_769 = arith.addf %add3A_768, %mul3A_766 : vector<16xf32>
    %mul3A_770 = arith.mulf %mul3A_755, %add3A_769 : vector<16xf32>
    %add3A_771 = arith.constant 2.885390e+00 : f32
    %add3A_772 = vector.broadcast %add3A_771 : f32 to vector<16xf32>
    %add3A_773 = arith.addf %add3A_772, %mul3A_770 : vector<16xf32>
    %mul3A_774 = arith.mulf %div3A_754, %add3A_773 : vector<16xf32>
    %add3A_775 = arith.addf %add3A_747, %mul3A_774 : vector<16xf32>
    %neg3A_776 = arith.constant 0.000000e+00 : f32
    %neg3A_777 = vector.broadcast %neg3A_776 : f32 to vector<16xf32>
    %neg3A_778 = arith.subf %neg3A_777, %add3A_775 : vector<16xf32>
    %bitcast_convert_type3A_779 = tpu.bitcast %get3A_719 : vector<16xf32> -> vector<16xi32>
    %shift_right_arithmetic3A_780 = arith.constant 23 : i32
    %shift_right_arithmetic3A_781 = vector.broadcast %shift_right_arithmetic3A_780 : i32 to vector<16xi32>
    %shift_right_arithmetic3A_782 = arith.shrsi %bitcast_convert_type3A_779, %shift_right_arithmetic3A_781 : vector<16xi32>
    %sub3A_783 = arith.constant 127 : i32
    %sub3A_784 = vector.broadcast %sub3A_783 : i32 to vector<16xi32>
    %sub3A_785 = arith.subi %shift_right_arithmetic3A_782, %sub3A_784 : vector<16xi32>
    %and3A_786 = arith.constant 8388607 : i32
    %and3A_787 = vector.broadcast %and3A_786 : i32 to vector<16xi32>
    %and3A_788 = arith.andi %bitcast_convert_type3A_779, %and3A_787 : vector<16xi32>
    %or3A_789 = arith.constant 1065353216 : i32
    %or3A_790 = vector.broadcast %or3A_789 : i32 to vector<16xi32>
    %or3A_791 = arith.ori %and3A_788, %or3A_790 : vector<16xi32>
    %bitcast_convert_type3A_792 = tpu.bitcast %or3A_791 : vector<16xi32> -> vector<16xf32>
    %ge3A_793 = arith.constant 1.41421354 : f32
    %ge3A_794 = vector.broadcast %ge3A_793 : f32 to vector<16xf32>
    %ge3A_795 = arith.cmpf oge, %bitcast_convert_type3A_792, %ge3A_794 : vector<16xf32>
    %mul3A_796 = arith.constant 5.000000e-01 : f32
    %mul3A_797 = vector.broadcast %mul3A_796 : f32 to vector<16xf32>
    %mul3A_798 = arith.mulf %bitcast_convert_type3A_792, %mul3A_797 : vector<16xf32>
    %select_n3A_799 = arith.select %ge3A_795, %mul3A_798, %bitcast_convert_type3A_792 : vector<16xi1>, vector<16xf32>
    %convert_element_type3A_800 = arith.sitofp %sub3A_785 : vector<16xi32> to vector<16xf32>
    %jit3A_801 = arith.constant 1.000000e+00 : f32
    %jit3A_802 = arith.constant 0.000000e+00 : f32
    %broadcast_in_dim3A_803 = vector.broadcast %jit3A_801 : f32 to vector<16xf32>
    %broadcast_in_dim3A_804 = vector.broadcast %jit3A_802 : f32 to vector<16xf32>
    %select_n3A_805 = arith.select %ge3A_795, %broadcast_in_dim3A_803, %broadcast_in_dim3A_804 : vector<16xi1>, vector<16xf32>
    %add3A_806 = arith.addf %convert_element_type3A_800, %select_n3A_805 : vector<16xf32>
    %sub3A_807 = arith.constant 1.000000e+00 : f32
    %sub3A_808 = vector.broadcast %sub3A_807 : f32 to vector<16xf32>
    %sub3A_809 = arith.subf %select_n3A_799, %sub3A_808 : vector<16xf32>
    %add3A_810 = arith.constant 1.000000e+00 : f32
    %add3A_811 = vector.broadcast %add3A_810 : f32 to vector<16xf32>
    %add3A_812 = arith.addf %select_n3A_799, %add3A_811 : vector<16xf32>
    %div3A_813 = arith.divf %sub3A_809, %add3A_812 : vector<16xf32>
    %mul3A_814 = arith.mulf %div3A_813, %div3A_813 : vector<16xf32>
    %mul3A_815 = arith.constant 0.3205989 : f32
    %mul3A_816 = vector.broadcast %mul3A_815 : f32 to vector<16xf32>
    %mul3A_817 = arith.mulf %mul3A_814, %mul3A_816 : vector<16xf32>
    %add3A_818 = arith.constant 0.412198603 : f32
    %add3A_819 = vector.broadcast %add3A_818 : f32 to vector<16xf32>
    %add3A_820 = arith.addf %add3A_819, %mul3A_817 : vector<16xf32>
    %mul3A_821 = arith.mulf %mul3A_814, %add3A_820 : vector<16xf32>
    %add3A_822 = arith.constant 0.577078044 : f32
    %add3A_823 = vector.broadcast %add3A_822 : f32 to vector<16xf32>
    %add3A_824 = arith.addf %add3A_823, %mul3A_821 : vector<16xf32>
    %mul3A_825 = arith.mulf %mul3A_814, %add3A_824 : vector<16xf32>
    %add3A_826 = arith.constant 0.9617967 : f32
    %add3A_827 = vector.broadcast %add3A_826 : f32 to vector<16xf32>
    %add3A_828 = arith.addf %add3A_827, %mul3A_825 : vector<16xf32>
    %mul3A_829 = arith.mulf %mul3A_814, %add3A_828 : vector<16xf32>
    %add3A_830 = arith.constant 2.885390e+00 : f32
    %add3A_831 = vector.broadcast %add3A_830 : f32 to vector<16xf32>
    %add3A_832 = arith.addf %add3A_831, %mul3A_829 : vector<16xf32>
    %mul3A_833 = arith.mulf %div3A_813, %add3A_832 : vector<16xf32>
    %add3A_834 = arith.addf %add3A_806, %mul3A_833 : vector<16xf32>
    %neg3A_835 = arith.constant 0.000000e+00 : f32
    %neg3A_836 = vector.broadcast %neg3A_835 : f32 to vector<16xf32>
    %neg3A_837 = arith.subf %neg3A_836, %add3A_834 : vector<16xf32>
    %mul3A_838 = arith.constant 2.000000e+00 : f32
    %mul3A_839 = vector.broadcast %mul3A_838 : f32 to vector<16xf32>
    %mul3A_840 = arith.mulf %mul3A_839, %get3A_713 : vector<16xf32>
    %sub3A_841 = arith.constant 1.000000e+00 : f32
    %sub3A_842 = vector.broadcast %sub3A_841 : f32 to vector<16xf32>
    %sub3A_843 = arith.subf %mul3A_840, %sub3A_842 : vector<16xf32>
    %exp3A_844 = math.exp %sub3A_843 : vector<16xf32>
    %mul3A_845 = arith.mulf %neg3A_837, %exp3A_844 : vector<16xf32>
    %ge3A_846 = arith.cmpf oge, %mul3A_845, %neg3A_778 : vector<16xf32>
    %jit3A_847 = arith.constant 1.000000e+00 : f32
    %jit3A_848 = arith.constant 0.000000e+00 : f32
    %broadcast_in_dim3A_849 = vector.broadcast %jit3A_847 : f32 to vector<16xf32>
    %broadcast_in_dim3A_850 = vector.broadcast %jit3A_848 : f32 to vector<16xf32>
    %select_n3A_851 = arith.select %ge3A_846, %broadcast_in_dim3A_849, %broadcast_in_dim3A_850 : vector<16xi1>, vector<16xf32>
    %sub3A_852 = arith.constant 1.000000e+00 : f32
    %sub3A_853 = vector.broadcast %sub3A_852 : f32 to vector<16xf32>
    %sub3A_854 = arith.subf %sub3A_853, %select_n3A_851 : vector<16xf32>
    %scan3A_855 = arith.constant 0 : i32
    %scan3A_856 = arith.constant 0 : i32
    %scan3A_857 = arith.constant 16 : i32
    %scan3A_858 = arith.addi %scan3A_856, %scan3A_857 : i32
    %scan3A_859 = arith.constant 1 : i32
    scf.for %scan3A_1383 = %scan3A_856 to %scan3A_858 step %scan3A_859  : i32 {
      %mul3A_1384 = arith.constant 16 : i32
      %mul3A_1385 = arith.muli %scan3A_1383, %mul3A_1384 : i32
      %add3A_1386 = arith.constant 1024 : i32
      %add3A_1387 = arith.addi %add3A_1386, %mul3A_1385 : i32
      %get3A_1388 = arith.index_cast %add3A_1387 : i32 to index
      %get3A_1389 = tpu.vector_load %arg16[%get3A_1388] {strides = array<i32>} : memref<2048xf32, #tpu.memory_space<vmem>>, vector<16xf32>,
      %get3A_1390 = vector.shape_cast %get3A_1389 : vector<16xf32> to vector<16xf32>
      %get3A_1391 = arith.index_cast %add3A_1387 : i32 to index
      %get3A_1392 = tpu.vector_load %arg17[%get3A_1391] {strides = array<i32>} : memref<2048xf32, #tpu.memory_space<vmem>>, vector<16xf32>,
      %get3A_1393 = vector.shape_cast %get3A_1392 : vector<16xf32> to vector<16xf32>
      %get3A_1394 = arith.index_cast %add3A_1387 : i32 to index
      %get3A_1395 = tpu.vector_load %arg18[%get3A_1394] {strides = array<i32>} : memref<2048xf32, #tpu.memory_space<vmem>>, vector<16xf32>,
      %get3A_1396 = vector.shape_cast %get3A_1395 : vector<16xf32> to vector<16xf32>
      %bitcast_convert_type3A_1397 = tpu.bitcast %get3A_1393 : vector<16xf32> -> vector<16xi32>
      %shift_right_arithmetic3A_1398 = arith.constant 23 : i32
      %shift_right_arithmetic3A_1399 = vector.broadcast %shift_right_arithmetic3A_1398 : i32 to vector<16xi32>
      %shift_right_arithmetic3A_1400 = arith.shrsi %bitcast_convert_type3A_1397, %shift_right_arithmetic3A_1399 : vector<16xi32>
      %sub3A_1401 = arith.constant 127 : i32
      %sub3A_1402 = vector.broadcast %sub3A_1401 : i32 to vector<16xi32>
      %sub3A_1403 = arith.subi %shift_right_arithmetic3A_1400, %sub3A_1402 : vector<16xi32>
      %and3A_1404 = arith.constant 8388607 : i32
      %and3A_1405 = vector.broadcast %and3A_1404 : i32 to vector<16xi32>
      %and3A_1406 = arith.andi %bitcast_convert_type3A_1397, %and3A_1405 : vector<16xi32>
      %or3A_1407 = arith.constant 1065353216 : i32
      %or3A_1408 = vector.broadcast %or3A_1407 : i32 to vector<16xi32>
      %or3A_1409 = arith.ori %and3A_1406, %or3A_1408 : vector<16xi32>
      %bitcast_convert_type3A_1410 = tpu.bitcast %or3A_1409 : vector<16xi32> -> vector<16xf32>
      %ge3A_1411 = arith.constant 1.41421354 : f32
      %ge3A_1412 = vector.broadcast %ge3A_1411 : f32 to vector<16xf32>
      %ge3A_1413 = arith.cmpf oge, %bitcast_convert_type3A_1410, %ge3A_1412 : vector<16xf32>
      %mul3A_1414 = arith.constant 5.000000e-01 : f32
      %mul3A_1415 = vector.broadcast %mul3A_1414 : f32 to vector<16xf32>
      %mul3A_1416 = arith.mulf %bitcast_convert_type3A_1410, %mul3A_1415 : vector<16xf32>
      %select_n3A_1417 = arith.select %ge3A_1413, %mul3A_1416, %bitcast_convert_type3A_1410 : vector<16xi1>, vector<16xf32>
      %convert_element_type3A_1418 = arith.sitofp %sub3A_1403 : vector<16xi32> to vector<16xf32>
      %jit3A_1419 = arith.constant 1.000000e+00 : f32
      %jit3A_1420 = arith.constant 0.000000e+00 : f32
      %broadcast_in_dim3A_1421 = vector.broadcast %jit3A_1419 : f32 to vector<16xf32>
      %broadcast_in_dim3A_1422 = vector.broadcast %jit3A_1420 : f32 to vector<16xf32>
      %select_n3A_1423 = arith.select %ge3A_1413, %broadcast_in_dim3A_1421, %broadcast_in_dim3A_1422 : vector<16xi1>, vector<16xf32>
      %add3A_1424 = arith.addf %convert_element_type3A_1418, %select_n3A_1423 : vector<16xf32>
      %sub3A_1425 = arith.constant 1.000000e+00 : f32
      %sub3A_1426 = vector.broadcast %sub3A_1425 : f32 to vector<16xf32>
      %sub3A_1427 = arith.subf %select_n3A_1417, %sub3A_1426 : vector<16xf32>
      %add3A_1428 = arith.constant 1.000000e+00 : f32
      %add3A_1429 = vector.broadcast %add3A_1428 : f32 to vector<16xf32>
      %add3A_1430 = arith.addf %select_n3A_1417, %add3A_1429 : vector<16xf32>
      %div3A_1431 = arith.divf %sub3A_1427, %add3A_1430 : vector<16xf32>
      %mul3A_1432 = arith.mulf %div3A_1431, %div3A_1431 : vector<16xf32>
      %mul3A_1433 = arith.constant 0.3205989 : f32
      %mul3A_1434 = vector.broadcast %mul3A_1433 : f32 to vector<16xf32>
      %mul3A_1435 = arith.mulf %mul3A_1432, %mul3A_1434 : vector<16xf32>
      %add3A_1436 = arith.constant 0.412198603 : f32
      %add3A_1437 = vector.broadcast %add3A_1436 : f32 to vector<16xf32>
      %add3A_1438 = arith.addf %add3A_1437, %mul3A_1435 : vector<16xf32>
      %mul3A_1439 = arith.mulf %mul3A_1432, %add3A_1438 : vector<16xf32>
      %add3A_1440 = arith.constant 0.577078044 : f32
      %add3A_1441 = vector.broadcast %add3A_1440 : f32 to vector<16xf32>
      %add3A_1442 = arith.addf %add3A_1441, %mul3A_1439 : vector<16xf32>
      %mul3A_1443 = arith.mulf %mul3A_1432, %add3A_1442 : vector<16xf32>
      %add3A_1444 = arith.constant 0.9617967 : f32
      %add3A_1445 = vector.broadcast %add3A_1444 : f32 to vector<16xf32>
      %add3A_1446 = arith.addf %add3A_1445, %mul3A_1443 : vector<16xf32>
      %mul3A_1447 = arith.mulf %mul3A_1432, %add3A_1446 : vector<16xf32>
      %add3A_1448 = arith.constant 2.885390e+00 : f32
      %add3A_1449 = vector.broadcast %add3A_1448 : f32 to vector<16xf32>
      %add3A_1450 = arith.addf %add3A_1449, %mul3A_1447 : vector<16xf32>
      %mul3A_1451 = arith.mulf %div3A_1431, %add3A_1450 : vector<16xf32>
      %add3A_1452 = arith.addf %add3A_1424, %mul3A_1451 : vector<16xf32>
      %neg3A_1453 = arith.constant 0.000000e+00 : f32
      %neg3A_1454 = vector.broadcast %neg3A_1453 : f32 to vector<16xf32>
      %neg3A_1455 = arith.subf %neg3A_1454, %add3A_1452 : vector<16xf32>
      %bitcast_convert_type3A_1456 = tpu.bitcast %get3A_1396 : vector<16xf32> -> vector<16xi32>
      %shift_right_arithmetic3A_1457 = arith.constant 23 : i32
      %shift_right_arithmetic3A_1458 = vector.broadcast %shift_right_arithmetic3A_1457 : i32 to vector<16xi32>
      %shift_right_arithmetic3A_1459 = arith.shrsi %bitcast_convert_type3A_1456, %shift_right_arithmetic3A_1458 : vector<16xi32>
      %sub3A_1460 = arith.constant 127 : i32
      %sub3A_1461 = vector.broadcast %sub3A_1460 : i32 to vector<16xi32>
      %sub3A_1462 = arith.subi %shift_right_arithmetic3A_1459, %sub3A_1461 : vector<16xi32>
      %and3A_1463 = arith.constant 8388607 : i32
      %and3A_1464 = vector.broadcast %and3A_1463 : i32 to vector<16xi32>
      %and3A_1465 = arith.andi %bitcast_convert_type3A_1456, %and3A_1464 : vector<16xi32>
      %or3A_1466 = arith.constant 1065353216 : i32
      %or3A_1467 = vector.broadcast %or3A_1466 : i32 to vector<16xi32>
      %or3A_1468 = arith.ori %and3A_1465, %or3A_1467 : vector<16xi32>
      %bitcast_convert_type3A_1469 = tpu.bitcast %or3A_1468 : vector<16xi32> -> vector<16xf32>
      %ge3A_1470 = arith.constant 1.41421354 : f32
      %ge3A_1471 = vector.broadcast %ge3A_1470 : f32 to vector<16xf32>
      %ge3A_1472 = arith.cmpf oge, %bitcast_convert_type3A_1469, %ge3A_1471 : vector<16xf32>
      %mul3A_1473 = arith.constant 5.000000e-01 : f32
      %mul3A_1474 = vector.broadcast %mul3A_1473 : f32 to vector<16xf32>
      %mul3A_1475 = arith.mulf %bitcast_convert_type3A_1469, %mul3A_1474 : vector<16xf32>
      %select_n3A_1476 = arith.select %ge3A_1472, %mul3A_1475, %bitcast_convert_type3A_1469 : vector<16xi1>, vector<16xf32>
      %convert_element_type3A_1477 = arith.sitofp %sub3A_1462 : vector<16xi32> to vector<16xf32>
      %jit3A_1478 = arith.constant 1.000000e+00 : f32
      %jit3A_1479 = arith.constant 0.000000e+00 : f32
      %broadcast_in_dim3A_1480 = vector.broadcast %jit3A_1478 : f32 to vector<16xf32>
      %broadcast_in_dim3A_1481 = vector.broadcast %jit3A_1479 : f32 to vector<16xf32>
      %select_n3A_1482 = arith.select %ge3A_1472, %broadcast_in_dim3A_1480, %broadcast_in_dim3A_1481 : vector<16xi1>, vector<16xf32>
      %add3A_1483 = arith.addf %convert_element_type3A_1477, %select_n3A_1482 : vector<16xf32>
      %sub3A_1484 = arith.constant 1.000000e+00 : f32
      %sub3A_1485 = vector.broadcast %sub3A_1484 : f32 to vector<16xf32>
      %sub3A_1486 = arith.subf %select_n3A_1476, %sub3A_1485 : vector<16xf32>
      %add3A_1487 = arith.constant 1.000000e+00 : f32
      %add3A_1488 = vector.broadcast %add3A_1487 : f32 to vector<16xf32>
      %add3A_1489 = arith.addf %select_n3A_1476, %add3A_1488 : vector<16xf32>
      %div3A_1490 = arith.divf %sub3A_1486, %add3A_1489 : vector<16xf32>
      %mul3A_1491 = arith.mulf %div3A_1490, %div3A_1490 : vector<16xf32>
      %mul3A_1492 = arith.constant 0.3205989 : f32
      %mul3A_1493 = vector.broadcast %mul3A_1492 : f32 to vector<16xf32>
      %mul3A_1494 = arith.mulf %mul3A_1491, %mul3A_1493 : vector<16xf32>
      %add3A_1495 = arith.constant 0.412198603 : f32
      %add3A_1496 = vector.broadcast %add3A_1495 : f32 to vector<16xf32>
      %add3A_1497 = arith.addf %add3A_1496, %mul3A_1494 : vector<16xf32>
      %mul3A_1498 = arith.mulf %mul3A_1491, %add3A_1497 : vector<16xf32>
      %add3A_1499 = arith.constant 0.577078044 : f32
      %add3A_1500 = vector.broadcast %add3A_1499 : f32 to vector<16xf32>
      %add3A_1501 = arith.addf %add3A_1500, %mul3A_1498 : vector<16xf32>
      %mul3A_1502 = arith.mulf %mul3A_1491, %add3A_1501 : vector<16xf32>
      %add3A_1503 = arith.constant 0.9617967 : f32
      %add3A_1504 = vector.broadcast %add3A_1503 : f32 to vector<16xf32>
      %add3A_1505 = arith.addf %add3A_1504, %mul3A_1502 : vector<16xf32>
      %mul3A_1506 = arith.mulf %mul3A_1491, %add3A_1505 : vector<16xf32>
      %add3A_1507 = arith.constant 2.885390e+00 : f32
      %add3A_1508 = vector.broadcast %add3A_1507 : f32 to vector<16xf32>
      %add3A_1509 = arith.addf %add3A_1508, %mul3A_1506 : vector<16xf32>
      %mul3A_1510 = arith.mulf %div3A_1490, %add3A_1509 : vector<16xf32>
      %add3A_1511 = arith.addf %add3A_1483, %mul3A_1510 : vector<16xf32>
      %neg3A_1512 = arith.constant 0.000000e+00 : f32
      %neg3A_1513 = vector.broadcast %neg3A_1512 : f32 to vector<16xf32>
      %neg3A_1514 = arith.subf %neg3A_1513, %add3A_1511 : vector<16xf32>
      %mul3A_1515 = arith.constant 2.000000e+00 : f32
      %mul3A_1516 = vector.broadcast %mul3A_1515 : f32 to vector<16xf32>
      %mul3A_1517 = arith.mulf %mul3A_1516, %get3A_1390 : vector<16xf32>
      %sub3A_1518 = arith.constant 1.000000e+00 : f32
      %sub3A_1519 = vector.broadcast %sub3A_1518 : f32 to vector<16xf32>
      %sub3A_1520 = arith.subf %mul3A_1517, %sub3A_1519 : vector<16xf32>
      %exp3A_1521 = math.exp %sub3A_1520 : vector<16xf32>
      %mul3A_1522 = arith.mulf %neg3A_1514, %exp3A_1521 : vector<16xf32>
      %ge3A_1523 = arith.cmpf oge, %mul3A_1522, %neg3A_1455 : vector<16xf32>
      %jit3A_1524 = arith.constant 1.000000e+00 : f32
      %jit3A_1525 = arith.constant 0.000000e+00 : f32
      %broadcast_in_dim3A_1526 = vector.broadcast %jit3A_1524 : f32 to vector<16xf32>
      %broadcast_in_dim3A_1527 = vector.broadcast %jit3A_1525 : f32 to vector<16xf32>
      %select_n3A_1528 = arith.select %ge3A_1523, %broadcast_in_dim3A_1526, %broadcast_in_dim3A_1527 : vector<16xi1>, vector<16xf32>
      %get3A_1529 = arith.index_cast %add3A_1387 : i32 to index
      %get3A_1530 = tpu.vector_load %arg19[%get3A_1529] {strides = array<i32>} : memref<2048xf32, #tpu.memory_space<vmem>>, vector<16xf32>,
      %get3A_1531 = vector.shape_cast %get3A_1530 : vector<16xf32> to vector<16xf32>
      %get3A_1532 = arith.index_cast %add3A_1387 : i32 to index
      %get3A_1533 = tpu.vector_load %arg20[%get3A_1532] {strides = array<i32>} : memref<2048xf32, #tpu.memory_space<vmem>>, vector<16xf32>,
      %get3A_1534 = vector.shape_cast %get3A_1533 : vector<16xf32> to vector<16xf32>
      %get3A_1535 = arith.index_cast %add3A_1387 : i32 to index
      %get3A_1536 = tpu.vector_load %arg21[%get3A_1535] {strides = array<i32>} : memref<2048xf32, #tpu.memory_space<vmem>>, vector<16xf32>,
      %get3A_1537 = vector.shape_cast %get3A_1536 : vector<16xf32> to vector<16xf32>
      %bitcast_convert_type3A_1538 = tpu.bitcast %get3A_1534 : vector<16xf32> -> vector<16xi32>
      %shift_right_arithmetic3A_1539 = arith.constant 23 : i32
      %shift_right_arithmetic3A_1540 = vector.broadcast %shift_right_arithmetic3A_1539 : i32 to vector<16xi32>
      %shift_right_arithmetic3A_1541 = arith.shrsi %bitcast_convert_type3A_1538, %shift_right_arithmetic3A_1540 : vector<16xi32>
      %sub3A_1542 = arith.constant 127 : i32
      %sub3A_1543 = vector.broadcast %sub3A_1542 : i32 to vector<16xi32>
      %sub3A_1544 = arith.subi %shift_right_arithmetic3A_1541, %sub3A_1543 : vector<16xi32>
      %and3A_1545 = arith.constant 8388607 : i32
      %and3A_1546 = vector.broadcast %and3A_1545 : i32 to vector<16xi32>
      %and3A_1547 = arith.andi %bitcast_convert_type3A_1538, %and3A_1546 : vector<16xi32>
      %or3A_1548 = arith.constant 1065353216 : i32
      %or3A_1549 = vector.broadcast %or3A_1548 : i32 to vector<16xi32>
      %or3A_1550 = arith.ori %and3A_1547, %or3A_1549 : vector<16xi32>
      %bitcast_convert_type3A_1551 = tpu.bitcast %or3A_1550 : vector<16xi32> -> vector<16xf32>
      %ge3A_1552 = arith.constant 1.41421354 : f32
      %ge3A_1553 = vector.broadcast %ge3A_1552 : f32 to vector<16xf32>
      %ge3A_1554 = arith.cmpf oge, %bitcast_convert_type3A_1551, %ge3A_1553 : vector<16xf32>
      %mul3A_1555 = arith.constant 5.000000e-01 : f32
      %mul3A_1556 = vector.broadcast %mul3A_1555 : f32 to vector<16xf32>
      %mul3A_1557 = arith.mulf %bitcast_convert_type3A_1551, %mul3A_1556 : vector<16xf32>
      %select_n3A_1558 = arith.select %ge3A_1554, %mul3A_1557, %bitcast_convert_type3A_1551 : vector<16xi1>, vector<16xf32>
      %convert_element_type3A_1559 = arith.sitofp %sub3A_1544 : vector<16xi32> to vector<16xf32>
      %jit3A_1560 = arith.constant 1.000000e+00 : f32
      %jit3A_1561 = arith.constant 0.000000e+00 : f32
      %broadcast_in_dim3A_1562 = vector.broadcast %jit3A_1560 : f32 to vector<16xf32>
      %broadcast_in_dim3A_1563 = vector.broadcast %jit3A_1561 : f32 to vector<16xf32>
      %select_n3A_1564 = arith.select %ge3A_1554, %broadcast_in_dim3A_1562, %broadcast_in_dim3A_1563 : vector<16xi1>, vector<16xf32>
      %add3A_1565 = arith.addf %convert_element_type3A_1559, %select_n3A_1564 : vector<16xf32>
      %sub3A_1566 = arith.constant 1.000000e+00 : f32
      %sub3A_1567 = vector.broadcast %sub3A_1566 : f32 to vector<16xf32>
      %sub3A_1568 = arith.subf %select_n3A_1558, %sub3A_1567 : vector<16xf32>
      %add3A_1569 = arith.constant 1.000000e+00 : f32
      %add3A_1570 = vector.broadcast %add3A_1569 : f32 to vector<16xf32>
      %add3A_1571 = arith.addf %select_n3A_1558, %add3A_1570 : vector<16xf32>
      %div3A_1572 = arith.divf %sub3A_1568, %add3A_1571 : vector<16xf32>
      %mul3A_1573 = arith.mulf %div3A_1572, %div3A_1572 : vector<16xf32>
      %mul3A_1574 = arith.constant 0.3205989 : f32
      %mul3A_1575 = vector.broadcast %mul3A_1574 : f32 to vector<16xf32>
      %mul3A_1576 = arith.mulf %mul3A_1573, %mul3A_1575 : vector<16xf32>
      %add3A_1577 = arith.constant 0.412198603 : f32
      %add3A_1578 = vector.broadcast %add3A_1577 : f32 to vector<16xf32>
      %add3A_1579 = arith.addf %add3A_1578, %mul3A_1576 : vector<16xf32>
      %mul3A_1580 = arith.mulf %mul3A_1573, %add3A_1579 : vector<16xf32>
      %add3A_1581 = arith.constant 0.577078044 : f32
      %add3A_1582 = vector.broadcast %add3A_1581 : f32 to vector<16xf32>
      %add3A_1583 = arith.addf %add3A_1582, %mul3A_1580 : vector<16xf32>
      %mul3A_1584 = arith.mulf %mul3A_1573, %add3A_1583 : vector<16xf32>
      %add3A_1585 = arith.constant 0.9617967 : f32
      %add3A_1586 = vector.broadcast %add3A_1585 : f32 to vector<16xf32>
      %add3A_1587 = arith.addf %add3A_1586, %mul3A_1584 : vector<16xf32>
      %mul3A_1588 = arith.mulf %mul3A_1573, %add3A_1587 : vector<16xf32>
      %add3A_1589 = arith.constant 2.885390e+00 : f32
      %add3A_1590 = vector.broadcast %add3A_1589 : f32 to vector<16xf32>
      %add3A_1591 = arith.addf %add3A_1590, %mul3A_1588 : vector<16xf32>
      %mul3A_1592 = arith.mulf %div3A_1572, %add3A_1591 : vector<16xf32>
      %add3A_1593 = arith.addf %add3A_1565, %mul3A_1592 : vector<16xf32>
      %neg3A_1594 = arith.constant 0.000000e+00 : f32
      %neg3A_1595 = vector.broadcast %neg3A_1594 : f32 to vector<16xf32>
      %neg3A_1596 = arith.subf %neg3A_1595, %add3A_1593 : vector<16xf32>
      %bitcast_convert_type3A_1597 = tpu.bitcast %get3A_1537 : vector<16xf32> -> vector<16xi32>
      %shift_right_arithmetic3A_1598 = arith.constant 23 : i32
      %shift_right_arithmetic3A_1599 = vector.broadcast %shift_right_arithmetic3A_1598 : i32 to vector<16xi32>
      %shift_right_arithmetic3A_1600 = arith.shrsi %bitcast_convert_type3A_1597, %shift_right_arithmetic3A_1599 : vector<16xi32>
      %sub3A_1601 = arith.constant 127 : i32
      %sub3A_1602 = vector.broadcast %sub3A_1601 : i32 to vector<16xi32>
      %sub3A_1603 = arith.subi %shift_right_arithmetic3A_1600, %sub3A_1602 : vector<16xi32>
      %and3A_1604 = arith.constant 8388607 : i32
      %and3A_1605 = vector.broadcast %and3A_1604 : i32 to vector<16xi32>
      %and3A_1606 = arith.andi %bitcast_convert_type3A_1597, %and3A_1605 : vector<16xi32>
      %or3A_1607 = arith.constant 1065353216 : i32
      %or3A_1608 = vector.broadcast %or3A_1607 : i32 to vector<16xi32>
      %or3A_1609 = arith.ori %and3A_1606, %or3A_1608 : vector<16xi32>
      %bitcast_convert_type3A_1610 = tpu.bitcast %or3A_1609 : vector<16xi32> -> vector<16xf32>
      %ge3A_1611 = arith.constant 1.41421354 : f32
      %ge3A_1612 = vector.broadcast %ge3A_1611 : f32 to vector<16xf32>
      %ge3A_1613 = arith.cmpf oge, %bitcast_convert_type3A_1610, %ge3A_1612 : vector<16xf32>
      %mul3A_1614 = arith.constant 5.000000e-01 : f32
      %mul3A_1615 = vector.broadcast %mul3A_1614 : f32 to vector<16xf32>
      %mul3A_1616 = arith.mulf %bitcast_convert_type3A_1610, %mul3A_1615 : vector<16xf32>
      %select_n3A_1617 = arith.select %ge3A_1613, %mul3A_1616, %bitcast_convert_type3A_1610 : vector<16xi1>, vector<16xf32>
      %convert_element_type3A_1618 = arith.sitofp %sub3A_1603 : vector<16xi32> to vector<16xf32>
      %jit3A_1619 = arith.constant 1.000000e+00 : f32
      %jit3A_1620 = arith.constant 0.000000e+00 : f32
      %broadcast_in_dim3A_1621 = vector.broadcast %jit3A_1619 : f32 to vector<16xf32>
      %broadcast_in_dim3A_1622 = vector.broadcast %jit3A_1620 : f32 to vector<16xf32>
      %select_n3A_1623 = arith.select %ge3A_1613, %broadcast_in_dim3A_1621, %broadcast_in_dim3A_1622 : vector<16xi1>, vector<16xf32>
      %add3A_1624 = arith.addf %convert_element_type3A_1618, %select_n3A_1623 : vector<16xf32>
      %sub3A_1625 = arith.constant 1.000000e+00 : f32
      %sub3A_1626 = vector.broadcast %sub3A_1625 : f32 to vector<16xf32>
      %sub3A_1627 = arith.subf %select_n3A_1617, %sub3A_1626 : vector<16xf32>
      %add3A_1628 = arith.constant 1.000000e+00 : f32
      %add3A_1629 = vector.broadcast %add3A_1628 : f32 to vector<16xf32>
      %add3A_1630 = arith.addf %select_n3A_1617, %add3A_1629 : vector<16xf32>
      %div3A_1631 = arith.divf %sub3A_1627, %add3A_1630 : vector<16xf32>
      %mul3A_1632 = arith.mulf %div3A_1631, %div3A_1631 : vector<16xf32>
      %mul3A_1633 = arith.constant 0.3205989 : f32
      %mul3A_1634 = vector.broadcast %mul3A_1633 : f32 to vector<16xf32>
      %mul3A_1635 = arith.mulf %mul3A_1632, %mul3A_1634 : vector<16xf32>
      %add3A_1636 = arith.constant 0.412198603 : f32
      %add3A_1637 = vector.broadcast %add3A_1636 : f32 to vector<16xf32>
      %add3A_1638 = arith.addf %add3A_1637, %mul3A_1635 : vector<16xf32>
      %mul3A_1639 = arith.mulf %mul3A_1632, %add3A_1638 : vector<16xf32>
      %add3A_1640 = arith.constant 0.577078044 : f32
      %add3A_1641 = vector.broadcast %add3A_1640 : f32 to vector<16xf32>
      %add3A_1642 = arith.addf %add3A_1641, %mul3A_1639 : vector<16xf32>
      %mul3A_1643 = arith.mulf %mul3A_1632, %add3A_1642 : vector<16xf32>
      %add3A_1644 = arith.constant 0.9617967 : f32
      %add3A_1645 = vector.broadcast %add3A_1644 : f32 to vector<16xf32>
      %add3A_1646 = arith.addf %add3A_1645, %mul3A_1643 : vector<16xf32>
      %mul3A_1647 = arith.mulf %mul3A_1632, %add3A_1646 : vector<16xf32>
      %add3A_1648 = arith.constant 2.885390e+00 : f32
      %add3A_1649 = vector.broadcast %add3A_1648 : f32 to vector<16xf32>
      %add3A_1650 = arith.addf %add3A_1649, %mul3A_1647 : vector<16xf32>
      %mul3A_1651 = arith.mulf %div3A_1631, %add3A_1650 : vector<16xf32>
      %add3A_1652 = arith.addf %add3A_1624, %mul3A_1651 : vector<16xf32>
      %neg3A_1653 = arith.constant 0.000000e+00 : f32
      %neg3A_1654 = vector.broadcast %neg3A_1653 : f32 to vector<16xf32>
      %neg3A_1655 = arith.subf %neg3A_1654, %add3A_1652 : vector<16xf32>
      %mul3A_1656 = arith.constant 2.000000e+00 : f32
      %mul3A_1657 = vector.broadcast %mul3A_1656 : f32 to vector<16xf32>
      %mul3A_1658 = arith.mulf %mul3A_1657, %get3A_1531 : vector<16xf32>
      %sub3A_1659 = arith.constant 1.000000e+00 : f32
      %sub3A_1660 = vector.broadcast %sub3A_1659 : f32 to vector<16xf32>
      %sub3A_1661 = arith.subf %mul3A_1658, %sub3A_1660 : vector<16xf32>
      %exp3A_1662 = math.exp %sub3A_1661 : vector<16xf32>
      %mul3A_1663 = arith.mulf %neg3A_1655, %exp3A_1662 : vector<16xf32>
      %ge3A_1664 = arith.cmpf oge, %mul3A_1663, %neg3A_1596 : vector<16xf32>
      %jit3A_1665 = arith.constant 1.000000e+00 : f32
      %jit3A_1666 = arith.constant 0.000000e+00 : f32
      %broadcast_in_dim3A_1667 = vector.broadcast %jit3A_1665 : f32 to vector<16xf32>
      %broadcast_in_dim3A_1668 = vector.broadcast %jit3A_1666 : f32 to vector<16xf32>
      %select_n3A_1669 = arith.select %ge3A_1664, %broadcast_in_dim3A_1667, %broadcast_in_dim3A_1668 : vector<16xi1>, vector<16xf32>
      %get3A_1670 = arith.index_cast %mul3A_1385 : i32 to index
      %get3A_1671 = tpu.vector_load %arg15[%get3A_1670] {strides = array<i32>} : memref<256xf32, #tpu.memory_space<vmem>>, vector<16xf32>,
      %get3A_1672 = vector.shape_cast %get3A_1671 : vector<16xf32> to vector<16xf32>
      %mul3A_1673 = arith.mulf %select_n3A_1528, %get3A_1672 : vector<16xf32>
      %mul3A_1674 = arith.mulf %select_n3A_1669, %sub3A_854 : vector<16xf32>
      %add3A_1675 = vector.broadcast %mul3A_1385 : i32 to vector<16xi32>
      %add3A_1676 = arith.addi %iota3A, %add3A_1675 : vector<16xi32>
      %lt3A = vector.broadcast %add3A_690 : i32 to vector<16xi32>
      %lt3A_1677 = arith.cmpi slt, %add3A_1676, %lt3A : vector<16xi32>
      %jit3A_1678 = arith.constant 0.000000e+00 : f32
      %broadcast_in_dim3A_1679 = vector.broadcast %jit3A_1678 : f32 to vector<16xf32>
      %select_n3A_1680 = arith.select %lt3A_1677, %mul3A_1674, %broadcast_in_dim3A_1679 : vector<16xi1>, vector<16xf32>
      %sub3A_1681 = arith.constant 1.000000e+00 : f32
      %sub3A_1682 = vector.broadcast %sub3A_1681 : f32 to vector<16xf32>
      %sub3A_1683 = arith.subf %sub3A_1682, %select_n3A_1680 : vector<16xf32>
      %eq3A = vector.broadcast %add3A_690 : i32 to vector<16xi32>
      %eq3A_1684 = arith.cmpi eq, %add3A_1676, %eq3A : vector<16xi32>
      %mul3A_1685 = arith.mulf %mul3A_1673, %sub3A_1683 : vector<16xf32>
      %jit3A_1686 = arith.constant 0.000000e+00 : f32
      %broadcast_in_dim3A_1687 = vector.broadcast %jit3A_1686 : f32 to vector<16xf32>
      %select_n3A_1688 = arith.select %eq3A_1684, %broadcast_in_dim3A_1687, %mul3A_1685 : vector<16xi1>, vector<16xf32>
      %swap3A_1689 = arith.index_cast %add3A_1387 : i32 to index
      %swap3A_1690 = tpu.vector_load %arg22[%swap3A_1689] {strides = array<i32>} : memref<2048xf32, #tpu.memory_space<vmem>>, vector<16xf32>,
      %swap3A_1691 = vector.shape_cast %swap3A_1690 : vector<16xf32> to vector<16xf32>
      %swap3A_1692 = vector.shape_cast %select_n3A_1688 : vector<16xf32> to vector<16xf32>
      tpu.vector_store %arg22[%swap3A_1689], %swap3A_1692 {strides = array<i32>} : memref<2048xf32, #tpu.memory_space<vmem>>, vector<16xf32>,
    }
    %scan3A_860 = arith.constant 16 : i32
    %mul3A_861 = arith.constant 8 : i32
    %mul3A_862 = arith.muli %add3A, %mul3A_861 : i32
    %add3A_863 = arith.constant 5 : i32
    %add3A_864 = arith.addi %mul3A_862, %add3A_863 : i32
    %broadcast_in_dim3A_865 = arith.constant 0 : i32
    %broadcast_in_dim3A_866 = vector.broadcast %broadcast_in_dim3A_865 : i32 to vector<16xi32>
    %add3A_867 = vector.broadcast %add3A_864 : i32 to vector<16xi32>
    %add3A_868 = arith.addi %broadcast_in_dim3A_866, %add3A_867 : vector<16xi32>
    %swap3A_869 = arith.constant 0 : index
    %swap3A_870 = tpu.vector_load %arg23[%swap3A_869] {strides = array<i32>} : memref<16xi32, #tpu.memory_space<vmem>>, vector<16xi32>,
    %swap3A_871 = vector.shape_cast %swap3A_870 : vector<16xi32> to vector<16xi32>
    %swap3A_872 = vector.shape_cast %add3A_868 : vector<16xi32> to vector<16xi32>
    tpu.vector_store %arg23[%swap3A_869], %swap3A_872 {strides = array<i32>} : memref<16xi32, #tpu.memory_space<vmem>>, vector<16xi32>,
    %dma_start3A_873 = arith.constant 0 : i32
    %dma_start3A_874 = tpu.memref_slice %arg2[%dma_start3A_873] : memref<256xf32, #tpu.memory_space<hbm>> -> memref<256xf32, #tpu.memory_space<hbm>>
    tpu.enqueue_indirect_dma source(%dma_start3A_874 : memref<256xf32, #tpu.memory_space<hbm>>) target(%arg24 : memref<16xf32, #tpu.memory_space<vmem>>) offsets(%arg23 : memref<16xi32, #tpu.memory_space<vmem>>) semaphore(%arg27 : memref<!tpu.dma_semaphore, #tpu.memory_space<semaphore_mem>>)
    %dma_wait3A_875 = arith.constant 0 : i32
    %dma_wait3A_876 = tpu.memref_slice %arg2[%dma_wait3A_875] : memref<256xf32, #tpu.memory_space<hbm>> -> memref<256xf32, #tpu.memory_space<hbm>>
    tpu.wait_indirect_dma semaphore(%arg27 : memref<!tpu.dma_semaphore, #tpu.memory_space<semaphore_mem>>) src(%dma_wait3A_876 : memref<256xf32, #tpu.memory_space<hbm>>) dst(%arg24 : memref<16xf32, #tpu.memory_space<vmem>>)
    %dma_start3A_877 = arith.constant 0 : i32
    %dma_start3A_878 = tpu.memref_slice %arg3[%dma_start3A_877] : memref<256xf32, #tpu.memory_space<hbm>> -> memref<256xf32, #tpu.memory_space<hbm>>
    tpu.enqueue_indirect_dma source(%dma_start3A_878 : memref<256xf32, #tpu.memory_space<hbm>>) target(%arg25 : memref<16xf32, #tpu.memory_space<vmem>>) offsets(%arg23 : memref<16xi32, #tpu.memory_space<vmem>>) semaphore(%arg27 : memref<!tpu.dma_semaphore, #tpu.memory_space<semaphore_mem>>)
    %dma_wait3A_879 = arith.constant 0 : i32
    %dma_wait3A_880 = tpu.memref_slice %arg3[%dma_wait3A_879] : memref<256xf32, #tpu.memory_space<hbm>> -> memref<256xf32, #tpu.memory_space<hbm>>
    tpu.wait_indirect_dma semaphore(%arg27 : memref<!tpu.dma_semaphore, #tpu.memory_space<semaphore_mem>>) src(%dma_wait3A_880 : memref<256xf32, #tpu.memory_space<hbm>>) dst(%arg25 : memref<16xf32, #tpu.memory_space<vmem>>)
    %dma_start3A_881 = arith.constant 0 : i32
    %dma_start3A_882 = tpu.memref_slice %arg4[%dma_start3A_881] : memref<256xf32, #tpu.memory_space<hbm>> -> memref<256xf32, #tpu.memory_space<hbm>>
    tpu.enqueue_indirect_dma source(%dma_start3A_882 : memref<256xf32, #tpu.memory_space<hbm>>) target(%arg26 : memref<16xf32, #tpu.memory_space<vmem>>) offsets(%arg23 : memref<16xi32, #tpu.memory_space<vmem>>) semaphore(%arg27 : memref<!tpu.dma_semaphore, #tpu.memory_space<semaphore_mem>>)
    %dma_wait3A_883 = arith.constant 0 : i32
    %dma_wait3A_884 = tpu.memref_slice %arg4[%dma_wait3A_883] : memref<256xf32, #tpu.memory_space<hbm>> -> memref<256xf32, #tpu.memory_space<hbm>>
    tpu.wait_indirect_dma semaphore(%arg27 : memref<!tpu.dma_semaphore, #tpu.memory_space<semaphore_mem>>) src(%dma_wait3A_884 : memref<256xf32, #tpu.memory_space<hbm>>) dst(%arg26 : memref<16xf32, #tpu.memory_space<vmem>>)
    %get3A_885 = arith.constant 0 : index
    %get3A_886 = tpu.vector_load %arg24[%get3A_885] {strides = array<i32>} : memref<16xf32, #tpu.memory_space<vmem>>, vector<16xf32>,
    %get3A_887 = vector.shape_cast %get3A_886 : vector<16xf32> to vector<16xf32>
    %get3A_888 = arith.constant 0 : index
    %get3A_889 = tpu.vector_load %arg25[%get3A_888] {strides = array<i32>} : memref<16xf32, #tpu.memory_space<vmem>>, vector<16xf32>,
    %get3A_890 = vector.shape_cast %get3A_889 : vector<16xf32> to vector<16xf32>
    %get3A_891 = arith.constant 0 : index
    %get3A_892 = tpu.vector_load %arg26[%get3A_891] {strides = array<i32>} : memref<16xf32, #tpu.memory_space<vmem>>, vector<16xf32>,
    %get3A_893 = vector.shape_cast %get3A_892 : vector<16xf32> to vector<16xf32>
    %bitcast_convert_type3A_894 = tpu.bitcast %get3A_890 : vector<16xf32> -> vector<16xi32>
    %shift_right_arithmetic3A_895 = arith.constant 23 : i32
    %shift_right_arithmetic3A_896 = vector.broadcast %shift_right_arithmetic3A_895 : i32 to vector<16xi32>
    %shift_right_arithmetic3A_897 = arith.shrsi %bitcast_convert_type3A_894, %shift_right_arithmetic3A_896 : vector<16xi32>
    %sub3A_898 = arith.constant 127 : i32
    %sub3A_899 = vector.broadcast %sub3A_898 : i32 to vector<16xi32>
    %sub3A_900 = arith.subi %shift_right_arithmetic3A_897, %sub3A_899 : vector<16xi32>
    %and3A_901 = arith.constant 8388607 : i32
    %and3A_902 = vector.broadcast %and3A_901 : i32 to vector<16xi32>
    %and3A_903 = arith.andi %bitcast_convert_type3A_894, %and3A_902 : vector<16xi32>
    %or3A_904 = arith.constant 1065353216 : i32
    %or3A_905 = vector.broadcast %or3A_904 : i32 to vector<16xi32>
    %or3A_906 = arith.ori %and3A_903, %or3A_905 : vector<16xi32>
    %bitcast_convert_type3A_907 = tpu.bitcast %or3A_906 : vector<16xi32> -> vector<16xf32>
    %ge3A_908 = arith.constant 1.41421354 : f32
    %ge3A_909 = vector.broadcast %ge3A_908 : f32 to vector<16xf32>
    %ge3A_910 = arith.cmpf oge, %bitcast_convert_type3A_907, %ge3A_909 : vector<16xf32>
    %mul3A_911 = arith.constant 5.000000e-01 : f32
    %mul3A_912 = vector.broadcast %mul3A_911 : f32 to vector<16xf32>
    %mul3A_913 = arith.mulf %bitcast_convert_type3A_907, %mul3A_912 : vector<16xf32>
    %select_n3A_914 = arith.select %ge3A_910, %mul3A_913, %bitcast_convert_type3A_907 : vector<16xi1>, vector<16xf32>
    %convert_element_type3A_915 = arith.sitofp %sub3A_900 : vector<16xi32> to vector<16xf32>
    %jit3A_916 = arith.constant 1.000000e+00 : f32
    %jit3A_917 = arith.constant 0.000000e+00 : f32
    %broadcast_in_dim3A_918 = vector.broadcast %jit3A_916 : f32 to vector<16xf32>
    %broadcast_in_dim3A_919 = vector.broadcast %jit3A_917 : f32 to vector<16xf32>
    %select_n3A_920 = arith.select %ge3A_910, %broadcast_in_dim3A_918, %broadcast_in_dim3A_919 : vector<16xi1>, vector<16xf32>
    %add3A_921 = arith.addf %convert_element_type3A_915, %select_n3A_920 : vector<16xf32>
    %sub3A_922 = arith.constant 1.000000e+00 : f32
    %sub3A_923 = vector.broadcast %sub3A_922 : f32 to vector<16xf32>
    %sub3A_924 = arith.subf %select_n3A_914, %sub3A_923 : vector<16xf32>
    %add3A_925 = arith.constant 1.000000e+00 : f32
    %add3A_926 = vector.broadcast %add3A_925 : f32 to vector<16xf32>
    %add3A_927 = arith.addf %select_n3A_914, %add3A_926 : vector<16xf32>
    %div3A_928 = arith.divf %sub3A_924, %add3A_927 : vector<16xf32>
    %mul3A_929 = arith.mulf %div3A_928, %div3A_928 : vector<16xf32>
    %mul3A_930 = arith.constant 0.3205989 : f32
    %mul3A_931 = vector.broadcast %mul3A_930 : f32 to vector<16xf32>
    %mul3A_932 = arith.mulf %mul3A_929, %mul3A_931 : vector<16xf32>
    %add3A_933 = arith.constant 0.412198603 : f32
    %add3A_934 = vector.broadcast %add3A_933 : f32 to vector<16xf32>
    %add3A_935 = arith.addf %add3A_934, %mul3A_932 : vector<16xf32>
    %mul3A_936 = arith.mulf %mul3A_929, %add3A_935 : vector<16xf32>
    %add3A_937 = arith.constant 0.577078044 : f32
    %add3A_938 = vector.broadcast %add3A_937 : f32 to vector<16xf32>
    %add3A_939 = arith.addf %add3A_938, %mul3A_936 : vector<16xf32>
    %mul3A_940 = arith.mulf %mul3A_929, %add3A_939 : vector<16xf32>
    %add3A_941 = arith.constant 0.9617967 : f32
    %add3A_942 = vector.broadcast %add3A_941 : f32 to vector<16xf32>
    %add3A_943 = arith.addf %add3A_942, %mul3A_940 : vector<16xf32>
    %mul3A_944 = arith.mulf %mul3A_929, %add3A_943 : vector<16xf32>
    %add3A_945 = arith.constant 2.885390e+00 : f32
    %add3A_946 = vector.broadcast %add3A_945 : f32 to vector<16xf32>
    %add3A_947 = arith.addf %add3A_946, %mul3A_944 : vector<16xf32>
    %mul3A_948 = arith.mulf %div3A_928, %add3A_947 : vector<16xf32>
    %add3A_949 = arith.addf %add3A_921, %mul3A_948 : vector<16xf32>
    %neg3A_950 = arith.constant 0.000000e+00 : f32
    %neg3A_951 = vector.broadcast %neg3A_950 : f32 to vector<16xf32>
    %neg3A_952 = arith.subf %neg3A_951, %add3A_949 : vector<16xf32>
    %bitcast_convert_type3A_953 = tpu.bitcast %get3A_893 : vector<16xf32> -> vector<16xi32>
    %shift_right_arithmetic3A_954 = arith.constant 23 : i32
    %shift_right_arithmetic3A_955 = vector.broadcast %shift_right_arithmetic3A_954 : i32 to vector<16xi32>
    %shift_right_arithmetic3A_956 = arith.shrsi %bitcast_convert_type3A_953, %shift_right_arithmetic3A_955 : vector<16xi32>
    %sub3A_957 = arith.constant 127 : i32
    %sub3A_958 = vector.broadcast %sub3A_957 : i32 to vector<16xi32>
    %sub3A_959 = arith.subi %shift_right_arithmetic3A_956, %sub3A_958 : vector<16xi32>
    %and3A_960 = arith.constant 8388607 : i32
    %and3A_961 = vector.broadcast %and3A_960 : i32 to vector<16xi32>
    %and3A_962 = arith.andi %bitcast_convert_type3A_953, %and3A_961 : vector<16xi32>
    %or3A_963 = arith.constant 1065353216 : i32
    %or3A_964 = vector.broadcast %or3A_963 : i32 to vector<16xi32>
    %or3A_965 = arith.ori %and3A_962, %or3A_964 : vector<16xi32>
    %bitcast_convert_type3A_966 = tpu.bitcast %or3A_965 : vector<16xi32> -> vector<16xf32>
    %ge3A_967 = arith.constant 1.41421354 : f32
    %ge3A_968 = vector.broadcast %ge3A_967 : f32 to vector<16xf32>
    %ge3A_969 = arith.cmpf oge, %bitcast_convert_type3A_966, %ge3A_968 : vector<16xf32>
    %mul3A_970 = arith.constant 5.000000e-01 : f32
    %mul3A_971 = vector.broadcast %mul3A_970 : f32 to vector<16xf32>
    %mul3A_972 = arith.mulf %bitcast_convert_type3A_966, %mul3A_971 : vector<16xf32>
    %select_n3A_973 = arith.select %ge3A_969, %mul3A_972, %bitcast_convert_type3A_966 : vector<16xi1>, vector<16xf32>
    %convert_element_type3A_974 = arith.sitofp %sub3A_959 : vector<16xi32> to vector<16xf32>
    %jit3A_975 = arith.constant 1.000000e+00 : f32
    %jit3A_976 = arith.constant 0.000000e+00 : f32
    %broadcast_in_dim3A_977 = vector.broadcast %jit3A_975 : f32 to vector<16xf32>
    %broadcast_in_dim3A_978 = vector.broadcast %jit3A_976 : f32 to vector<16xf32>
    %select_n3A_979 = arith.select %ge3A_969, %broadcast_in_dim3A_977, %broadcast_in_dim3A_978 : vector<16xi1>, vector<16xf32>
    %add3A_980 = arith.addf %convert_element_type3A_974, %select_n3A_979 : vector<16xf32>
    %sub3A_981 = arith.constant 1.000000e+00 : f32
    %sub3A_982 = vector.broadcast %sub3A_981 : f32 to vector<16xf32>
    %sub3A_983 = arith.subf %select_n3A_973, %sub3A_982 : vector<16xf32>
    %add3A_984 = arith.constant 1.000000e+00 : f32
    %add3A_985 = vector.broadcast %add3A_984 : f32 to vector<16xf32>
    %add3A_986 = arith.addf %select_n3A_973, %add3A_985 : vector<16xf32>
    %div3A_987 = arith.divf %sub3A_983, %add3A_986 : vector<16xf32>
    %mul3A_988 = arith.mulf %div3A_987, %div3A_987 : vector<16xf32>
    %mul3A_989 = arith.constant 0.3205989 : f32
    %mul3A_990 = vector.broadcast %mul3A_989 : f32 to vector<16xf32>
    %mul3A_991 = arith.mulf %mul3A_988, %mul3A_990 : vector<16xf32>
    %add3A_992 = arith.constant 0.412198603 : f32
    %add3A_993 = vector.broadcast %add3A_992 : f32 to vector<16xf32>
    %add3A_994 = arith.addf %add3A_993, %mul3A_991 : vector<16xf32>
    %mul3A_995 = arith.mulf %mul3A_988, %add3A_994 : vector<16xf32>
    %add3A_996 = arith.constant 0.577078044 : f32
    %add3A_997 = vector.broadcast %add3A_996 : f32 to vector<16xf32>
    %add3A_998 = arith.addf %add3A_997, %mul3A_995 : vector<16xf32>
    %mul3A_999 = arith.mulf %mul3A_988, %add3A_998 : vector<16xf32>
    %add3A_1000 = arith.constant 0.9617967 : f32
    %add3A_1001 = vector.broadcast %add3A_1000 : f32 to vector<16xf32>
    %add3A_1002 = arith.addf %add3A_1001, %mul3A_999 : vector<16xf32>
    %mul3A_1003 = arith.mulf %mul3A_988, %add3A_1002 : vector<16xf32>
    %add3A_1004 = arith.constant 2.885390e+00 : f32
    %add3A_1005 = vector.broadcast %add3A_1004 : f32 to vector<16xf32>
    %add3A_1006 = arith.addf %add3A_1005, %mul3A_1003 : vector<16xf32>
    %mul3A_1007 = arith.mulf %div3A_987, %add3A_1006 : vector<16xf32>
    %add3A_1008 = arith.addf %add3A_980, %mul3A_1007 : vector<16xf32>
    %neg3A_1009 = arith.constant 0.000000e+00 : f32
    %neg3A_1010 = vector.broadcast %neg3A_1009 : f32 to vector<16xf32>
    %neg3A_1011 = arith.subf %neg3A_1010, %add3A_1008 : vector<16xf32>
    %mul3A_1012 = arith.constant 2.000000e+00 : f32
    %mul3A_1013 = vector.broadcast %mul3A_1012 : f32 to vector<16xf32>
    %mul3A_1014 = arith.mulf %mul3A_1013, %get3A_887 : vector<16xf32>
    %sub3A_1015 = arith.constant 1.000000e+00 : f32
    %sub3A_1016 = vector.broadcast %sub3A_1015 : f32 to vector<16xf32>
    %sub3A_1017 = arith.subf %mul3A_1014, %sub3A_1016 : vector<16xf32>
    %exp3A_1018 = math.exp %sub3A_1017 : vector<16xf32>
    %mul3A_1019 = arith.mulf %neg3A_1011, %exp3A_1018 : vector<16xf32>
    %ge3A_1020 = arith.cmpf oge, %mul3A_1019, %neg3A_952 : vector<16xf32>
    %jit3A_1021 = arith.constant 1.000000e+00 : f32
    %jit3A_1022 = arith.constant 0.000000e+00 : f32
    %broadcast_in_dim3A_1023 = vector.broadcast %jit3A_1021 : f32 to vector<16xf32>
    %broadcast_in_dim3A_1024 = vector.broadcast %jit3A_1022 : f32 to vector<16xf32>
    %select_n3A_1025 = arith.select %ge3A_1020, %broadcast_in_dim3A_1023, %broadcast_in_dim3A_1024 : vector<16xi1>, vector<16xf32>
    %sub3A_1026 = arith.constant 1.000000e+00 : f32
    %sub3A_1027 = vector.broadcast %sub3A_1026 : f32 to vector<16xf32>
    %sub3A_1028 = arith.subf %sub3A_1027, %select_n3A_1025 : vector<16xf32>
    %scan3A_1029 = arith.constant 0 : i32
    %scan3A_1030 = arith.constant 0 : i32
    %scan3A_1031 = arith.constant 16 : i32
    %scan3A_1032 = arith.addi %scan3A_1030, %scan3A_1031 : i32
    %scan3A_1033 = arith.constant 1 : i32
    scf.for %scan3A_1383 = %scan3A_1030 to %scan3A_1032 step %scan3A_1033  : i32 {
      %mul3A_1384 = arith.constant 16 : i32
      %mul3A_1385 = arith.muli %scan3A_1383, %mul3A_1384 : i32
      %add3A_1386 = arith.constant 1280 : i32
      %add3A_1387 = arith.addi %add3A_1386, %mul3A_1385 : i32
      %get3A_1388 = arith.index_cast %add3A_1387 : i32 to index
      %get3A_1389 = tpu.vector_load %arg16[%get3A_1388] {strides = array<i32>} : memref<2048xf32, #tpu.memory_space<vmem>>, vector<16xf32>,
      %get3A_1390 = vector.shape_cast %get3A_1389 : vector<16xf32> to vector<16xf32>
      %get3A_1391 = arith.index_cast %add3A_1387 : i32 to index
      %get3A_1392 = tpu.vector_load %arg17[%get3A_1391] {strides = array<i32>} : memref<2048xf32, #tpu.memory_space<vmem>>, vector<16xf32>,
      %get3A_1393 = vector.shape_cast %get3A_1392 : vector<16xf32> to vector<16xf32>
      %get3A_1394 = arith.index_cast %add3A_1387 : i32 to index
      %get3A_1395 = tpu.vector_load %arg18[%get3A_1394] {strides = array<i32>} : memref<2048xf32, #tpu.memory_space<vmem>>, vector<16xf32>,
      %get3A_1396 = vector.shape_cast %get3A_1395 : vector<16xf32> to vector<16xf32>
      %bitcast_convert_type3A_1397 = tpu.bitcast %get3A_1393 : vector<16xf32> -> vector<16xi32>
      %shift_right_arithmetic3A_1398 = arith.constant 23 : i32
      %shift_right_arithmetic3A_1399 = vector.broadcast %shift_right_arithmetic3A_1398 : i32 to vector<16xi32>
      %shift_right_arithmetic3A_1400 = arith.shrsi %bitcast_convert_type3A_1397, %shift_right_arithmetic3A_1399 : vector<16xi32>
      %sub3A_1401 = arith.constant 127 : i32
      %sub3A_1402 = vector.broadcast %sub3A_1401 : i32 to vector<16xi32>
      %sub3A_1403 = arith.subi %shift_right_arithmetic3A_1400, %sub3A_1402 : vector<16xi32>
      %and3A_1404 = arith.constant 8388607 : i32
      %and3A_1405 = vector.broadcast %and3A_1404 : i32 to vector<16xi32>
      %and3A_1406 = arith.andi %bitcast_convert_type3A_1397, %and3A_1405 : vector<16xi32>
      %or3A_1407 = arith.constant 1065353216 : i32
      %or3A_1408 = vector.broadcast %or3A_1407 : i32 to vector<16xi32>
      %or3A_1409 = arith.ori %and3A_1406, %or3A_1408 : vector<16xi32>
      %bitcast_convert_type3A_1410 = tpu.bitcast %or3A_1409 : vector<16xi32> -> vector<16xf32>
      %ge3A_1411 = arith.constant 1.41421354 : f32
      %ge3A_1412 = vector.broadcast %ge3A_1411 : f32 to vector<16xf32>
      %ge3A_1413 = arith.cmpf oge, %bitcast_convert_type3A_1410, %ge3A_1412 : vector<16xf32>
      %mul3A_1414 = arith.constant 5.000000e-01 : f32
      %mul3A_1415 = vector.broadcast %mul3A_1414 : f32 to vector<16xf32>
      %mul3A_1416 = arith.mulf %bitcast_convert_type3A_1410, %mul3A_1415 : vector<16xf32>
      %select_n3A_1417 = arith.select %ge3A_1413, %mul3A_1416, %bitcast_convert_type3A_1410 : vector<16xi1>, vector<16xf32>
      %convert_element_type3A_1418 = arith.sitofp %sub3A_1403 : vector<16xi32> to vector<16xf32>
      %jit3A_1419 = arith.constant 1.000000e+00 : f32
      %jit3A_1420 = arith.constant 0.000000e+00 : f32
      %broadcast_in_dim3A_1421 = vector.broadcast %jit3A_1419 : f32 to vector<16xf32>
      %broadcast_in_dim3A_1422 = vector.broadcast %jit3A_1420 : f32 to vector<16xf32>
      %select_n3A_1423 = arith.select %ge3A_1413, %broadcast_in_dim3A_1421, %broadcast_in_dim3A_1422 : vector<16xi1>, vector<16xf32>
      %add3A_1424 = arith.addf %convert_element_type3A_1418, %select_n3A_1423 : vector<16xf32>
      %sub3A_1425 = arith.constant 1.000000e+00 : f32
      %sub3A_1426 = vector.broadcast %sub3A_1425 : f32 to vector<16xf32>
      %sub3A_1427 = arith.subf %select_n3A_1417, %sub3A_1426 : vector<16xf32>
      %add3A_1428 = arith.constant 1.000000e+00 : f32
      %add3A_1429 = vector.broadcast %add3A_1428 : f32 to vector<16xf32>
      %add3A_1430 = arith.addf %select_n3A_1417, %add3A_1429 : vector<16xf32>
      %div3A_1431 = arith.divf %sub3A_1427, %add3A_1430 : vector<16xf32>
      %mul3A_1432 = arith.mulf %div3A_1431, %div3A_1431 : vector<16xf32>
      %mul3A_1433 = arith.constant 0.3205989 : f32
      %mul3A_1434 = vector.broadcast %mul3A_1433 : f32 to vector<16xf32>
      %mul3A_1435 = arith.mulf %mul3A_1432, %mul3A_1434 : vector<16xf32>
      %add3A_1436 = arith.constant 0.412198603 : f32
      %add3A_1437 = vector.broadcast %add3A_1436 : f32 to vector<16xf32>
      %add3A_1438 = arith.addf %add3A_1437, %mul3A_1435 : vector<16xf32>
      %mul3A_1439 = arith.mulf %mul3A_1432, %add3A_1438 : vector<16xf32>
      %add3A_1440 = arith.constant 0.577078044 : f32
      %add3A_1441 = vector.broadcast %add3A_1440 : f32 to vector<16xf32>
      %add3A_1442 = arith.addf %add3A_1441, %mul3A_1439 : vector<16xf32>
      %mul3A_1443 = arith.mulf %mul3A_1432, %add3A_1442 : vector<16xf32>
      %add3A_1444 = arith.constant 0.9617967 : f32
      %add3A_1445 = vector.broadcast %add3A_1444 : f32 to vector<16xf32>
      %add3A_1446 = arith.addf %add3A_1445, %mul3A_1443 : vector<16xf32>
      %mul3A_1447 = arith.mulf %mul3A_1432, %add3A_1446 : vector<16xf32>
      %add3A_1448 = arith.constant 2.885390e+00 : f32
      %add3A_1449 = vector.broadcast %add3A_1448 : f32 to vector<16xf32>
      %add3A_1450 = arith.addf %add3A_1449, %mul3A_1447 : vector<16xf32>
      %mul3A_1451 = arith.mulf %div3A_1431, %add3A_1450 : vector<16xf32>
      %add3A_1452 = arith.addf %add3A_1424, %mul3A_1451 : vector<16xf32>
      %neg3A_1453 = arith.constant 0.000000e+00 : f32
      %neg3A_1454 = vector.broadcast %neg3A_1453 : f32 to vector<16xf32>
      %neg3A_1455 = arith.subf %neg3A_1454, %add3A_1452 : vector<16xf32>
      %bitcast_convert_type3A_1456 = tpu.bitcast %get3A_1396 : vector<16xf32> -> vector<16xi32>
      %shift_right_arithmetic3A_1457 = arith.constant 23 : i32
      %shift_right_arithmetic3A_1458 = vector.broadcast %shift_right_arithmetic3A_1457 : i32 to vector<16xi32>
      %shift_right_arithmetic3A_1459 = arith.shrsi %bitcast_convert_type3A_1456, %shift_right_arithmetic3A_1458 : vector<16xi32>
      %sub3A_1460 = arith.constant 127 : i32
      %sub3A_1461 = vector.broadcast %sub3A_1460 : i32 to vector<16xi32>
      %sub3A_1462 = arith.subi %shift_right_arithmetic3A_1459, %sub3A_1461 : vector<16xi32>
      %and3A_1463 = arith.constant 8388607 : i32
      %and3A_1464 = vector.broadcast %and3A_1463 : i32 to vector<16xi32>
      %and3A_1465 = arith.andi %bitcast_convert_type3A_1456, %and3A_1464 : vector<16xi32>
      %or3A_1466 = arith.constant 1065353216 : i32
      %or3A_1467 = vector.broadcast %or3A_1466 : i32 to vector<16xi32>
      %or3A_1468 = arith.ori %and3A_1465, %or3A_1467 : vector<16xi32>
      %bitcast_convert_type3A_1469 = tpu.bitcast %or3A_1468 : vector<16xi32> -> vector<16xf32>
      %ge3A_1470 = arith.constant 1.41421354 : f32
      %ge3A_1471 = vector.broadcast %ge3A_1470 : f32 to vector<16xf32>
      %ge3A_1472 = arith.cmpf oge, %bitcast_convert_type3A_1469, %ge3A_1471 : vector<16xf32>
      %mul3A_1473 = arith.constant 5.000000e-01 : f32
      %mul3A_1474 = vector.broadcast %mul3A_1473 : f32 to vector<16xf32>
      %mul3A_1475 = arith.mulf %bitcast_convert_type3A_1469, %mul3A_1474 : vector<16xf32>
      %select_n3A_1476 = arith.select %ge3A_1472, %mul3A_1475, %bitcast_convert_type3A_1469 : vector<16xi1>, vector<16xf32>
      %convert_element_type3A_1477 = arith.sitofp %sub3A_1462 : vector<16xi32> to vector<16xf32>
      %jit3A_1478 = arith.constant 1.000000e+00 : f32
      %jit3A_1479 = arith.constant 0.000000e+00 : f32
      %broadcast_in_dim3A_1480 = vector.broadcast %jit3A_1478 : f32 to vector<16xf32>
      %broadcast_in_dim3A_1481 = vector.broadcast %jit3A_1479 : f32 to vector<16xf32>
      %select_n3A_1482 = arith.select %ge3A_1472, %broadcast_in_dim3A_1480, %broadcast_in_dim3A_1481 : vector<16xi1>, vector<16xf32>
      %add3A_1483 = arith.addf %convert_element_type3A_1477, %select_n3A_1482 : vector<16xf32>
      %sub3A_1484 = arith.constant 1.000000e+00 : f32
      %sub3A_1485 = vector.broadcast %sub3A_1484 : f32 to vector<16xf32>
      %sub3A_1486 = arith.subf %select_n3A_1476, %sub3A_1485 : vector<16xf32>
      %add3A_1487 = arith.constant 1.000000e+00 : f32
      %add3A_1488 = vector.broadcast %add3A_1487 : f32 to vector<16xf32>
      %add3A_1489 = arith.addf %select_n3A_1476, %add3A_1488 : vector<16xf32>
      %div3A_1490 = arith.divf %sub3A_1486, %add3A_1489 : vector<16xf32>
      %mul3A_1491 = arith.mulf %div3A_1490, %div3A_1490 : vector<16xf32>
      %mul3A_1492 = arith.constant 0.3205989 : f32
      %mul3A_1493 = vector.broadcast %mul3A_1492 : f32 to vector<16xf32>
      %mul3A_1494 = arith.mulf %mul3A_1491, %mul3A_1493 : vector<16xf32>
      %add3A_1495 = arith.constant 0.412198603 : f32
      %add3A_1496 = vector.broadcast %add3A_1495 : f32 to vector<16xf32>
      %add3A_1497 = arith.addf %add3A_1496, %mul3A_1494 : vector<16xf32>
      %mul3A_1498 = arith.mulf %mul3A_1491, %add3A_1497 : vector<16xf32>
      %add3A_1499 = arith.constant 0.577078044 : f32
      %add3A_1500 = vector.broadcast %add3A_1499 : f32 to vector<16xf32>
      %add3A_1501 = arith.addf %add3A_1500, %mul3A_1498 : vector<16xf32>
      %mul3A_1502 = arith.mulf %mul3A_1491, %add3A_1501 : vector<16xf32>
      %add3A_1503 = arith.constant 0.9617967 : f32
      %add3A_1504 = vector.broadcast %add3A_1503 : f32 to vector<16xf32>
      %add3A_1505 = arith.addf %add3A_1504, %mul3A_1502 : vector<16xf32>
      %mul3A_1506 = arith.mulf %mul3A_1491, %add3A_1505 : vector<16xf32>
      %add3A_1507 = arith.constant 2.885390e+00 : f32
      %add3A_1508 = vector.broadcast %add3A_1507 : f32 to vector<16xf32>
      %add3A_1509 = arith.addf %add3A_1508, %mul3A_1506 : vector<16xf32>
      %mul3A_1510 = arith.mulf %div3A_1490, %add3A_1509 : vector<16xf32>
      %add3A_1511 = arith.addf %add3A_1483, %mul3A_1510 : vector<16xf32>
      %neg3A_1512 = arith.constant 0.000000e+00 : f32
      %neg3A_1513 = vector.broadcast %neg3A_1512 : f32 to vector<16xf32>
      %neg3A_1514 = arith.subf %neg3A_1513, %add3A_1511 : vector<16xf32>
      %mul3A_1515 = arith.constant 2.000000e+00 : f32
      %mul3A_1516 = vector.broadcast %mul3A_1515 : f32 to vector<16xf32>
      %mul3A_1517 = arith.mulf %mul3A_1516, %get3A_1390 : vector<16xf32>
      %sub3A_1518 = arith.constant 1.000000e+00 : f32
      %sub3A_1519 = vector.broadcast %sub3A_1518 : f32 to vector<16xf32>
      %sub3A_1520 = arith.subf %mul3A_1517, %sub3A_1519 : vector<16xf32>
      %exp3A_1521 = math.exp %sub3A_1520 : vector<16xf32>
      %mul3A_1522 = arith.mulf %neg3A_1514, %exp3A_1521 : vector<16xf32>
      %ge3A_1523 = arith.cmpf oge, %mul3A_1522, %neg3A_1455 : vector<16xf32>
      %jit3A_1524 = arith.constant 1.000000e+00 : f32
      %jit3A_1525 = arith.constant 0.000000e+00 : f32
      %broadcast_in_dim3A_1526 = vector.broadcast %jit3A_1524 : f32 to vector<16xf32>
      %broadcast_in_dim3A_1527 = vector.broadcast %jit3A_1525 : f32 to vector<16xf32>
      %select_n3A_1528 = arith.select %ge3A_1523, %broadcast_in_dim3A_1526, %broadcast_in_dim3A_1527 : vector<16xi1>, vector<16xf32>
      %get3A_1529 = arith.index_cast %add3A_1387 : i32 to index
      %get3A_1530 = tpu.vector_load %arg19[%get3A_1529] {strides = array<i32>} : memref<2048xf32, #tpu.memory_space<vmem>>, vector<16xf32>,
      %get3A_1531 = vector.shape_cast %get3A_1530 : vector<16xf32> to vector<16xf32>
      %get3A_1532 = arith.index_cast %add3A_1387 : i32 to index
      %get3A_1533 = tpu.vector_load %arg20[%get3A_1532] {strides = array<i32>} : memref<2048xf32, #tpu.memory_space<vmem>>, vector<16xf32>,
      %get3A_1534 = vector.shape_cast %get3A_1533 : vector<16xf32> to vector<16xf32>
      %get3A_1535 = arith.index_cast %add3A_1387 : i32 to index
      %get3A_1536 = tpu.vector_load %arg21[%get3A_1535] {strides = array<i32>} : memref<2048xf32, #tpu.memory_space<vmem>>, vector<16xf32>,
      %get3A_1537 = vector.shape_cast %get3A_1536 : vector<16xf32> to vector<16xf32>
      %bitcast_convert_type3A_1538 = tpu.bitcast %get3A_1534 : vector<16xf32> -> vector<16xi32>
      %shift_right_arithmetic3A_1539 = arith.constant 23 : i32
      %shift_right_arithmetic3A_1540 = vector.broadcast %shift_right_arithmetic3A_1539 : i32 to vector<16xi32>
      %shift_right_arithmetic3A_1541 = arith.shrsi %bitcast_convert_type3A_1538, %shift_right_arithmetic3A_1540 : vector<16xi32>
      %sub3A_1542 = arith.constant 127 : i32
      %sub3A_1543 = vector.broadcast %sub3A_1542 : i32 to vector<16xi32>
      %sub3A_1544 = arith.subi %shift_right_arithmetic3A_1541, %sub3A_1543 : vector<16xi32>
      %and3A_1545 = arith.constant 8388607 : i32
      %and3A_1546 = vector.broadcast %and3A_1545 : i32 to vector<16xi32>
      %and3A_1547 = arith.andi %bitcast_convert_type3A_1538, %and3A_1546 : vector<16xi32>
      %or3A_1548 = arith.constant 1065353216 : i32
      %or3A_1549 = vector.broadcast %or3A_1548 : i32 to vector<16xi32>
      %or3A_1550 = arith.ori %and3A_1547, %or3A_1549 : vector<16xi32>
      %bitcast_convert_type3A_1551 = tpu.bitcast %or3A_1550 : vector<16xi32> -> vector<16xf32>
      %ge3A_1552 = arith.constant 1.41421354 : f32
      %ge3A_1553 = vector.broadcast %ge3A_1552 : f32 to vector<16xf32>
      %ge3A_1554 = arith.cmpf oge, %bitcast_convert_type3A_1551, %ge3A_1553 : vector<16xf32>
      %mul3A_1555 = arith.constant 5.000000e-01 : f32
      %mul3A_1556 = vector.broadcast %mul3A_1555 : f32 to vector<16xf32>
      %mul3A_1557 = arith.mulf %bitcast_convert_type3A_1551, %mul3A_1556 : vector<16xf32>
      %select_n3A_1558 = arith.select %ge3A_1554, %mul3A_1557, %bitcast_convert_type3A_1551 : vector<16xi1>, vector<16xf32>
      %convert_element_type3A_1559 = arith.sitofp %sub3A_1544 : vector<16xi32> to vector<16xf32>
      %jit3A_1560 = arith.constant 1.000000e+00 : f32
      %jit3A_1561 = arith.constant 0.000000e+00 : f32
      %broadcast_in_dim3A_1562 = vector.broadcast %jit3A_1560 : f32 to vector<16xf32>
      %broadcast_in_dim3A_1563 = vector.broadcast %jit3A_1561 : f32 to vector<16xf32>
      %select_n3A_1564 = arith.select %ge3A_1554, %broadcast_in_dim3A_1562, %broadcast_in_dim3A_1563 : vector<16xi1>, vector<16xf32>
      %add3A_1565 = arith.addf %convert_element_type3A_1559, %select_n3A_1564 : vector<16xf32>
      %sub3A_1566 = arith.constant 1.000000e+00 : f32
      %sub3A_1567 = vector.broadcast %sub3A_1566 : f32 to vector<16xf32>
      %sub3A_1568 = arith.subf %select_n3A_1558, %sub3A_1567 : vector<16xf32>
      %add3A_1569 = arith.constant 1.000000e+00 : f32
      %add3A_1570 = vector.broadcast %add3A_1569 : f32 to vector<16xf32>
      %add3A_1571 = arith.addf %select_n3A_1558, %add3A_1570 : vector<16xf32>
      %div3A_1572 = arith.divf %sub3A_1568, %add3A_1571 : vector<16xf32>
      %mul3A_1573 = arith.mulf %div3A_1572, %div3A_1572 : vector<16xf32>
      %mul3A_1574 = arith.constant 0.3205989 : f32
      %mul3A_1575 = vector.broadcast %mul3A_1574 : f32 to vector<16xf32>
      %mul3A_1576 = arith.mulf %mul3A_1573, %mul3A_1575 : vector<16xf32>
      %add3A_1577 = arith.constant 0.412198603 : f32
      %add3A_1578 = vector.broadcast %add3A_1577 : f32 to vector<16xf32>
      %add3A_1579 = arith.addf %add3A_1578, %mul3A_1576 : vector<16xf32>
      %mul3A_1580 = arith.mulf %mul3A_1573, %add3A_1579 : vector<16xf32>
      %add3A_1581 = arith.constant 0.577078044 : f32
      %add3A_1582 = vector.broadcast %add3A_1581 : f32 to vector<16xf32>
      %add3A_1583 = arith.addf %add3A_1582, %mul3A_1580 : vector<16xf32>
      %mul3A_1584 = arith.mulf %mul3A_1573, %add3A_1583 : vector<16xf32>
      %add3A_1585 = arith.constant 0.9617967 : f32
      %add3A_1586 = vector.broadcast %add3A_1585 : f32 to vector<16xf32>
      %add3A_1587 = arith.addf %add3A_1586, %mul3A_1584 : vector<16xf32>
      %mul3A_1588 = arith.mulf %mul3A_1573, %add3A_1587 : vector<16xf32>
      %add3A_1589 = arith.constant 2.885390e+00 : f32
      %add3A_1590 = vector.broadcast %add3A_1589 : f32 to vector<16xf32>
      %add3A_1591 = arith.addf %add3A_1590, %mul3A_1588 : vector<16xf32>
      %mul3A_1592 = arith.mulf %div3A_1572, %add3A_1591 : vector<16xf32>
      %add3A_1593 = arith.addf %add3A_1565, %mul3A_1592 : vector<16xf32>
      %neg3A_1594 = arith.constant 0.000000e+00 : f32
      %neg3A_1595 = vector.broadcast %neg3A_1594 : f32 to vector<16xf32>
      %neg3A_1596 = arith.subf %neg3A_1595, %add3A_1593 : vector<16xf32>
      %bitcast_convert_type3A_1597 = tpu.bitcast %get3A_1537 : vector<16xf32> -> vector<16xi32>
      %shift_right_arithmetic3A_1598 = arith.constant 23 : i32
      %shift_right_arithmetic3A_1599 = vector.broadcast %shift_right_arithmetic3A_1598 : i32 to vector<16xi32>
      %shift_right_arithmetic3A_1600 = arith.shrsi %bitcast_convert_type3A_1597, %shift_right_arithmetic3A_1599 : vector<16xi32>
      %sub3A_1601 = arith.constant 127 : i32
      %sub3A_1602 = vector.broadcast %sub3A_1601 : i32 to vector<16xi32>
      %sub3A_1603 = arith.subi %shift_right_arithmetic3A_1600, %sub3A_1602 : vector<16xi32>
      %and3A_1604 = arith.constant 8388607 : i32
      %and3A_1605 = vector.broadcast %and3A_1604 : i32 to vector<16xi32>
      %and3A_1606 = arith.andi %bitcast_convert_type3A_1597, %and3A_1605 : vector<16xi32>
      %or3A_1607 = arith.constant 1065353216 : i32
      %or3A_1608 = vector.broadcast %or3A_1607 : i32 to vector<16xi32>
      %or3A_1609 = arith.ori %and3A_1606, %or3A_1608 : vector<16xi32>
      %bitcast_convert_type3A_1610 = tpu.bitcast %or3A_1609 : vector<16xi32> -> vector<16xf32>
      %ge3A_1611 = arith.constant 1.41421354 : f32
      %ge3A_1612 = vector.broadcast %ge3A_1611 : f32 to vector<16xf32>
      %ge3A_1613 = arith.cmpf oge, %bitcast_convert_type3A_1610, %ge3A_1612 : vector<16xf32>
      %mul3A_1614 = arith.constant 5.000000e-01 : f32
      %mul3A_1615 = vector.broadcast %mul3A_1614 : f32 to vector<16xf32>
      %mul3A_1616 = arith.mulf %bitcast_convert_type3A_1610, %mul3A_1615 : vector<16xf32>
      %select_n3A_1617 = arith.select %ge3A_1613, %mul3A_1616, %bitcast_convert_type3A_1610 : vector<16xi1>, vector<16xf32>
      %convert_element_type3A_1618 = arith.sitofp %sub3A_1603 : vector<16xi32> to vector<16xf32>
      %jit3A_1619 = arith.constant 1.000000e+00 : f32
      %jit3A_1620 = arith.constant 0.000000e+00 : f32
      %broadcast_in_dim3A_1621 = vector.broadcast %jit3A_1619 : f32 to vector<16xf32>
      %broadcast_in_dim3A_1622 = vector.broadcast %jit3A_1620 : f32 to vector<16xf32>
      %select_n3A_1623 = arith.select %ge3A_1613, %broadcast_in_dim3A_1621, %broadcast_in_dim3A_1622 : vector<16xi1>, vector<16xf32>
      %add3A_1624 = arith.addf %convert_element_type3A_1618, %select_n3A_1623 : vector<16xf32>
      %sub3A_1625 = arith.constant 1.000000e+00 : f32
      %sub3A_1626 = vector.broadcast %sub3A_1625 : f32 to vector<16xf32>
      %sub3A_1627 = arith.subf %select_n3A_1617, %sub3A_1626 : vector<16xf32>
      %add3A_1628 = arith.constant 1.000000e+00 : f32
      %add3A_1629 = vector.broadcast %add3A_1628 : f32 to vector<16xf32>
      %add3A_1630 = arith.addf %select_n3A_1617, %add3A_1629 : vector<16xf32>
      %div3A_1631 = arith.divf %sub3A_1627, %add3A_1630 : vector<16xf32>
      %mul3A_1632 = arith.mulf %div3A_1631, %div3A_1631 : vector<16xf32>
      %mul3A_1633 = arith.constant 0.3205989 : f32
      %mul3A_1634 = vector.broadcast %mul3A_1633 : f32 to vector<16xf32>
      %mul3A_1635 = arith.mulf %mul3A_1632, %mul3A_1634 : vector<16xf32>
      %add3A_1636 = arith.constant 0.412198603 : f32
      %add3A_1637 = vector.broadcast %add3A_1636 : f32 to vector<16xf32>
      %add3A_1638 = arith.addf %add3A_1637, %mul3A_1635 : vector<16xf32>
      %mul3A_1639 = arith.mulf %mul3A_1632, %add3A_1638 : vector<16xf32>
      %add3A_1640 = arith.constant 0.577078044 : f32
      %add3A_1641 = vector.broadcast %add3A_1640 : f32 to vector<16xf32>
      %add3A_1642 = arith.addf %add3A_1641, %mul3A_1639 : vector<16xf32>
      %mul3A_1643 = arith.mulf %mul3A_1632, %add3A_1642 : vector<16xf32>
      %add3A_1644 = arith.constant 0.9617967 : f32
      %add3A_1645 = vector.broadcast %add3A_1644 : f32 to vector<16xf32>
      %add3A_1646 = arith.addf %add3A_1645, %mul3A_1643 : vector<16xf32>
      %mul3A_1647 = arith.mulf %mul3A_1632, %add3A_1646 : vector<16xf32>
      %add3A_1648 = arith.constant 2.885390e+00 : f32
      %add3A_1649 = vector.broadcast %add3A_1648 : f32 to vector<16xf32>
      %add3A_1650 = arith.addf %add3A_1649, %mul3A_1647 : vector<16xf32>
      %mul3A_1651 = arith.mulf %div3A_1631, %add3A_1650 : vector<16xf32>
      %add3A_1652 = arith.addf %add3A_1624, %mul3A_1651 : vector<16xf32>
      %neg3A_1653 = arith.constant 0.000000e+00 : f32
      %neg3A_1654 = vector.broadcast %neg3A_1653 : f32 to vector<16xf32>
      %neg3A_1655 = arith.subf %neg3A_1654, %add3A_1652 : vector<16xf32>
      %mul3A_1656 = arith.constant 2.000000e+00 : f32
      %mul3A_1657 = vector.broadcast %mul3A_1656 : f32 to vector<16xf32>
      %mul3A_1658 = arith.mulf %mul3A_1657, %get3A_1531 : vector<16xf32>
      %sub3A_1659 = arith.constant 1.000000e+00 : f32
      %sub3A_1660 = vector.broadcast %sub3A_1659 : f32 to vector<16xf32>
      %sub3A_1661 = arith.subf %mul3A_1658, %sub3A_1660 : vector<16xf32>
      %exp3A_1662 = math.exp %sub3A_1661 : vector<16xf32>
      %mul3A_1663 = arith.mulf %neg3A_1655, %exp3A_1662 : vector<16xf32>
      %ge3A_1664 = arith.cmpf oge, %mul3A_1663, %neg3A_1596 : vector<16xf32>
      %jit3A_1665 = arith.constant 1.000000e+00 : f32
      %jit3A_1666 = arith.constant 0.000000e+00 : f32
      %broadcast_in_dim3A_1667 = vector.broadcast %jit3A_1665 : f32 to vector<16xf32>
      %broadcast_in_dim3A_1668 = vector.broadcast %jit3A_1666 : f32 to vector<16xf32>
      %select_n3A_1669 = arith.select %ge3A_1664, %broadcast_in_dim3A_1667, %broadcast_in_dim3A_1668 : vector<16xi1>, vector<16xf32>
      %get3A_1670 = arith.index_cast %mul3A_1385 : i32 to index
      %get3A_1671 = tpu.vector_load %arg15[%get3A_1670] {strides = array<i32>} : memref<256xf32, #tpu.memory_space<vmem>>, vector<16xf32>,
      %get3A_1672 = vector.shape_cast %get3A_1671 : vector<16xf32> to vector<16xf32>
      %mul3A_1673 = arith.mulf %select_n3A_1528, %get3A_1672 : vector<16xf32>
      %mul3A_1674 = arith.mulf %select_n3A_1669, %sub3A_1028 : vector<16xf32>
      %add3A_1675 = vector.broadcast %mul3A_1385 : i32 to vector<16xi32>
      %add3A_1676 = arith.addi %iota3A, %add3A_1675 : vector<16xi32>
      %lt3A = vector.broadcast %add3A_864 : i32 to vector<16xi32>
      %lt3A_1677 = arith.cmpi slt, %add3A_1676, %lt3A : vector<16xi32>
      %jit3A_1678 = arith.constant 0.000000e+00 : f32
      %broadcast_in_dim3A_1679 = vector.broadcast %jit3A_1678 : f32 to vector<16xf32>
      %select_n3A_1680 = arith.select %lt3A_1677, %mul3A_1674, %broadcast_in_dim3A_1679 : vector<16xi1>, vector<16xf32>
      %sub3A_1681 = arith.constant 1.000000e+00 : f32
      %sub3A_1682 = vector.broadcast %sub3A_1681 : f32 to vector<16xf32>
      %sub3A_1683 = arith.subf %sub3A_1682, %select_n3A_1680 : vector<16xf32>
      %eq3A = vector.broadcast %add3A_864 : i32 to vector<16xi32>
      %eq3A_1684 = arith.cmpi eq, %add3A_1676, %eq3A : vector<16xi32>
      %mul3A_1685 = arith.mulf %mul3A_1673, %sub3A_1683 : vector<16xf32>
      %jit3A_1686 = arith.constant 0.000000e+00 : f32
      %broadcast_in_dim3A_1687 = vector.broadcast %jit3A_1686 : f32 to vector<16xf32>
      %select_n3A_1688 = arith.select %eq3A_1684, %broadcast_in_dim3A_1687, %mul3A_1685 : vector<16xi1>, vector<16xf32>
      %swap3A_1689 = arith.index_cast %add3A_1387 : i32 to index
      %swap3A_1690 = tpu.vector_load %arg22[%swap3A_1689] {strides = array<i32>} : memref<2048xf32, #tpu.memory_space<vmem>>, vector<16xf32>,
      %swap3A_1691 = vector.shape_cast %swap3A_1690 : vector<16xf32> to vector<16xf32>
      %swap3A_1692 = vector.shape_cast %select_n3A_1688 : vector<16xf32> to vector<16xf32>
      tpu.vector_store %arg22[%swap3A_1689], %swap3A_1692 {strides = array<i32>} : memref<2048xf32, #tpu.memory_space<vmem>>, vector<16xf32>,
    }
    %scan3A_1034 = arith.constant 16 : i32
    %mul3A_1035 = arith.constant 8 : i32
    %mul3A_1036 = arith.muli %add3A, %mul3A_1035 : i32
    %add3A_1037 = arith.constant 6 : i32
    %add3A_1038 = arith.addi %mul3A_1036, %add3A_1037 : i32
    %broadcast_in_dim3A_1039 = arith.constant 0 : i32
    %broadcast_in_dim3A_1040 = vector.broadcast %broadcast_in_dim3A_1039 : i32 to vector<16xi32>
    %add3A_1041 = vector.broadcast %add3A_1038 : i32 to vector<16xi32>
    %add3A_1042 = arith.addi %broadcast_in_dim3A_1040, %add3A_1041 : vector<16xi32>
    %swap3A_1043 = arith.constant 0 : index
    %swap3A_1044 = tpu.vector_load %arg23[%swap3A_1043] {strides = array<i32>} : memref<16xi32, #tpu.memory_space<vmem>>, vector<16xi32>,
    %swap3A_1045 = vector.shape_cast %swap3A_1044 : vector<16xi32> to vector<16xi32>
    %swap3A_1046 = vector.shape_cast %add3A_1042 : vector<16xi32> to vector<16xi32>
    tpu.vector_store %arg23[%swap3A_1043], %swap3A_1046 {strides = array<i32>} : memref<16xi32, #tpu.memory_space<vmem>>, vector<16xi32>,
    %dma_start3A_1047 = arith.constant 0 : i32
    %dma_start3A_1048 = tpu.memref_slice %arg2[%dma_start3A_1047] : memref<256xf32, #tpu.memory_space<hbm>> -> memref<256xf32, #tpu.memory_space<hbm>>
    tpu.enqueue_indirect_dma source(%dma_start3A_1048 : memref<256xf32, #tpu.memory_space<hbm>>) target(%arg24 : memref<16xf32, #tpu.memory_space<vmem>>) offsets(%arg23 : memref<16xi32, #tpu.memory_space<vmem>>) semaphore(%arg27 : memref<!tpu.dma_semaphore, #tpu.memory_space<semaphore_mem>>)
    %dma_wait3A_1049 = arith.constant 0 : i32
    %dma_wait3A_1050 = tpu.memref_slice %arg2[%dma_wait3A_1049] : memref<256xf32, #tpu.memory_space<hbm>> -> memref<256xf32, #tpu.memory_space<hbm>>
    tpu.wait_indirect_dma semaphore(%arg27 : memref<!tpu.dma_semaphore, #tpu.memory_space<semaphore_mem>>) src(%dma_wait3A_1050 : memref<256xf32, #tpu.memory_space<hbm>>) dst(%arg24 : memref<16xf32, #tpu.memory_space<vmem>>)
    %dma_start3A_1051 = arith.constant 0 : i32
    %dma_start3A_1052 = tpu.memref_slice %arg3[%dma_start3A_1051] : memref<256xf32, #tpu.memory_space<hbm>> -> memref<256xf32, #tpu.memory_space<hbm>>
    tpu.enqueue_indirect_dma source(%dma_start3A_1052 : memref<256xf32, #tpu.memory_space<hbm>>) target(%arg25 : memref<16xf32, #tpu.memory_space<vmem>>) offsets(%arg23 : memref<16xi32, #tpu.memory_space<vmem>>) semaphore(%arg27 : memref<!tpu.dma_semaphore, #tpu.memory_space<semaphore_mem>>)
    %dma_wait3A_1053 = arith.constant 0 : i32
    %dma_wait3A_1054 = tpu.memref_slice %arg3[%dma_wait3A_1053] : memref<256xf32, #tpu.memory_space<hbm>> -> memref<256xf32, #tpu.memory_space<hbm>>
    tpu.wait_indirect_dma semaphore(%arg27 : memref<!tpu.dma_semaphore, #tpu.memory_space<semaphore_mem>>) src(%dma_wait3A_1054 : memref<256xf32, #tpu.memory_space<hbm>>) dst(%arg25 : memref<16xf32, #tpu.memory_space<vmem>>)
    %dma_start3A_1055 = arith.constant 0 : i32
    %dma_start3A_1056 = tpu.memref_slice %arg4[%dma_start3A_1055] : memref<256xf32, #tpu.memory_space<hbm>> -> memref<256xf32, #tpu.memory_space<hbm>>
    tpu.enqueue_indirect_dma source(%dma_start3A_1056 : memref<256xf32, #tpu.memory_space<hbm>>) target(%arg26 : memref<16xf32, #tpu.memory_space<vmem>>) offsets(%arg23 : memref<16xi32, #tpu.memory_space<vmem>>) semaphore(%arg27 : memref<!tpu.dma_semaphore, #tpu.memory_space<semaphore_mem>>)
    %dma_wait3A_1057 = arith.constant 0 : i32
    %dma_wait3A_1058 = tpu.memref_slice %arg4[%dma_wait3A_1057] : memref<256xf32, #tpu.memory_space<hbm>> -> memref<256xf32, #tpu.memory_space<hbm>>
    tpu.wait_indirect_dma semaphore(%arg27 : memref<!tpu.dma_semaphore, #tpu.memory_space<semaphore_mem>>) src(%dma_wait3A_1058 : memref<256xf32, #tpu.memory_space<hbm>>) dst(%arg26 : memref<16xf32, #tpu.memory_space<vmem>>)
    %get3A_1059 = arith.constant 0 : index
    %get3A_1060 = tpu.vector_load %arg24[%get3A_1059] {strides = array<i32>} : memref<16xf32, #tpu.memory_space<vmem>>, vector<16xf32>,
    %get3A_1061 = vector.shape_cast %get3A_1060 : vector<16xf32> to vector<16xf32>
    %get3A_1062 = arith.constant 0 : index
    %get3A_1063 = tpu.vector_load %arg25[%get3A_1062] {strides = array<i32>} : memref<16xf32, #tpu.memory_space<vmem>>, vector<16xf32>,
    %get3A_1064 = vector.shape_cast %get3A_1063 : vector<16xf32> to vector<16xf32>
    %get3A_1065 = arith.constant 0 : index
    %get3A_1066 = tpu.vector_load %arg26[%get3A_1065] {strides = array<i32>} : memref<16xf32, #tpu.memory_space<vmem>>, vector<16xf32>,
    %get3A_1067 = vector.shape_cast %get3A_1066 : vector<16xf32> to vector<16xf32>
    %bitcast_convert_type3A_1068 = tpu.bitcast %get3A_1064 : vector<16xf32> -> vector<16xi32>
    %shift_right_arithmetic3A_1069 = arith.constant 23 : i32
    %shift_right_arithmetic3A_1070 = vector.broadcast %shift_right_arithmetic3A_1069 : i32 to vector<16xi32>
    %shift_right_arithmetic3A_1071 = arith.shrsi %bitcast_convert_type3A_1068, %shift_right_arithmetic3A_1070 : vector<16xi32>
    %sub3A_1072 = arith.constant 127 : i32
    %sub3A_1073 = vector.broadcast %sub3A_1072 : i32 to vector<16xi32>
    %sub3A_1074 = arith.subi %shift_right_arithmetic3A_1071, %sub3A_1073 : vector<16xi32>
    %and3A_1075 = arith.constant 8388607 : i32
    %and3A_1076 = vector.broadcast %and3A_1075 : i32 to vector<16xi32>
    %and3A_1077 = arith.andi %bitcast_convert_type3A_1068, %and3A_1076 : vector<16xi32>
    %or3A_1078 = arith.constant 1065353216 : i32
    %or3A_1079 = vector.broadcast %or3A_1078 : i32 to vector<16xi32>
    %or3A_1080 = arith.ori %and3A_1077, %or3A_1079 : vector<16xi32>
    %bitcast_convert_type3A_1081 = tpu.bitcast %or3A_1080 : vector<16xi32> -> vector<16xf32>
    %ge3A_1082 = arith.constant 1.41421354 : f32
    %ge3A_1083 = vector.broadcast %ge3A_1082 : f32 to vector<16xf32>
    %ge3A_1084 = arith.cmpf oge, %bitcast_convert_type3A_1081, %ge3A_1083 : vector<16xf32>
    %mul3A_1085 = arith.constant 5.000000e-01 : f32
    %mul3A_1086 = vector.broadcast %mul3A_1085 : f32 to vector<16xf32>
    %mul3A_1087 = arith.mulf %bitcast_convert_type3A_1081, %mul3A_1086 : vector<16xf32>
    %select_n3A_1088 = arith.select %ge3A_1084, %mul3A_1087, %bitcast_convert_type3A_1081 : vector<16xi1>, vector<16xf32>
    %convert_element_type3A_1089 = arith.sitofp %sub3A_1074 : vector<16xi32> to vector<16xf32>
    %jit3A_1090 = arith.constant 1.000000e+00 : f32
    %jit3A_1091 = arith.constant 0.000000e+00 : f32
    %broadcast_in_dim3A_1092 = vector.broadcast %jit3A_1090 : f32 to vector<16xf32>
    %broadcast_in_dim3A_1093 = vector.broadcast %jit3A_1091 : f32 to vector<16xf32>
    %select_n3A_1094 = arith.select %ge3A_1084, %broadcast_in_dim3A_1092, %broadcast_in_dim3A_1093 : vector<16xi1>, vector<16xf32>
    %add3A_1095 = arith.addf %convert_element_type3A_1089, %select_n3A_1094 : vector<16xf32>
    %sub3A_1096 = arith.constant 1.000000e+00 : f32
    %sub3A_1097 = vector.broadcast %sub3A_1096 : f32 to vector<16xf32>
    %sub3A_1098 = arith.subf %select_n3A_1088, %sub3A_1097 : vector<16xf32>
    %add3A_1099 = arith.constant 1.000000e+00 : f32
    %add3A_1100 = vector.broadcast %add3A_1099 : f32 to vector<16xf32>
    %add3A_1101 = arith.addf %select_n3A_1088, %add3A_1100 : vector<16xf32>
    %div3A_1102 = arith.divf %sub3A_1098, %add3A_1101 : vector<16xf32>
    %mul3A_1103 = arith.mulf %div3A_1102, %div3A_1102 : vector<16xf32>
    %mul3A_1104 = arith.constant 0.3205989 : f32
    %mul3A_1105 = vector.broadcast %mul3A_1104 : f32 to vector<16xf32>
    %mul3A_1106 = arith.mulf %mul3A_1103, %mul3A_1105 : vector<16xf32>
    %add3A_1107 = arith.constant 0.412198603 : f32
    %add3A_1108 = vector.broadcast %add3A_1107 : f32 to vector<16xf32>
    %add3A_1109 = arith.addf %add3A_1108, %mul3A_1106 : vector<16xf32>
    %mul3A_1110 = arith.mulf %mul3A_1103, %add3A_1109 : vector<16xf32>
    %add3A_1111 = arith.constant 0.577078044 : f32
    %add3A_1112 = vector.broadcast %add3A_1111 : f32 to vector<16xf32>
    %add3A_1113 = arith.addf %add3A_1112, %mul3A_1110 : vector<16xf32>
    %mul3A_1114 = arith.mulf %mul3A_1103, %add3A_1113 : vector<16xf32>
    %add3A_1115 = arith.constant 0.9617967 : f32
    %add3A_1116 = vector.broadcast %add3A_1115 : f32 to vector<16xf32>
    %add3A_1117 = arith.addf %add3A_1116, %mul3A_1114 : vector<16xf32>
    %mul3A_1118 = arith.mulf %mul3A_1103, %add3A_1117 : vector<16xf32>
    %add3A_1119 = arith.constant 2.885390e+00 : f32
    %add3A_1120 = vector.broadcast %add3A_1119 : f32 to vector<16xf32>
    %add3A_1121 = arith.addf %add3A_1120, %mul3A_1118 : vector<16xf32>
    %mul3A_1122 = arith.mulf %div3A_1102, %add3A_1121 : vector<16xf32>
    %add3A_1123 = arith.addf %add3A_1095, %mul3A_1122 : vector<16xf32>
    %neg3A_1124 = arith.constant 0.000000e+00 : f32
    %neg3A_1125 = vector.broadcast %neg3A_1124 : f32 to vector<16xf32>
    %neg3A_1126 = arith.subf %neg3A_1125, %add3A_1123 : vector<16xf32>
    %bitcast_convert_type3A_1127 = tpu.bitcast %get3A_1067 : vector<16xf32> -> vector<16xi32>
    %shift_right_arithmetic3A_1128 = arith.constant 23 : i32
    %shift_right_arithmetic3A_1129 = vector.broadcast %shift_right_arithmetic3A_1128 : i32 to vector<16xi32>
    %shift_right_arithmetic3A_1130 = arith.shrsi %bitcast_convert_type3A_1127, %shift_right_arithmetic3A_1129 : vector<16xi32>
    %sub3A_1131 = arith.constant 127 : i32
    %sub3A_1132 = vector.broadcast %sub3A_1131 : i32 to vector<16xi32>
    %sub3A_1133 = arith.subi %shift_right_arithmetic3A_1130, %sub3A_1132 : vector<16xi32>
    %and3A_1134 = arith.constant 8388607 : i32
    %and3A_1135 = vector.broadcast %and3A_1134 : i32 to vector<16xi32>
    %and3A_1136 = arith.andi %bitcast_convert_type3A_1127, %and3A_1135 : vector<16xi32>
    %or3A_1137 = arith.constant 1065353216 : i32
    %or3A_1138 = vector.broadcast %or3A_1137 : i32 to vector<16xi32>
    %or3A_1139 = arith.ori %and3A_1136, %or3A_1138 : vector<16xi32>
    %bitcast_convert_type3A_1140 = tpu.bitcast %or3A_1139 : vector<16xi32> -> vector<16xf32>
    %ge3A_1141 = arith.constant 1.41421354 : f32
    %ge3A_1142 = vector.broadcast %ge3A_1141 : f32 to vector<16xf32>
    %ge3A_1143 = arith.cmpf oge, %bitcast_convert_type3A_1140, %ge3A_1142 : vector<16xf32>
    %mul3A_1144 = arith.constant 5.000000e-01 : f32
    %mul3A_1145 = vector.broadcast %mul3A_1144 : f32 to vector<16xf32>
    %mul3A_1146 = arith.mulf %bitcast_convert_type3A_1140, %mul3A_1145 : vector<16xf32>
    %select_n3A_1147 = arith.select %ge3A_1143, %mul3A_1146, %bitcast_convert_type3A_1140 : vector<16xi1>, vector<16xf32>
    %convert_element_type3A_1148 = arith.sitofp %sub3A_1133 : vector<16xi32> to vector<16xf32>
    %jit3A_1149 = arith.constant 1.000000e+00 : f32
    %jit3A_1150 = arith.constant 0.000000e+00 : f32
    %broadcast_in_dim3A_1151 = vector.broadcast %jit3A_1149 : f32 to vector<16xf32>
    %broadcast_in_dim3A_1152 = vector.broadcast %jit3A_1150 : f32 to vector<16xf32>
    %select_n3A_1153 = arith.select %ge3A_1143, %broadcast_in_dim3A_1151, %broadcast_in_dim3A_1152 : vector<16xi1>, vector<16xf32>
    %add3A_1154 = arith.addf %convert_element_type3A_1148, %select_n3A_1153 : vector<16xf32>
    %sub3A_1155 = arith.constant 1.000000e+00 : f32
    %sub3A_1156 = vector.broadcast %sub3A_1155 : f32 to vector<16xf32>
    %sub3A_1157 = arith.subf %select_n3A_1147, %sub3A_1156 : vector<16xf32>
    %add3A_1158 = arith.constant 1.000000e+00 : f32
    %add3A_1159 = vector.broadcast %add3A_1158 : f32 to vector<16xf32>
    %add3A_1160 = arith.addf %select_n3A_1147, %add3A_1159 : vector<16xf32>
    %div3A_1161 = arith.divf %sub3A_1157, %add3A_1160 : vector<16xf32>
    %mul3A_1162 = arith.mulf %div3A_1161, %div3A_1161 : vector<16xf32>
    %mul3A_1163 = arith.constant 0.3205989 : f32
    %mul3A_1164 = vector.broadcast %mul3A_1163 : f32 to vector<16xf32>
    %mul3A_1165 = arith.mulf %mul3A_1162, %mul3A_1164 : vector<16xf32>
    %add3A_1166 = arith.constant 0.412198603 : f32
    %add3A_1167 = vector.broadcast %add3A_1166 : f32 to vector<16xf32>
    %add3A_1168 = arith.addf %add3A_1167, %mul3A_1165 : vector<16xf32>
    %mul3A_1169 = arith.mulf %mul3A_1162, %add3A_1168 : vector<16xf32>
    %add3A_1170 = arith.constant 0.577078044 : f32
    %add3A_1171 = vector.broadcast %add3A_1170 : f32 to vector<16xf32>
    %add3A_1172 = arith.addf %add3A_1171, %mul3A_1169 : vector<16xf32>
    %mul3A_1173 = arith.mulf %mul3A_1162, %add3A_1172 : vector<16xf32>
    %add3A_1174 = arith.constant 0.9617967 : f32
    %add3A_1175 = vector.broadcast %add3A_1174 : f32 to vector<16xf32>
    %add3A_1176 = arith.addf %add3A_1175, %mul3A_1173 : vector<16xf32>
    %mul3A_1177 = arith.mulf %mul3A_1162, %add3A_1176 : vector<16xf32>
    %add3A_1178 = arith.constant 2.885390e+00 : f32
    %add3A_1179 = vector.broadcast %add3A_1178 : f32 to vector<16xf32>
    %add3A_1180 = arith.addf %add3A_1179, %mul3A_1177 : vector<16xf32>
    %mul3A_1181 = arith.mulf %div3A_1161, %add3A_1180 : vector<16xf32>
    %add3A_1182 = arith.addf %add3A_1154, %mul3A_1181 : vector<16xf32>
    %neg3A_1183 = arith.constant 0.000000e+00 : f32
    %neg3A_1184 = vector.broadcast %neg3A_1183 : f32 to vector<16xf32>
    %neg3A_1185 = arith.subf %neg3A_1184, %add3A_1182 : vector<16xf32>
    %mul3A_1186 = arith.constant 2.000000e+00 : f32
    %mul3A_1187 = vector.broadcast %mul3A_1186 : f32 to vector<16xf32>
    %mul3A_1188 = arith.mulf %mul3A_1187, %get3A_1061 : vector<16xf32>
    %sub3A_1189 = arith.constant 1.000000e+00 : f32
    %sub3A_1190 = vector.broadcast %sub3A_1189 : f32 to vector<16xf32>
    %sub3A_1191 = arith.subf %mul3A_1188, %sub3A_1190 : vector<16xf32>
    %exp3A_1192 = math.exp %sub3A_1191 : vector<16xf32>
    %mul3A_1193 = arith.mulf %neg3A_1185, %exp3A_1192 : vector<16xf32>
    %ge3A_1194 = arith.cmpf oge, %mul3A_1193, %neg3A_1126 : vector<16xf32>
    %jit3A_1195 = arith.constant 1.000000e+00 : f32
    %jit3A_1196 = arith.constant 0.000000e+00 : f32
    %broadcast_in_dim3A_1197 = vector.broadcast %jit3A_1195 : f32 to vector<16xf32>
    %broadcast_in_dim3A_1198 = vector.broadcast %jit3A_1196 : f32 to vector<16xf32>
    %select_n3A_1199 = arith.select %ge3A_1194, %broadcast_in_dim3A_1197, %broadcast_in_dim3A_1198 : vector<16xi1>, vector<16xf32>
    %sub3A_1200 = arith.constant 1.000000e+00 : f32
    %sub3A_1201 = vector.broadcast %sub3A_1200 : f32 to vector<16xf32>
    %sub3A_1202 = arith.subf %sub3A_1201, %select_n3A_1199 : vector<16xf32>
    %scan3A_1203 = arith.constant 0 : i32
    %scan3A_1204 = arith.constant 0 : i32
    %scan3A_1205 = arith.constant 16 : i32
    %scan3A_1206 = arith.addi %scan3A_1204, %scan3A_1205 : i32
    %scan3A_1207 = arith.constant 1 : i32
    scf.for %scan3A_1383 = %scan3A_1204 to %scan3A_1206 step %scan3A_1207  : i32 {
      %mul3A_1384 = arith.constant 16 : i32
      %mul3A_1385 = arith.muli %scan3A_1383, %mul3A_1384 : i32
      %add3A_1386 = arith.constant 1536 : i32
      %add3A_1387 = arith.addi %add3A_1386, %mul3A_1385 : i32
      %get3A_1388 = arith.index_cast %add3A_1387 : i32 to index
      %get3A_1389 = tpu.vector_load %arg16[%get3A_1388] {strides = array<i32>} : memref<2048xf32, #tpu.memory_space<vmem>>, vector<16xf32>,
      %get3A_1390 = vector.shape_cast %get3A_1389 : vector<16xf32> to vector<16xf32>
      %get3A_1391 = arith.index_cast %add3A_1387 : i32 to index
      %get3A_1392 = tpu.vector_load %arg17[%get3A_1391] {strides = array<i32>} : memref<2048xf32, #tpu.memory_space<vmem>>, vector<16xf32>,
      %get3A_1393 = vector.shape_cast %get3A_1392 : vector<16xf32> to vector<16xf32>
      %get3A_1394 = arith.index_cast %add3A_1387 : i32 to index
      %get3A_1395 = tpu.vector_load %arg18[%get3A_1394] {strides = array<i32>} : memref<2048xf32, #tpu.memory_space<vmem>>, vector<16xf32>,
      %get3A_1396 = vector.shape_cast %get3A_1395 : vector<16xf32> to vector<16xf32>
      %bitcast_convert_type3A_1397 = tpu.bitcast %get3A_1393 : vector<16xf32> -> vector<16xi32>
      %shift_right_arithmetic3A_1398 = arith.constant 23 : i32
      %shift_right_arithmetic3A_1399 = vector.broadcast %shift_right_arithmetic3A_1398 : i32 to vector<16xi32>
      %shift_right_arithmetic3A_1400 = arith.shrsi %bitcast_convert_type3A_1397, %shift_right_arithmetic3A_1399 : vector<16xi32>
      %sub3A_1401 = arith.constant 127 : i32
      %sub3A_1402 = vector.broadcast %sub3A_1401 : i32 to vector<16xi32>
      %sub3A_1403 = arith.subi %shift_right_arithmetic3A_1400, %sub3A_1402 : vector<16xi32>
      %and3A_1404 = arith.constant 8388607 : i32
      %and3A_1405 = vector.broadcast %and3A_1404 : i32 to vector<16xi32>
      %and3A_1406 = arith.andi %bitcast_convert_type3A_1397, %and3A_1405 : vector<16xi32>
      %or3A_1407 = arith.constant 1065353216 : i32
      %or3A_1408 = vector.broadcast %or3A_1407 : i32 to vector<16xi32>
      %or3A_1409 = arith.ori %and3A_1406, %or3A_1408 : vector<16xi32>
      %bitcast_convert_type3A_1410 = tpu.bitcast %or3A_1409 : vector<16xi32> -> vector<16xf32>
      %ge3A_1411 = arith.constant 1.41421354 : f32
      %ge3A_1412 = vector.broadcast %ge3A_1411 : f32 to vector<16xf32>
      %ge3A_1413 = arith.cmpf oge, %bitcast_convert_type3A_1410, %ge3A_1412 : vector<16xf32>
      %mul3A_1414 = arith.constant 5.000000e-01 : f32
      %mul3A_1415 = vector.broadcast %mul3A_1414 : f32 to vector<16xf32>
      %mul3A_1416 = arith.mulf %bitcast_convert_type3A_1410, %mul3A_1415 : vector<16xf32>
      %select_n3A_1417 = arith.select %ge3A_1413, %mul3A_1416, %bitcast_convert_type3A_1410 : vector<16xi1>, vector<16xf32>
      %convert_element_type3A_1418 = arith.sitofp %sub3A_1403 : vector<16xi32> to vector<16xf32>
      %jit3A_1419 = arith.constant 1.000000e+00 : f32
      %jit3A_1420 = arith.constant 0.000000e+00 : f32
      %broadcast_in_dim3A_1421 = vector.broadcast %jit3A_1419 : f32 to vector<16xf32>
      %broadcast_in_dim3A_1422 = vector.broadcast %jit3A_1420 : f32 to vector<16xf32>
      %select_n3A_1423 = arith.select %ge3A_1413, %broadcast_in_dim3A_1421, %broadcast_in_dim3A_1422 : vector<16xi1>, vector<16xf32>
      %add3A_1424 = arith.addf %convert_element_type3A_1418, %select_n3A_1423 : vector<16xf32>
      %sub3A_1425 = arith.constant 1.000000e+00 : f32
      %sub3A_1426 = vector.broadcast %sub3A_1425 : f32 to vector<16xf32>
      %sub3A_1427 = arith.subf %select_n3A_1417, %sub3A_1426 : vector<16xf32>
      %add3A_1428 = arith.constant 1.000000e+00 : f32
      %add3A_1429 = vector.broadcast %add3A_1428 : f32 to vector<16xf32>
      %add3A_1430 = arith.addf %select_n3A_1417, %add3A_1429 : vector<16xf32>
      %div3A_1431 = arith.divf %sub3A_1427, %add3A_1430 : vector<16xf32>
      %mul3A_1432 = arith.mulf %div3A_1431, %div3A_1431 : vector<16xf32>
      %mul3A_1433 = arith.constant 0.3205989 : f32
      %mul3A_1434 = vector.broadcast %mul3A_1433 : f32 to vector<16xf32>
      %mul3A_1435 = arith.mulf %mul3A_1432, %mul3A_1434 : vector<16xf32>
      %add3A_1436 = arith.constant 0.412198603 : f32
      %add3A_1437 = vector.broadcast %add3A_1436 : f32 to vector<16xf32>
      %add3A_1438 = arith.addf %add3A_1437, %mul3A_1435 : vector<16xf32>
      %mul3A_1439 = arith.mulf %mul3A_1432, %add3A_1438 : vector<16xf32>
      %add3A_1440 = arith.constant 0.577078044 : f32
      %add3A_1441 = vector.broadcast %add3A_1440 : f32 to vector<16xf32>
      %add3A_1442 = arith.addf %add3A_1441, %mul3A_1439 : vector<16xf32>
      %mul3A_1443 = arith.mulf %mul3A_1432, %add3A_1442 : vector<16xf32>
      %add3A_1444 = arith.constant 0.9617967 : f32
      %add3A_1445 = vector.broadcast %add3A_1444 : f32 to vector<16xf32>
      %add3A_1446 = arith.addf %add3A_1445, %mul3A_1443 : vector<16xf32>
      %mul3A_1447 = arith.mulf %mul3A_1432, %add3A_1446 : vector<16xf32>
      %add3A_1448 = arith.constant 2.885390e+00 : f32
      %add3A_1449 = vector.broadcast %add3A_1448 : f32 to vector<16xf32>
      %add3A_1450 = arith.addf %add3A_1449, %mul3A_1447 : vector<16xf32>
      %mul3A_1451 = arith.mulf %div3A_1431, %add3A_1450 : vector<16xf32>
      %add3A_1452 = arith.addf %add3A_1424, %mul3A_1451 : vector<16xf32>
      %neg3A_1453 = arith.constant 0.000000e+00 : f32
      %neg3A_1454 = vector.broadcast %neg3A_1453 : f32 to vector<16xf32>
      %neg3A_1455 = arith.subf %neg3A_1454, %add3A_1452 : vector<16xf32>
      %bitcast_convert_type3A_1456 = tpu.bitcast %get3A_1396 : vector<16xf32> -> vector<16xi32>
      %shift_right_arithmetic3A_1457 = arith.constant 23 : i32
      %shift_right_arithmetic3A_1458 = vector.broadcast %shift_right_arithmetic3A_1457 : i32 to vector<16xi32>
      %shift_right_arithmetic3A_1459 = arith.shrsi %bitcast_convert_type3A_1456, %shift_right_arithmetic3A_1458 : vector<16xi32>
      %sub3A_1460 = arith.constant 127 : i32
      %sub3A_1461 = vector.broadcast %sub3A_1460 : i32 to vector<16xi32>
      %sub3A_1462 = arith.subi %shift_right_arithmetic3A_1459, %sub3A_1461 : vector<16xi32>
      %and3A_1463 = arith.constant 8388607 : i32
      %and3A_1464 = vector.broadcast %and3A_1463 : i32 to vector<16xi32>
      %and3A_1465 = arith.andi %bitcast_convert_type3A_1456, %and3A_1464 : vector<16xi32>
      %or3A_1466 = arith.constant 1065353216 : i32
      %or3A_1467 = vector.broadcast %or3A_1466 : i32 to vector<16xi32>
      %or3A_1468 = arith.ori %and3A_1465, %or3A_1467 : vector<16xi32>
      %bitcast_convert_type3A_1469 = tpu.bitcast %or3A_1468 : vector<16xi32> -> vector<16xf32>
      %ge3A_1470 = arith.constant 1.41421354 : f32
      %ge3A_1471 = vector.broadcast %ge3A_1470 : f32 to vector<16xf32>
      %ge3A_1472 = arith.cmpf oge, %bitcast_convert_type3A_1469, %ge3A_1471 : vector<16xf32>
      %mul3A_1473 = arith.constant 5.000000e-01 : f32
      %mul3A_1474 = vector.broadcast %mul3A_1473 : f32 to vector<16xf32>
      %mul3A_1475 = arith.mulf %bitcast_convert_type3A_1469, %mul3A_1474 : vector<16xf32>
      %select_n3A_1476 = arith.select %ge3A_1472, %mul3A_1475, %bitcast_convert_type3A_1469 : vector<16xi1>, vector<16xf32>
      %convert_element_type3A_1477 = arith.sitofp %sub3A_1462 : vector<16xi32> to vector<16xf32>
      %jit3A_1478 = arith.constant 1.000000e+00 : f32
      %jit3A_1479 = arith.constant 0.000000e+00 : f32
      %broadcast_in_dim3A_1480 = vector.broadcast %jit3A_1478 : f32 to vector<16xf32>
      %broadcast_in_dim3A_1481 = vector.broadcast %jit3A_1479 : f32 to vector<16xf32>
      %select_n3A_1482 = arith.select %ge3A_1472, %broadcast_in_dim3A_1480, %broadcast_in_dim3A_1481 : vector<16xi1>, vector<16xf32>
      %add3A_1483 = arith.addf %convert_element_type3A_1477, %select_n3A_1482 : vector<16xf32>
      %sub3A_1484 = arith.constant 1.000000e+00 : f32
      %sub3A_1485 = vector.broadcast %sub3A_1484 : f32 to vector<16xf32>
      %sub3A_1486 = arith.subf %select_n3A_1476, %sub3A_1485 : vector<16xf32>
      %add3A_1487 = arith.constant 1.000000e+00 : f32
      %add3A_1488 = vector.broadcast %add3A_1487 : f32 to vector<16xf32>
      %add3A_1489 = arith.addf %select_n3A_1476, %add3A_1488 : vector<16xf32>
      %div3A_1490 = arith.divf %sub3A_1486, %add3A_1489 : vector<16xf32>
      %mul3A_1491 = arith.mulf %div3A_1490, %div3A_1490 : vector<16xf32>
      %mul3A_1492 = arith.constant 0.3205989 : f32
      %mul3A_1493 = vector.broadcast %mul3A_1492 : f32 to vector<16xf32>
      %mul3A_1494 = arith.mulf %mul3A_1491, %mul3A_1493 : vector<16xf32>
      %add3A_1495 = arith.constant 0.412198603 : f32
      %add3A_1496 = vector.broadcast %add3A_1495 : f32 to vector<16xf32>
      %add3A_1497 = arith.addf %add3A_1496, %mul3A_1494 : vector<16xf32>
      %mul3A_1498 = arith.mulf %mul3A_1491, %add3A_1497 : vector<16xf32>
      %add3A_1499 = arith.constant 0.577078044 : f32
      %add3A_1500 = vector.broadcast %add3A_1499 : f32 to vector<16xf32>
      %add3A_1501 = arith.addf %add3A_1500, %mul3A_1498 : vector<16xf32>
      %mul3A_1502 = arith.mulf %mul3A_1491, %add3A_1501 : vector<16xf32>
      %add3A_1503 = arith.constant 0.9617967 : f32
      %add3A_1504 = vector.broadcast %add3A_1503 : f32 to vector<16xf32>
      %add3A_1505 = arith.addf %add3A_1504, %mul3A_1502 : vector<16xf32>
      %mul3A_1506 = arith.mulf %mul3A_1491, %add3A_1505 : vector<16xf32>
      %add3A_1507 = arith.constant 2.885390e+00 : f32
      %add3A_1508 = vector.broadcast %add3A_1507 : f32 to vector<16xf32>
      %add3A_1509 = arith.addf %add3A_1508, %mul3A_1506 : vector<16xf32>
      %mul3A_1510 = arith.mulf %div3A_1490, %add3A_1509 : vector<16xf32>
      %add3A_1511 = arith.addf %add3A_1483, %mul3A_1510 : vector<16xf32>
      %neg3A_1512 = arith.constant 0.000000e+00 : f32
      %neg3A_1513 = vector.broadcast %neg3A_1512 : f32 to vector<16xf32>
      %neg3A_1514 = arith.subf %neg3A_1513, %add3A_1511 : vector<16xf32>
      %mul3A_1515 = arith.constant 2.000000e+00 : f32
      %mul3A_1516 = vector.broadcast %mul3A_1515 : f32 to vector<16xf32>
      %mul3A_1517 = arith.mulf %mul3A_1516, %get3A_1390 : vector<16xf32>
      %sub3A_1518 = arith.constant 1.000000e+00 : f32
      %sub3A_1519 = vector.broadcast %sub3A_1518 : f32 to vector<16xf32>
      %sub3A_1520 = arith.subf %mul3A_1517, %sub3A_1519 : vector<16xf32>
      %exp3A_1521 = math.exp %sub3A_1520 : vector<16xf32>
      %mul3A_1522 = arith.mulf %neg3A_1514, %exp3A_1521 : vector<16xf32>
      %ge3A_1523 = arith.cmpf oge, %mul3A_1522, %neg3A_1455 : vector<16xf32>
      %jit3A_1524 = arith.constant 1.000000e+00 : f32
      %jit3A_1525 = arith.constant 0.000000e+00 : f32
      %broadcast_in_dim3A_1526 = vector.broadcast %jit3A_1524 : f32 to vector<16xf32>
      %broadcast_in_dim3A_1527 = vector.broadcast %jit3A_1525 : f32 to vector<16xf32>
      %select_n3A_1528 = arith.select %ge3A_1523, %broadcast_in_dim3A_1526, %broadcast_in_dim3A_1527 : vector<16xi1>, vector<16xf32>
      %get3A_1529 = arith.index_cast %add3A_1387 : i32 to index
      %get3A_1530 = tpu.vector_load %arg19[%get3A_1529] {strides = array<i32>} : memref<2048xf32, #tpu.memory_space<vmem>>, vector<16xf32>,
      %get3A_1531 = vector.shape_cast %get3A_1530 : vector<16xf32> to vector<16xf32>
      %get3A_1532 = arith.index_cast %add3A_1387 : i32 to index
      %get3A_1533 = tpu.vector_load %arg20[%get3A_1532] {strides = array<i32>} : memref<2048xf32, #tpu.memory_space<vmem>>, vector<16xf32>,
      %get3A_1534 = vector.shape_cast %get3A_1533 : vector<16xf32> to vector<16xf32>
      %get3A_1535 = arith.index_cast %add3A_1387 : i32 to index
      %get3A_1536 = tpu.vector_load %arg21[%get3A_1535] {strides = array<i32>} : memref<2048xf32, #tpu.memory_space<vmem>>, vector<16xf32>,
      %get3A_1537 = vector.shape_cast %get3A_1536 : vector<16xf32> to vector<16xf32>
      %bitcast_convert_type3A_1538 = tpu.bitcast %get3A_1534 : vector<16xf32> -> vector<16xi32>
      %shift_right_arithmetic3A_1539 = arith.constant 23 : i32
      %shift_right_arithmetic3A_1540 = vector.broadcast %shift_right_arithmetic3A_1539 : i32 to vector<16xi32>
      %shift_right_arithmetic3A_1541 = arith.shrsi %bitcast_convert_type3A_1538, %shift_right_arithmetic3A_1540 : vector<16xi32>
      %sub3A_1542 = arith.constant 127 : i32
      %sub3A_1543 = vector.broadcast %sub3A_1542 : i32 to vector<16xi32>
      %sub3A_1544 = arith.subi %shift_right_arithmetic3A_1541, %sub3A_1543 : vector<16xi32>
      %and3A_1545 = arith.constant 8388607 : i32
      %and3A_1546 = vector.broadcast %and3A_1545 : i32 to vector<16xi32>
      %and3A_1547 = arith.andi %bitcast_convert_type3A_1538, %and3A_1546 : vector<16xi32>
      %or3A_1548 = arith.constant 1065353216 : i32
      %or3A_1549 = vector.broadcast %or3A_1548 : i32 to vector<16xi32>
      %or3A_1550 = arith.ori %and3A_1547, %or3A_1549 : vector<16xi32>
      %bitcast_convert_type3A_1551 = tpu.bitcast %or3A_1550 : vector<16xi32> -> vector<16xf32>
      %ge3A_1552 = arith.constant 1.41421354 : f32
      %ge3A_1553 = vector.broadcast %ge3A_1552 : f32 to vector<16xf32>
      %ge3A_1554 = arith.cmpf oge, %bitcast_convert_type3A_1551, %ge3A_1553 : vector<16xf32>
      %mul3A_1555 = arith.constant 5.000000e-01 : f32
      %mul3A_1556 = vector.broadcast %mul3A_1555 : f32 to vector<16xf32>
      %mul3A_1557 = arith.mulf %bitcast_convert_type3A_1551, %mul3A_1556 : vector<16xf32>
      %select_n3A_1558 = arith.select %ge3A_1554, %mul3A_1557, %bitcast_convert_type3A_1551 : vector<16xi1>, vector<16xf32>
      %convert_element_type3A_1559 = arith.sitofp %sub3A_1544 : vector<16xi32> to vector<16xf32>
      %jit3A_1560 = arith.constant 1.000000e+00 : f32
      %jit3A_1561 = arith.constant 0.000000e+00 : f32
      %broadcast_in_dim3A_1562 = vector.broadcast %jit3A_1560 : f32 to vector<16xf32>
      %broadcast_in_dim3A_1563 = vector.broadcast %jit3A_1561 : f32 to vector<16xf32>
      %select_n3A_1564 = arith.select %ge3A_1554, %broadcast_in_dim3A_1562, %broadcast_in_dim3A_1563 : vector<16xi1>, vector<16xf32>
      %add3A_1565 = arith.addf %convert_element_type3A_1559, %select_n3A_1564 : vector<16xf32>
      %sub3A_1566 = arith.constant 1.000000e+00 : f32
      %sub3A_1567 = vector.broadcast %sub3A_1566 : f32 to vector<16xf32>
      %sub3A_1568 = arith.subf %select_n3A_1558, %sub3A_1567 : vector<16xf32>
      %add3A_1569 = arith.constant 1.000000e+00 : f32
      %add3A_1570 = vector.broadcast %add3A_1569 : f32 to vector<16xf32>
      %add3A_1571 = arith.addf %select_n3A_1558, %add3A_1570 : vector<16xf32>
      %div3A_1572 = arith.divf %sub3A_1568, %add3A_1571 : vector<16xf32>
      %mul3A_1573 = arith.mulf %div3A_1572, %div3A_1572 : vector<16xf32>
      %mul3A_1574 = arith.constant 0.3205989 : f32
      %mul3A_1575 = vector.broadcast %mul3A_1574 : f32 to vector<16xf32>
      %mul3A_1576 = arith.mulf %mul3A_1573, %mul3A_1575 : vector<16xf32>
      %add3A_1577 = arith.constant 0.412198603 : f32
      %add3A_1578 = vector.broadcast %add3A_1577 : f32 to vector<16xf32>
      %add3A_1579 = arith.addf %add3A_1578, %mul3A_1576 : vector<16xf32>
      %mul3A_1580 = arith.mulf %mul3A_1573, %add3A_1579 : vector<16xf32>
      %add3A_1581 = arith.constant 0.577078044 : f32
      %add3A_1582 = vector.broadcast %add3A_1581 : f32 to vector<16xf32>
      %add3A_1583 = arith.addf %add3A_1582, %mul3A_1580 : vector<16xf32>
      %mul3A_1584 = arith.mulf %mul3A_1573, %add3A_1583 : vector<16xf32>
      %add3A_1585 = arith.constant 0.9617967 : f32
      %add3A_1586 = vector.broadcast %add3A_1585 : f32 to vector<16xf32>
      %add3A_1587 = arith.addf %add3A_1586, %mul3A_1584 : vector<16xf32>
      %mul3A_1588 = arith.mulf %mul3A_1573, %add3A_1587 : vector<16xf32>
      %add3A_1589 = arith.constant 2.885390e+00 : f32
      %add3A_1590 = vector.broadcast %add3A_1589 : f32 to vector<16xf32>
      %add3A_1591 = arith.addf %add3A_1590, %mul3A_1588 : vector<16xf32>
      %mul3A_1592 = arith.mulf %div3A_1572, %add3A_1591 : vector<16xf32>
      %add3A_1593 = arith.addf %add3A_1565, %mul3A_1592 : vector<16xf32>
      %neg3A_1594 = arith.constant 0.000000e+00 : f32
      %neg3A_1595 = vector.broadcast %neg3A_1594 : f32 to vector<16xf32>
      %neg3A_1596 = arith.subf %neg3A_1595, %add3A_1593 : vector<16xf32>
      %bitcast_convert_type3A_1597 = tpu.bitcast %get3A_1537 : vector<16xf32> -> vector<16xi32>
      %shift_right_arithmetic3A_1598 = arith.constant 23 : i32
      %shift_right_arithmetic3A_1599 = vector.broadcast %shift_right_arithmetic3A_1598 : i32 to vector<16xi32>
      %shift_right_arithmetic3A_1600 = arith.shrsi %bitcast_convert_type3A_1597, %shift_right_arithmetic3A_1599 : vector<16xi32>
      %sub3A_1601 = arith.constant 127 : i32
      %sub3A_1602 = vector.broadcast %sub3A_1601 : i32 to vector<16xi32>
      %sub3A_1603 = arith.subi %shift_right_arithmetic3A_1600, %sub3A_1602 : vector<16xi32>
      %and3A_1604 = arith.constant 8388607 : i32
      %and3A_1605 = vector.broadcast %and3A_1604 : i32 to vector<16xi32>
      %and3A_1606 = arith.andi %bitcast_convert_type3A_1597, %and3A_1605 : vector<16xi32>
      %or3A_1607 = arith.constant 1065353216 : i32
      %or3A_1608 = vector.broadcast %or3A_1607 : i32 to vector<16xi32>
      %or3A_1609 = arith.ori %and3A_1606, %or3A_1608 : vector<16xi32>
      %bitcast_convert_type3A_1610 = tpu.bitcast %or3A_1609 : vector<16xi32> -> vector<16xf32>
      %ge3A_1611 = arith.constant 1.41421354 : f32
      %ge3A_1612 = vector.broadcast %ge3A_1611 : f32 to vector<16xf32>
      %ge3A_1613 = arith.cmpf oge, %bitcast_convert_type3A_1610, %ge3A_1612 : vector<16xf32>
      %mul3A_1614 = arith.constant 5.000000e-01 : f32
      %mul3A_1615 = vector.broadcast %mul3A_1614 : f32 to vector<16xf32>
      %mul3A_1616 = arith.mulf %bitcast_convert_type3A_1610, %mul3A_1615 : vector<16xf32>
      %select_n3A_1617 = arith.select %ge3A_1613, %mul3A_1616, %bitcast_convert_type3A_1610 : vector<16xi1>, vector<16xf32>
      %convert_element_type3A_1618 = arith.sitofp %sub3A_1603 : vector<16xi32> to vector<16xf32>
      %jit3A_1619 = arith.constant 1.000000e+00 : f32
      %jit3A_1620 = arith.constant 0.000000e+00 : f32
      %broadcast_in_dim3A_1621 = vector.broadcast %jit3A_1619 : f32 to vector<16xf32>
      %broadcast_in_dim3A_1622 = vector.broadcast %jit3A_1620 : f32 to vector<16xf32>
      %select_n3A_1623 = arith.select %ge3A_1613, %broadcast_in_dim3A_1621, %broadcast_in_dim3A_1622 : vector<16xi1>, vector<16xf32>
      %add3A_1624 = arith.addf %convert_element_type3A_1618, %select_n3A_1623 : vector<16xf32>
      %sub3A_1625 = arith.constant 1.000000e+00 : f32
      %sub3A_1626 = vector.broadcast %sub3A_1625 : f32 to vector<16xf32>
      %sub3A_1627 = arith.subf %select_n3A_1617, %sub3A_1626 : vector<16xf32>
      %add3A_1628 = arith.constant 1.000000e+00 : f32
      %add3A_1629 = vector.broadcast %add3A_1628 : f32 to vector<16xf32>
      %add3A_1630 = arith.addf %select_n3A_1617, %add3A_1629 : vector<16xf32>
      %div3A_1631 = arith.divf %sub3A_1627, %add3A_1630 : vector<16xf32>
      %mul3A_1632 = arith.mulf %div3A_1631, %div3A_1631 : vector<16xf32>
      %mul3A_1633 = arith.constant 0.3205989 : f32
      %mul3A_1634 = vector.broadcast %mul3A_1633 : f32 to vector<16xf32>
      %mul3A_1635 = arith.mulf %mul3A_1632, %mul3A_1634 : vector<16xf32>
      %add3A_1636 = arith.constant 0.412198603 : f32
      %add3A_1637 = vector.broadcast %add3A_1636 : f32 to vector<16xf32>
      %add3A_1638 = arith.addf %add3A_1637, %mul3A_1635 : vector<16xf32>
      %mul3A_1639 = arith.mulf %mul3A_1632, %add3A_1638 : vector<16xf32>
      %add3A_1640 = arith.constant 0.577078044 : f32
      %add3A_1641 = vector.broadcast %add3A_1640 : f32 to vector<16xf32>
      %add3A_1642 = arith.addf %add3A_1641, %mul3A_1639 : vector<16xf32>
      %mul3A_1643 = arith.mulf %mul3A_1632, %add3A_1642 : vector<16xf32>
      %add3A_1644 = arith.constant 0.9617967 : f32
      %add3A_1645 = vector.broadcast %add3A_1644 : f32 to vector<16xf32>
      %add3A_1646 = arith.addf %add3A_1645, %mul3A_1643 : vector<16xf32>
      %mul3A_1647 = arith.mulf %mul3A_1632, %add3A_1646 : vector<16xf32>
      %add3A_1648 = arith.constant 2.885390e+00 : f32
      %add3A_1649 = vector.broadcast %add3A_1648 : f32 to vector<16xf32>
      %add3A_1650 = arith.addf %add3A_1649, %mul3A_1647 : vector<16xf32>
      %mul3A_1651 = arith.mulf %div3A_1631, %add3A_1650 : vector<16xf32>
      %add3A_1652 = arith.addf %add3A_1624, %mul3A_1651 : vector<16xf32>
      %neg3A_1653 = arith.constant 0.000000e+00 : f32
      %neg3A_1654 = vector.broadcast %neg3A_1653 : f32 to vector<16xf32>
      %neg3A_1655 = arith.subf %neg3A_1654, %add3A_1652 : vector<16xf32>
      %mul3A_1656 = arith.constant 2.000000e+00 : f32
      %mul3A_1657 = vector.broadcast %mul3A_1656 : f32 to vector<16xf32>
      %mul3A_1658 = arith.mulf %mul3A_1657, %get3A_1531 : vector<16xf32>
      %sub3A_1659 = arith.constant 1.000000e+00 : f32
      %sub3A_1660 = vector.broadcast %sub3A_1659 : f32 to vector<16xf32>
      %sub3A_1661 = arith.subf %mul3A_1658, %sub3A_1660 : vector<16xf32>
      %exp3A_1662 = math.exp %sub3A_1661 : vector<16xf32>
      %mul3A_1663 = arith.mulf %neg3A_1655, %exp3A_1662 : vector<16xf32>
      %ge3A_1664 = arith.cmpf oge, %mul3A_1663, %neg3A_1596 : vector<16xf32>
      %jit3A_1665 = arith.constant 1.000000e+00 : f32
      %jit3A_1666 = arith.constant 0.000000e+00 : f32
      %broadcast_in_dim3A_1667 = vector.broadcast %jit3A_1665 : f32 to vector<16xf32>
      %broadcast_in_dim3A_1668 = vector.broadcast %jit3A_1666 : f32 to vector<16xf32>
      %select_n3A_1669 = arith.select %ge3A_1664, %broadcast_in_dim3A_1667, %broadcast_in_dim3A_1668 : vector<16xi1>, vector<16xf32>
      %get3A_1670 = arith.index_cast %mul3A_1385 : i32 to index
      %get3A_1671 = tpu.vector_load %arg15[%get3A_1670] {strides = array<i32>} : memref<256xf32, #tpu.memory_space<vmem>>, vector<16xf32>,
      %get3A_1672 = vector.shape_cast %get3A_1671 : vector<16xf32> to vector<16xf32>
      %mul3A_1673 = arith.mulf %select_n3A_1528, %get3A_1672 : vector<16xf32>
      %mul3A_1674 = arith.mulf %select_n3A_1669, %sub3A_1202 : vector<16xf32>
      %add3A_1675 = vector.broadcast %mul3A_1385 : i32 to vector<16xi32>
      %add3A_1676 = arith.addi %iota3A, %add3A_1675 : vector<16xi32>
      %lt3A = vector.broadcast %add3A_1038 : i32 to vector<16xi32>
      %lt3A_1677 = arith.cmpi slt, %add3A_1676, %lt3A : vector<16xi32>
      %jit3A_1678 = arith.constant 0.000000e+00 : f32
      %broadcast_in_dim3A_1679 = vector.broadcast %jit3A_1678 : f32 to vector<16xf32>
      %select_n3A_1680 = arith.select %lt3A_1677, %mul3A_1674, %broadcast_in_dim3A_1679 : vector<16xi1>, vector<16xf32>
      %sub3A_1681 = arith.constant 1.000000e+00 : f32
      %sub3A_1682 = vector.broadcast %sub3A_1681 : f32 to vector<16xf32>
      %sub3A_1683 = arith.subf %sub3A_1682, %select_n3A_1680 : vector<16xf32>
      %eq3A = vector.broadcast %add3A_1038 : i32 to vector<16xi32>
      %eq3A_1684 = arith.cmpi eq, %add3A_1676, %eq3A : vector<16xi32>
      %mul3A_1685 = arith.mulf %mul3A_1673, %sub3A_1683 : vector<16xf32>
      %jit3A_1686 = arith.constant 0.000000e+00 : f32
      %broadcast_in_dim3A_1687 = vector.broadcast %jit3A_1686 : f32 to vector<16xf32>
      %select_n3A_1688 = arith.select %eq3A_1684, %broadcast_in_dim3A_1687, %mul3A_1685 : vector<16xi1>, vector<16xf32>
      %swap3A_1689 = arith.index_cast %add3A_1387 : i32 to index
      %swap3A_1690 = tpu.vector_load %arg22[%swap3A_1689] {strides = array<i32>} : memref<2048xf32, #tpu.memory_space<vmem>>, vector<16xf32>,
      %swap3A_1691 = vector.shape_cast %swap3A_1690 : vector<16xf32> to vector<16xf32>
      %swap3A_1692 = vector.shape_cast %select_n3A_1688 : vector<16xf32> to vector<16xf32>
      tpu.vector_store %arg22[%swap3A_1689], %swap3A_1692 {strides = array<i32>} : memref<2048xf32, #tpu.memory_space<vmem>>, vector<16xf32>,
    }
    %scan3A_1208 = arith.constant 16 : i32
    %mul3A_1209 = arith.constant 8 : i32
    %mul3A_1210 = arith.muli %add3A, %mul3A_1209 : i32
    %add3A_1211 = arith.constant 7 : i32
    %add3A_1212 = arith.addi %mul3A_1210, %add3A_1211 : i32
    %broadcast_in_dim3A_1213 = arith.constant 0 : i32
    %broadcast_in_dim3A_1214 = vector.broadcast %broadcast_in_dim3A_1213 : i32 to vector<16xi32>
    %add3A_1215 = vector.broadcast %add3A_1212 : i32 to vector<16xi32>
    %add3A_1216 = arith.addi %broadcast_in_dim3A_1214, %add3A_1215 : vector<16xi32>
    %swap3A_1217 = arith.constant 0 : index
    %swap3A_1218 = tpu.vector_load %arg23[%swap3A_1217] {strides = array<i32>} : memref<16xi32, #tpu.memory_space<vmem>>, vector<16xi32>,
    %swap3A_1219 = vector.shape_cast %swap3A_1218 : vector<16xi32> to vector<16xi32>
    %swap3A_1220 = vector.shape_cast %add3A_1216 : vector<16xi32> to vector<16xi32>
    tpu.vector_store %arg23[%swap3A_1217], %swap3A_1220 {strides = array<i32>} : memref<16xi32, #tpu.memory_space<vmem>>, vector<16xi32>,
    %dma_start3A_1221 = arith.constant 0 : i32
    %dma_start3A_1222 = tpu.memref_slice %arg2[%dma_start3A_1221] : memref<256xf32, #tpu.memory_space<hbm>> -> memref<256xf32, #tpu.memory_space<hbm>>
    tpu.enqueue_indirect_dma source(%dma_start3A_1222 : memref<256xf32, #tpu.memory_space<hbm>>) target(%arg24 : memref<16xf32, #tpu.memory_space<vmem>>) offsets(%arg23 : memref<16xi32, #tpu.memory_space<vmem>>) semaphore(%arg27 : memref<!tpu.dma_semaphore, #tpu.memory_space<semaphore_mem>>)
    %dma_wait3A_1223 = arith.constant 0 : i32
    %dma_wait3A_1224 = tpu.memref_slice %arg2[%dma_wait3A_1223] : memref<256xf32, #tpu.memory_space<hbm>> -> memref<256xf32, #tpu.memory_space<hbm>>
    tpu.wait_indirect_dma semaphore(%arg27 : memref<!tpu.dma_semaphore, #tpu.memory_space<semaphore_mem>>) src(%dma_wait3A_1224 : memref<256xf32, #tpu.memory_space<hbm>>) dst(%arg24 : memref<16xf32, #tpu.memory_space<vmem>>)
    %dma_start3A_1225 = arith.constant 0 : i32
    %dma_start3A_1226 = tpu.memref_slice %arg3[%dma_start3A_1225] : memref<256xf32, #tpu.memory_space<hbm>> -> memref<256xf32, #tpu.memory_space<hbm>>
    tpu.enqueue_indirect_dma source(%dma_start3A_1226 : memref<256xf32, #tpu.memory_space<hbm>>) target(%arg25 : memref<16xf32, #tpu.memory_space<vmem>>) offsets(%arg23 : memref<16xi32, #tpu.memory_space<vmem>>) semaphore(%arg27 : memref<!tpu.dma_semaphore, #tpu.memory_space<semaphore_mem>>)
    %dma_wait3A_1227 = arith.constant 0 : i32
    %dma_wait3A_1228 = tpu.memref_slice %arg3[%dma_wait3A_1227] : memref<256xf32, #tpu.memory_space<hbm>> -> memref<256xf32, #tpu.memory_space<hbm>>
    tpu.wait_indirect_dma semaphore(%arg27 : memref<!tpu.dma_semaphore, #tpu.memory_space<semaphore_mem>>) src(%dma_wait3A_1228 : memref<256xf32, #tpu.memory_space<hbm>>) dst(%arg25 : memref<16xf32, #tpu.memory_space<vmem>>)
    %dma_start3A_1229 = arith.constant 0 : i32
    %dma_start3A_1230 = tpu.memref_slice %arg4[%dma_start3A_1229] : memref<256xf32, #tpu.memory_space<hbm>> -> memref<256xf32, #tpu.memory_space<hbm>>
    tpu.enqueue_indirect_dma source(%dma_start3A_1230 : memref<256xf32, #tpu.memory_space<hbm>>) target(%arg26 : memref<16xf32, #tpu.memory_space<vmem>>) offsets(%arg23 : memref<16xi32, #tpu.memory_space<vmem>>) semaphore(%arg27 : memref<!tpu.dma_semaphore, #tpu.memory_space<semaphore_mem>>)
    %dma_wait3A_1231 = arith.constant 0 : i32
    %dma_wait3A_1232 = tpu.memref_slice %arg4[%dma_wait3A_1231] : memref<256xf32, #tpu.memory_space<hbm>> -> memref<256xf32, #tpu.memory_space<hbm>>
    tpu.wait_indirect_dma semaphore(%arg27 : memref<!tpu.dma_semaphore, #tpu.memory_space<semaphore_mem>>) src(%dma_wait3A_1232 : memref<256xf32, #tpu.memory_space<hbm>>) dst(%arg26 : memref<16xf32, #tpu.memory_space<vmem>>)
    %get3A_1233 = arith.constant 0 : index
    %get3A_1234 = tpu.vector_load %arg24[%get3A_1233] {strides = array<i32>} : memref<16xf32, #tpu.memory_space<vmem>>, vector<16xf32>,
    %get3A_1235 = vector.shape_cast %get3A_1234 : vector<16xf32> to vector<16xf32>
    %get3A_1236 = arith.constant 0 : index
    %get3A_1237 = tpu.vector_load %arg25[%get3A_1236] {strides = array<i32>} : memref<16xf32, #tpu.memory_space<vmem>>, vector<16xf32>,
    %get3A_1238 = vector.shape_cast %get3A_1237 : vector<16xf32> to vector<16xf32>
    %get3A_1239 = arith.constant 0 : index
    %get3A_1240 = tpu.vector_load %arg26[%get3A_1239] {strides = array<i32>} : memref<16xf32, #tpu.memory_space<vmem>>, vector<16xf32>,
    %get3A_1241 = vector.shape_cast %get3A_1240 : vector<16xf32> to vector<16xf32>
    %bitcast_convert_type3A_1242 = tpu.bitcast %get3A_1238 : vector<16xf32> -> vector<16xi32>
    %shift_right_arithmetic3A_1243 = arith.constant 23 : i32
    %shift_right_arithmetic3A_1244 = vector.broadcast %shift_right_arithmetic3A_1243 : i32 to vector<16xi32>
    %shift_right_arithmetic3A_1245 = arith.shrsi %bitcast_convert_type3A_1242, %shift_right_arithmetic3A_1244 : vector<16xi32>
    %sub3A_1246 = arith.constant 127 : i32
    %sub3A_1247 = vector.broadcast %sub3A_1246 : i32 to vector<16xi32>
    %sub3A_1248 = arith.subi %shift_right_arithmetic3A_1245, %sub3A_1247 : vector<16xi32>
    %and3A_1249 = arith.constant 8388607 : i32
    %and3A_1250 = vector.broadcast %and3A_1249 : i32 to vector<16xi32>
    %and3A_1251 = arith.andi %bitcast_convert_type3A_1242, %and3A_1250 : vector<16xi32>
    %or3A_1252 = arith.constant 1065353216 : i32
    %or3A_1253 = vector.broadcast %or3A_1252 : i32 to vector<16xi32>
    %or3A_1254 = arith.ori %and3A_1251, %or3A_1253 : vector<16xi32>
    %bitcast_convert_type3A_1255 = tpu.bitcast %or3A_1254 : vector<16xi32> -> vector<16xf32>
    %ge3A_1256 = arith.constant 1.41421354 : f32
    %ge3A_1257 = vector.broadcast %ge3A_1256 : f32 to vector<16xf32>
    %ge3A_1258 = arith.cmpf oge, %bitcast_convert_type3A_1255, %ge3A_1257 : vector<16xf32>
    %mul3A_1259 = arith.constant 5.000000e-01 : f32
    %mul3A_1260 = vector.broadcast %mul3A_1259 : f32 to vector<16xf32>
    %mul3A_1261 = arith.mulf %bitcast_convert_type3A_1255, %mul3A_1260 : vector<16xf32>
    %select_n3A_1262 = arith.select %ge3A_1258, %mul3A_1261, %bitcast_convert_type3A_1255 : vector<16xi1>, vector<16xf32>
    %convert_element_type3A_1263 = arith.sitofp %sub3A_1248 : vector<16xi32> to vector<16xf32>
    %jit3A_1264 = arith.constant 1.000000e+00 : f32
    %jit3A_1265 = arith.constant 0.000000e+00 : f32
    %broadcast_in_dim3A_1266 = vector.broadcast %jit3A_1264 : f32 to vector<16xf32>
    %broadcast_in_dim3A_1267 = vector.broadcast %jit3A_1265 : f32 to vector<16xf32>
    %select_n3A_1268 = arith.select %ge3A_1258, %broadcast_in_dim3A_1266, %broadcast_in_dim3A_1267 : vector<16xi1>, vector<16xf32>
    %add3A_1269 = arith.addf %convert_element_type3A_1263, %select_n3A_1268 : vector<16xf32>
    %sub3A_1270 = arith.constant 1.000000e+00 : f32
    %sub3A_1271 = vector.broadcast %sub3A_1270 : f32 to vector<16xf32>
    %sub3A_1272 = arith.subf %select_n3A_1262, %sub3A_1271 : vector<16xf32>
    %add3A_1273 = arith.constant 1.000000e+00 : f32
    %add3A_1274 = vector.broadcast %add3A_1273 : f32 to vector<16xf32>
    %add3A_1275 = arith.addf %select_n3A_1262, %add3A_1274 : vector<16xf32>
    %div3A_1276 = arith.divf %sub3A_1272, %add3A_1275 : vector<16xf32>
    %mul3A_1277 = arith.mulf %div3A_1276, %div3A_1276 : vector<16xf32>
    %mul3A_1278 = arith.constant 0.3205989 : f32
    %mul3A_1279 = vector.broadcast %mul3A_1278 : f32 to vector<16xf32>
    %mul3A_1280 = arith.mulf %mul3A_1277, %mul3A_1279 : vector<16xf32>
    %add3A_1281 = arith.constant 0.412198603 : f32
    %add3A_1282 = vector.broadcast %add3A_1281 : f32 to vector<16xf32>
    %add3A_1283 = arith.addf %add3A_1282, %mul3A_1280 : vector<16xf32>
    %mul3A_1284 = arith.mulf %mul3A_1277, %add3A_1283 : vector<16xf32>
    %add3A_1285 = arith.constant 0.577078044 : f32
    %add3A_1286 = vector.broadcast %add3A_1285 : f32 to vector<16xf32>
    %add3A_1287 = arith.addf %add3A_1286, %mul3A_1284 : vector<16xf32>
    %mul3A_1288 = arith.mulf %mul3A_1277, %add3A_1287 : vector<16xf32>
    %add3A_1289 = arith.constant 0.9617967 : f32
    %add3A_1290 = vector.broadcast %add3A_1289 : f32 to vector<16xf32>
    %add3A_1291 = arith.addf %add3A_1290, %mul3A_1288 : vector<16xf32>
    %mul3A_1292 = arith.mulf %mul3A_1277, %add3A_1291 : vector<16xf32>
    %add3A_1293 = arith.constant 2.885390e+00 : f32
    %add3A_1294 = vector.broadcast %add3A_1293 : f32 to vector<16xf32>
    %add3A_1295 = arith.addf %add3A_1294, %mul3A_1292 : vector<16xf32>
    %mul3A_1296 = arith.mulf %div3A_1276, %add3A_1295 : vector<16xf32>
    %add3A_1297 = arith.addf %add3A_1269, %mul3A_1296 : vector<16xf32>
    %neg3A_1298 = arith.constant 0.000000e+00 : f32
    %neg3A_1299 = vector.broadcast %neg3A_1298 : f32 to vector<16xf32>
    %neg3A_1300 = arith.subf %neg3A_1299, %add3A_1297 : vector<16xf32>
    %bitcast_convert_type3A_1301 = tpu.bitcast %get3A_1241 : vector<16xf32> -> vector<16xi32>
    %shift_right_arithmetic3A_1302 = arith.constant 23 : i32
    %shift_right_arithmetic3A_1303 = vector.broadcast %shift_right_arithmetic3A_1302 : i32 to vector<16xi32>
    %shift_right_arithmetic3A_1304 = arith.shrsi %bitcast_convert_type3A_1301, %shift_right_arithmetic3A_1303 : vector<16xi32>
    %sub3A_1305 = arith.constant 127 : i32
    %sub3A_1306 = vector.broadcast %sub3A_1305 : i32 to vector<16xi32>
    %sub3A_1307 = arith.subi %shift_right_arithmetic3A_1304, %sub3A_1306 : vector<16xi32>
    %and3A_1308 = arith.constant 8388607 : i32
    %and3A_1309 = vector.broadcast %and3A_1308 : i32 to vector<16xi32>
    %and3A_1310 = arith.andi %bitcast_convert_type3A_1301, %and3A_1309 : vector<16xi32>
    %or3A_1311 = arith.constant 1065353216 : i32
    %or3A_1312 = vector.broadcast %or3A_1311 : i32 to vector<16xi32>
    %or3A_1313 = arith.ori %and3A_1310, %or3A_1312 : vector<16xi32>
    %bitcast_convert_type3A_1314 = tpu.bitcast %or3A_1313 : vector<16xi32> -> vector<16xf32>
    %ge3A_1315 = arith.constant 1.41421354 : f32
    %ge3A_1316 = vector.broadcast %ge3A_1315 : f32 to vector<16xf32>
    %ge3A_1317 = arith.cmpf oge, %bitcast_convert_type3A_1314, %ge3A_1316 : vector<16xf32>
    %mul3A_1318 = arith.constant 5.000000e-01 : f32
    %mul3A_1319 = vector.broadcast %mul3A_1318 : f32 to vector<16xf32>
    %mul3A_1320 = arith.mulf %bitcast_convert_type3A_1314, %mul3A_1319 : vector<16xf32>
    %select_n3A_1321 = arith.select %ge3A_1317, %mul3A_1320, %bitcast_convert_type3A_1314 : vector<16xi1>, vector<16xf32>
    %convert_element_type3A_1322 = arith.sitofp %sub3A_1307 : vector<16xi32> to vector<16xf32>
    %jit3A_1323 = arith.constant 1.000000e+00 : f32
    %jit3A_1324 = arith.constant 0.000000e+00 : f32
    %broadcast_in_dim3A_1325 = vector.broadcast %jit3A_1323 : f32 to vector<16xf32>
    %broadcast_in_dim3A_1326 = vector.broadcast %jit3A_1324 : f32 to vector<16xf32>
    %select_n3A_1327 = arith.select %ge3A_1317, %broadcast_in_dim3A_1325, %broadcast_in_dim3A_1326 : vector<16xi1>, vector<16xf32>
    %add3A_1328 = arith.addf %convert_element_type3A_1322, %select_n3A_1327 : vector<16xf32>
    %sub3A_1329 = arith.constant 1.000000e+00 : f32
    %sub3A_1330 = vector.broadcast %sub3A_1329 : f32 to vector<16xf32>
    %sub3A_1331 = arith.subf %select_n3A_1321, %sub3A_1330 : vector<16xf32>
    %add3A_1332 = arith.constant 1.000000e+00 : f32
    %add3A_1333 = vector.broadcast %add3A_1332 : f32 to vector<16xf32>
    %add3A_1334 = arith.addf %select_n3A_1321, %add3A_1333 : vector<16xf32>
    %div3A_1335 = arith.divf %sub3A_1331, %add3A_1334 : vector<16xf32>
    %mul3A_1336 = arith.mulf %div3A_1335, %div3A_1335 : vector<16xf32>
    %mul3A_1337 = arith.constant 0.3205989 : f32
    %mul3A_1338 = vector.broadcast %mul3A_1337 : f32 to vector<16xf32>
    %mul3A_1339 = arith.mulf %mul3A_1336, %mul3A_1338 : vector<16xf32>
    %add3A_1340 = arith.constant 0.412198603 : f32
    %add3A_1341 = vector.broadcast %add3A_1340 : f32 to vector<16xf32>
    %add3A_1342 = arith.addf %add3A_1341, %mul3A_1339 : vector<16xf32>
    %mul3A_1343 = arith.mulf %mul3A_1336, %add3A_1342 : vector<16xf32>
    %add3A_1344 = arith.constant 0.577078044 : f32
    %add3A_1345 = vector.broadcast %add3A_1344 : f32 to vector<16xf32>
    %add3A_1346 = arith.addf %add3A_1345, %mul3A_1343 : vector<16xf32>
    %mul3A_1347 = arith.mulf %mul3A_1336, %add3A_1346 : vector<16xf32>
    %add3A_1348 = arith.constant 0.9617967 : f32
    %add3A_1349 = vector.broadcast %add3A_1348 : f32 to vector<16xf32>
    %add3A_1350 = arith.addf %add3A_1349, %mul3A_1347 : vector<16xf32>
    %mul3A_1351 = arith.mulf %mul3A_1336, %add3A_1350 : vector<16xf32>
    %add3A_1352 = arith.constant 2.885390e+00 : f32
    %add3A_1353 = vector.broadcast %add3A_1352 : f32 to vector<16xf32>
    %add3A_1354 = arith.addf %add3A_1353, %mul3A_1351 : vector<16xf32>
    %mul3A_1355 = arith.mulf %div3A_1335, %add3A_1354 : vector<16xf32>
    %add3A_1356 = arith.addf %add3A_1328, %mul3A_1355 : vector<16xf32>
    %neg3A_1357 = arith.constant 0.000000e+00 : f32
    %neg3A_1358 = vector.broadcast %neg3A_1357 : f32 to vector<16xf32>
    %neg3A_1359 = arith.subf %neg3A_1358, %add3A_1356 : vector<16xf32>
    %mul3A_1360 = arith.constant 2.000000e+00 : f32
    %mul3A_1361 = vector.broadcast %mul3A_1360 : f32 to vector<16xf32>
    %mul3A_1362 = arith.mulf %mul3A_1361, %get3A_1235 : vector<16xf32>
    %sub3A_1363 = arith.constant 1.000000e+00 : f32
    %sub3A_1364 = vector.broadcast %sub3A_1363 : f32 to vector<16xf32>
    %sub3A_1365 = arith.subf %mul3A_1362, %sub3A_1364 : vector<16xf32>
    %exp3A_1366 = math.exp %sub3A_1365 : vector<16xf32>
    %mul3A_1367 = arith.mulf %neg3A_1359, %exp3A_1366 : vector<16xf32>
    %ge3A_1368 = arith.cmpf oge, %mul3A_1367, %neg3A_1300 : vector<16xf32>
    %jit3A_1369 = arith.constant 1.000000e+00 : f32
    %jit3A_1370 = arith.constant 0.000000e+00 : f32
    %broadcast_in_dim3A_1371 = vector.broadcast %jit3A_1369 : f32 to vector<16xf32>
    %broadcast_in_dim3A_1372 = vector.broadcast %jit3A_1370 : f32 to vector<16xf32>
    %select_n3A_1373 = arith.select %ge3A_1368, %broadcast_in_dim3A_1371, %broadcast_in_dim3A_1372 : vector<16xi1>, vector<16xf32>
    %sub3A_1374 = arith.constant 1.000000e+00 : f32
    %sub3A_1375 = vector.broadcast %sub3A_1374 : f32 to vector<16xf32>
    %sub3A_1376 = arith.subf %sub3A_1375, %select_n3A_1373 : vector<16xf32>
    %scan3A_1377 = arith.constant 0 : i32
    %scan3A_1378 = arith.constant 0 : i32
    %scan3A_1379 = arith.constant 16 : i32
    %scan3A_1380 = arith.addi %scan3A_1378, %scan3A_1379 : i32
    %scan3A_1381 = arith.constant 1 : i32
    scf.for %scan3A_1383 = %scan3A_1378 to %scan3A_1380 step %scan3A_1381  : i32 {
      %mul3A_1384 = arith.constant 16 : i32
      %mul3A_1385 = arith.muli %scan3A_1383, %mul3A_1384 : i32
      %add3A_1386 = arith.constant 1792 : i32
      %add3A_1387 = arith.addi %add3A_1386, %mul3A_1385 : i32
      %get3A_1388 = arith.index_cast %add3A_1387 : i32 to index
      %get3A_1389 = tpu.vector_load %arg16[%get3A_1388] {strides = array<i32>} : memref<2048xf32, #tpu.memory_space<vmem>>, vector<16xf32>,
      %get3A_1390 = vector.shape_cast %get3A_1389 : vector<16xf32> to vector<16xf32>
      %get3A_1391 = arith.index_cast %add3A_1387 : i32 to index
      %get3A_1392 = tpu.vector_load %arg17[%get3A_1391] {strides = array<i32>} : memref<2048xf32, #tpu.memory_space<vmem>>, vector<16xf32>,
      %get3A_1393 = vector.shape_cast %get3A_1392 : vector<16xf32> to vector<16xf32>
      %get3A_1394 = arith.index_cast %add3A_1387 : i32 to index
      %get3A_1395 = tpu.vector_load %arg18[%get3A_1394] {strides = array<i32>} : memref<2048xf32, #tpu.memory_space<vmem>>, vector<16xf32>,
      %get3A_1396 = vector.shape_cast %get3A_1395 : vector<16xf32> to vector<16xf32>
      %bitcast_convert_type3A_1397 = tpu.bitcast %get3A_1393 : vector<16xf32> -> vector<16xi32>
      %shift_right_arithmetic3A_1398 = arith.constant 23 : i32
      %shift_right_arithmetic3A_1399 = vector.broadcast %shift_right_arithmetic3A_1398 : i32 to vector<16xi32>
      %shift_right_arithmetic3A_1400 = arith.shrsi %bitcast_convert_type3A_1397, %shift_right_arithmetic3A_1399 : vector<16xi32>
      %sub3A_1401 = arith.constant 127 : i32
      %sub3A_1402 = vector.broadcast %sub3A_1401 : i32 to vector<16xi32>
      %sub3A_1403 = arith.subi %shift_right_arithmetic3A_1400, %sub3A_1402 : vector<16xi32>
      %and3A_1404 = arith.constant 8388607 : i32
      %and3A_1405 = vector.broadcast %and3A_1404 : i32 to vector<16xi32>
      %and3A_1406 = arith.andi %bitcast_convert_type3A_1397, %and3A_1405 : vector<16xi32>
      %or3A_1407 = arith.constant 1065353216 : i32
      %or3A_1408 = vector.broadcast %or3A_1407 : i32 to vector<16xi32>
      %or3A_1409 = arith.ori %and3A_1406, %or3A_1408 : vector<16xi32>
      %bitcast_convert_type3A_1410 = tpu.bitcast %or3A_1409 : vector<16xi32> -> vector<16xf32>
      %ge3A_1411 = arith.constant 1.41421354 : f32
      %ge3A_1412 = vector.broadcast %ge3A_1411 : f32 to vector<16xf32>
      %ge3A_1413 = arith.cmpf oge, %bitcast_convert_type3A_1410, %ge3A_1412 : vector<16xf32>
      %mul3A_1414 = arith.constant 5.000000e-01 : f32
      %mul3A_1415 = vector.broadcast %mul3A_1414 : f32 to vector<16xf32>
      %mul3A_1416 = arith.mulf %bitcast_convert_type3A_1410, %mul3A_1415 : vector<16xf32>
      %select_n3A_1417 = arith.select %ge3A_1413, %mul3A_1416, %bitcast_convert_type3A_1410 : vector<16xi1>, vector<16xf32>
      %convert_element_type3A_1418 = arith.sitofp %sub3A_1403 : vector<16xi32> to vector<16xf32>
      %jit3A_1419 = arith.constant 1.000000e+00 : f32
      %jit3A_1420 = arith.constant 0.000000e+00 : f32
      %broadcast_in_dim3A_1421 = vector.broadcast %jit3A_1419 : f32 to vector<16xf32>
      %broadcast_in_dim3A_1422 = vector.broadcast %jit3A_1420 : f32 to vector<16xf32>
      %select_n3A_1423 = arith.select %ge3A_1413, %broadcast_in_dim3A_1421, %broadcast_in_dim3A_1422 : vector<16xi1>, vector<16xf32>
      %add3A_1424 = arith.addf %convert_element_type3A_1418, %select_n3A_1423 : vector<16xf32>
      %sub3A_1425 = arith.constant 1.000000e+00 : f32
      %sub3A_1426 = vector.broadcast %sub3A_1425 : f32 to vector<16xf32>
      %sub3A_1427 = arith.subf %select_n3A_1417, %sub3A_1426 : vector<16xf32>
      %add3A_1428 = arith.constant 1.000000e+00 : f32
      %add3A_1429 = vector.broadcast %add3A_1428 : f32 to vector<16xf32>
      %add3A_1430 = arith.addf %select_n3A_1417, %add3A_1429 : vector<16xf32>
      %div3A_1431 = arith.divf %sub3A_1427, %add3A_1430 : vector<16xf32>
      %mul3A_1432 = arith.mulf %div3A_1431, %div3A_1431 : vector<16xf32>
      %mul3A_1433 = arith.constant 0.3205989 : f32
      %mul3A_1434 = vector.broadcast %mul3A_1433 : f32 to vector<16xf32>
      %mul3A_1435 = arith.mulf %mul3A_1432, %mul3A_1434 : vector<16xf32>
      %add3A_1436 = arith.constant 0.412198603 : f32
      %add3A_1437 = vector.broadcast %add3A_1436 : f32 to vector<16xf32>
      %add3A_1438 = arith.addf %add3A_1437, %mul3A_1435 : vector<16xf32>
      %mul3A_1439 = arith.mulf %mul3A_1432, %add3A_1438 : vector<16xf32>
      %add3A_1440 = arith.constant 0.577078044 : f32
      %add3A_1441 = vector.broadcast %add3A_1440 : f32 to vector<16xf32>
      %add3A_1442 = arith.addf %add3A_1441, %mul3A_1439 : vector<16xf32>
      %mul3A_1443 = arith.mulf %mul3A_1432, %add3A_1442 : vector<16xf32>
      %add3A_1444 = arith.constant 0.9617967 : f32
      %add3A_1445 = vector.broadcast %add3A_1444 : f32 to vector<16xf32>
      %add3A_1446 = arith.addf %add3A_1445, %mul3A_1443 : vector<16xf32>
      %mul3A_1447 = arith.mulf %mul3A_1432, %add3A_1446 : vector<16xf32>
      %add3A_1448 = arith.constant 2.885390e+00 : f32
      %add3A_1449 = vector.broadcast %add3A_1448 : f32 to vector<16xf32>
      %add3A_1450 = arith.addf %add3A_1449, %mul3A_1447 : vector<16xf32>
      %mul3A_1451 = arith.mulf %div3A_1431, %add3A_1450 : vector<16xf32>
      %add3A_1452 = arith.addf %add3A_1424, %mul3A_1451 : vector<16xf32>
      %neg3A_1453 = arith.constant 0.000000e+00 : f32
      %neg3A_1454 = vector.broadcast %neg3A_1453 : f32 to vector<16xf32>
      %neg3A_1455 = arith.subf %neg3A_1454, %add3A_1452 : vector<16xf32>
      %bitcast_convert_type3A_1456 = tpu.bitcast %get3A_1396 : vector<16xf32> -> vector<16xi32>
      %shift_right_arithmetic3A_1457 = arith.constant 23 : i32
      %shift_right_arithmetic3A_1458 = vector.broadcast %shift_right_arithmetic3A_1457 : i32 to vector<16xi32>
      %shift_right_arithmetic3A_1459 = arith.shrsi %bitcast_convert_type3A_1456, %shift_right_arithmetic3A_1458 : vector<16xi32>
      %sub3A_1460 = arith.constant 127 : i32
      %sub3A_1461 = vector.broadcast %sub3A_1460 : i32 to vector<16xi32>
      %sub3A_1462 = arith.subi %shift_right_arithmetic3A_1459, %sub3A_1461 : vector<16xi32>
      %and3A_1463 = arith.constant 8388607 : i32
      %and3A_1464 = vector.broadcast %and3A_1463 : i32 to vector<16xi32>
      %and3A_1465 = arith.andi %bitcast_convert_type3A_1456, %and3A_1464 : vector<16xi32>
      %or3A_1466 = arith.constant 1065353216 : i32
      %or3A_1467 = vector.broadcast %or3A_1466 : i32 to vector<16xi32>
      %or3A_1468 = arith.ori %and3A_1465, %or3A_1467 : vector<16xi32>
      %bitcast_convert_type3A_1469 = tpu.bitcast %or3A_1468 : vector<16xi32> -> vector<16xf32>
      %ge3A_1470 = arith.constant 1.41421354 : f32
      %ge3A_1471 = vector.broadcast %ge3A_1470 : f32 to vector<16xf32>
      %ge3A_1472 = arith.cmpf oge, %bitcast_convert_type3A_1469, %ge3A_1471 : vector<16xf32>
      %mul3A_1473 = arith.constant 5.000000e-01 : f32
      %mul3A_1474 = vector.broadcast %mul3A_1473 : f32 to vector<16xf32>
      %mul3A_1475 = arith.mulf %bitcast_convert_type3A_1469, %mul3A_1474 : vector<16xf32>
      %select_n3A_1476 = arith.select %ge3A_1472, %mul3A_1475, %bitcast_convert_type3A_1469 : vector<16xi1>, vector<16xf32>
      %convert_element_type3A_1477 = arith.sitofp %sub3A_1462 : vector<16xi32> to vector<16xf32>
      %jit3A_1478 = arith.constant 1.000000e+00 : f32
      %jit3A_1479 = arith.constant 0.000000e+00 : f32
      %broadcast_in_dim3A_1480 = vector.broadcast %jit3A_1478 : f32 to vector<16xf32>
      %broadcast_in_dim3A_1481 = vector.broadcast %jit3A_1479 : f32 to vector<16xf32>
      %select_n3A_1482 = arith.select %ge3A_1472, %broadcast_in_dim3A_1480, %broadcast_in_dim3A_1481 : vector<16xi1>, vector<16xf32>
      %add3A_1483 = arith.addf %convert_element_type3A_1477, %select_n3A_1482 : vector<16xf32>
      %sub3A_1484 = arith.constant 1.000000e+00 : f32
      %sub3A_1485 = vector.broadcast %sub3A_1484 : f32 to vector<16xf32>
      %sub3A_1486 = arith.subf %select_n3A_1476, %sub3A_1485 : vector<16xf32>
      %add3A_1487 = arith.constant 1.000000e+00 : f32
      %add3A_1488 = vector.broadcast %add3A_1487 : f32 to vector<16xf32>
      %add3A_1489 = arith.addf %select_n3A_1476, %add3A_1488 : vector<16xf32>
      %div3A_1490 = arith.divf %sub3A_1486, %add3A_1489 : vector<16xf32>
      %mul3A_1491 = arith.mulf %div3A_1490, %div3A_1490 : vector<16xf32>
      %mul3A_1492 = arith.constant 0.3205989 : f32
      %mul3A_1493 = vector.broadcast %mul3A_1492 : f32 to vector<16xf32>
      %mul3A_1494 = arith.mulf %mul3A_1491, %mul3A_1493 : vector<16xf32>
      %add3A_1495 = arith.constant 0.412198603 : f32
      %add3A_1496 = vector.broadcast %add3A_1495 : f32 to vector<16xf32>
      %add3A_1497 = arith.addf %add3A_1496, %mul3A_1494 : vector<16xf32>
      %mul3A_1498 = arith.mulf %mul3A_1491, %add3A_1497 : vector<16xf32>
      %add3A_1499 = arith.constant 0.577078044 : f32
      %add3A_1500 = vector.broadcast %add3A_1499 : f32 to vector<16xf32>
      %add3A_1501 = arith.addf %add3A_1500, %mul3A_1498 : vector<16xf32>
      %mul3A_1502 = arith.mulf %mul3A_1491, %add3A_1501 : vector<16xf32>
      %add3A_1503 = arith.constant 0.9617967 : f32
      %add3A_1504 = vector.broadcast %add3A_1503 : f32 to vector<16xf32>
      %add3A_1505 = arith.addf %add3A_1504, %mul3A_1502 : vector<16xf32>
      %mul3A_1506 = arith.mulf %mul3A_1491, %add3A_1505 : vector<16xf32>
      %add3A_1507 = arith.constant 2.885390e+00 : f32
      %add3A_1508 = vector.broadcast %add3A_1507 : f32 to vector<16xf32>
      %add3A_1509 = arith.addf %add3A_1508, %mul3A_1506 : vector<16xf32>
      %mul3A_1510 = arith.mulf %div3A_1490, %add3A_1509 : vector<16xf32>
      %add3A_1511 = arith.addf %add3A_1483, %mul3A_1510 : vector<16xf32>
      %neg3A_1512 = arith.constant 0.000000e+00 : f32
      %neg3A_1513 = vector.broadcast %neg3A_1512 : f32 to vector<16xf32>
      %neg3A_1514 = arith.subf %neg3A_1513, %add3A_1511 : vector<16xf32>
      %mul3A_1515 = arith.constant 2.000000e+00 : f32
      %mul3A_1516 = vector.broadcast %mul3A_1515 : f32 to vector<16xf32>
      %mul3A_1517 = arith.mulf %mul3A_1516, %get3A_1390 : vector<16xf32>
      %sub3A_1518 = arith.constant 1.000000e+00 : f32
      %sub3A_1519 = vector.broadcast %sub3A_1518 : f32 to vector<16xf32>
      %sub3A_1520 = arith.subf %mul3A_1517, %sub3A_1519 : vector<16xf32>
      %exp3A_1521 = math.exp %sub3A_1520 : vector<16xf32>
      %mul3A_1522 = arith.mulf %neg3A_1514, %exp3A_1521 : vector<16xf32>
      %ge3A_1523 = arith.cmpf oge, %mul3A_1522, %neg3A_1455 : vector<16xf32>
      %jit3A_1524 = arith.constant 1.000000e+00 : f32
      %jit3A_1525 = arith.constant 0.000000e+00 : f32
      %broadcast_in_dim3A_1526 = vector.broadcast %jit3A_1524 : f32 to vector<16xf32>
      %broadcast_in_dim3A_1527 = vector.broadcast %jit3A_1525 : f32 to vector<16xf32>
      %select_n3A_1528 = arith.select %ge3A_1523, %broadcast_in_dim3A_1526, %broadcast_in_dim3A_1527 : vector<16xi1>, vector<16xf32>
      %get3A_1529 = arith.index_cast %add3A_1387 : i32 to index
      %get3A_1530 = tpu.vector_load %arg19[%get3A_1529] {strides = array<i32>} : memref<2048xf32, #tpu.memory_space<vmem>>, vector<16xf32>,
      %get3A_1531 = vector.shape_cast %get3A_1530 : vector<16xf32> to vector<16xf32>
      %get3A_1532 = arith.index_cast %add3A_1387 : i32 to index
      %get3A_1533 = tpu.vector_load %arg20[%get3A_1532] {strides = array<i32>} : memref<2048xf32, #tpu.memory_space<vmem>>, vector<16xf32>,
      %get3A_1534 = vector.shape_cast %get3A_1533 : vector<16xf32> to vector<16xf32>
      %get3A_1535 = arith.index_cast %add3A_1387 : i32 to index
      %get3A_1536 = tpu.vector_load %arg21[%get3A_1535] {strides = array<i32>} : memref<2048xf32, #tpu.memory_space<vmem>>, vector<16xf32>,
      %get3A_1537 = vector.shape_cast %get3A_1536 : vector<16xf32> to vector<16xf32>
      %bitcast_convert_type3A_1538 = tpu.bitcast %get3A_1534 : vector<16xf32> -> vector<16xi32>
      %shift_right_arithmetic3A_1539 = arith.constant 23 : i32
      %shift_right_arithmetic3A_1540 = vector.broadcast %shift_right_arithmetic3A_1539 : i32 to vector<16xi32>
      %shift_right_arithmetic3A_1541 = arith.shrsi %bitcast_convert_type3A_1538, %shift_right_arithmetic3A_1540 : vector<16xi32>
      %sub3A_1542 = arith.constant 127 : i32
      %sub3A_1543 = vector.broadcast %sub3A_1542 : i32 to vector<16xi32>
      %sub3A_1544 = arith.subi %shift_right_arithmetic3A_1541, %sub3A_1543 : vector<16xi32>
      %and3A_1545 = arith.constant 8388607 : i32
      %and3A_1546 = vector.broadcast %and3A_1545 : i32 to vector<16xi32>
      %and3A_1547 = arith.andi %bitcast_convert_type3A_1538, %and3A_1546 : vector<16xi32>
      %or3A_1548 = arith.constant 1065353216 : i32
      %or3A_1549 = vector.broadcast %or3A_1548 : i32 to vector<16xi32>
      %or3A_1550 = arith.ori %and3A_1547, %or3A_1549 : vector<16xi32>
      %bitcast_convert_type3A_1551 = tpu.bitcast %or3A_1550 : vector<16xi32> -> vector<16xf32>
      %ge3A_1552 = arith.constant 1.41421354 : f32
      %ge3A_1553 = vector.broadcast %ge3A_1552 : f32 to vector<16xf32>
      %ge3A_1554 = arith.cmpf oge, %bitcast_convert_type3A_1551, %ge3A_1553 : vector<16xf32>
      %mul3A_1555 = arith.constant 5.000000e-01 : f32
      %mul3A_1556 = vector.broadcast %mul3A_1555 : f32 to vector<16xf32>
      %mul3A_1557 = arith.mulf %bitcast_convert_type3A_1551, %mul3A_1556 : vector<16xf32>
      %select_n3A_1558 = arith.select %ge3A_1554, %mul3A_1557, %bitcast_convert_type3A_1551 : vector<16xi1>, vector<16xf32>
      %convert_element_type3A_1559 = arith.sitofp %sub3A_1544 : vector<16xi32> to vector<16xf32>
      %jit3A_1560 = arith.constant 1.000000e+00 : f32
      %jit3A_1561 = arith.constant 0.000000e+00 : f32
      %broadcast_in_dim3A_1562 = vector.broadcast %jit3A_1560 : f32 to vector<16xf32>
      %broadcast_in_dim3A_1563 = vector.broadcast %jit3A_1561 : f32 to vector<16xf32>
      %select_n3A_1564 = arith.select %ge3A_1554, %broadcast_in_dim3A_1562, %broadcast_in_dim3A_1563 : vector<16xi1>, vector<16xf32>
      %add3A_1565 = arith.addf %convert_element_type3A_1559, %select_n3A_1564 : vector<16xf32>
      %sub3A_1566 = arith.constant 1.000000e+00 : f32
      %sub3A_1567 = vector.broadcast %sub3A_1566 : f32 to vector<16xf32>
      %sub3A_1568 = arith.subf %select_n3A_1558, %sub3A_1567 : vector<16xf32>
      %add3A_1569 = arith.constant 1.000000e+00 : f32
      %add3A_1570 = vector.broadcast %add3A_1569 : f32 to vector<16xf32>
      %add3A_1571 = arith.addf %select_n3A_1558, %add3A_1570 : vector<16xf32>
      %div3A_1572 = arith.divf %sub3A_1568, %add3A_1571 : vector<16xf32>
      %mul3A_1573 = arith.mulf %div3A_1572, %div3A_1572 : vector<16xf32>
      %mul3A_1574 = arith.constant 0.3205989 : f32
      %mul3A_1575 = vector.broadcast %mul3A_1574 : f32 to vector<16xf32>
      %mul3A_1576 = arith.mulf %mul3A_1573, %mul3A_1575 : vector<16xf32>
      %add3A_1577 = arith.constant 0.412198603 : f32
      %add3A_1578 = vector.broadcast %add3A_1577 : f32 to vector<16xf32>
      %add3A_1579 = arith.addf %add3A_1578, %mul3A_1576 : vector<16xf32>
      %mul3A_1580 = arith.mulf %mul3A_1573, %add3A_1579 : vector<16xf32>
      %add3A_1581 = arith.constant 0.577078044 : f32
      %add3A_1582 = vector.broadcast %add3A_1581 : f32 to vector<16xf32>
      %add3A_1583 = arith.addf %add3A_1582, %mul3A_1580 : vector<16xf32>
      %mul3A_1584 = arith.mulf %mul3A_1573, %add3A_1583 : vector<16xf32>
      %add3A_1585 = arith.constant 0.9617967 : f32
      %add3A_1586 = vector.broadcast %add3A_1585 : f32 to vector<16xf32>
      %add3A_1587 = arith.addf %add3A_1586, %mul3A_1584 : vector<16xf32>
      %mul3A_1588 = arith.mulf %mul3A_1573, %add3A_1587 : vector<16xf32>
      %add3A_1589 = arith.constant 2.885390e+00 : f32
      %add3A_1590 = vector.broadcast %add3A_1589 : f32 to vector<16xf32>
      %add3A_1591 = arith.addf %add3A_1590, %mul3A_1588 : vector<16xf32>
      %mul3A_1592 = arith.mulf %div3A_1572, %add3A_1591 : vector<16xf32>
      %add3A_1593 = arith.addf %add3A_1565, %mul3A_1592 : vector<16xf32>
      %neg3A_1594 = arith.constant 0.000000e+00 : f32
      %neg3A_1595 = vector.broadcast %neg3A_1594 : f32 to vector<16xf32>
      %neg3A_1596 = arith.subf %neg3A_1595, %add3A_1593 : vector<16xf32>
      %bitcast_convert_type3A_1597 = tpu.bitcast %get3A_1537 : vector<16xf32> -> vector<16xi32>
      %shift_right_arithmetic3A_1598 = arith.constant 23 : i32
      %shift_right_arithmetic3A_1599 = vector.broadcast %shift_right_arithmetic3A_1598 : i32 to vector<16xi32>
      %shift_right_arithmetic3A_1600 = arith.shrsi %bitcast_convert_type3A_1597, %shift_right_arithmetic3A_1599 : vector<16xi32>
      %sub3A_1601 = arith.constant 127 : i32
      %sub3A_1602 = vector.broadcast %sub3A_1601 : i32 to vector<16xi32>
      %sub3A_1603 = arith.subi %shift_right_arithmetic3A_1600, %sub3A_1602 : vector<16xi32>
      %and3A_1604 = arith.constant 8388607 : i32
      %and3A_1605 = vector.broadcast %and3A_1604 : i32 to vector<16xi32>
      %and3A_1606 = arith.andi %bitcast_convert_type3A_1597, %and3A_1605 : vector<16xi32>
      %or3A_1607 = arith.constant 1065353216 : i32
      %or3A_1608 = vector.broadcast %or3A_1607 : i32 to vector<16xi32>
      %or3A_1609 = arith.ori %and3A_1606, %or3A_1608 : vector<16xi32>
      %bitcast_convert_type3A_1610 = tpu.bitcast %or3A_1609 : vector<16xi32> -> vector<16xf32>
      %ge3A_1611 = arith.constant 1.41421354 : f32
      %ge3A_1612 = vector.broadcast %ge3A_1611 : f32 to vector<16xf32>
      %ge3A_1613 = arith.cmpf oge, %bitcast_convert_type3A_1610, %ge3A_1612 : vector<16xf32>
      %mul3A_1614 = arith.constant 5.000000e-01 : f32
      %mul3A_1615 = vector.broadcast %mul3A_1614 : f32 to vector<16xf32>
      %mul3A_1616 = arith.mulf %bitcast_convert_type3A_1610, %mul3A_1615 : vector<16xf32>
      %select_n3A_1617 = arith.select %ge3A_1613, %mul3A_1616, %bitcast_convert_type3A_1610 : vector<16xi1>, vector<16xf32>
      %convert_element_type3A_1618 = arith.sitofp %sub3A_1603 : vector<16xi32> to vector<16xf32>
      %jit3A_1619 = arith.constant 1.000000e+00 : f32
      %jit3A_1620 = arith.constant 0.000000e+00 : f32
      %broadcast_in_dim3A_1621 = vector.broadcast %jit3A_1619 : f32 to vector<16xf32>
      %broadcast_in_dim3A_1622 = vector.broadcast %jit3A_1620 : f32 to vector<16xf32>
      %select_n3A_1623 = arith.select %ge3A_1613, %broadcast_in_dim3A_1621, %broadcast_in_dim3A_1622 : vector<16xi1>, vector<16xf32>
      %add3A_1624 = arith.addf %convert_element_type3A_1618, %select_n3A_1623 : vector<16xf32>
      %sub3A_1625 = arith.constant 1.000000e+00 : f32
      %sub3A_1626 = vector.broadcast %sub3A_1625 : f32 to vector<16xf32>
      %sub3A_1627 = arith.subf %select_n3A_1617, %sub3A_1626 : vector<16xf32>
      %add3A_1628 = arith.constant 1.000000e+00 : f32
      %add3A_1629 = vector.broadcast %add3A_1628 : f32 to vector<16xf32>
      %add3A_1630 = arith.addf %select_n3A_1617, %add3A_1629 : vector<16xf32>
      %div3A_1631 = arith.divf %sub3A_1627, %add3A_1630 : vector<16xf32>
      %mul3A_1632 = arith.mulf %div3A_1631, %div3A_1631 : vector<16xf32>
      %mul3A_1633 = arith.constant 0.3205989 : f32
      %mul3A_1634 = vector.broadcast %mul3A_1633 : f32 to vector<16xf32>
      %mul3A_1635 = arith.mulf %mul3A_1632, %mul3A_1634 : vector<16xf32>
      %add3A_1636 = arith.constant 0.412198603 : f32
      %add3A_1637 = vector.broadcast %add3A_1636 : f32 to vector<16xf32>
      %add3A_1638 = arith.addf %add3A_1637, %mul3A_1635 : vector<16xf32>
      %mul3A_1639 = arith.mulf %mul3A_1632, %add3A_1638 : vector<16xf32>
      %add3A_1640 = arith.constant 0.577078044 : f32
      %add3A_1641 = vector.broadcast %add3A_1640 : f32 to vector<16xf32>
      %add3A_1642 = arith.addf %add3A_1641, %mul3A_1639 : vector<16xf32>
      %mul3A_1643 = arith.mulf %mul3A_1632, %add3A_1642 : vector<16xf32>
      %add3A_1644 = arith.constant 0.9617967 : f32
      %add3A_1645 = vector.broadcast %add3A_1644 : f32 to vector<16xf32>
      %add3A_1646 = arith.addf %add3A_1645, %mul3A_1643 : vector<16xf32>
      %mul3A_1647 = arith.mulf %mul3A_1632, %add3A_1646 : vector<16xf32>
      %add3A_1648 = arith.constant 2.885390e+00 : f32
      %add3A_1649 = vector.broadcast %add3A_1648 : f32 to vector<16xf32>
      %add3A_1650 = arith.addf %add3A_1649, %mul3A_1647 : vector<16xf32>
      %mul3A_1651 = arith.mulf %div3A_1631, %add3A_1650 : vector<16xf32>
      %add3A_1652 = arith.addf %add3A_1624, %mul3A_1651 : vector<16xf32>
      %neg3A_1653 = arith.constant 0.000000e+00 : f32
      %neg3A_1654 = vector.broadcast %neg3A_1653 : f32 to vector<16xf32>
      %neg3A_1655 = arith.subf %neg3A_1654, %add3A_1652 : vector<16xf32>
      %mul3A_1656 = arith.constant 2.000000e+00 : f32
      %mul3A_1657 = vector.broadcast %mul3A_1656 : f32 to vector<16xf32>
      %mul3A_1658 = arith.mulf %mul3A_1657, %get3A_1531 : vector<16xf32>
      %sub3A_1659 = arith.constant 1.000000e+00 : f32
      %sub3A_1660 = vector.broadcast %sub3A_1659 : f32 to vector<16xf32>
      %sub3A_1661 = arith.subf %mul3A_1658, %sub3A_1660 : vector<16xf32>
      %exp3A_1662 = math.exp %sub3A_1661 : vector<16xf32>
      %mul3A_1663 = arith.mulf %neg3A_1655, %exp3A_1662 : vector<16xf32>
      %ge3A_1664 = arith.cmpf oge, %mul3A_1663, %neg3A_1596 : vector<16xf32>
      %jit3A_1665 = arith.constant 1.000000e+00 : f32
      %jit3A_1666 = arith.constant 0.000000e+00 : f32
      %broadcast_in_dim3A_1667 = vector.broadcast %jit3A_1665 : f32 to vector<16xf32>
      %broadcast_in_dim3A_1668 = vector.broadcast %jit3A_1666 : f32 to vector<16xf32>
      %select_n3A_1669 = arith.select %ge3A_1664, %broadcast_in_dim3A_1667, %broadcast_in_dim3A_1668 : vector<16xi1>, vector<16xf32>
      %get3A_1670 = arith.index_cast %mul3A_1385 : i32 to index
      %get3A_1671 = tpu.vector_load %arg15[%get3A_1670] {strides = array<i32>} : memref<256xf32, #tpu.memory_space<vmem>>, vector<16xf32>,
      %get3A_1672 = vector.shape_cast %get3A_1671 : vector<16xf32> to vector<16xf32>
      %mul3A_1673 = arith.mulf %select_n3A_1528, %get3A_1672 : vector<16xf32>
      %mul3A_1674 = arith.mulf %select_n3A_1669, %sub3A_1376 : vector<16xf32>
      %add3A_1675 = vector.broadcast %mul3A_1385 : i32 to vector<16xi32>
      %add3A_1676 = arith.addi %iota3A, %add3A_1675 : vector<16xi32>
      %lt3A = vector.broadcast %add3A_1212 : i32 to vector<16xi32>
      %lt3A_1677 = arith.cmpi slt, %add3A_1676, %lt3A : vector<16xi32>
      %jit3A_1678 = arith.constant 0.000000e+00 : f32
      %broadcast_in_dim3A_1679 = vector.broadcast %jit3A_1678 : f32 to vector<16xf32>
      %select_n3A_1680 = arith.select %lt3A_1677, %mul3A_1674, %broadcast_in_dim3A_1679 : vector<16xi1>, vector<16xf32>
      %sub3A_1681 = arith.constant 1.000000e+00 : f32
      %sub3A_1682 = vector.broadcast %sub3A_1681 : f32 to vector<16xf32>
      %sub3A_1683 = arith.subf %sub3A_1682, %select_n3A_1680 : vector<16xf32>
      %eq3A = vector.broadcast %add3A_1212 : i32 to vector<16xi32>
      %eq3A_1684 = arith.cmpi eq, %add3A_1676, %eq3A : vector<16xi32>
      %mul3A_1685 = arith.mulf %mul3A_1673, %sub3A_1683 : vector<16xf32>
      %jit3A_1686 = arith.constant 0.000000e+00 : f32
      %broadcast_in_dim3A_1687 = vector.broadcast %jit3A_1686 : f32 to vector<16xf32>
      %select_n3A_1688 = arith.select %eq3A_1684, %broadcast_in_dim3A_1687, %mul3A_1685 : vector<16xi1>, vector<16xf32>
      %swap3A_1689 = arith.index_cast %add3A_1387 : i32 to index
      %swap3A_1690 = tpu.vector_load %arg22[%swap3A_1689] {strides = array<i32>} : memref<2048xf32, #tpu.memory_space<vmem>>, vector<16xf32>,
      %swap3A_1691 = vector.shape_cast %swap3A_1690 : vector<16xf32> to vector<16xf32>
      %swap3A_1692 = vector.shape_cast %select_n3A_1688 : vector<16xf32> to vector<16xf32>
      tpu.vector_store %arg22[%swap3A_1689], %swap3A_1692 {strides = array<i32>} : memref<2048xf32, #tpu.memory_space<vmem>>, vector<16xf32>,
    }
    %scan3A_1382 = arith.constant 16 : i32
    "tpu.region"() ({
      %run_scoped3A = tpu.sem_alloc : memref<!tpu.dma_semaphore, #tpu.memory_space<semaphore_mem>>
      %dma_start3A_1383 = tpu.memref_slice %arg11[%mul3A_2] : memref<65536xf32, #tpu.memory_space<hbm>> -> memref<2048xf32, #tpu.memory_space<hbm>>
      %dma_start3A_1384 = tpu.memref_slice %arg11[%mul3A_2] : memref<65536xf32, #tpu.memory_space<hbm>> -> memref<2048xf32, #tpu.memory_space<hbm>>
      tpu.enqueue_dma source(%arg22 : memref<2048xf32, #tpu.memory_space<vmem>>) target(%dma_start3A_1384 : memref<2048xf32, #tpu.memory_space<hbm>>) target_semaphore(%run_scoped3A : memref<!tpu.dma_semaphore, #tpu.memory_space<semaphore_mem>>)
      %dma_wait3A_1385 = tpu.memref_slice %arg11[%mul3A_2] : memref<65536xf32, #tpu.memory_space<hbm>> -> memref<2048xf32, #tpu.memory_space<hbm>>
      %dma_wait3A_1386 = tpu.memref_slice %arg11[%mul3A_2] : memref<65536xf32, #tpu.memory_space<hbm>> -> memref<2048xf32, #tpu.memory_space<hbm>>
      tpu.wait_dma2 semaphore(%run_scoped3A : memref<!tpu.dma_semaphore, #tpu.memory_space<semaphore_mem>>) src(%arg22 : memref<2048xf32, #tpu.memory_space<vmem>>) dst(%dma_wait3A_1386 : memref<2048xf32, #tpu.memory_space<hbm>>)
      tpu.yield
    }) : () -> ()
    return
  }
}

</mosaic_0001>

<sc_bundles>
// kernel: kernel.3.cloned.1.call-start
scs
__scs_entry_jumppad:
0x0: {  	(pc) =	sbr.rel $0x88, $3  }
0x1: {  	(tag) =	ssettag $0x0;
	lr =	simm.s32 $0x1  }
0x2: {  	[smem:$0x3F9D] =	sst lr;
	_ =	strace $0xD0000000  }
0x3: {  	_ = 	snop  }
0x4: {  	_ = 	snop  }
0x5: {  	_ = 	snop  }
0x6: {  	_ = 	snop  }
0x7: {  	_ = 	snop  }
__scs_overlays_trampoline_lowered:
0x8: {  	[smem:$0x3FAC] =	sst s0  }
0x9: {  	[smem:$0x3FAD] =	sst s1  }
0xa: {  	[smem:$0x3FAE] =	sst s2  }
0xb: {  	[smem:$0x3FAF] =	sst s3  }
0xc: {  	[smem:$0x3FB0] =	sst s4  }
0xd: {  	[smem:$0x3FB1] =	sst s5  }
0xe: {  	[smem:$0x3FB2] =	sst s6  }
0xf: {  	[smem:$0x3FB3] =	sst s7  }
0x10: {  	[smem:$0x3FB4] =	sst s8  }
0x11: {  	[smem:$0x3FB5] =	sst s9;
	s0 =	simm.s32 @!p0 $0x0  }
0x12: {  	s1 =	sld [smem:$0x3F9B];
	s0 =	simm.s32 @p0 $0x1  }
0x13: {  	[smem:$0x3FB6] =	sst s0;
	s0 =	simm.s32 @!p1 $0x0  }
0x14: {  	s2 =	sld [smem:$0x3F9A];
	s0 =	simm.s32 @p1 $0x1  }
0x15: {  	[smem:$0x3FB7] =	sst s0;
	s0 =	simm.s32 @!p2 $0x0  }
0x16: {  	s3 =	sld [smem:$0x3FDB];
	s0 =	simm.s32 @p2 $0x1  }
0x17: {  	s4 =	simm.s32 $0x1BF5;
	[smem:$0x3FB9] =	sst s0  }
0x18: {  	s0 =	sld [smem:$0x3F9C];
	_ =	swait.ge [sflag:s4], $0x0  }
0x19: {  	s7 =	sld [smem:$0x3F9D]  }
0x1a: {  	s8 =	sadd.s32 $0xFFFFE003, lr  }
0x1b: {  	s9 =	sadd.s32 $0xFFFFFEF7, lr;
	s5 =	simm.s32 $0xFFFFFFFF;
	p2 =	slt.u32 s8, $0xFFFFF086  }
0x1c: {  	p1 =	slt.u32 s9, $0xF7A;
	s5 =	simm.s32 @!p2 $0x0  }
0x1d: {  	s5 =	simm.s32 @p1 $0x1;
	p0 =	seq.s32 s7, s2  }
0x1e: {  	s7 =	smul.u32 @!p0 $0xF7A, s2;
	p2 =	seq.s32 @!p0 s5, $0x0  }
0x1f: {  	s9 =	smul.u32 $0xF7A, s1;
	s8 =	simm.s32 @!p0 $0x1BF5;
	p2 =	por !p2, p0  }
0x20: {  	[sflag:s8] =	ssyncset.s32 @!p0 $0xFFFFF086;
	s6 =	sadd.s32 @!p0 s3, s7;
	s7 =	simm.s32 @!p0 $0x108  }
0x21: {  	s3 =	sadd.s32 s3, s9;
	s6 =	sadd.s32 @!p0 $0x88, s6;
	s7 =	simm.s32 @p2 $0x1082  }
0x22: {  	[simem:s7], [sflag:s8] =	dma.local @!p0 [hbm:s6], $0xF7A  }
0x23: {  	s9 =	sor.u32 $0xD0000000, s2;
	s6 =	simm.s32 $0x108;
	_ =	swait.ge @!p0 [sflag:s8], $0x0  }
0x24: {  	s3 =	sadd.s32 $0x88, s3;
	s6 =	simm.s32 @!p1 $0x1082;
	[sflag:s4] =	ssyncset.s32 $0xFFFFF086  }
0x25: {  	[simem:s6], [sflag:s4] =	dma.local [hbm:s3], $0xF7A  }
0x26: {  	[smem:$0x3F9D] =	sst s1;
	(tag) =	ssettag s2;
	_ =	strace s9  }
0x27: {  	s1 =	sld [smem:$0x3FAD]  }
0x28: {  	s2 =	sld [smem:$0x3FAE]  }
0x29: {  	s4 =	sld [smem:$0x3FB0]  }
0x2a: {  	p0 =	seq.s32 s5, $0x0;
	s5 =	sld [smem:$0x3FB1]  }
0x2b: {  	s6 =	sld [smem:$0x3FB2]  }
0x2c: {  	s7 =	sld [smem:$0x3FB3]  }
0x2d: {  	s3 =	simm.s32 $0x108;
	s8 =	sld [smem:$0x3FB4]  }
0x2e: {  	s3 =	simm.s32 @!p0 $0x1082;
	s9 =	sld [smem:$0x3FB5]  }
0x2f: {  	lr =	sadd.s32 s0, s3;
	s0 =	sld [smem:$0x3FAC]  }
0x30: {  	s3 =	sld [smem:$0x3FAF]  }
0x31: {  	[smem:$0x3FB8] =	sst s10  }
0x32: {  	s10 =	sld [smem:$0x3FB6];
	_ =	sdelay $0x3  }
0x33: {  	p0 =	seq.s32 s10, $0x1;
	s10 =	sld [smem:$0x3FB8];
	_ =	sdelay $0x3  }
0x34: {  	[smem:$0x3FB8] =	sst s10  }
0x35: {  	s10 =	sld [smem:$0x3FB7];
	_ =	sdelay $0x3  }
0x36: {  	p1 =	seq.s32 s10, $0x1;
	s10 =	sld [smem:$0x3FB8];
	_ =	sdelay $0x3  }
0x37: {  	[smem:$0x3FB8] =	sst s10  }
0x38: {  	s10 =	sld [smem:$0x3FB9]  }
0x39: {  	_ = 	snop;
	(pc) =	sbr.ind lr, $3  }
0x3a: {  	_ = 	snop  }
0x3b: {  	_ = 	snop  }
0x3c: {  	p2 =	seq.s32 s10, $0x1;
	s10 =	sld [smem:$0x3FB8]  }
0x3d: {  	_ =	shalt  }
0x3e: {  	_ =	shalt  }
0x3f: {  	_ =	shalt  }
0x40: {  	_ =	shalt  }
0x41: {  	_ =	shalt  }
0x42: {  	_ =	shalt  }
0x43: {  	_ =	shalt  }
0x44: {  	_ =	shalt  }
0x45: {  	_ =	shalt  }
0x46: {  	_ =	shalt  }
0x47: {  	_ =	shalt  }
0x48: {  	_ =	shalt  }
0x49: {  	_ =	shalt  }
0x4a: {  	_ =	shalt  }
0x4b: {  	_ =	shalt  }
0x4c: {  	_ =	shalt  }
0x4d: {  	_ =	shalt  }
0x4e: {  	_ =	shalt  }
0x4f: {  	_ =	shalt  }
0x50: {  	_ =	shalt  }
0x51: {  	_ =	shalt  }
0x52: {  	_ =	shalt  }
0x53: {  	_ =	shalt  }
0x54: {  	_ =	shalt  }
0x55: {  	_ =	shalt  }
0x56: {  	_ =	shalt  }
0x57: {  	_ =	shalt  }
0x58: {  	_ =	shalt  }
0x59: {  	_ =	shalt  }
0x5a: {  	_ =	shalt  }
0x5b: {  	_ =	shalt  }
0x5c: {  	_ =	shalt  }
0x5d: {  	_ =	shalt  }
0x5e: {  	_ =	shalt  }
0x5f: {  	_ =	shalt  }
0x60: {  	_ =	shalt  }
0x61: {  	_ =	shalt  }
0x62: {  	_ =	shalt  }
0x63: {  	_ =	shalt  }
0x64: {  	_ =	shalt  }
0x65: {  	_ =	shalt  }
0x66: {  	_ =	shalt  }
0x67: {  	_ =	shalt  }
0x68: {  	_ =	shalt  }
0x69: {  	_ =	shalt  }
0x6a: {  	_ =	shalt  }
0x6b: {  	_ =	shalt  }
0x6c: {  	_ =	shalt  }
0x6d: {  	_ =	shalt  }
0x6e: {  	_ =	shalt  }
0x6f: {  	_ =	shalt  }
0x70: {  	_ =	shalt  }
0x71: {  	_ =	shalt  }
0x72: {  	_ =	shalt  }
0x73: {  	_ =	shalt  }
0x74: {  	_ =	shalt  }
0x75: {  	_ =	shalt  }
0x76: {  	_ =	shalt  }
0x77: {  	_ =	shalt  }
0x78: {  	_ =	shalt  }
0x79: {  	_ =	shalt  }
0x7a: {  	_ =	shalt  }
0x7b: {  	_ =	shalt  }
0x7c: {  	_ =	shalt  }
0x7d: {  	_ =	shalt  }
0x7e: {  	_ =	shalt  }
0x7f: {  	_ =	shalt  }
0x80: {  	_ =	shalt  }
0x81: {  	_ =	shalt  }
0x82: {  	_ =	shalt  }
0x83: {  	_ =	shalt  }
0x84: {  	_ =	shalt  }
0x85: {  	_ =	shalt  }
0x86: {  	_ =	shalt  }
0x87: {  	_ =	shalt  }
.Lfunc_end0:
.L_simem_size_0:
called_computation_lowered:
.L_overlay_start_0:
0x88: {  	s2 =	sld [smem:$0x3FD9]  }
0x89: {  	s3 =	sld [smem:$0x3FFE];
	_ =	sdelay $0x1  }
0x8a: {  	s1 =	srdreg.scid  }
0x8b: {  	s0 =	sand.u32 $0x1, s1  }
0x8c: {  	s17 =	sshll.u32 s0, $0xA;
	s2 =	sadd.s32 s3, s2  }
0x8d: {  	s2 =	sadd.s32 s2, s17  }
0x8e: {  	[smem:$0x3FC4] =	sst s2  }
0x8f: {  	_ = 	snop  }
0x90: {  	s2 =	sld [smem:$0x3FC9]  }
0x91: {  	s18 =	sld [smem:$0x3FD0];
	(tm) =	ssettm $0x1  }
0x92: {  	s4 =	sld [smem:$0x3FFB];
	_ =	sdelay $0x3  }
0x93: {  	_ =	strace s4  }
0x94: {  	s4 =	sld [smem:$0x3FFC];
	_ =	sdelay $0x3  }
0x95: {  	_ =	strace s4  }
0x96: {  	s4 =	sld [smem:$0x3FFD];
	_ =	sdelay $0x3  }
0x97: {  	_ =	strace s4  }
0x98: {  	_ =	strace $0x8FFFFFFF  }
0x99: {  	s19 =	sld [smem:$0x3FDB];
	_ =	sdelay $0x1  }
0x9a: {  	s5 =	simm.s32 $_scs_section_size  }
0x9b: {  	s6 =	simm.s32 $_size__tile_overlayer_lowered;
	s7 =	simm.s32 $_tile_overlayer_lowered  }
0x9c: {  	s22 =	simm.s32 $0x1BFF;
	s21 =	sshll.u32 s7, $0x1;
	s4 =	sadd.s32 s5, s19  }
0x9d: {  	s8 =	simm.s32 $0x0;
	s20 =	sshll.u32 s6, $0x1;
	s6 =	sadd.s32 s21, s4  }
0x9e: {  	[timem:s8], [sflag:s22] =	dma.local [hbm:s6], s20  }
0x9f: {  	_ =	swait.ge [sflag:s22], s20  }
0xa0: {  	s5 =	ssub.s32 $0x0, s20;
	[sflag:s22] =	ssyncset.done $0x0  }
0xa1: {  	[sflag:s22] =	ssyncadd.s32 s5;
	_ =	sdelay $0x1  }
0xa2: {  	s23 =	simm.s32 $0x1B8B  }
0xa3: {  	_ =	swait.ge [sflag:s23], $0x1  }
0xa4: {  	[sflag:s23] =	ssyncset.done $0x0  }
0xa5: {  	s25 =	simm.s32 $0x1B8E;
	s24 =	sld [smem:$0x3FFE];
	[sflag:s23] =	ssyncadd.s32 $0xFFFFFFFF  }
0xa6: {  	s26 =	simm.s32 $execute0_lowered;
	[smem:$0x3FD2] =	sst s25  }
0xa7: {  	s6 =	sshll.u32 s26, $0x1;
	_ =	strace $0x80000046;
	[dreg:$0x1] =	wrdreg $0xFFFFFFFF  }
0xa8: {  	s28 =	simm.s32 $_size_execute0_lowered;
	s4 =	sadd.s32 s4, s6;
	[dreg:$0x0] =	wrdreg $0x0  }
0xa9: {  	s6 =	sshll.u32 s28, $0x1;
	[dreg:$0x2] =	wrdreg s4  }
0xaa: {  	[dreg:$0x3] =	wrdreg s6  }
0xab: {  	[dreg:$0x4] =	wrdreg $0xC0  }
0xac: {  	_ =	task [dreg:s8], $0x5FFFF  }
0xad: {  	[dreg:$0x1] =	wrdreg $0xFFFFFFFF  }
0xae: {  	[dreg:$0x0] =	wrdreg $0x60  }
0xaf: {  	[dreg:$0x2] =	wrdreg s2  }
0xb0: {  	[dreg:$0x3] =	wrdreg s24  }
0xb1: {  	[dreg:$0x4] =	wrdreg s18  }
0xb2: {  	[dreg:$0x5] =	wrdreg $0x9  }
0xb3: {  	_ =	task.clear_ibuf [dreg:s8], $0x6FFFF;
	_ =	strace $0x90000046  }
0xb4: {  	s29 =	simm.s32 $0x9;
	_ =	strace $0x80000048  }
0xb5: {  	_ =	swait.ge [sflag:s29], $0x1  }
0xb6: {  	[sflag:s29] =	ssyncadd.s32 $0xFFFFFFFF  }
0xb7: {  	_ =	strace $0x90000048  }
0xb8: {  	_ =	sfence  }
0xb9: {  	s30 =	sld [smem:$0x0];
	_ =	sdelay $0x2  }
0xba: {  	s31 =	sshll.u32 s1, $0xD;
	s1 =	sshrl.u32 s1, $0x2  }
0xbb: {  	s3 =	sand.u32 $0x4000, s31;
	s1 =	sadd.s32 s1, s30  }
0xbc: {  	s0 =	sor.u32 s3, s0;
	s1 =	sshll.u32 s1, $0x11  }
0xbd: {  	s0 =	sor.u32 s1, s0  }
0xbe: {  	s0 =	sadd.s32 $0x8F2B, s0  }
0xbf: {  	[sflag:s0] =	ssyncadd.remote.s32 $0x1  }
0xc0: {  	_ =	sfence.sel $0xFFFF  }
0xc1: {  	[dreg:$0x0] =	wrdreg $0xFFFFFFFF;
	(pc) =	sbr.abs _section_cstart, $3  }
0xc2: {  	[dreg:$0x1] =	wrdreg $0xFFFFFFFF  }
0xc3: {  	_ =	task.clear_ibuf [dreg:s8], $0x2FFFF;
	_ =	strace $0x9FFFFFFF  }
0xc4: {  	(tm) =	ssettm $0x7FFFFFFF  }
0xc5: {  	_ =	shalt  }
tec
execute0_lowered:
.L_overlay_start_1:
0x0: {  	(tag) =	ssettag $0x1  }
0x1: {  	s1 =	rddreg [dreg:$0x0]  }
0x2: {  	s0 =	rddreg [dreg:$0x1]  }
0x3: {  	s2 =	rddreg [dreg:$0x2]  }
0x4: {  	s3 =	simm.s32 $0x0;
	s4 =	srdreg.scid;
	s5 =	stileid.u32  }
0x5: {  	s14 =	simm.s32 $0x2;
	s18 =	simm.s32 $0xC00;
	s19 =	simm.s32 $0x1400  }
0x6: {  	s20 =	simm.s32 $0x1C00;
	s21 =	simm.s32 $0x2400;
	s29 =	simm.s32 $0x3D80  }
0x7: {  	s30 =	simm.s32 $0x3400;
	s31 =	simm.s32 $0x0;
	[smem:$0x7FF] =	sst s3  }
0x8: {  	s4 =	sand.u32 $0x1, s4;
	s5 =	sshll.u32 s5, $0x1;
	_ =	strace $0x80000047  }
0x9: {  	s12 =	sor.u32 s4, s5;
	s6 =	ssub.s32 $0x2, s4;
	s4 =	sadd.s32 $0x1200, s0  }
0xa: {  	s5 =	sadd.s32 $0x1000, s0;
	s7 =	sshll.u32 s12, $0x8;
	s8 =	sshrl.u32 s6, $0x1  }
0xb: {  	s24 =	sshll.u32 s12, $0x3;
	s28 =	sshllo.u32 s12, $0x3;
	s0 =	sadd.s32 s7, s0  }
0xc: {  	s13 =	ssub.s32 s6, s8;
	s6 =	sadd.s32 s2, s7;
	s15 =	sor.u32 $0x1, s24  }
0xd: {  	s16 =	sor.u32 $0x2, s24;
	s22 =	sor.u32 $0x3, s24;
	s23 =	sor.u32 $0x4, s24  }
0xe: {  	s25 =	sor.u32 $0x5, s24;
	s26 =	sor.u32 $0x6, s24;
	v0 =	vmov s24;
	s24 =	simm.s32 $0x3C00  }
0xf: {  	v7 =	vmov s28;
	s28 =	simm.s32 $0x3D00;
	s7 =	sadd.s32 $0x5400, s0;
	s8 =	sadd.s32 $0x3400, s0  }
0x10: {  	v8 =	vimm.f32 $0.0e+00;
	v9 =	vimm.f32 $1.000000000e+00;
	v10 =	vlaneseq.u32;
	s9 =	sadd.s32 $0x1400, s0;
	s10 =	sadd.s32 $0x9400, s0;
	s11 =	sadd.s32 $0x7400, s0  }
0x11: {  	s12 =	sadd.s32 $0xB400, s0;
	s13 =	smax.u32 s13, $0x1;
	v1 =	vmov s15;
	v2 =	vmov s16;
	v3 =	vmov s22;
	s22 =	simm.s32 $0x2C00  }
0x12: {  	v4 =	vmov s23;
	s23 =	simm.s32 $0x10;
	v5 =	vmov s25;
	v6 =	vmov s26;
	s25 =	simm.s32 $0x3C80;
	s26 =	simm.s32 $0x1  }
.LBB2_1:
0x13: {  	[tilespmem:s3], [sflag:$0x2] =	stream.linear.gather [hbm4b:s1+s3], $0x100, $0x38;
	[tilespmem:$0x3E00] =	vst v63  }
0x14: {  	_ =	swait.ge [sflag:s14], $0x100  }
0x15: {  	[sflag:s14] =	ssyncset.done $0x0  }
0x16: {  	s0 =	simm.s32 $0x100;
	[sflag:s14] =	ssyncadd.s32 $0xFFFFFF00  }
0x17: {  	[tilespmem:s0], [sflag:$0x2] =	stream.linear.gather [hbm4b:s4+s3], $0x100, $0x38;
	[tilespmem:$0x3E00] =	vst v63  }
0x18: {  	_ =	swait.ge [sflag:s14], $0x100  }
0x19: {  	[sflag:s14] =	ssyncset.done $0x0  }
0x1a: {  	s16 =	simm.s32 $0x200;
	[sflag:s14] =	ssyncadd.s32 $0xFFFFFF00  }
0x1b: {  	[tilespmem:s16], [sflag:$0x2] =	stream.linear.gather [hbm4b:s5+s3], $0x100, $0x38;
	[tilespmem:$0x3E00] =	vst v63  }
0x1c: {  	_ =	swait.ge [sflag:s14], $0x100  }
0x1d: {  	[sflag:s14] =	ssyncset.done $0x0  }
0x1e: {  	s17 =	simm.s32 $0x400;
	[sflag:s14] =	ssyncadd.s32 $0xFFFFFF00  }
0x1f: {  	[tilespmem:s17], [sflag:$0x2] =	stream.linear.gather [hbm4b:s6+s3], $0x800, $0x38;
	[tilespmem:$0x3E00] =	vst v63  }
0x20: {  	_ =	swait.ge [sflag:s14], $0x800  }
0x21: {  	[sflag:s14] =	ssyncset.done $0x0  }
0x22: {  	[sflag:s14] =	ssyncadd.s32 $0xFFFFF800  }
0x23: {  	[tilespmem:s18], [sflag:$0x2] =	stream.linear.gather [hbm4b:s7+s3], $0x800, $0x38;
	[tilespmem:$0x3E00] =	vst v63  }
0x24: {  	_ =	swait.ge [sflag:s14], $0x800  }
0x25: {  	[sflag:s14] =	ssyncset.done $0x0  }
0x26: {  	[sflag:s14] =	ssyncadd.s32 $0xFFFFF800  }
0x27: {  	[tilespmem:s19], [sflag:$0x2] =	stream.linear.gather [hbm4b:s8+s3], $0x800, $0x38;
	[tilespmem:$0x3E00] =	vst v63  }
0x28: {  	_ =	swait.ge [sflag:s14], $0x800  }
0x29: {  	[sflag:s14] =	ssyncset.done $0x0  }
0x2a: {  	[sflag:s14] =	ssyncadd.s32 $0xFFFFF800  }
0x2b: {  	[tilespmem:s20], [sflag:$0x2] =	stream.linear.gather [hbm4b:s9+s3], $0x800, $0x38;
	[tilespmem:$0x3E00] =	vst v63  }
0x2c: {  	_ =	swait.ge [sflag:s14], $0x800  }
0x2d: {  	[sflag:s14] =	ssyncset.done $0x0  }
0x2e: {  	[sflag:s14] =	ssyncadd.s32 $0xFFFFF800  }
0x2f: {  	[tilespmem:s21], [sflag:$0x2] =	stream.linear.gather [hbm4b:s10+s3], $0x800, $0x38;
	[tilespmem:$0x3E00] =	vst v63  }
0x30: {  	_ =	swait.ge [sflag:s14], $0x800  }
0x31: {  	[sflag:s14] =	ssyncset.done $0x0  }
0x32: {  	[sflag:s14] =	ssyncadd.s32 $0xFFFFF800  }
0x33: {  	[tilespmem:s22], [sflag:$0x2] =	stream.linear.gather [hbm4b:s11+s3], $0x800, $0x38;
	[tilespmem:$0x3E00] =	vst v63  }
0x34: {  	_ =	swait.ge [sflag:s14], $0x800  }
0x35: {  	[sflag:s14] =	ssyncset.done $0x0  }
0x36: {  	s0 =	simm.s32 $0x0;
	[sflag:s14] =	ssyncadd.s32 $0xFFFFF800  }
0x37: {  	v17 =	vld [tilespmem:s0+$0x200];
	_ =	sdelay $0x2  }
0x38: {  	v21 =	vld [tilespmem:s0+$0x100];
	_ =	sdelay $0x1  }
0x39: {  	v11 =	vand.u32 $0x7FFFFF, v17  }
0x3a: {  	v11 =	vor.u32 $0x3F800000, v11  }
0x3b: {  	v12 =	vmul.f32 $5.000000000e-01, v11  }
0x3c: {  	v13 =	vand.u32 $0x7FFFFF, v21;
	vm2 =	vge.f32 v11, $1.414213540e+00  }
0x3d: {  	v13 =	vor.u32 $0x3F800000, v13;
	v11 =	vsel vm2, v12, v11  }
0x3e: {  	v12 =	vmul.f32 $5.000000000e-01, v13;
	v14 =	vadd.f32 $1.000000000e+00, v11  }
0x3f: {  	vm0 =	vge.f32 v13, $1.414213540e+00  }
0x40: {  	v13 =	vsel vm0, v12, v13;
	(erf) = vrcp.f32 v14  }
0x41: {  	v12 =	vadd.f32 $1.000000000e+00, v13;
	_ =	sdelay $0x1  }
0x42: {  	(erf) = vrcp.f32 v12;
	_ =	sdelay $0x3  }
0x43: {  	s2 =	simm.s32 $0x10  }
0x44: {  	v11 =	vadd.f32 $-1.000000000e+00, v11;
	v12 =	vld [tilespmem:s2+$0x200]  }
0x45: {  	v18 =	vld [tilespmem:s0+$0x0];
	v15 =	vpop (erf)  }
0x46: {  	v16 =	vmul.f32 v15, v11  }
0x47: {  	v14 =	vld [tilespmem:s2+$0x100];
	v11 =	vadd.f32 $-1.000000000e+00, v13  }
0x48: {  	v13 =	vpop (erf);
	v23 =	vmul.f32 v16, v16  }
0x49: {  	v19 =	vand.u32 $0x7FFFFF, v12;
	v15 =	vmul.f32 v13, v11  }
0x4a: {  	v22 =	vadd.f32 v18, v18;
	v11 =	vor.u32 $0x3F800000, v19;
	v13 =	vmul.f32 $3.205989000e-01, v23  }
0x4b: {  	v21 =	vshra.s32 v21, $0x17;
	v20 =	vmul.f32 $5.000000000e-01, v11;
	v18 =	vmul.f32 v15, v15  }
0x4c: {  	v19 =	vand.u32 $0x7FFFFF, v14;
	vm1 =	vge.f32 v11, $1.414213540e+00;
	v13 =	vadd.f32 $4.121986030e-01, v13  }
0x4d: {  	v24 =	vor.u32 $0x3F800000, v19;
	v19 =	vsel vm1, v20, v11;
	v20 =	vmul.f32 $3.205989000e-01, v18  }
0x4e: {  	vm3 =	vmmov vm2;
	v25 =	vmul.f32 $5.000000000e-01, v24;
	v28 =	vmul.f32 v13, v23  }
0x4f: {  	s15 =	simm.s32 $0x20;
	v26 =	vld [tilespmem:s2+$0x0];
	vm2 =	vge.f32 v24, $1.414213540e+00;
	v27 =	vadd.f32 $1.000000000e+00, v19;
	v29 =	vadd.f32 $4.121986030e-01, v20  }
0x50: {  	v22 =	vadd.f32 $-1.000000000e+00, v22;
	v11 =	vld [tilespmem:s15+$0x100];
	v20 =	vsel vm2, v25, v24;
	v24 =	vadd.f32 $5.770780440e-01, v28  }
0x51: {  	(erf) = vrcp.f32 v27;
	v25 =	vadd.f32 $1.000000000e+00, v20;
	v27 =	vmul.f32 v29, v18  }
0x52: {  	vm3 =	vmmov vm3;
	v62 =	vmul.f32 $1.442695020e+00, v22;
	v13 =	vld [tilespmem:s15+$0x200];
	v24 =	vmul.f32 v24, v23  }
0x53: {  	v22 =	vadd.s32 $0xFFFFFF81, v21;
	(erf) = vrcp.f32 v25;
	v25 =	vadd.f32 $5.770780440e-01, v27  }
0x54: {  	v27 =	vshra.s32 v17, $0x17;
	v17 =	vadd.f32 v26, v26;
	v26 =	vadd.f32 $9.617967000e-01, v24  }
0x55: {  	vm0 =	vmmov vm0;
	v63 =	vand.u32 $0x7FFFFF, v11;
	v25 =	vmul.f32 v25, v18  }
0x56: {  	s16 =	simm.s32 $0xC0;
	v21 =	vor.u32 $0x3F800000, v63;
	(erf) = vpow2.f32 v62;
	v23 =	vmul.f32 v26, v23  }
0x57: {  	v24 =	vand.u32 $0x7FFFFF, v13;
	v25 =	vadd.f32 $9.617967000e-01, v25;
	v26 =	vadd.s32 $0xFFFFFF81, v27  }
.LBB2_2:
0x58: {  	v19 =	vadd.f32 $-1.000000000e+00, v19;
	v26 =	vcvt.s32.f32 v26;
	v23 =	vadd.f32 $2.885390040e+00, v23  }
0x59: {  	p0 =	sne.s32 s16, $0x3C0;
	vm4 =	vmmov vm1;
	vm1 =	vmmov vm0;
	vm0 =	vmmov vm2  }
0x5a: {  	v24 =	vor.u32 $0x3F800000, v24;
	v27 =	vpop (erf);
	v18 =	vmul.f32 v25, v18;
	v25 =	vsel vm3, $0x3F800000, v8  }
0x5b: {  	v25 =	vadd.f32 v26, v25;
	v23 =	vmul.f32 v23, v16;
	v16 =	vmul.f32 v27, v19  }
0x5c: {  	v19 =	vadd.f32 $-1.000000000e+00, v20;
	v20 =	vcvt.s32.f32 v22;
	v18 =	vadd.f32 $2.885390040e+00, v18  }
0x5d: {  	v27 =	vsel vm1, $0x3F800000, v8;
	v26 =	vmul.f32 v16, v16;
	v22 =	vpop (erf);
	v23 =	vadd.f32 v23, v25  }
0x5e: {  	v20 =	vadd.f32 v20, v27;
	v28 =	vmul.f32 v18, v15;
	v15 =	vmul.f32 v22, v19  }
0x5f: {  	v22 =	vmul.f32 $5.000000000e-01, v21;
	v19 =	vmul.f32 $3.205989000e-01, v26;
	v23 =	vsub.f32 $0.0e+00, v23  }
0x60: {  	v27 =	vmul.f32 $5.000000000e-01, v24;
	v18 =	vmul.f32 v15, v15;
	v20 =	vadd.f32 v28, v20;
	v25 =	vpop (erf)  }
0x61: {  	vm1 =	vge.f32 v24, $1.414213540e+00;
	v28 =	vadd.f32 $4.121986030e-01, v19;
	v23 =	vmul.f32 v23, v25  }
0x62: {  	v19 =	vsel vm1, v27, v24;
	v24 =	vmul.f32 $3.205989000e-01, v18;
	v20 =	vxor.u32 $0x80000000, v20  }
0x63: {  	s17 =	sshra.s32 s16, $0x2;
	v27 =	vadd.f32 $1.000000000e+00, v19;
	v25 =	vld [tilespmem:s15+$0x0];
	v28 =	vmul.f32 v28, v26;
	vm3 =	vge.f32 v23, v20  }
0x64: {  	vm2 =	vge.f32 v21, $1.414213540e+00;
	v23 =	vld [tilespmem:s17+$0x100];
	v24 =	vadd.f32 $4.121986030e-01, v24;
	v29 =	vsel vm3, $0x0, v9  }
0x65: {  	v20 =	vsel vm2, v22, v21;
	v30 =	vld [tilespmem:s17+$0x200];
	(erf) = vrcp.f32 v27;
	v21 =	vadd.f32 $5.770780440e-01, v28;
	[tilespmem:s0+$0x300] =	vst v29;
	s0 =	smov.u32 s2;
	s2 =	smov.u32 s15;
	s15 =	smov.u32 s17  }
0x66: {  	v22 =	vadd.f32 $1.000000000e+00, v20;
	vm3 =	vmmov vm4;
	v24 =	vmul.f32 v24, v18  }
0x67: {  	v27 =	vshra.s32 v14, $0x17;
	v28 =	vadd.f32 $-1.000000000e+00, v17;
	v14 =	vmovc v11;
	v21 =	vmul.f32 v21, v26  }
.Ltmp0:
0x68: {  	v29 =	vshra.s32 v12, $0x17;
	v12 =	vmovc v13;
	(erf) = vrcp.f32 v22;
	v22 =	vadd.f32 $5.770780440e-01, v24;
	(pc) =	sbr.rel @p0 .LBB2_2-.Ltmp0, $4  }
0x69: {  	v17 =	vadd.f32 v25, v25;
	v25 =	vmul.f32 $1.442695020e+00, v28;
	v21 =	vadd.f32 $9.617967000e-01, v21;
	v11 =	vmovc v23  }
0x6a: {  	v28 =	vand.u32 $0x7FFFFF, v11;
	v24 =	vand.u32 $0x7FFFFF, v30;
	v31 =	vmul.f32 v22, v18;
	v13 =	vmovc v30  }
0x6b: {  	v22 =	vadd.s32 $0xFFFFFF81, v27;
	v23 =	vmul.f32 v21, v26;
	(erf) = vpow2.f32 v25  }
0x6c: {  	s16 =	sadd.s32 $0x40, s16;
	v21 =	vor.u32 $0x3F800000, v28;
	v26 =	vadd.s32 $0xFFFFFF81, v29;
	v25 =	vadd.f32 $9.617967000e-01, v31  }
0x6d: {  	v24 =	vor.u32 $0x3F800000, v24  }
0x6e: {  	v27 =	vmul.f32 $5.000000000e-01, v24;
	_ =	sdelay $0x2  }
0x6f: {  	v19 =	vadd.f32 $-1.000000000e+00, v19;
	vm4 =	vge.f32 v24, $1.414213540e+00  }
0x70: {  	v28 =	vmul.f32 $5.000000000e-01, v21;
	v24 =	vsel vm4, v27, v24;
	v27 =	vpop (erf)  }
0x71: {  	v30 =	vsel vm3, $0x3F800000, v8;
	vm3 =	vge.f32 v21, $1.414213540e+00;
	v19 =	vmul.f32 v27, v19  }
0x72: {  	v20 =	vadd.f32 $-1.000000000e+00, v20;
	v21 =	vsel vm3, v28, v21;
	v29 =	vadd.f32 $1.000000000e+00, v24  }
0x73: {  	v18 =	vmul.f32 v25, v18;
	v28 =	vadd.f32 $1.000000000e+00, v21;
	v27 =	vpop (erf);
	v25 =	vmul.f32 v19, v19  }
0x74: {  	(erf) = vrcp.f32 v29;
	v20 =	vmul.f32 v27, v20  }
0x75: {  	v23 =	vadd.f32 $2.885390040e+00, v23;
	(erf) = vrcp.f32 v28;
	v27 =	vmul.f32 $3.205989000e-01, v25;
	_ =	sdelay $0x1  }
0x76: {  	v26 =	vcvt.s32.f32 v26;
	v16 =	vmul.f32 v23, v16;
	v23 =	vadd.f32 $4.121986030e-01, v27  }
0x77: {  	vm1 =	vmmov vm1;
	v18 =	vadd.f32 $2.885390040e+00, v18;
	v28 =	vmul.f32 v20, v20  }
0x78: {  	vm0 =	vmmov vm0;
	v22 =	vcvt.s32.f32 v22;
	v23 =	vmul.f32 v23, v25  }
0x79: {  	v14 =	vshra.s32 v14, $0x17;
	v29 =	vmul.f32 $3.205989000e-01, v28;
	v27 =	vsel vm0, $0x3F800000, v8  }
0x7a: {  	v17 =	vadd.f32 $-1.000000000e+00, v17;
	v12 =	vshra.s32 v12, $0x17;
	v23 =	vadd.f32 $5.770780440e-01, v23  }
0x7b: {  	v26 =	vadd.f32 v26, v30;
	v24 =	vadd.f32 $-1.000000000e+00, v24;
	v15 =	vmul.f32 v18, v15;
	v18 =	vpop (erf)  }
0x7c: {  	v21 =	vadd.f32 $-1.000000000e+00, v21;
	v22 =	vadd.f32 v22, v27;
	v27 =	vpop (erf);
	v23 =	vmul.f32 v23, v25  }
0x7d: {  	v16 =	vadd.f32 v16, v26;
	v26 =	vadd.f32 $4.121986030e-01, v29;
	v24 =	vmul.f32 v27, v24;
	v29 =	vpop (erf)  }
0x7e: {  	v17 =	vmul.f32 $1.442695020e+00, v17;
	v21 =	vmul.f32 v29, v21;
	v23 =	vadd.f32 $9.617967000e-01, v23  }
0x7f: {  	v13 =	vshra.s32 v13, $0x17;
	v26 =	vmul.f32 v26, v28;
	v27 =	vmul.f32 v24, v24  }
0x80: {  	v15 =	vadd.f32 v15, v22;
	v22 =	vld [tilespmem:s15+$0x0];
	v23 =	vmul.f32 v23, v25;
	v25 =	vmul.f32 v21, v21  }
0x81: {  	v11 =	vshra.s32 v11, $0x17;
	vm1 =	vmmov vm1;
	v29 =	vmul.f32 $3.205989000e-01, v27  }
0x82: {  	(erf) = vpow2.f32 v17;
	v26 =	vadd.f32 $5.770780440e-01, v26;
	v17 =	vmul.f32 $3.205989000e-01, v25  }
0x83: {  	v14 =	vadd.s32 $0xFFFFFF81, v14;
	v12 =	vadd.s32 $0xFFFFFF81, v12;
	v29 =	vadd.f32 $4.121986030e-01, v29  }
0x84: {  	v13 =	vadd.s32 $0xFFFFFF81, v13;
	v26 =	vmul.f32 v26, v28;
	v17 =	vadd.f32 $4.121986030e-01, v17  }
0x85: {  	v11 =	vadd.s32 $0xFFFFFF81, v11;
	v22 =	vadd.f32 v22, v22;
	v29 =	vmul.f32 v29, v27  }
0x86: {  	v12 =	vcvt.s32.f32 v12;
	v26 =	vadd.f32 $9.617967000e-01, v26;
	v17 =	vmul.f32 v17, v25  }
0x87: {  	v14 =	vcvt.s32.f32 v14;
	v22 =	vadd.f32 $-1.000000000e+00, v22;
	v29 =	vadd.f32 $5.770780440e-01, v29  }
0x88: {  	v26 =	vmul.f32 v26, v28;
	v28 =	vsel vm1, $0x3F800000, v8;
	v17 =	vadd.f32 $5.770780440e-01, v17  }
0x89: {  	v23 =	vadd.f32 $2.885390040e+00, v23;
	v12 =	vadd.f32 v12, v28;
	v28 =	vmul.f32 v29, v27  }
0x8a: {  	vm3 =	vmmov vm3;
	v22 =	vmul.f32 $1.442695020e+00, v22;
	v17 =	vmul.f32 v17, v25  }
0x8b: {  	v19 =	vmul.f32 v23, v19;
	v23 =	vadd.f32 $2.885390040e+00, v26;
	v26 =	vadd.f32 $9.617967000e-01, v28  }
0x8c: {  	v13 =	vcvt.s32.f32 v13;
	vm0 =	vmmov vm2;
	v17 =	vadd.f32 $9.617967000e-01, v17  }
0x8d: {  	(erf) = vpow2.f32 v22;
	v12 =	vadd.f32 v19, v12;
	v19 =	vmul.f32 v26, v27  }
0x8e: {  	vm2 =	vmmov vm4;
	vm0 =	vmmov vm0;
	v17 =	vmul.f32 v17, v25  }
0x8f: {  	v28 =	vsel vm0, $0x3F800000, v8;
	vm0 =	vmmov vm2;
	v19 =	vadd.f32 $2.885390040e+00, v19  }
0x90: {  	v11 =	vcvt.s32.f32 v11;
	v22 =	vsel vm0, $0x3F800000, v8;
	v17 =	vadd.f32 $2.885390040e+00, v17  }
0x91: {  	v16 =	vsub.f32 $0.0e+00, v16;
	v13 =	vadd.f32 v13, v22;
	v19 =	vmul.f32 v19, v24  }
0x92: {  	v20 =	vmul.f32 v23, v20;
	vm0 =	vmmov vm3;
	v17 =	vmul.f32 v17, v21  }
0x93: {  	v14 =	vadd.f32 v14, v28;
	v22 =	vsel vm0, $0x3F800000, v8;
	v13 =	vadd.f32 v19, v13  }
0x94: {  	v12 =	vsub.f32 $0.0e+00, v12;
	v11 =	vadd.f32 v11, v22  }
0x95: {  	v16 =	vmul.f32 v16, v18;
	v18 =	vpop (erf);
	v14 =	vadd.f32 v20, v14;
	v13 =	vsub.f32 $0.0e+00, v13  }
0x96: {  	v15 =	vxor.u32 $0x80000000, v15;
	v12 =	vmul.f32 v12, v18;
	v11 =	vadd.f32 v17, v11;
	v17 =	vpop (erf)  }
0x97: {  	vm0 =	vge.f32 v16, v15;
	v14 =	vxor.u32 $0x80000000, v14;
	v13 =	vmul.f32 v13, v17  }
0x98: {  	v15 =	vsel vm0, $0x0, v9;
	vm0 =	vge.f32 v12, v14;
	v11 =	vxor.u32 $0x80000000, v11  }
0x99: {  	[tilespmem:s0+$0x300] =	vst v15;
	v12 =	vsel vm0, $0x0, v9;
	vm0 =	vge.f32 v13, v11  }
0x9a: {  	[tilespmem:s2+$0x300] =	vst v12;
	v11 =	vsel vm0, $0x0, v9  }
0x9b: {  	[tilespmem:s15+$0x300] =	vst v11  }
0x9c: {  	[tilespmem:$0x3C00] =	vst v0  }
0x9d: {  	[tilespmem:s25], [sflag:$0x1] =	stream.indirect.gather [hbm4b:s1+s23], $0x1, s24, s23, $0xb8;
	[tilespmem:$0x3E00] =	vst v63  }
0x9e: {  	_ =	swait.ge [sflag:s26], $0x10  }
0x9f: {  	[sflag:s26] =	ssyncset.done $0x0  }
0xa0: {  	[sflag:s26] =	ssyncadd.s32 $0xFFFFFFF0  }
0xa1: {  	[tilespmem:s28], [sflag:$0x1] =	stream.indirect.gather [hbm4b:s4+s23], $0x1, s24, s23, $0xb8;
	[tilespmem:$0x3E00] =	vst v63  }
0xa2: {  	_ =	swait.ge [sflag:s26], $0x10  }
0xa3: {  	[sflag:s26] =	ssyncset.done $0x0  }
0xa4: {  	[sflag:s26] =	ssyncadd.s32 $0xFFFFFFF0  }
0xa5: {  	[tilespmem:s29], [sflag:$0x1] =	stream.indirect.gather [hbm4b:s5+s23], $0x1, s24, s23, $0xb8;
	[tilespmem:$0x3E00] =	vst v63  }
0xa6: {  	_ =	swait.ge [sflag:s26], $0x10  }
0xa7: {  	[sflag:s26] =	ssyncset.done $0x0  }
0xa8: {  	[sflag:s26] =	ssyncadd.s32 $0xFFFFFFF0  }
0xa9: {  	v11 =	vld [tilespmem:$0x3D00];
	_ =	sdelay $0x4  }
0xaa: {  	v12 =	vand.u32 $0x7FFFFF, v11  }
0xab: {  	v12 =	vor.u32 $0x3F800000, v12  }
0xac: {  	v13 =	vld [tilespmem:$0x3D80];
	v14 =	vmul.f32 $5.000000000e-01, v12  }
0xad: {  	vm1 =	vge.f32 v12, $1.414213540e+00  }
0xae: {  	v12 =	vsel vm1, v14, v12  }
0xaf: {  	v14 =	vadd.f32 $1.000000000e+00, v12;
	_ =	sdelay $0x1  }
0xb0: {  	(erf) = vrcp.f32 v14;
	v14 =	vand.u32 $0x7FFFFF, v13  }
0xb1: {  	v14 =	vor.u32 $0x3F800000, v14  }
0xb2: {  	v15 =	vmul.f32 $5.000000000e-01, v14  }
0xb3: {  	vm0 =	vge.f32 v14, $1.414213540e+00  }
0xb4: {  	v14 =	vsel vm0, v15, v14  }
0xb5: {  	v15 =	vadd.f32 $1.000000000e+00, v14;
	_ =	sdelay $0x1  }
0xb6: {  	(erf) = vrcp.f32 v15  }
0xb7: {  	v12 =	vadd.f32 $-1.000000000e+00, v12  }
0xb8: {  	v15 =	vpop (erf)  }
0xb9: {  	v12 =	vmul.f32 v15, v12;
	_ =	sdelay $0x1  }
0xba: {  	v15 =	vmul.f32 v12, v12;
	_ =	sdelay $0x1  }
0xbb: {  	v16 =	vmul.f32 $3.205989000e-01, v15  }
0xbc: {  	v14 =	vadd.f32 $-1.000000000e+00, v14  }
0xbd: {  	v16 =	vadd.f32 $4.121986030e-01, v16;
	v17 =	vpop (erf)  }
0xbe: {  	v14 =	vmul.f32 v17, v14  }
0xbf: {  	v16 =	vmul.f32 v16, v15  }
0xc0: {  	v17 =	vmul.f32 v14, v14  }
0xc1: {  	v16 =	vadd.f32 $5.770780440e-01, v16  }
0xc2: {  	v18 =	vmul.f32 $3.205989000e-01, v17  }
0xc3: {  	v16 =	vmul.f32 v16, v15  }
0xc4: {  	v18 =	vadd.f32 $4.121986030e-01, v18  }
0xc5: {  	v16 =	vadd.f32 $9.617967000e-01, v16  }
0xc6: {  	v19 =	vld [tilespmem:$0x3C80];
	v18 =	vmul.f32 v18, v17  }
0xc7: {  	v11 =	vshra.s32 v11, $0x17;
	v15 =	vmul.f32 v16, v15  }
0xc8: {  	s0 =	simm.s32 $0x0;
	v11 =	vadd.s32 $0xFFFFFF81, v11;
	v16 =	vadd.f32 $5.770780440e-01, v18  }
0xc9: {  	v11 =	vcvt.s32.f32 v11;
	v18 =	vld [tilespmem:s0+$0x2C00];
	v15 =	vadd.f32 $2.885390040e+00, v15  }
0xca: {  	v20 =	vsel vm1, $0x3F800000, v8;
	v16 =	vmul.f32 v16, v17  }
0xcb: {  	v11 =	vadd.f32 v11, v20;
	v12 =	vmul.f32 v15, v12;
	v15 =	vadd.f32 v19, v19  }
0xcc: {  	v19 =	vld [tilespmem:s0+$0xC00];
	v16 =	vadd.f32 $9.617967000e-01, v16  }
0xcd: {  	v11 =	vadd.f32 v12, v11;
	v12 =	vshra.s32 v13, $0x17;
	v13 =	vadd.f32 $-1.000000000e+00, v15  }
0xce: {  	v20 =	vsel vm0, $0x3F800000, v8;
	v15 =	vmul.f32 v16, v17;
	v17 =	vand.u32 $0x7FFFFF, v18  }
0xcf: {  	v12 =	vadd.s32 $0xFFFFFF81, v12;
	v13 =	vmul.f32 $1.442695020e+00, v13;
	v17 =	vor.u32 $0x3F800000, v17  }
0xd0: {  	v12 =	vcvt.s32.f32 v12;
	v15 =	vadd.f32 $2.885390040e+00, v15;
	v22 =	vmul.f32 $5.000000000e-01, v17  }
0xd1: {  	v16 =	vld [tilespmem:s0+$0x2400];
	vm1 =	vge.f32 v17, $1.414213540e+00;
	(erf) = vpow2.f32 v13;
	v13 =	vand.u32 $0x7FFFFF, v19  }
0xd2: {  	v21 =	vld [tilespmem:s0+$0x1400];
	v12 =	vadd.f32 v12, v20;
	v13 =	vor.u32 $0x3F800000, v13;
	v17 =	vsel vm1, v22, v17  }
0xd3: {  	v14 =	vmul.f32 v15, v14;
	v15 =	vmul.f32 $5.000000000e-01, v13;
	v20 =	vadd.f32 $1.000000000e+00, v17  }
0xd4: {  	vm3 =	vge.f32 v13, $1.414213540e+00  }
0xd5: {  	v13 =	vsel vm3, v15, v13;
	(erf) = vrcp.f32 v20  }
0xd6: {  	v22 =	vand.u32 $0x7FFFFF, v16;
	v20 =	vadd.f32 $1.000000000e+00, v13  }
0xd7: {  	v23 =	vand.u32 $0x7FFFFF, v21;
	v22 =	vor.u32 $0x3F800000, v22;
	v12 =	vadd.f32 v14, v12  }
0xd8: {  	v11 =	vsub.f32 $0.0e+00, v11;
	v15 =	vor.u32 $0x3F800000, v23;
	v23 =	vmul.f32 $5.000000000e-01, v22  }
0xd9: {  	vm15 =	vge.f32 v22, $1.414213540e+00;
	v14 =	vmul.f32 $5.000000000e-01, v15;
	v12 =	vsub.f32 $0.0e+00, v12  }
0xda: {  	vm2 =	vge.f32 v15, $1.414213540e+00;
	v22 =	vsel vm15, v23, v22;
	(erf) = vrcp.f32 v20;
	v20 =	vpop (erf)  }
0xdb: {  	v24 =	vld [tilespmem:s0+$0x1C00];
	v14 =	vsel vm2, v14, v15;
	v15 =	vadd.f32 $1.000000000e+00, v22;
	v12 =	vmul.f32 v12, v20  }
0xdc: {  	v23 =	vadd.f32 $1.000000000e+00, v14  }
0xdd: {  	(erf) = vrcp.f32 v15;
	vm0 =	vge.f32 v12, v11;
	v12 =	vadd.f32 $-1.000000000e+00, v17  }
0xde: {  	(erf) = vrcp.f32 v23;
	v20 =	vadd.f32 $-1.000000000e+00, v13;
	v13 =	vpop (erf)  }
0xdf: {  	v13 =	vmul.f32 v13, v12  }
0xe0: {  	v21 =	vshra.s32 v21, $0x17;
	v11 =	vadd.f32 v24, v24  }
0xe1: {  	v21 =	vadd.s32 $0xFFFFFF81, v21;
	v23 =	vld [tilespmem:s0+$0x400];
	v27 =	vmul.f32 v13, v13  }
0xe2: {  	v21 =	vcvt.s32.f32 v21;
	v18 =	vshra.s32 v18, $0x17;
	v17 =	vadd.f32 $-1.000000000e+00, v11  }
0xe3: {  	v16 =	vshra.s32 v16, $0x17;
	v15 =	vshra.s32 v19, $0x17;
	v24 =	vpop (erf);
	v25 =	vmul.f32 $3.205989000e-01, v27  }
0xe4: {  	v19 =	vmul.f32 $1.442695020e+00, v17;
	v17 =	vadd.s32 $0xFFFFFF81, v16;
	v16 =	vmul.f32 v24, v20  }
0xe5: {  	v18 =	vadd.s32 $0xFFFFFF81, v18;
	v29 =	vsel vm2, $0x3F800000, v8;
	v24 =	vadd.f32 $-1.000000000e+00, v22  }
0xe6: {  	v14 =	vadd.f32 $-1.000000000e+00, v14;
	v23 =	vadd.f32 v23, v23;
	v26 =	vpop (erf);
	v22 =	vmul.f32 v16, v16  }
0xe7: {  	v20 =	vcvt.s32.f32 v18;
	v18 =	vmul.f32 v26, v24;
	v24 =	vadd.f32 $4.121986030e-01, v25;
	v25 =	vpop (erf)  }
0xe8: {  	v21 =	vadd.f32 v21, v29;
	v28 =	vmul.f32 $3.205989000e-01, v22;
	v14 =	vmul.f32 v25, v14  }
0xe9: {  	v15 =	vadd.s32 $0xFFFFFF81, v15;
	v26 =	vadd.f32 $-1.000000000e+00, v23;
	v23 =	vmul.f32 v18, v18  }
0xea: {  	v25 =	vmul.f32 v24, v27;
	v28 =	vadd.f32 $4.121986030e-01, v28;
	v24 =	vmul.f32 v14, v14  }
0xeb: {  	vm0 =	vmneg vm0;
	v26 =	vmul.f32 $1.442695020e+00, v26;
	v30 =	vmul.f32 $3.205989000e-01, v23  }
0xec: {  	v31 =	vadd.f32 $5.770780440e-01, v25;
	v28 =	vmul.f32 v28, v22;
	v32 =	vmul.f32 $3.205989000e-01, v24  }
0xed: {  	v11 =	vsel vm3, $0x3F800000, v8;
	(erf) = vpow2.f32 v26;
	v30 =	vadd.f32 $4.121986030e-01, v30  }
0xee: {  	s2 =	simm.s32 $0x0;
	v31 =	vmul.f32 v31, v27;
	v28 =	vadd.f32 $5.770780440e-01, v28;
	v32 =	vadd.f32 $4.121986030e-01, v32  }
0xef: {  	v12 =	vsel vm15, $0x3F800000, v8;
	v26 =	vor.u32 s2, v10;
	v30 =	vmul.f32 v30, v23  }
0xf0: {  	v31 =	vadd.f32 $9.617967000e-01, v31;
	v28 =	vmul.f32 v28, v22;
	v32 =	vmul.f32 v32, v24  }
0xf1: {  	v25 =	vsel vm1, $0x3F800000, v8;
	vm1 =	veq.s32 v26, v0;
	v29 =	vadd.f32 $5.770780440e-01, v30  }
0xf2: {  	s15 =	simm.s32 $0x40;
	v27 =	vmul.f32 v31, v27;
	v28 =	vadd.f32 $9.617967000e-01, v28;
	v30 =	vadd.f32 $5.770780440e-01, v32  }
.LBB2_4:
0xf3: {  	s16 =	sshra.s32 s15, $0x2;
	p0 =	sne.s32 s15, $0x3C0;
	s15 =	sadd.s32 $0x40, s15;
	v29 =	vmul.f32 v29, v23;
	vm2 =	vlt.u32 v26, v0;
	(erf) = vpow2.f32 v19  }
0xf4: {  	v26 =	vld [tilespmem:s16+$0x2400];
	v19 =	vmul.f32 v28, v22;
	v22 =	vmul.f32 v30, v24;
	vm3 =	vmand vm2, vm0  }
0xf5: {  	v17 =	vcvt.s32.f32 v17;
	v20 =	vadd.f32 v20, v25;
	v28 =	vld [tilespmem:s16+$0x2C00];
	v29 =	vadd.f32 $9.617967000e-01, v29  }
0xf6: {  	v15 =	vcvt.s32.f32 v15;
	v27 =	vadd.f32 $2.885390040e+00, v27;
	v25 =	vld [tilespmem:s16+$0x1400];
	v19 =	vadd.f32 $2.885390040e+00, v19  }
0xf7: {  	v12 =	vadd.f32 v17, v12;
	v22 =	vadd.f32 $9.617967000e-01, v22;
	v30 =	vld [tilespmem:s16+$0xC00];
	v17 =	vmul.f32 v29, v23;
	v23 =	vpop (erf)  }
0xf8: {  	v11 =	vadd.f32 v15, v11;
	v13 =	vmul.f32 v27, v13;
	v15 =	vmul.f32 v19, v16  }
0xf9: {  	v19 =	vmul.f32 v22, v24;
	v16 =	vand.u32 $0x7FFFFF, v26;
	v17 =	vadd.f32 $2.885390040e+00, v17  }
0xfa: {  	v22 =	vand.u32 $0x7FFFFF, v28;
	v24 =	vadd.f32 v15, v11;
	v11 =	vadd.f32 v13, v20  }
0xfb: {  	v13 =	vand.u32 $0x7FFFFF, v25;
	v15 =	vor.u32 $0x3F800000, v22;
	v17 =	vmul.f32 v17, v18  }
0xfc: {  	vm2 =	vge.f32 v15, $1.414213540e+00;
	v18 =	vmul.f32 $5.000000000e-01, v15;
	v11 =	vsub.f32 $0.0e+00, v11;
	v20 =	vpop (erf)  }
0xfd: {  	v22 =	vand.u32 $0x7FFFFF, v30;
	v13 =	vor.u32 $0x3F800000, v13;
	v12 =	vadd.f32 v17, v12  }
0xfe: {  	v17 =	vor.u32 $0x3F800000, v22;
	v18 =	vsel vm2, v18, v15;
	v11 =	vmul.f32 v11, v20  }
0xff: {  	v15 =	vmul.f32 $5.000000000e-01, v17;
	v20 =	vadd.f32 $1.000000000e+00, v18;
	v12 =	vxor.u32 $0x80000000, v12  }
0x100: {  	v16 =	vor.u32 $0x3F800000, v16;
	vm5 =	vge.f32 v17, $1.414213540e+00;
	v22 =	vld [tilespmem:s16+$0x1C00];
	vm4 =	vge.f32 v11, v12  }
0x101: {  	v11 =	vsel vm5, v15, v17;
	(erf) = vrcp.f32 v20;
	vm3 =	vmand vm3, vm4  }
0x102: {  	v15 =	vmul.f32 $5.000000000e-01, v16;
	v12 =	vadd.f32 $1.000000000e+00, v11;
	vm4 =	vge.f32 v13, $1.414213540e+00  }
0x103: {  	vm6 =	vge.f32 v16, $1.414213540e+00;
	v27 =	vadd.f32 $-1.000000000e+00, v11;
	v11 =	vmul.f32 $5.000000000e-01, v13  }
0x104: {  	v29 =	vsel vm6, v15, v16;
	(erf) = vrcp.f32 v12;
	v12 =	vadd.f32 $2.885390040e+00, v19  }
0x105: {  	v31 =	vsel vm4, v11, v13;
	v13 =	vadd.f32 $1.000000000e+00, v29;
	v15 =	vadd.f32 v22, v22  }
0x106: {  	v11 =	vsel vm5, $0x3F800000, v8;
	v16 =	vadd.f32 $1.000000000e+00, v31;
	v14 =	vmul.f32 v12, v14  }
0x107: {  	v12 =	vsel vm6, $0x3F800000, v8;
	v20 =	vld [tilespmem:s16+$0x400];
	v17 =	vadd.f32 $-1.000000000e+00, v15;
	(erf) = vrcp.f32 v13  }
0x108: {  	v13 =	vshra.s32 v30, $0x17;
	(erf) = vrcp.f32 v16;
	v14 =	vadd.f32 v14, v21  }
0x109: {  	v15 =	vadd.s32 $0xFFFFFF81, v13;
	v13 =	vadd.f32 $-1.000000000e+00, v18;
	v19 =	vmul.f32 $1.442695020e+00, v17  }
0x10a: {  	v16 =	vshra.s32 v26, $0x17;
	v18 =	vshra.s32 v28, $0x17;
	v21 =	vpop (erf);
	v14 =	vsub.f32 $0.0e+00, v14  }
0x10b: {  	v17 =	vadd.s32 $0xFFFFFF81, v16;
	v22 =	vadd.s32 $0xFFFFFF81, v18;
	v13 =	vmul.f32 v21, v13;
	v18 =	vld [tilespmem:s0+$0x300]  }
0x10c: {  	v21 =	vadd.f32 v20, v20;
	v20 =	vcvt.s32.f32 v22;
	v14 =	vmul.f32 v14, v23  }
0x10d: {  	v28 =	vsel vm4, $0x3F800000, v8;
	v22 =	vxor.u32 $0x80000000, v24;
	v30 =	vmul.f32 v13, v13;
	v16 =	vpop (erf)  }
0x10e: {  	v16 =	vmul.f32 v16, v27;
	v21 =	vadd.f32 $-1.000000000e+00, v21;
	vm4 =	vge.f32 v14, v22  }
0x10f: {  	v32 =	vadd.f32 $-1.000000000e+00, v29;
	v23 =	vmul.f32 $3.205989000e-01, v30;
	v24 =	vsel vm4, $0x3F800000, v8  }
0x110: {  	v26 =	vadd.f32 $-1.000000000e+00, v31;
	v22 =	vmul.f32 v16, v16;
	v27 =	vpop (erf);
	v29 =	vmul.f32 v24, v18  }
0x111: {  	v21 =	vmul.f32 $1.442695020e+00, v21;
	v18 =	vmul.f32 v27, v32;
	v24 =	vadd.f32 $4.121986030e-01, v23;
	v14 =	vpop (erf)  }
0x112: {  	v25 =	vshra.s32 v25, $0x17;
	v27 =	vmul.f32 $3.205989000e-01, v22;
	v14 =	vmul.f32 v14, v26  }
0x113: {  	v31 =	vsel vm3, $0x0, v9;
	v23 =	vmul.f32 v18, v18;
	v26 =	vmul.f32 v24, v30  }
0x114: {  	v29 =	vmul.f32 v31, v29;
	v27 =	vadd.f32 $4.121986030e-01, v27;
	v24 =	vmul.f32 v14, v14  }
0x115: {  	v31 =	vadd.s32 $0xFFFFFF81, v25;
	v25 =	vmul.f32 $3.205989000e-01, v23;
	v26 =	vadd.f32 $5.770780440e-01, v26  }
0x116: {  	v29 =	vsel vm1, $0x0, v29;
	v27 =	vmul.f32 v27, v22;
	v32 =	vmul.f32 $3.205989000e-01, v24  }
0x117: {  	v33 =	vadd.f32 $4.121986030e-01, v25;
	v25 =	vsel vm2, $0x3F800000, v8;
	v26 =	vmul.f32 v26, v30;
	[tilespmem:s0+$0x3400] =	vst v29;
	s0 =	smov.u32 s16  }
.Ltmp1:
0x118: {  	v27 =	vadd.f32 $5.770780440e-01, v27;
	v29 =	vadd.f32 $4.121986030e-01, v32;
	(erf) = vpow2.f32 v21;
	(pc) =	sbr.rel @p0 .LBB2_4-.Ltmp1, $4  }
0x119: {  	s2 =	sadd.s32 $0x10, s2;
	v21 =	vcvt.s32.f32 v31;
	v31 =	vmul.f32 v33, v23;
	v32 =	vadd.f32 $9.617967000e-01, v26  }
0x11a: {  	v26 =	vor.u32 s2, v10;
	v33 =	vmul.f32 v27, v22;
	v34 =	vmul.f32 v29, v24  }
0x11b: {  	v21 =	vadd.f32 v21, v28;
	v29 =	vadd.f32 $5.770780440e-01, v31;
	v27 =	vmul.f32 v32, v30  }
0x11c: {  	vm1 =	veq.s32 v26, v0;
	v28 =	vadd.f32 $9.617967000e-01, v33;
	v30 =	vadd.f32 $5.770780440e-01, v34  }
0x11d: {  	_ = 	snop  }
0x11e: {  	v30 =	vmul.f32 v30, v24;
	_ =	sdelay $0x1  }
0x11f: {  	v30 =	vadd.f32 $9.617967000e-01, v30;
	_ =	sdelay $0x1  }
0x120: {  	v29 =	vmul.f32 v29, v23;
	v24 =	vmul.f32 v30, v24  }
0x121: {  	(erf) = vpow2.f32 v19  }
0x122: {  	v19 =	vadd.f32 $9.617967000e-01, v29;
	v24 =	vadd.f32 $2.885390040e+00, v24  }
0x123: {  	v27 =	vadd.f32 $2.885390040e+00, v27;
	v15 =	vcvt.s32.f32 v15;
	v22 =	vmul.f32 v28, v22  }
0x124: {  	v20 =	vadd.f32 v20, v25;
	v19 =	vmul.f32 v19, v23;
	v14 =	vmul.f32 v24, v14  }
0x125: {  	v17 =	vcvt.s32.f32 v17;
	v13 =	vmul.f32 v27, v13;
	v22 =	vadd.f32 $2.885390040e+00, v22  }
0x126: {  	v19 =	vadd.f32 $2.885390040e+00, v19;
	v14 =	vadd.f32 v14, v21  }
0x127: {  	v11 =	vadd.f32 v15, v11;
	v13 =	vadd.f32 v13, v20;
	v15 =	vmul.f32 v22, v16  }
0x128: {  	v12 =	vadd.f32 v17, v12;
	v16 =	vmul.f32 v19, v18;
	v14 =	vsub.f32 $0.0e+00, v14  }
0x129: {  	v17 =	vpop (erf);
	v13 =	vsub.f32 $0.0e+00, v13;
	v11 =	vadd.f32 v15, v11;
	v15 =	vld [tilespmem:s0+$0x300]  }
0x12a: {  	v18 =	vpop (erf);
	v12 =	vadd.f32 v16, v12;
	v14 =	vmul.f32 v14, v17  }
0x12b: {  	v11 =	vxor.u32 $0x80000000, v11;
	v13 =	vmul.f32 v13, v18  }
0x12c: {  	vm2 =	vlt.u32 v26, v0;
	v12 =	vxor.u32 $0x80000000, v12;
	vm3 =	vge.f32 v14, v11  }
0x12d: {  	vm0 =	vmand vm2, vm0;
	vm2 =	vge.f32 v13, v12;
	v11 =	vsel vm3, $0x3F800000, v8  }
0x12e: {  	vm0 =	vmand vm0, vm2;
	v11 =	vmul.f32 v11, v15  }
0x12f: {  	v12 =	vsel vm0, $0x0, v9  }
0x130: {  	v11 =	vmul.f32 v12, v11;
	_ =	sdelay $0x1  }
0x131: {  	v11 =	vsel vm1, $0x0, v11  }
0x132: {  	[tilespmem:s0+$0x3400] =	vst v11  }
0x133: {  	[tilespmem:$0x3C00] =	vst v1  }
0x134: {  	[tilespmem:s25], [sflag:$0x1] =	stream.indirect.gather [hbm4b:s1+s23], $0x1, s24, s23, $0xb8;
	[tilespmem:$0x3E00] =	vst v63  }
0x135: {  	_ =	swait.ge [sflag:s26], $0x10  }
0x136: {  	[sflag:s26] =	ssyncset.done $0x0  }
0x137: {  	[sflag:s26] =	ssyncadd.s32 $0xFFFFFFF0  }
0x138: {  	[tilespmem:s28], [sflag:$0x1] =	stream.indirect.gather [hbm4b:s4+s23], $0x1, s24, s23, $0xb8;
	[tilespmem:$0x3E00] =	vst v63  }
0x139: {  	_ =	swait.ge [sflag:s26], $0x10  }
0x13a: {  	[sflag:s26] =	ssyncset.done $0x0  }
0x13b: {  	[sflag:s26] =	ssyncadd.s32 $0xFFFFFFF0  }
0x13c: {  	[tilespmem:s29], [sflag:$0x1] =	stream.indirect.gather [hbm4b:s5+s23], $0x1, s24, s23, $0xb8;
	[tilespmem:$0x3E00] =	vst v63  }
0x13d: {  	_ =	swait.ge [sflag:s26], $0x10  }
0x13e: {  	[sflag:s26] =	ssyncset.done $0x0  }
0x13f: {  	[sflag:s26] =	ssyncadd.s32 $0xFFFFFFF0  }
0x140: {  	v11 =	vld [tilespmem:$0x3D00];
	_ =	sdelay $0x4  }
0x141: {  	v12 =	vand.u32 $0x7FFFFF, v11  }
0x142: {  	v12 =	vor.u32 $0x3F800000, v12  }
0x143: {  	v13 =	vld [tilespmem:$0x3D80];
	v14 =	vmul.f32 $5.000000000e-01, v12  }
0x144: {  	vm1 =	vge.f32 v12, $1.414213540e+00  }
0x145: {  	v12 =	vsel vm1, v14, v12  }
0x146: {  	v14 =	vadd.f32 $1.000000000e+00, v12;
	_ =	sdelay $0x1  }
0x147: {  	(erf) = vrcp.f32 v14;
	v14 =	vand.u32 $0x7FFFFF, v13  }
0x148: {  	v14 =	vor.u32 $0x3F800000, v14  }
0x149: {  	v15 =	vmul.f32 $5.000000000e-01, v14  }
0x14a: {  	vm0 =	vge.f32 v14, $1.414213540e+00  }
0x14b: {  	v14 =	vsel vm0, v15, v14  }
0x14c: {  	v15 =	vadd.f32 $1.000000000e+00, v14;
	_ =	sdelay $0x1  }
0x14d: {  	(erf) = vrcp.f32 v15  }
0x14e: {  	v12 =	vadd.f32 $-1.000000000e+00, v12  }
0x14f: {  	v15 =	vpop (erf)  }
0x150: {  	v12 =	vmul.f32 v15, v12;
	_ =	sdelay $0x1  }
0x151: {  	v15 =	vmul.f32 v12, v12;
	_ =	sdelay $0x1  }
0x152: {  	v16 =	vmul.f32 $3.205989000e-01, v15  }
0x153: {  	v14 =	vadd.f32 $-1.000000000e+00, v14  }
0x154: {  	v16 =	vadd.f32 $4.121986030e-01, v16;
	v17 =	vpop (erf)  }
0x155: {  	v14 =	vmul.f32 v17, v14  }
0x156: {  	v16 =	vmul.f32 v16, v15  }
0x157: {  	v17 =	vmul.f32 v14, v14  }
0x158: {  	v16 =	vadd.f32 $5.770780440e-01, v16  }
0x159: {  	v18 =	vmul.f32 $3.205989000e-01, v17  }
0x15a: {  	v16 =	vmul.f32 v16, v15  }
0x15b: {  	v18 =	vadd.f32 $4.121986030e-01, v18  }
0x15c: {  	v16 =	vadd.f32 $9.617967000e-01, v16  }
0x15d: {  	v19 =	vld [tilespmem:$0x3C80];
	v18 =	vmul.f32 v18, v17  }
0x15e: {  	v11 =	vshra.s32 v11, $0x17;
	v15 =	vmul.f32 v16, v15  }
0x15f: {  	s0 =	simm.s32 $0x100;
	v11 =	vadd.s32 $0xFFFFFF81, v11;
	v16 =	vadd.f32 $5.770780440e-01, v18  }
0x160: {  	v11 =	vcvt.s32.f32 v11;
	v18 =	vld [tilespmem:s0+$0x2C00];
	v15 =	vadd.f32 $2.885390040e+00, v15  }
0x161: {  	v20 =	vsel vm1, $0x3F800000, v8;
	v16 =	vmul.f32 v16, v17  }
0x162: {  	v11 =	vadd.f32 v11, v20;
	v12 =	vmul.f32 v15, v12;
	v15 =	vadd.f32 v19, v19  }
0x163: {  	v19 =	vld [tilespmem:s0+$0xC00];
	v16 =	vadd.f32 $9.617967000e-01, v16  }
0x164: {  	v11 =	vadd.f32 v12, v11;
	v12 =	vshra.s32 v13, $0x17;
	v13 =	vadd.f32 $-1.000000000e+00, v15  }
0x165: {  	v20 =	vsel vm0, $0x3F800000, v8;
	v15 =	vmul.f32 v16, v17;
	v17 =	vand.u32 $0x7FFFFF, v18  }
0x166: {  	v12 =	vadd.s32 $0xFFFFFF81, v12;
	v13 =	vmul.f32 $1.442695020e+00, v13;
	v17 =	vor.u32 $0x3F800000, v17  }
0x167: {  	v12 =	vcvt.s32.f32 v12;
	v15 =	vadd.f32 $2.885390040e+00, v15;
	v22 =	vmul.f32 $5.000000000e-01, v17  }
0x168: {  	v16 =	vld [tilespmem:s0+$0x2400];
	vm1 =	vge.f32 v17, $1.414213540e+00;
	(erf) = vpow2.f32 v13;
	v13 =	vand.u32 $0x7FFFFF, v19  }
0x169: {  	v21 =	vld [tilespmem:s0+$0x1400];
	v12 =	vadd.f32 v12, v20;
	v13 =	vor.u32 $0x3F800000, v13;
	v17 =	vsel vm1, v22, v17  }
0x16a: {  	v14 =	vmul.f32 v15, v14;
	v15 =	vmul.f32 $5.000000000e-01, v13;
	v20 =	vadd.f32 $1.000000000e+00, v17  }
0x16b: {  	vm3 =	vge.f32 v13, $1.414213540e+00  }
0x16c: {  	v13 =	vsel vm3, v15, v13;
	(erf) = vrcp.f32 v20  }
0x16d: {  	v22 =	vand.u32 $0x7FFFFF, v16;
	v20 =	vadd.f32 $1.000000000e+00, v13  }
0x16e: {  	v23 =	vand.u32 $0x7FFFFF, v21;
	v22 =	vor.u32 $0x3F800000, v22;
	v12 =	vadd.f32 v14, v12  }
0x16f: {  	v11 =	vsub.f32 $0.0e+00, v11;
	v15 =	vor.u32 $0x3F800000, v23;
	v23 =	vmul.f32 $5.000000000e-01, v22  }
0x170: {  	vm4 =	vge.f32 v22, $1.414213540e+00;
	v14 =	vmul.f32 $5.000000000e-01, v15;
	v12 =	vsub.f32 $0.0e+00, v12  }
0x171: {  	vm2 =	vge.f32 v15, $1.414213540e+00;
	v22 =	vsel vm4, v23, v22;
	(erf) = vrcp.f32 v20;
	v20 =	vpop (erf)  }
0x172: {  	v24 =	vld [tilespmem:s0+$0x1C00];
	v14 =	vsel vm2, v14, v15;
	v15 =	vadd.f32 $1.000000000e+00, v22;
	v12 =	vmul.f32 v12, v20  }
0x173: {  	v23 =	vadd.f32 $1.000000000e+00, v14  }
0x174: {  	(erf) = vrcp.f32 v15;
	vm0 =	vge.f32 v12, v11;
	v12 =	vadd.f32 $-1.000000000e+00, v17  }
0x175: {  	(erf) = vrcp.f32 v23;
	v20 =	vadd.f32 $-1.000000000e+00, v13;
	v13 =	vpop (erf)  }
0x176: {  	v13 =	vmul.f32 v13, v12  }
0x177: {  	v21 =	vshra.s32 v21, $0x17;
	v11 =	vadd.f32 v24, v24  }
0x178: {  	v21 =	vadd.s32 $0xFFFFFF81, v21;
	v23 =	vld [tilespmem:s0+$0x400];
	v27 =	vmul.f32 v13, v13  }
0x179: {  	v21 =	vcvt.s32.f32 v21;
	v18 =	vshra.s32 v18, $0x17;
	v17 =	vadd.f32 $-1.000000000e+00, v11  }
0x17a: {  	v16 =	vshra.s32 v16, $0x17;
	v15 =	vshra.s32 v19, $0x17;
	v24 =	vpop (erf);
	v25 =	vmul.f32 $3.205989000e-01, v27  }
0x17b: {  	v19 =	vmul.f32 $1.442695020e+00, v17;
	v17 =	vadd.s32 $0xFFFFFF81, v16;
	v16 =	vmul.f32 v24, v20  }
0x17c: {  	v18 =	vadd.s32 $0xFFFFFF81, v18;
	v29 =	vsel vm2, $0x3F800000, v8;
	v24 =	vadd.f32 $-1.000000000e+00, v22  }
0x17d: {  	v14 =	vadd.f32 $-1.000000000e+00, v14;
	v23 =	vadd.f32 v23, v23;
	v26 =	vpop (erf);
	v22 =	vmul.f32 v16, v16  }
0x17e: {  	v20 =	vcvt.s32.f32 v18;
	v18 =	vmul.f32 v26, v24;
	v24 =	vadd.f32 $4.121986030e-01, v25;
	v25 =	vpop (erf)  }
0x17f: {  	v21 =	vadd.f32 v21, v29;
	v28 =	vmul.f32 $3.205989000e-01, v22;
	v14 =	vmul.f32 v25, v14  }
0x180: {  	v15 =	vadd.s32 $0xFFFFFF81, v15;
	v26 =	vadd.f32 $-1.000000000e+00, v23;
	v23 =	vmul.f32 v18, v18  }
0x181: {  	v25 =	vmul.f32 v24, v27;
	v28 =	vadd.f32 $4.121986030e-01, v28;
	v24 =	vmul.f32 v14, v14  }
0x182: {  	vm0 =	vmneg vm0;
	v26 =	vmul.f32 $1.442695020e+00, v26;
	v30 =	vmul.f32 $3.205989000e-01, v23  }
0x183: {  	v31 =	vadd.f32 $5.770780440e-01, v25;
	v28 =	vmul.f32 v28, v22;
	v32 =	vmul.f32 $3.205989000e-01, v24  }
0x184: {  	v11 =	vsel vm3, $0x3F800000, v8;
	(erf) = vpow2.f32 v26;
	v30 =	vadd.f32 $4.121986030e-01, v30  }
0x185: {  	s2 =	simm.s32 $0x0;
	v31 =	vmul.f32 v31, v27;
	v28 =	vadd.f32 $5.770780440e-01, v28;
	v32 =	vadd.f32 $4.121986030e-01, v32  }
0x186: {  	v12 =	vsel vm4, $0x3F800000, v8;
	v26 =	vor.u32 s2, v10;
	v30 =	vmul.f32 v30, v23  }
0x187: {  	v31 =	vadd.f32 $9.617967000e-01, v31;
	v28 =	vmul.f32 v28, v22;
	v32 =	vmul.f32 v32, v24  }
0x188: {  	v25 =	vsel vm1, $0x3F800000, v8;
	vm1 =	veq.s32 v26, v1;
	v29 =	vadd.f32 $5.770780440e-01, v30  }
0x189: {  	s15 =	simm.s32 $0x440;
	v27 =	vmul.f32 v31, v27;
	v28 =	vadd.f32 $9.617967000e-01, v28;
	v30 =	vadd.f32 $5.770780440e-01, v32  }
.LBB2_6:
0x18a: {  	s16 =	sshra.s32 s15, $0x2;
	p0 =	sne.s32 s15, $0x7C0;
	s15 =	sadd.s32 $0x40, s15;
	v29 =	vmul.f32 v29, v23;
	vm2 =	vlt.u32 v26, v1;
	(erf) = vpow2.f32 v19  }
0x18b: {  	v26 =	vld [tilespmem:s16+$0x2400];
	v19 =	vmul.f32 v28, v22;
	v22 =	vmul.f32 v30, v24;
	vm3 =	vmand vm2, vm0  }
0x18c: {  	v17 =	vcvt.s32.f32 v17;
	v20 =	vadd.f32 v20, v25;
	v28 =	vld [tilespmem:s16+$0x2C00];
	v29 =	vadd.f32 $9.617967000e-01, v29  }
0x18d: {  	v15 =	vcvt.s32.f32 v15;
	v27 =	vadd.f32 $2.885390040e+00, v27;
	v25 =	vld [tilespmem:s16+$0x1400];
	v19 =	vadd.f32 $2.885390040e+00, v19  }
0x18e: {  	v12 =	vadd.f32 v17, v12;
	v22 =	vadd.f32 $9.617967000e-01, v22;
	v30 =	vld [tilespmem:s16+$0xC00];
	v17 =	vmul.f32 v29, v23;
	v23 =	vpop (erf)  }
0x18f: {  	v11 =	vadd.f32 v15, v11;
	v13 =	vmul.f32 v27, v13;
	v15 =	vmul.f32 v19, v16  }
0x190: {  	v19 =	vmul.f32 v22, v24;
	v16 =	vand.u32 $0x7FFFFF, v26;
	v17 =	vadd.f32 $2.885390040e+00, v17  }
0x191: {  	v22 =	vand.u32 $0x7FFFFF, v28;
	v24 =	vadd.f32 v15, v11;
	v11 =	vadd.f32 v13, v20  }
0x192: {  	v13 =	vand.u32 $0x7FFFFF, v25;
	v15 =	vor.u32 $0x3F800000, v22;
	v17 =	vmul.f32 v17, v18  }
0x193: {  	vm2 =	vge.f32 v15, $1.414213540e+00;
	v18 =	vmul.f32 $5.000000000e-01, v15;
	v11 =	vsub.f32 $0.0e+00, v11;
	v20 =	vpop (erf)  }
0x194: {  	v22 =	vand.u32 $0x7FFFFF, v30;
	v13 =	vor.u32 $0x3F800000, v13;
	v12 =	vadd.f32 v17, v12  }
0x195: {  	v17 =	vor.u32 $0x3F800000, v22;
	v18 =	vsel vm2, v18, v15;
	v11 =	vmul.f32 v11, v20  }
0x196: {  	v15 =	vmul.f32 $5.000000000e-01, v17;
	v20 =	vadd.f32 $1.000000000e+00, v18;
	v12 =	vxor.u32 $0x80000000, v12  }
0x197: {  	v16 =	vor.u32 $0x3F800000, v16;
	vm5 =	vge.f32 v17, $1.414213540e+00;
	v22 =	vld [tilespmem:s16+$0x1C00];
	vm4 =	vge.f32 v11, v12  }
0x198: {  	v11 =	vsel vm5, v15, v17;
	(erf) = vrcp.f32 v20;
	vm3 =	vmand vm3, vm4  }
0x199: {  	v15 =	vmul.f32 $5.000000000e-01, v16;
	v12 =	vadd.f32 $1.000000000e+00, v11;
	vm4 =	vge.f32 v13, $1.414213540e+00  }
0x19a: {  	vm6 =	vge.f32 v16, $1.414213540e+00;
	v27 =	vadd.f32 $-1.000000000e+00, v11;
	v11 =	vmul.f32 $5.000000000e-01, v13  }
0x19b: {  	v29 =	vsel vm6, v15, v16;
	(erf) = vrcp.f32 v12;
	v12 =	vadd.f32 $2.885390040e+00, v19  }
0x19c: {  	v31 =	vsel vm4, v11, v13;
	v13 =	vadd.f32 $1.000000000e+00, v29;
	v15 =	vadd.f32 v22, v22  }
0x19d: {  	v11 =	vsel vm5, $0x3F800000, v8;
	v16 =	vadd.f32 $1.000000000e+00, v31;
	v14 =	vmul.f32 v12, v14  }
0x19e: {  	v12 =	vsel vm6, $0x3F800000, v8;
	v20 =	vld [tilespmem:s16+$0x400];
	v17 =	vadd.f32 $-1.000000000e+00, v15;
	(erf) = vrcp.f32 v13  }
0x19f: {  	v13 =	vshra.s32 v30, $0x17;
	(erf) = vrcp.f32 v16;
	v14 =	vadd.f32 v14, v21  }
0x1a0: {  	v15 =	vadd.s32 $0xFFFFFF81, v13;
	v13 =	vadd.f32 $-1.000000000e+00, v18;
	v19 =	vmul.f32 $1.442695020e+00, v17  }
0x1a1: {  	v16 =	vshra.s32 v26, $0x17;
	v18 =	vshra.s32 v28, $0x17;
	v21 =	vpop (erf);
	v14 =	vsub.f32 $0.0e+00, v14  }
0x1a2: {  	v17 =	vadd.s32 $0xFFFFFF81, v16;
	v22 =	vadd.s32 $0xFFFFFF81, v18;
	v13 =	vmul.f32 v21, v13;
	v18 =	vld [tilespmem:s0+$0x200]  }
0x1a3: {  	v21 =	vadd.f32 v20, v20;
	v20 =	vcvt.s32.f32 v22;
	v14 =	vmul.f32 v14, v23  }
0x1a4: {  	v28 =	vsel vm4, $0x3F800000, v8;
	v22 =	vxor.u32 $0x80000000, v24;
	v30 =	vmul.f32 v13, v13;
	v16 =	vpop (erf)  }
0x1a5: {  	v16 =	vmul.f32 v16, v27;
	v21 =	vadd.f32 $-1.000000000e+00, v21;
	vm4 =	vge.f32 v14, v22  }
0x1a6: {  	v32 =	vadd.f32 $-1.000000000e+00, v29;
	v23 =	vmul.f32 $3.205989000e-01, v30;
	v24 =	vsel vm4, $0x3F800000, v8  }
0x1a7: {  	v26 =	vadd.f32 $-1.000000000e+00, v31;
	v22 =	vmul.f32 v16, v16;
	v27 =	vpop (erf);
	v29 =	vmul.f32 v24, v18  }
0x1a8: {  	v21 =	vmul.f32 $1.442695020e+00, v21;
	v18 =	vmul.f32 v27, v32;
	v24 =	vadd.f32 $4.121986030e-01, v23;
	v14 =	vpop (erf)  }
0x1a9: {  	v25 =	vshra.s32 v25, $0x17;
	v27 =	vmul.f32 $3.205989000e-01, v22;
	v14 =	vmul.f32 v14, v26  }
0x1aa: {  	v31 =	vsel vm3, $0x0, v9;
	v23 =	vmul.f32 v18, v18;
	v26 =	vmul.f32 v24, v30  }
0x1ab: {  	v29 =	vmul.f32 v31, v29;
	v27 =	vadd.f32 $4.121986030e-01, v27;
	v24 =	vmul.f32 v14, v14  }
0x1ac: {  	v31 =	vadd.s32 $0xFFFFFF81, v25;
	v25 =	vmul.f32 $3.205989000e-01, v23;
	v26 =	vadd.f32 $5.770780440e-01, v26  }
0x1ad: {  	v29 =	vsel vm1, $0x0, v29;
	v27 =	vmul.f32 v27, v22;
	v32 =	vmul.f32 $3.205989000e-01, v24  }
0x1ae: {  	v33 =	vadd.f32 $4.121986030e-01, v25;
	v25 =	vsel vm2, $0x3F800000, v8;
	v26 =	vmul.f32 v26, v30;
	[tilespmem:s0+$0x3400] =	vst v29;
	s0 =	smov.u32 s16  }
.Ltmp2:
0x1af: {  	v27 =	vadd.f32 $5.770780440e-01, v27;
	v29 =	vadd.f32 $4.121986030e-01, v32;
	(erf) = vpow2.f32 v21;
	(pc) =	sbr.rel @p0 .LBB2_6-.Ltmp2, $4  }
0x1b0: {  	s2 =	sadd.s32 $0x10, s2;
	v21 =	vcvt.s32.f32 v31;
	v31 =	vmul.f32 v33, v23;
	v32 =	vadd.f32 $9.617967000e-01, v26  }
0x1b1: {  	v26 =	vor.u32 s2, v10;
	v33 =	vmul.f32 v27, v22;
	v34 =	vmul.f32 v29, v24  }
0x1b2: {  	v21 =	vadd.f32 v21, v28;
	v29 =	vadd.f32 $5.770780440e-01, v31;
	v27 =	vmul.f32 v32, v30  }
0x1b3: {  	vm1 =	veq.s32 v26, v1;
	v28 =	vadd.f32 $9.617967000e-01, v33;
	v30 =	vadd.f32 $5.770780440e-01, v34  }
0x1b4: {  	_ = 	snop  }
0x1b5: {  	v30 =	vmul.f32 v30, v24;
	_ =	sdelay $0x1  }
0x1b6: {  	v30 =	vadd.f32 $9.617967000e-01, v30;
	_ =	sdelay $0x1  }
0x1b7: {  	v29 =	vmul.f32 v29, v23;
	v24 =	vmul.f32 v30, v24  }
0x1b8: {  	(erf) = vpow2.f32 v19  }
0x1b9: {  	v19 =	vadd.f32 $9.617967000e-01, v29;
	v24 =	vadd.f32 $2.885390040e+00, v24  }
0x1ba: {  	v27 =	vadd.f32 $2.885390040e+00, v27;
	v15 =	vcvt.s32.f32 v15;
	v22 =	vmul.f32 v28, v22  }
0x1bb: {  	v20 =	vadd.f32 v20, v25;
	v19 =	vmul.f32 v19, v23;
	v14 =	vmul.f32 v24, v14  }
0x1bc: {  	v17 =	vcvt.s32.f32 v17;
	v13 =	vmul.f32 v27, v13;
	v22 =	vadd.f32 $2.885390040e+00, v22  }
0x1bd: {  	v19 =	vadd.f32 $2.885390040e+00, v19;
	v14 =	vadd.f32 v14, v21  }
0x1be: {  	v11 =	vadd.f32 v15, v11;
	v13 =	vadd.f32 v13, v20;
	v15 =	vmul.f32 v22, v16  }
0x1bf: {  	v12 =	vadd.f32 v17, v12;
	v16 =	vmul.f32 v19, v18;
	v14 =	vsub.f32 $0.0e+00, v14  }
0x1c0: {  	v17 =	vpop (erf);
	v13 =	vsub.f32 $0.0e+00, v13;
	v11 =	vadd.f32 v15, v11;
	v15 =	vld [tilespmem:s0+$0x200]  }
0x1c1: {  	v18 =	vpop (erf);
	v12 =	vadd.f32 v16, v12;
	v14 =	vmul.f32 v14, v17  }
0x1c2: {  	v11 =	vxor.u32 $0x80000000, v11;
	v13 =	vmul.f32 v13, v18  }
0x1c3: {  	vm2 =	vlt.u32 v26, v1;
	v12 =	vxor.u32 $0x80000000, v12;
	vm3 =	vge.f32 v14, v11  }
0x1c4: {  	vm0 =	vmand vm2, vm0;
	vm2 =	vge.f32 v13, v12;
	v11 =	vsel vm3, $0x3F800000, v8  }
0x1c5: {  	vm0 =	vmand vm0, vm2;
	v11 =	vmul.f32 v11, v15  }
0x1c6: {  	v12 =	vsel vm0, $0x0, v9  }
0x1c7: {  	v11 =	vmul.f32 v12, v11;
	_ =	sdelay $0x1  }
0x1c8: {  	v11 =	vsel vm1, $0x0, v11  }
0x1c9: {  	[tilespmem:s0+$0x3400] =	vst v11  }
0x1ca: {  	[tilespmem:$0x3C00] =	vst v2  }
0x1cb: {  	[tilespmem:s25], [sflag:$0x1] =	stream.indirect.gather [hbm4b:s1+s23], $0x1, s24, s23, $0xb8;
	[tilespmem:$0x3E00] =	vst v63  }
0x1cc: {  	_ =	swait.ge [sflag:s26], $0x10  }
0x1cd: {  	[sflag:s26] =	ssyncset.done $0x0  }
0x1ce: {  	[sflag:s26] =	ssyncadd.s32 $0xFFFFFFF0  }
0x1cf: {  	[tilespmem:s28], [sflag:$0x1] =	stream.indirect.gather [hbm4b:s4+s23], $0x1, s24, s23, $0xb8;
	[tilespmem:$0x3E00] =	vst v63  }
0x1d0: {  	_ =	swait.ge [sflag:s26], $0x10  }
0x1d1: {  	[sflag:s26] =	ssyncset.done $0x0  }
0x1d2: {  	[sflag:s26] =	ssyncadd.s32 $0xFFFFFFF0  }
0x1d3: {  	[tilespmem:s29], [sflag:$0x1] =	stream.indirect.gather [hbm4b:s5+s23], $0x1, s24, s23, $0xb8;
	[tilespmem:$0x3E00] =	vst v63  }
0x1d4: {  	_ =	swait.ge [sflag:s26], $0x10  }
0x1d5: {  	[sflag:s26] =	ssyncset.done $0x0  }
0x1d6: {  	[sflag:s26] =	ssyncadd.s32 $0xFFFFFFF0  }
0x1d7: {  	v11 =	vld [tilespmem:$0x3D00];
	_ =	sdelay $0x4  }
0x1d8: {  	v12 =	vand.u32 $0x7FFFFF, v11  }
0x1d9: {  	v12 =	vor.u32 $0x3F800000, v12  }
0x1da: {  	v13 =	vld [tilespmem:$0x3D80];
	v14 =	vmul.f32 $5.000000000e-01, v12  }
0x1db: {  	vm1 =	vge.f32 v12, $1.414213540e+00  }
0x1dc: {  	v12 =	vsel vm1, v14, v12  }
0x1dd: {  	v14 =	vadd.f32 $1.000000000e+00, v12;
	_ =	sdelay $0x1  }
0x1de: {  	(erf) = vrcp.f32 v14;
	v14 =	vand.u32 $0x7FFFFF, v13  }
0x1df: {  	v14 =	vor.u32 $0x3F800000, v14  }
0x1e0: {  	v15 =	vmul.f32 $5.000000000e-01, v14  }
0x1e1: {  	vm0 =	vge.f32 v14, $1.414213540e+00  }
0x1e2: {  	v14 =	vsel vm0, v15, v14  }
0x1e3: {  	v15 =	vadd.f32 $1.000000000e+00, v14;
	_ =	sdelay $0x1  }
0x1e4: {  	(erf) = vrcp.f32 v15  }
0x1e5: {  	v12 =	vadd.f32 $-1.000000000e+00, v12  }
0x1e6: {  	v15 =	vpop (erf)  }
0x1e7: {  	v12 =	vmul.f32 v15, v12;
	_ =	sdelay $0x1  }
0x1e8: {  	v15 =	vmul.f32 v12, v12;
	_ =	sdelay $0x1  }
0x1e9: {  	v16 =	vmul.f32 $3.205989000e-01, v15  }
0x1ea: {  	v14 =	vadd.f32 $-1.000000000e+00, v14  }
0x1eb: {  	v16 =	vadd.f32 $4.121986030e-01, v16;
	v17 =	vpop (erf)  }
0x1ec: {  	v14 =	vmul.f32 v17, v14  }
0x1ed: {  	v16 =	vmul.f32 v16, v15  }
0x1ee: {  	v17 =	vmul.f32 v14, v14  }
0x1ef: {  	v16 =	vadd.f32 $5.770780440e-01, v16  }
0x1f0: {  	v18 =	vmul.f32 $3.205989000e-01, v17  }
0x1f1: {  	v16 =	vmul.f32 v16, v15  }
0x1f2: {  	v18 =	vadd.f32 $4.121986030e-01, v18  }
0x1f3: {  	v16 =	vadd.f32 $9.617967000e-01, v16  }
0x1f4: {  	v19 =	vld [tilespmem:$0x3C80];
	v18 =	vmul.f32 v18, v17  }
0x1f5: {  	v11 =	vshra.s32 v11, $0x17;
	v15 =	vmul.f32 v16, v15  }
0x1f6: {  	s0 =	simm.s32 $0x200;
	v11 =	vadd.s32 $0xFFFFFF81, v11;
	v16 =	vadd.f32 $5.770780440e-01, v18  }
0x1f7: {  	v11 =	vcvt.s32.f32 v11;
	v18 =	vld [tilespmem:s0+$0x2C00];
	v15 =	vadd.f32 $2.885390040e+00, v15  }
0x1f8: {  	v20 =	vsel vm1, $0x3F800000, v8;
	v16 =	vmul.f32 v16, v17  }
0x1f9: {  	v11 =	vadd.f32 v11, v20;
	v12 =	vmul.f32 v15, v12;
	v15 =	vadd.f32 v19, v19  }
0x1fa: {  	v19 =	vld [tilespmem:s0+$0xC00];
	v16 =	vadd.f32 $9.617967000e-01, v16  }
0x1fb: {  	v11 =	vadd.f32 v12, v11;
	v12 =	vshra.s32 v13, $0x17;
	v13 =	vadd.f32 $-1.000000000e+00, v15  }
0x1fc: {  	v20 =	vsel vm0, $0x3F800000, v8;
	v15 =	vmul.f32 v16, v17;
	v17 =	vand.u32 $0x7FFFFF, v18  }
0x1fd: {  	v12 =	vadd.s32 $0xFFFFFF81, v12;
	v13 =	vmul.f32 $1.442695020e+00, v13;
	v17 =	vor.u32 $0x3F800000, v17  }
0x1fe: {  	v12 =	vcvt.s32.f32 v12;
	v15 =	vadd.f32 $2.885390040e+00, v15;
	v22 =	vmul.f32 $5.000000000e-01, v17  }
0x1ff: {  	v16 =	vld [tilespmem:s0+$0x2400];
	vm1 =	vge.f32 v17, $1.414213540e+00;
	(erf) = vpow2.f32 v13;
	v13 =	vand.u32 $0x7FFFFF, v19  }
0x200: {  	v21 =	vld [tilespmem:s0+$0x1400];
	v12 =	vadd.f32 v12, v20;
	v13 =	vor.u32 $0x3F800000, v13;
	v17 =	vsel vm1, v22, v17  }
0x201: {  	v14 =	vmul.f32 v15, v14;
	v15 =	vmul.f32 $5.000000000e-01, v13;
	v20 =	vadd.f32 $1.000000000e+00, v17  }
0x202: {  	vm3 =	vge.f32 v13, $1.414213540e+00  }
0x203: {  	v13 =	vsel vm3, v15, v13;
	(erf) = vrcp.f32 v20  }
0x204: {  	v22 =	vand.u32 $0x7FFFFF, v16;
	v20 =	vadd.f32 $1.000000000e+00, v13  }
0x205: {  	v23 =	vand.u32 $0x7FFFFF, v21;
	v22 =	vor.u32 $0x3F800000, v22;
	v12 =	vadd.f32 v14, v12  }
0x206: {  	v11 =	vsub.f32 $0.0e+00, v11;
	v15 =	vor.u32 $0x3F800000, v23;
	v23 =	vmul.f32 $5.000000000e-01, v22  }
0x207: {  	vm4 =	vge.f32 v22, $1.414213540e+00;
	v14 =	vmul.f32 $5.000000000e-01, v15;
	v12 =	vsub.f32 $0.0e+00, v12  }
0x208: {  	vm2 =	vge.f32 v15, $1.414213540e+00;
	v22 =	vsel vm4, v23, v22;
	(erf) = vrcp.f32 v20;
	v20 =	vpop (erf)  }
0x209: {  	v24 =	vld [tilespmem:s0+$0x1C00];
	v14 =	vsel vm2, v14, v15;
	v15 =	vadd.f32 $1.000000000e+00, v22;
	v12 =	vmul.f32 v12, v20  }
0x20a: {  	v23 =	vadd.f32 $1.000000000e+00, v14  }
0x20b: {  	(erf) = vrcp.f32 v15;
	vm0 =	vge.f32 v12, v11;
	v12 =	vadd.f32 $-1.000000000e+00, v17  }
0x20c: {  	(erf) = vrcp.f32 v23;
	v20 =	vadd.f32 $-1.000000000e+00, v13;
	v13 =	vpop (erf)  }
0x20d: {  	v13 =	vmul.f32 v13, v12  }
0x20e: {  	v21 =	vshra.s32 v21, $0x17;
	v11 =	vadd.f32 v24, v24  }
0x20f: {  	v21 =	vadd.s32 $0xFFFFFF81, v21;
	v23 =	vld [tilespmem:s0+$0x400];
	v27 =	vmul.f32 v13, v13  }
0x210: {  	v21 =	vcvt.s32.f32 v21;
	v18 =	vshra.s32 v18, $0x17;
	v17 =	vadd.f32 $-1.000000000e+00, v11  }
0x211: {  	v16 =	vshra.s32 v16, $0x17;
	v15 =	vshra.s32 v19, $0x17;
	v24 =	vpop (erf);
	v25 =	vmul.f32 $3.205989000e-01, v27  }
0x212: {  	v19 =	vmul.f32 $1.442695020e+00, v17;
	v17 =	vadd.s32 $0xFFFFFF81, v16;
	v16 =	vmul.f32 v24, v20  }
0x213: {  	v18 =	vadd.s32 $0xFFFFFF81, v18;
	v29 =	vsel vm2, $0x3F800000, v8;
	v24 =	vadd.f32 $-1.000000000e+00, v22  }
0x214: {  	v14 =	vadd.f32 $-1.000000000e+00, v14;
	v23 =	vadd.f32 v23, v23;
	v26 =	vpop (erf);
	v22 =	vmul.f32 v16, v16  }
0x215: {  	v20 =	vcvt.s32.f32 v18;
	v18 =	vmul.f32 v26, v24;
	v24 =	vadd.f32 $4.121986030e-01, v25;
	v25 =	vpop (erf)  }
0x216: {  	v21 =	vadd.f32 v21, v29;
	v28 =	vmul.f32 $3.205989000e-01, v22;
	v14 =	vmul.f32 v25, v14  }
0x217: {  	v15 =	vadd.s32 $0xFFFFFF81, v15;
	v26 =	vadd.f32 $-1.000000000e+00, v23;
	v23 =	vmul.f32 v18, v18  }
0x218: {  	v25 =	vmul.f32 v24, v27;
	v28 =	vadd.f32 $4.121986030e-01, v28;
	v24 =	vmul.f32 v14, v14  }
0x219: {  	vm0 =	vmneg vm0;
	v26 =	vmul.f32 $1.442695020e+00, v26;
	v30 =	vmul.f32 $3.205989000e-01, v23  }
0x21a: {  	v31 =	vadd.f32 $5.770780440e-01, v25;
	v28 =	vmul.f32 v28, v22;
	v32 =	vmul.f32 $3.205989000e-01, v24  }
0x21b: {  	v11 =	vsel vm3, $0x3F800000, v8;
	(erf) = vpow2.f32 v26;
	v30 =	vadd.f32 $4.121986030e-01, v30  }
0x21c: {  	s2 =	simm.s32 $0x0;
	v31 =	vmul.f32 v31, v27;
	v28 =	vadd.f32 $5.770780440e-01, v28;
	v32 =	vadd.f32 $4.121986030e-01, v32  }
0x21d: {  	v12 =	vsel vm4, $0x3F800000, v8;
	v26 =	vor.u32 s2, v10;
	v30 =	vmul.f32 v30, v23  }
0x21e: {  	v31 =	vadd.f32 $9.617967000e-01, v31;
	v28 =	vmul.f32 v28, v22;
	v32 =	vmul.f32 v32, v24  }
0x21f: {  	v25 =	vsel vm1, $0x3F800000, v8;
	vm1 =	veq.s32 v26, v2;
	v29 =	vadd.f32 $5.770780440e-01, v30  }
0x220: {  	s15 =	simm.s32 $0x840;
	v27 =	vmul.f32 v31, v27;
	v28 =	vadd.f32 $9.617967000e-01, v28;
	v30 =	vadd.f32 $5.770780440e-01, v32  }
.LBB2_8:
0x221: {  	s16 =	sshra.s32 s15, $0x2;
	p0 =	sne.s32 s15, $0xBC0;
	s15 =	sadd.s32 $0x40, s15;
	v29 =	vmul.f32 v29, v23;
	vm2 =	vlt.u32 v26, v2;
	(erf) = vpow2.f32 v19  }
0x222: {  	v26 =	vld [tilespmem:s16+$0x2400];
	v19 =	vmul.f32 v28, v22;
	v22 =	vmul.f32 v30, v24;
	vm3 =	vmand vm2, vm0  }
0x223: {  	v17 =	vcvt.s32.f32 v17;
	v20 =	vadd.f32 v20, v25;
	v28 =	vld [tilespmem:s16+$0x2C00];
	v29 =	vadd.f32 $9.617967000e-01, v29  }
0x224: {  	v15 =	vcvt.s32.f32 v15;
	v27 =	vadd.f32 $2.885390040e+00, v27;
	v25 =	vld [tilespmem:s16+$0x1400];
	v19 =	vadd.f32 $2.885390040e+00, v19  }
0x225: {  	v12 =	vadd.f32 v17, v12;
	v22 =	vadd.f32 $9.617967000e-01, v22;
	v30 =	vld [tilespmem:s16+$0xC00];
	v17 =	vmul.f32 v29, v23;
	v23 =	vpop (erf)  }
0x226: {  	v11 =	vadd.f32 v15, v11;
	v13 =	vmul.f32 v27, v13;
	v15 =	vmul.f32 v19, v16  }
0x227: {  	v19 =	vmul.f32 v22, v24;
	v16 =	vand.u32 $0x7FFFFF, v26;
	v17 =	vadd.f32 $2.885390040e+00, v17  }
0x228: {  	v22 =	vand.u32 $0x7FFFFF, v28;
	v24 =	vadd.f32 v15, v11;
	v11 =	vadd.f32 v13, v20  }
0x229: {  	v13 =	vand.u32 $0x7FFFFF, v25;
	v15 =	vor.u32 $0x3F800000, v22;
	v17 =	vmul.f32 v17, v18  }
0x22a: {  	vm2 =	vge.f32 v15, $1.414213540e+00;
	v18 =	vmul.f32 $5.000000000e-01, v15;
	v11 =	vsub.f32 $0.0e+00, v11;
	v20 =	vpop (erf)  }
0x22b: {  	v22 =	vand.u32 $0x7FFFFF, v30;
	v13 =	vor.u32 $0x3F800000, v13;
	v12 =	vadd.f32 v17, v12  }
0x22c: {  	v17 =	vor.u32 $0x3F800000, v22;
	v18 =	vsel vm2, v18, v15;
	v11 =	vmul.f32 v11, v20  }
0x22d: {  	v15 =	vmul.f32 $5.000000000e-01, v17;
	v20 =	vadd.f32 $1.000000000e+00, v18;
	v12 =	vxor.u32 $0x80000000, v12  }
0x22e: {  	v16 =	vor.u32 $0x3F800000, v16;
	vm5 =	vge.f32 v17, $1.414213540e+00;
	v22 =	vld [tilespmem:s16+$0x1C00];
	vm4 =	vge.f32 v11, v12  }
0x22f: {  	v11 =	vsel vm5, v15, v17;
	(erf) = vrcp.f32 v20;
	vm3 =	vmand vm3, vm4  }
0x230: {  	v15 =	vmul.f32 $5.000000000e-01, v16;
	v12 =	vadd.f32 $1.000000000e+00, v11;
	vm4 =	vge.f32 v13, $1.414213540e+00  }
0x231: {  	vm6 =	vge.f32 v16, $1.414213540e+00;
	v27 =	vadd.f32 $-1.000000000e+00, v11;
	v11 =	vmul.f32 $5.000000000e-01, v13  }
0x232: {  	v29 =	vsel vm6, v15, v16;
	(erf) = vrcp.f32 v12;
	v12 =	vadd.f32 $2.885390040e+00, v19  }
0x233: {  	v31 =	vsel vm4, v11, v13;
	v13 =	vadd.f32 $1.000000000e+00, v29;
	v15 =	vadd.f32 v22, v22  }
0x234: {  	v11 =	vsel vm5, $0x3F800000, v8;
	v16 =	vadd.f32 $1.000000000e+00, v31;
	v14 =	vmul.f32 v12, v14  }
0x235: {  	v12 =	vsel vm6, $0x3F800000, v8;
	v20 =	vld [tilespmem:s16+$0x400];
	v17 =	vadd.f32 $-1.000000000e+00, v15;
	(erf) = vrcp.f32 v13  }
0x236: {  	v13 =	vshra.s32 v30, $0x17;
	(erf) = vrcp.f32 v16;
	v14 =	vadd.f32 v14, v21  }
0x237: {  	v15 =	vadd.s32 $0xFFFFFF81, v13;
	v13 =	vadd.f32 $-1.000000000e+00, v18;
	v19 =	vmul.f32 $1.442695020e+00, v17  }
0x238: {  	v16 =	vshra.s32 v26, $0x17;
	v18 =	vshra.s32 v28, $0x17;
	v21 =	vpop (erf);
	v14 =	vsub.f32 $0.0e+00, v14  }
0x239: {  	v17 =	vadd.s32 $0xFFFFFF81, v16;
	v22 =	vadd.s32 $0xFFFFFF81, v18;
	v13 =	vmul.f32 v21, v13;
	v18 =	vld [tilespmem:s0+$0x100]  }
0x23a: {  	v21 =	vadd.f32 v20, v20;
	v20 =	vcvt.s32.f32 v22;
	v14 =	vmul.f32 v14, v23  }
0x23b: {  	v28 =	vsel vm4, $0x3F800000, v8;
	v22 =	vxor.u32 $0x80000000, v24;
	v30 =	vmul.f32 v13, v13;
	v16 =	vpop (erf)  }
0x23c: {  	v16 =	vmul.f32 v16, v27;
	v21 =	vadd.f32 $-1.000000000e+00, v21;
	vm4 =	vge.f32 v14, v22  }
0x23d: {  	v32 =	vadd.f32 $-1.000000000e+00, v29;
	v23 =	vmul.f32 $3.205989000e-01, v30;
	v24 =	vsel vm4, $0x3F800000, v8  }
0x23e: {  	v26 =	vadd.f32 $-1.000000000e+00, v31;
	v22 =	vmul.f32 v16, v16;
	v27 =	vpop (erf);
	v29 =	vmul.f32 v24, v18  }
0x23f: {  	v21 =	vmul.f32 $1.442695020e+00, v21;
	v18 =	vmul.f32 v27, v32;
	v24 =	vadd.f32 $4.121986030e-01, v23;
	v14 =	vpop (erf)  }
0x240: {  	v25 =	vshra.s32 v25, $0x17;
	v27 =	vmul.f32 $3.205989000e-01, v22;
	v14 =	vmul.f32 v14, v26  }
0x241: {  	v31 =	vsel vm3, $0x0, v9;
	v23 =	vmul.f32 v18, v18;
	v26 =	vmul.f32 v24, v30  }
0x242: {  	v29 =	vmul.f32 v31, v29;
	v27 =	vadd.f32 $4.121986030e-01, v27;
	v24 =	vmul.f32 v14, v14  }
0x243: {  	v31 =	vadd.s32 $0xFFFFFF81, v25;
	v25 =	vmul.f32 $3.205989000e-01, v23;
	v26 =	vadd.f32 $5.770780440e-01, v26  }
0x244: {  	v29 =	vsel vm1, $0x0, v29;
	v27 =	vmul.f32 v27, v22;
	v32 =	vmul.f32 $3.205989000e-01, v24  }
0x245: {  	v33 =	vadd.f32 $4.121986030e-01, v25;
	v25 =	vsel vm2, $0x3F800000, v8;
	v26 =	vmul.f32 v26, v30;
	[tilespmem:s0+$0x3400] =	vst v29;
	s0 =	smov.u32 s16  }
.Ltmp3:
0x246: {  	v27 =	vadd.f32 $5.770780440e-01, v27;
	v29 =	vadd.f32 $4.121986030e-01, v32;
	(erf) = vpow2.f32 v21;
	(pc) =	sbr.rel @p0 .LBB2_8-.Ltmp3, $4  }
0x247: {  	s2 =	sadd.s32 $0x10, s2;
	v21 =	vcvt.s32.f32 v31;
	v31 =	vmul.f32 v33, v23;
	v32 =	vadd.f32 $9.617967000e-01, v26  }
0x248: {  	v26 =	vor.u32 s2, v10;
	v33 =	vmul.f32 v27, v22;
	v34 =	vmul.f32 v29, v24  }
0x249: {  	v21 =	vadd.f32 v21, v28;
	v29 =	vadd.f32 $5.770780440e-01, v31;
	v27 =	vmul.f32 v32, v30  }
0x24a: {  	vm1 =	veq.s32 v26, v2;
	v28 =	vadd.f32 $9.617967000e-01, v33;
	v30 =	vadd.f32 $5.770780440e-01, v34  }
0x24b: {  	_ = 	snop  }
0x24c: {  	v30 =	vmul.f32 v30, v24;
	_ =	sdelay $0x1  }
0x24d: {  	v30 =	vadd.f32 $9.617967000e-01, v30;
	_ =	sdelay $0x1  }
0x24e: {  	v29 =	vmul.f32 v29, v23;
	v24 =	vmul.f32 v30, v24  }
0x24f: {  	(erf) = vpow2.f32 v19  }
0x250: {  	v19 =	vadd.f32 $9.617967000e-01, v29;
	v24 =	vadd.f32 $2.885390040e+00, v24  }
0x251: {  	v27 =	vadd.f32 $2.885390040e+00, v27;
	v15 =	vcvt.s32.f32 v15;
	v22 =	vmul.f32 v28, v22  }
0x252: {  	v20 =	vadd.f32 v20, v25;
	v19 =	vmul.f32 v19, v23;
	v14 =	vmul.f32 v24, v14  }
0x253: {  	v17 =	vcvt.s32.f32 v17;
	v13 =	vmul.f32 v27, v13;
	v22 =	vadd.f32 $2.885390040e+00, v22  }
0x254: {  	v19 =	vadd.f32 $2.885390040e+00, v19;
	v14 =	vadd.f32 v14, v21  }
0x255: {  	v11 =	vadd.f32 v15, v11;
	v13 =	vadd.f32 v13, v20;
	v15 =	vmul.f32 v22, v16  }
0x256: {  	v12 =	vadd.f32 v17, v12;
	v16 =	vmul.f32 v19, v18;
	v14 =	vsub.f32 $0.0e+00, v14  }
0x257: {  	v17 =	vpop (erf);
	v13 =	vsub.f32 $0.0e+00, v13;
	v11 =	vadd.f32 v15, v11;
	v15 =	vld [tilespmem:s0+$0x100]  }
0x258: {  	v18 =	vpop (erf);
	v12 =	vadd.f32 v16, v12;
	v14 =	vmul.f32 v14, v17  }
0x259: {  	v11 =	vxor.u32 $0x80000000, v11;
	v13 =	vmul.f32 v13, v18  }
0x25a: {  	vm2 =	vlt.u32 v26, v2;
	v12 =	vxor.u32 $0x80000000, v12;
	vm3 =	vge.f32 v14, v11  }
0x25b: {  	vm0 =	vmand vm2, vm0;
	vm2 =	vge.f32 v13, v12;
	v11 =	vsel vm3, $0x3F800000, v8  }
0x25c: {  	vm0 =	vmand vm0, vm2;
	v11 =	vmul.f32 v11, v15  }
0x25d: {  	v12 =	vsel vm0, $0x0, v9  }
0x25e: {  	v11 =	vmul.f32 v12, v11;
	_ =	sdelay $0x1  }
0x25f: {  	v11 =	vsel vm1, $0x0, v11  }
0x260: {  	[tilespmem:s0+$0x3400] =	vst v11  }
0x261: {  	[tilespmem:$0x3C00] =	vst v3  }
0x262: {  	[tilespmem:s25], [sflag:$0x1] =	stream.indirect.gather [hbm4b:s1+s23], $0x1, s24, s23, $0xb8;
	[tilespmem:$0x3E00] =	vst v63  }
0x263: {  	_ =	swait.ge [sflag:s26], $0x10  }
0x264: {  	[sflag:s26] =	ssyncset.done $0x0  }
0x265: {  	[sflag:s26] =	ssyncadd.s32 $0xFFFFFFF0  }
0x266: {  	[tilespmem:s28], [sflag:$0x1] =	stream.indirect.gather [hbm4b:s4+s23], $0x1, s24, s23, $0xb8;
	[tilespmem:$0x3E00] =	vst v63  }
0x267: {  	_ =	swait.ge [sflag:s26], $0x10  }
0x268: {  	[sflag:s26] =	ssyncset.done $0x0  }
0x269: {  	[sflag:s26] =	ssyncadd.s32 $0xFFFFFFF0  }
0x26a: {  	[tilespmem:s29], [sflag:$0x1] =	stream.indirect.gather [hbm4b:s5+s23], $0x1, s24, s23, $0xb8;
	[tilespmem:$0x3E00] =	vst v63  }
0x26b: {  	_ =	swait.ge [sflag:s26], $0x10  }
0x26c: {  	[sflag:s26] =	ssyncset.done $0x0  }
0x26d: {  	[sflag:s26] =	ssyncadd.s32 $0xFFFFFFF0  }
0x26e: {  	v11 =	vld [tilespmem:$0x3D00];
	_ =	sdelay $0x4  }
0x26f: {  	v12 =	vand.u32 $0x7FFFFF, v11  }
0x270: {  	v12 =	vor.u32 $0x3F800000, v12  }
0x271: {  	v13 =	vld [tilespmem:$0x3D80];
	v14 =	vmul.f32 $5.000000000e-01, v12  }
0x272: {  	vm1 =	vge.f32 v12, $1.414213540e+00  }
0x273: {  	v12 =	vsel vm1, v14, v12  }
0x274: {  	v14 =	vadd.f32 $1.000000000e+00, v12;
	_ =	sdelay $0x1  }
0x275: {  	(erf) = vrcp.f32 v14;
	v14 =	vand.u32 $0x7FFFFF, v13  }
0x276: {  	v14 =	vor.u32 $0x3F800000, v14  }
0x277: {  	v15 =	vmul.f32 $5.000000000e-01, v14  }
0x278: {  	vm0 =	vge.f32 v14, $1.414213540e+00  }
0x279: {  	v14 =	vsel vm0, v15, v14  }
0x27a: {  	v15 =	vadd.f32 $1.000000000e+00, v14;
	_ =	sdelay $0x1  }
0x27b: {  	(erf) = vrcp.f32 v15  }
0x27c: {  	v12 =	vadd.f32 $-1.000000000e+00, v12  }
0x27d: {  	v15 =	vpop (erf)  }
0x27e: {  	v12 =	vmul.f32 v15, v12;
	_ =	sdelay $0x1  }
0x27f: {  	v15 =	vmul.f32 v12, v12;
	_ =	sdelay $0x1  }
0x280: {  	v16 =	vmul.f32 $3.205989000e-01, v15  }
0x281: {  	v14 =	vadd.f32 $-1.000000000e+00, v14  }
0x282: {  	v16 =	vadd.f32 $4.121986030e-01, v16;
	v17 =	vpop (erf)  }
0x283: {  	v14 =	vmul.f32 v17, v14  }
0x284: {  	v16 =	vmul.f32 v16, v15  }
0x285: {  	v17 =	vmul.f32 v14, v14  }
0x286: {  	v16 =	vadd.f32 $5.770780440e-01, v16  }
0x287: {  	v18 =	vmul.f32 $3.205989000e-01, v17  }
0x288: {  	v16 =	vmul.f32 v16, v15  }
0x289: {  	v18 =	vadd.f32 $4.121986030e-01, v18  }
0x28a: {  	v16 =	vadd.f32 $9.617967000e-01, v16  }
0x28b: {  	v19 =	vld [tilespmem:$0x3C80];
	v18 =	vmul.f32 v18, v17  }
0x28c: {  	v11 =	vshra.s32 v11, $0x17;
	v15 =	vmul.f32 v16, v15  }
0x28d: {  	s0 =	simm.s32 $0x300;
	v11 =	vadd.s32 $0xFFFFFF81, v11;
	v16 =	vadd.f32 $5.770780440e-01, v18  }
0x28e: {  	v11 =	vcvt.s32.f32 v11;
	v18 =	vld [tilespmem:s0+$0x2C00];
	v15 =	vadd.f32 $2.885390040e+00, v15  }
0x28f: {  	v20 =	vsel vm1, $0x3F800000, v8;
	v16 =	vmul.f32 v16, v17  }
0x290: {  	v11 =	vadd.f32 v11, v20;
	v12 =	vmul.f32 v15, v12;
	v15 =	vadd.f32 v19, v19  }
0x291: {  	v19 =	vld [tilespmem:s0+$0xC00];
	v16 =	vadd.f32 $9.617967000e-01, v16  }
0x292: {  	v11 =	vadd.f32 v12, v11;
	v12 =	vshra.s32 v13, $0x17;
	v13 =	vadd.f32 $-1.000000000e+00, v15  }
0x293: {  	v20 =	vsel vm0, $0x3F800000, v8;
	v15 =	vmul.f32 v16, v17;
	v17 =	vand.u32 $0x7FFFFF, v18  }
0x294: {  	v12 =	vadd.s32 $0xFFFFFF81, v12;
	v13 =	vmul.f32 $1.442695020e+00, v13;
	v17 =	vor.u32 $0x3F800000, v17  }
0x295: {  	v12 =	vcvt.s32.f32 v12;
	v15 =	vadd.f32 $2.885390040e+00, v15;
	v22 =	vmul.f32 $5.000000000e-01, v17  }
0x296: {  	v16 =	vld [tilespmem:s0+$0x2400];
	vm1 =	vge.f32 v17, $1.414213540e+00;
	(erf) = vpow2.f32 v13;
	v13 =	vand.u32 $0x7FFFFF, v19  }
0x297: {  	v21 =	vld [tilespmem:s0+$0x1400];
	v12 =	vadd.f32 v12, v20;
	v13 =	vor.u32 $0x3F800000, v13;
	v17 =	vsel vm1, v22, v17  }
0x298: {  	v14 =	vmul.f32 v15, v14;
	v15 =	vmul.f32 $5.000000000e-01, v13;
	v20 =	vadd.f32 $1.000000000e+00, v17  }
0x299: {  	vm3 =	vge.f32 v13, $1.414213540e+00  }
0x29a: {  	v13 =	vsel vm3, v15, v13;
	(erf) = vrcp.f32 v20  }
0x29b: {  	v22 =	vand.u32 $0x7FFFFF, v16;
	v20 =	vadd.f32 $1.000000000e+00, v13  }
0x29c: {  	v23 =	vand.u32 $0x7FFFFF, v21;
	v22 =	vor.u32 $0x3F800000, v22;
	v12 =	vadd.f32 v14, v12  }
0x29d: {  	v11 =	vsub.f32 $0.0e+00, v11;
	v15 =	vor.u32 $0x3F800000, v23;
	v23 =	vmul.f32 $5.000000000e-01, v22  }
0x29e: {  	vm4 =	vge.f32 v22, $1.414213540e+00;
	v14 =	vmul.f32 $5.000000000e-01, v15;
	v12 =	vsub.f32 $0.0e+00, v12  }
0x29f: {  	vm2 =	vge.f32 v15, $1.414213540e+00;
	v22 =	vsel vm4, v23, v22;
	(erf) = vrcp.f32 v20;
	v20 =	vpop (erf)  }
0x2a0: {  	v24 =	vld [tilespmem:s0+$0x1C00];
	v14 =	vsel vm2, v14, v15;
	v15 =	vadd.f32 $1.000000000e+00, v22;
	v12 =	vmul.f32 v12, v20  }
0x2a1: {  	v23 =	vadd.f32 $1.000000000e+00, v14  }
0x2a2: {  	(erf) = vrcp.f32 v15;
	vm0 =	vge.f32 v12, v11;
	v12 =	vadd.f32 $-1.000000000e+00, v17  }
0x2a3: {  	(erf) = vrcp.f32 v23;
	v20 =	vadd.f32 $-1.000000000e+00, v13;
	v13 =	vpop (erf)  }
0x2a4: {  	v13 =	vmul.f32 v13, v12  }
0x2a5: {  	v21 =	vshra.s32 v21, $0x17;
	v11 =	vadd.f32 v24, v24  }
0x2a6: {  	v21 =	vadd.s32 $0xFFFFFF81, v21;
	v23 =	vld [tilespmem:s0+$0x400];
	v27 =	vmul.f32 v13, v13  }
0x2a7: {  	v21 =	vcvt.s32.f32 v21;
	v18 =	vshra.s32 v18, $0x17;
	v17 =	vadd.f32 $-1.000000000e+00, v11  }
0x2a8: {  	v16 =	vshra.s32 v16, $0x17;
	v15 =	vshra.s32 v19, $0x17;
	v24 =	vpop (erf);
	v25 =	vmul.f32 $3.205989000e-01, v27  }
0x2a9: {  	v19 =	vmul.f32 $1.442695020e+00, v17;
	v17 =	vadd.s32 $0xFFFFFF81, v16;
	v16 =	vmul.f32 v24, v20  }
0x2aa: {  	v18 =	vadd.s32 $0xFFFFFF81, v18;
	v29 =	vsel vm2, $0x3F800000, v8;
	v24 =	vadd.f32 $-1.000000000e+00, v22  }
0x2ab: {  	v14 =	vadd.f32 $-1.000000000e+00, v14;
	v23 =	vadd.f32 v23, v23;
	v26 =	vpop (erf);
	v22 =	vmul.f32 v16, v16  }
0x2ac: {  	v20 =	vcvt.s32.f32 v18;
	v18 =	vmul.f32 v26, v24;
	v24 =	vadd.f32 $4.121986030e-01, v25;
	v25 =	vpop (erf)  }
0x2ad: {  	v21 =	vadd.f32 v21, v29;
	v28 =	vmul.f32 $3.205989000e-01, v22;
	v14 =	vmul.f32 v25, v14  }
0x2ae: {  	v15 =	vadd.s32 $0xFFFFFF81, v15;
	v26 =	vadd.f32 $-1.000000000e+00, v23;
	v23 =	vmul.f32 v18, v18  }
0x2af: {  	v25 =	vmul.f32 v24, v27;
	v28 =	vadd.f32 $4.121986030e-01, v28;
	v24 =	vmul.f32 v14, v14  }
0x2b0: {  	vm0 =	vmneg vm0;
	v26 =	vmul.f32 $1.442695020e+00, v26;
	v30 =	vmul.f32 $3.205989000e-01, v23  }
0x2b1: {  	v31 =	vadd.f32 $5.770780440e-01, v25;
	v28 =	vmul.f32 v28, v22;
	v32 =	vmul.f32 $3.205989000e-01, v24  }
0x2b2: {  	v11 =	vsel vm3, $0x3F800000, v8;
	(erf) = vpow2.f32 v26;
	v30 =	vadd.f32 $4.121986030e-01, v30  }
0x2b3: {  	s2 =	simm.s32 $0x0;
	v31 =	vmul.f32 v31, v27;
	v28 =	vadd.f32 $5.770780440e-01, v28;
	v32 =	vadd.f32 $4.121986030e-01, v32  }
0x2b4: {  	v12 =	vsel vm4, $0x3F800000, v8;
	v26 =	vor.u32 s2, v10;
	v30 =	vmul.f32 v30, v23  }
0x2b5: {  	v31 =	vadd.f32 $9.617967000e-01, v31;
	v28 =	vmul.f32 v28, v22;
	v32 =	vmul.f32 v32, v24  }
0x2b6: {  	v25 =	vsel vm1, $0x3F800000, v8;
	vm1 =	veq.s32 v26, v3;
	v29 =	vadd.f32 $5.770780440e-01, v30  }
0x2b7: {  	s15 =	simm.s32 $0xC40;
	v27 =	vmul.f32 v31, v27;
	v28 =	vadd.f32 $9.617967000e-01, v28;
	v30 =	vadd.f32 $5.770780440e-01, v32  }
.LBB2_10:
0x2b8: {  	s16 =	sshra.s32 s15, $0x2;
	p0 =	sne.s32 s15, $0xFC0;
	s15 =	sadd.s32 $0x40, s15;
	v29 =	vmul.f32 v29, v23;
	vm2 =	vlt.u32 v26, v3;
	(erf) = vpow2.f32 v19  }
0x2b9: {  	v26 =	vld [tilespmem:s16+$0x2400];
	v19 =	vmul.f32 v28, v22;
	v22 =	vmul.f32 v30, v24;
	vm3 =	vmand vm2, vm0  }
0x2ba: {  	v17 =	vcvt.s32.f32 v17;
	v20 =	vadd.f32 v20, v25;
	v28 =	vld [tilespmem:s16+$0x2C00];
	v29 =	vadd.f32 $9.617967000e-01, v29  }
0x2bb: {  	v15 =	vcvt.s32.f32 v15;
	v27 =	vadd.f32 $2.885390040e+00, v27;
	v25 =	vld [tilespmem:s16+$0x1400];
	v19 =	vadd.f32 $2.885390040e+00, v19  }
0x2bc: {  	v12 =	vadd.f32 v17, v12;
	v22 =	vadd.f32 $9.617967000e-01, v22;
	v30 =	vld [tilespmem:s16+$0xC00];
	v17 =	vmul.f32 v29, v23;
	v23 =	vpop (erf)  }
0x2bd: {  	v11 =	vadd.f32 v15, v11;
	v13 =	vmul.f32 v27, v13;
	v15 =	vmul.f32 v19, v16  }
0x2be: {  	v19 =	vmul.f32 v22, v24;
	v16 =	vand.u32 $0x7FFFFF, v26;
	v17 =	vadd.f32 $2.885390040e+00, v17  }
0x2bf: {  	v22 =	vand.u32 $0x7FFFFF, v28;
	v24 =	vadd.f32 v15, v11;
	v11 =	vadd.f32 v13, v20  }
0x2c0: {  	v13 =	vand.u32 $0x7FFFFF, v25;
	v15 =	vor.u32 $0x3F800000, v22;
	v17 =	vmul.f32 v17, v18  }
0x2c1: {  	vm2 =	vge.f32 v15, $1.414213540e+00;
	v18 =	vmul.f32 $5.000000000e-01, v15;
	v11 =	vsub.f32 $0.0e+00, v11;
	v20 =	vpop (erf)  }
0x2c2: {  	v22 =	vand.u32 $0x7FFFFF, v30;
	v13 =	vor.u32 $0x3F800000, v13;
	v12 =	vadd.f32 v17, v12  }
0x2c3: {  	v17 =	vor.u32 $0x3F800000, v22;
	v18 =	vsel vm2, v18, v15;
	v11 =	vmul.f32 v11, v20  }
0x2c4: {  	v15 =	vmul.f32 $5.000000000e-01, v17;
	v20 =	vadd.f32 $1.000000000e+00, v18;
	v12 =	vxor.u32 $0x80000000, v12  }
0x2c5: {  	v16 =	vor.u32 $0x3F800000, v16;
	vm5 =	vge.f32 v17, $1.414213540e+00;
	v22 =	vld [tilespmem:s16+$0x1C00];
	vm4 =	vge.f32 v11, v12  }
0x2c6: {  	v11 =	vsel vm5, v15, v17;
	(erf) = vrcp.f32 v20;
	vm3 =	vmand vm3, vm4  }
0x2c7: {  	v15 =	vmul.f32 $5.000000000e-01, v16;
	v12 =	vadd.f32 $1.000000000e+00, v11;
	vm4 =	vge.f32 v13, $1.414213540e+00  }
0x2c8: {  	vm6 =	vge.f32 v16, $1.414213540e+00;
	v27 =	vadd.f32 $-1.000000000e+00, v11;
	v11 =	vmul.f32 $5.000000000e-01, v13  }
0x2c9: {  	v29 =	vsel vm6, v15, v16;
	(erf) = vrcp.f32 v12;
	v12 =	vadd.f32 $2.885390040e+00, v19  }
0x2ca: {  	v31 =	vsel vm4, v11, v13;
	v13 =	vadd.f32 $1.000000000e+00, v29;
	v15 =	vadd.f32 v22, v22  }
0x2cb: {  	v11 =	vsel vm5, $0x3F800000, v8;
	v16 =	vadd.f32 $1.000000000e+00, v31;
	v14 =	vmul.f32 v12, v14  }
0x2cc: {  	v12 =	vsel vm6, $0x3F800000, v8;
	v20 =	vld [tilespmem:s16+$0x400];
	v17 =	vadd.f32 $-1.000000000e+00, v15;
	(erf) = vrcp.f32 v13  }
0x2cd: {  	v13 =	vshra.s32 v30, $0x17;
	(erf) = vrcp.f32 v16;
	v14 =	vadd.f32 v14, v21  }
0x2ce: {  	v15 =	vadd.s32 $0xFFFFFF81, v13;
	v13 =	vadd.f32 $-1.000000000e+00, v18;
	v19 =	vmul.f32 $1.442695020e+00, v17  }
0x2cf: {  	v16 =	vshra.s32 v26, $0x17;
	v18 =	vshra.s32 v28, $0x17;
	v21 =	vpop (erf);
	v14 =	vsub.f32 $0.0e+00, v14  }
0x2d0: {  	v17 =	vadd.s32 $0xFFFFFF81, v16;
	v22 =	vadd.s32 $0xFFFFFF81, v18;
	v13 =	vmul.f32 v21, v13;
	v18 =	vld [tilespmem:s0+$0x0]  }
0x2d1: {  	v21 =	vadd.f32 v20, v20;
	v20 =	vcvt.s32.f32 v22;
	v14 =	vmul.f32 v14, v23  }
0x2d2: {  	v28 =	vsel vm4, $0x3F800000, v8;
	v22 =	vxor.u32 $0x80000000, v24;
	v30 =	vmul.f32 v13, v13;
	v16 =	vpop (erf)  }
0x2d3: {  	v16 =	vmul.f32 v16, v27;
	v21 =	vadd.f32 $-1.000000000e+00, v21;
	vm4 =	vge.f32 v14, v22  }
0x2d4: {  	v32 =	vadd.f32 $-1.000000000e+00, v29;
	v23 =	vmul.f32 $3.205989000e-01, v30;
	v24 =	vsel vm4, $0x3F800000, v8  }
0x2d5: {  	v26 =	vadd.f32 $-1.000000000e+00, v31;
	v22 =	vmul.f32 v16, v16;
	v27 =	vpop (erf);
	v29 =	vmul.f32 v24, v18  }
0x2d6: {  	v21 =	vmul.f32 $1.442695020e+00, v21;
	v18 =	vmul.f32 v27, v32;
	v24 =	vadd.f32 $4.121986030e-01, v23;
	v14 =	vpop (erf)  }
0x2d7: {  	v25 =	vshra.s32 v25, $0x17;
	v27 =	vmul.f32 $3.205989000e-01, v22;
	v14 =	vmul.f32 v14, v26  }
0x2d8: {  	v31 =	vsel vm3, $0x0, v9;
	v23 =	vmul.f32 v18, v18;
	v26 =	vmul.f32 v24, v30  }
0x2d9: {  	v29 =	vmul.f32 v31, v29;
	v27 =	vadd.f32 $4.121986030e-01, v27;
	v24 =	vmul.f32 v14, v14  }
0x2da: {  	v31 =	vadd.s32 $0xFFFFFF81, v25;
	v25 =	vmul.f32 $3.205989000e-01, v23;
	v26 =	vadd.f32 $5.770780440e-01, v26  }
0x2db: {  	v29 =	vsel vm1, $0x0, v29;
	v27 =	vmul.f32 v27, v22;
	v32 =	vmul.f32 $3.205989000e-01, v24  }
0x2dc: {  	v33 =	vadd.f32 $4.121986030e-01, v25;
	v25 =	vsel vm2, $0x3F800000, v8;
	v26 =	vmul.f32 v26, v30;
	[tilespmem:s0+$0x3400] =	vst v29;
	s0 =	smov.u32 s16  }
.Ltmp4:
0x2dd: {  	v27 =	vadd.f32 $5.770780440e-01, v27;
	v29 =	vadd.f32 $4.121986030e-01, v32;
	(erf) = vpow2.f32 v21;
	(pc) =	sbr.rel @p0 .LBB2_10-.Ltmp4, $4  }
0x2de: {  	s2 =	sadd.s32 $0x10, s2;
	v21 =	vcvt.s32.f32 v31;
	v31 =	vmul.f32 v33, v23;
	v32 =	vadd.f32 $9.617967000e-01, v26  }
0x2df: {  	v26 =	vor.u32 s2, v10;
	v33 =	vmul.f32 v27, v22;
	v34 =	vmul.f32 v29, v24  }
0x2e0: {  	v21 =	vadd.f32 v21, v28;
	v29 =	vadd.f32 $5.770780440e-01, v31;
	v27 =	vmul.f32 v32, v30  }
0x2e1: {  	vm1 =	veq.s32 v26, v3;
	v28 =	vadd.f32 $9.617967000e-01, v33;
	v30 =	vadd.f32 $5.770780440e-01, v34  }
0x2e2: {  	_ = 	snop  }
0x2e3: {  	v30 =	vmul.f32 v30, v24;
	_ =	sdelay $0x1  }
0x2e4: {  	v30 =	vadd.f32 $9.617967000e-01, v30;
	_ =	sdelay $0x1  }
0x2e5: {  	v29 =	vmul.f32 v29, v23;
	v24 =	vmul.f32 v30, v24  }
0x2e6: {  	(erf) = vpow2.f32 v19  }
0x2e7: {  	v19 =	vadd.f32 $9.617967000e-01, v29;
	v24 =	vadd.f32 $2.885390040e+00, v24  }
0x2e8: {  	v27 =	vadd.f32 $2.885390040e+00, v27;
	v15 =	vcvt.s32.f32 v15;
	v22 =	vmul.f32 v28, v22  }
0x2e9: {  	v20 =	vadd.f32 v20, v25;
	v19 =	vmul.f32 v19, v23;
	v14 =	vmul.f32 v24, v14  }
0x2ea: {  	v17 =	vcvt.s32.f32 v17;
	v13 =	vmul.f32 v27, v13;
	v22 =	vadd.f32 $2.885390040e+00, v22  }
0x2eb: {  	v19 =	vadd.f32 $2.885390040e+00, v19;
	v14 =	vadd.f32 v14, v21  }
0x2ec: {  	v11 =	vadd.f32 v15, v11;
	v13 =	vadd.f32 v13, v20;
	v15 =	vmul.f32 v22, v16  }
0x2ed: {  	v12 =	vadd.f32 v17, v12;
	v16 =	vmul.f32 v19, v18;
	v14 =	vsub.f32 $0.0e+00, v14  }
0x2ee: {  	v17 =	vpop (erf);
	v13 =	vsub.f32 $0.0e+00, v13;
	v11 =	vadd.f32 v15, v11;
	v15 =	vld [tilespmem:s0+$0x0]  }
0x2ef: {  	v18 =	vpop (erf);
	v12 =	vadd.f32 v16, v12;
	v14 =	vmul.f32 v14, v17  }
0x2f0: {  	v11 =	vxor.u32 $0x80000000, v11;
	v13 =	vmul.f32 v13, v18  }
0x2f1: {  	vm2 =	vlt.u32 v26, v3;
	v12 =	vxor.u32 $0x80000000, v12;
	vm3 =	vge.f32 v14, v11  }
0x2f2: {  	vm0 =	vmand vm2, vm0;
	vm2 =	vge.f32 v13, v12;
	v11 =	vsel vm3, $0x3F800000, v8  }
0x2f3: {  	vm0 =	vmand vm0, vm2;
	v11 =	vmul.f32 v11, v15  }
0x2f4: {  	v12 =	vsel vm0, $0x0, v9  }
0x2f5: {  	v11 =	vmul.f32 v12, v11;
	_ =	sdelay $0x1  }
0x2f6: {  	v11 =	vsel vm1, $0x0, v11  }
0x2f7: {  	[tilespmem:s0+$0x3400] =	vst v11  }
0x2f8: {  	[tilespmem:$0x3C00] =	vst v4  }
0x2f9: {  	[tilespmem:s25], [sflag:$0x1] =	stream.indirect.gather [hbm4b:s1+s23], $0x1, s24, s23, $0xb8;
	[tilespmem:$0x3E00] =	vst v63  }
0x2fa: {  	_ =	swait.ge [sflag:s26], $0x10  }
0x2fb: {  	[sflag:s26] =	ssyncset.done $0x0  }
0x2fc: {  	[sflag:s26] =	ssyncadd.s32 $0xFFFFFFF0  }
0x2fd: {  	[tilespmem:s28], [sflag:$0x1] =	stream.indirect.gather [hbm4b:s4+s23], $0x1, s24, s23, $0xb8;
	[tilespmem:$0x3E00] =	vst v63  }
0x2fe: {  	_ =	swait.ge [sflag:s26], $0x10  }
0x2ff: {  	[sflag:s26] =	ssyncset.done $0x0  }
0x300: {  	[sflag:s26] =	ssyncadd.s32 $0xFFFFFFF0  }
0x301: {  	[tilespmem:s29], [sflag:$0x1] =	stream.indirect.gather [hbm4b:s5+s23], $0x1, s24, s23, $0xb8;
	[tilespmem:$0x3E00] =	vst v63  }
0x302: {  	_ =	swait.ge [sflag:s26], $0x10  }
0x303: {  	[sflag:s26] =	ssyncset.done $0x0  }
0x304: {  	[sflag:s26] =	ssyncadd.s32 $0xFFFFFFF0  }
0x305: {  	v11 =	vld [tilespmem:$0x3D00];
	_ =	sdelay $0x4  }
0x306: {  	v12 =	vand.u32 $0x7FFFFF, v11  }
0x307: {  	v12 =	vor.u32 $0x3F800000, v12  }
0x308: {  	v13 =	vld [tilespmem:$0x3D80];
	v14 =	vmul.f32 $5.000000000e-01, v12  }
0x309: {  	vm1 =	vge.f32 v12, $1.414213540e+00  }
0x30a: {  	v12 =	vsel vm1, v14, v12  }
0x30b: {  	v14 =	vadd.f32 $1.000000000e+00, v12;
	_ =	sdelay $0x1  }
0x30c: {  	(erf) = vrcp.f32 v14;
	v14 =	vand.u32 $0x7FFFFF, v13  }
0x30d: {  	v14 =	vor.u32 $0x3F800000, v14  }
0x30e: {  	v15 =	vmul.f32 $5.000000000e-01, v14  }
0x30f: {  	vm0 =	vge.f32 v14, $1.414213540e+00  }
0x310: {  	v14 =	vsel vm0, v15, v14  }
0x311: {  	v15 =	vadd.f32 $1.000000000e+00, v14;
	_ =	sdelay $0x1  }
0x312: {  	(erf) = vrcp.f32 v15  }
0x313: {  	v12 =	vadd.f32 $-1.000000000e+00, v12  }
0x314: {  	v15 =	vpop (erf)  }
0x315: {  	v12 =	vmul.f32 v15, v12;
	_ =	sdelay $0x1  }
0x316: {  	v15 =	vmul.f32 v12, v12;
	_ =	sdelay $0x1  }
0x317: {  	v16 =	vmul.f32 $3.205989000e-01, v15  }
0x318: {  	v14 =	vadd.f32 $-1.000000000e+00, v14  }
0x319: {  	v16 =	vadd.f32 $4.121986030e-01, v16;
	v17 =	vpop (erf)  }
0x31a: {  	v14 =	vmul.f32 v17, v14  }
0x31b: {  	v16 =	vmul.f32 v16, v15  }
0x31c: {  	v17 =	vmul.f32 v14, v14  }
0x31d: {  	v16 =	vadd.f32 $5.770780440e-01, v16  }
0x31e: {  	v18 =	vmul.f32 $3.205989000e-01, v17  }
0x31f: {  	v16 =	vmul.f32 v16, v15  }
0x320: {  	v18 =	vadd.f32 $4.121986030e-01, v18  }
0x321: {  	v16 =	vadd.f32 $9.617967000e-01, v16  }
0x322: {  	v19 =	vld [tilespmem:$0x3C80];
	v18 =	vmul.f32 v18, v17  }
0x323: {  	v11 =	vshra.s32 v11, $0x17;
	v15 =	vmul.f32 v16, v15  }
0x324: {  	s0 =	simm.s32 $0x400;
	v11 =	vadd.s32 $0xFFFFFF81, v11;
	v16 =	vadd.f32 $5.770780440e-01, v18  }
0x325: {  	v11 =	vcvt.s32.f32 v11;
	v18 =	vld [tilespmem:s0+$0x2C00];
	v15 =	vadd.f32 $2.885390040e+00, v15  }
0x326: {  	v20 =	vsel vm1, $0x3F800000, v8;
	v16 =	vmul.f32 v16, v17  }
0x327: {  	v11 =	vadd.f32 v11, v20;
	v12 =	vmul.f32 v15, v12;
	v15 =	vadd.f32 v19, v19  }
0x328: {  	v19 =	vld [tilespmem:s0+$0xC00];
	v16 =	vadd.f32 $9.617967000e-01, v16  }
0x329: {  	v11 =	vadd.f32 v12, v11;
	v12 =	vshra.s32 v13, $0x17;
	v13 =	vadd.f32 $-1.000000000e+00, v15  }
0x32a: {  	v20 =	vsel vm0, $0x3F800000, v8;
	v15 =	vmul.f32 v16, v17;
	v17 =	vand.u32 $0x7FFFFF, v18  }
0x32b: {  	v12 =	vadd.s32 $0xFFFFFF81, v12;
	v13 =	vmul.f32 $1.442695020e+00, v13;
	v17 =	vor.u32 $0x3F800000, v17  }
0x32c: {  	v12 =	vcvt.s32.f32 v12;
	v15 =	vadd.f32 $2.885390040e+00, v15;
	v22 =	vmul.f32 $5.000000000e-01, v17  }
0x32d: {  	v16 =	vld [tilespmem:s0+$0x2400];
	vm1 =	vge.f32 v17, $1.414213540e+00;
	(erf) = vpow2.f32 v13;
	v13 =	vand.u32 $0x7FFFFF, v19  }
0x32e: {  	v21 =	vld [tilespmem:s0+$0x1400];
	v12 =	vadd.f32 v12, v20;
	v13 =	vor.u32 $0x3F800000, v13;
	v17 =	vsel vm1, v22, v17  }
0x32f: {  	v14 =	vmul.f32 v15, v14;
	v15 =	vmul.f32 $5.000000000e-01, v13;
	v20 =	vadd.f32 $1.000000000e+00, v17  }
0x330: {  	vm3 =	vge.f32 v13, $1.414213540e+00  }
0x331: {  	v13 =	vsel vm3, v15, v13;
	(erf) = vrcp.f32 v20  }
0x332: {  	v22 =	vand.u32 $0x7FFFFF, v16;
	v20 =	vadd.f32 $1.000000000e+00, v13  }
0x333: {  	v23 =	vand.u32 $0x7FFFFF, v21;
	v22 =	vor.u32 $0x3F800000, v22;
	v12 =	vadd.f32 v14, v12  }
0x334: {  	v11 =	vsub.f32 $0.0e+00, v11;
	v15 =	vor.u32 $0x3F800000, v23;
	v23 =	vmul.f32 $5.000000000e-01, v22  }
0x335: {  	vm4 =	vge.f32 v22, $1.414213540e+00;
	v14 =	vmul.f32 $5.000000000e-01, v15;
	v12 =	vsub.f32 $0.0e+00, v12  }
0x336: {  	vm2 =	vge.f32 v15, $1.414213540e+00;
	v22 =	vsel vm4, v23, v22;
	(erf) = vrcp.f32 v20;
	v20 =	vpop (erf)  }
0x337: {  	v24 =	vld [tilespmem:s0+$0x1C00];
	v14 =	vsel vm2, v14, v15;
	v15 =	vadd.f32 $1.000000000e+00, v22;
	v12 =	vmul.f32 v12, v20  }
0x338: {  	v23 =	vadd.f32 $1.000000000e+00, v14  }
0x339: {  	(erf) = vrcp.f32 v15;
	vm0 =	vge.f32 v12, v11;
	v12 =	vadd.f32 $-1.000000000e+00, v17  }
0x33a: {  	(erf) = vrcp.f32 v23;
	v20 =	vadd.f32 $-1.000000000e+00, v13;
	v13 =	vpop (erf)  }
0x33b: {  	v13 =	vmul.f32 v13, v12  }
0x33c: {  	v21 =	vshra.s32 v21, $0x17;
	v11 =	vadd.f32 v24, v24  }
0x33d: {  	v21 =	vadd.s32 $0xFFFFFF81, v21;
	v23 =	vld [tilespmem:s0+$0x400];
	v27 =	vmul.f32 v13, v13  }
0x33e: {  	v21 =	vcvt.s32.f32 v21;
	v18 =	vshra.s32 v18, $0x17;
	v17 =	vadd.f32 $-1.000000000e+00, v11  }
0x33f: {  	v16 =	vshra.s32 v16, $0x17;
	v15 =	vshra.s32 v19, $0x17;
	v24 =	vpop (erf);
	v25 =	vmul.f32 $3.205989000e-01, v27  }
0x340: {  	v19 =	vmul.f32 $1.442695020e+00, v17;
	v17 =	vadd.s32 $0xFFFFFF81, v16;
	v16 =	vmul.f32 v24, v20  }
0x341: {  	v18 =	vadd.s32 $0xFFFFFF81, v18;
	v29 =	vsel vm2, $0x3F800000, v8;
	v24 =	vadd.f32 $-1.000000000e+00, v22  }
0x342: {  	v14 =	vadd.f32 $-1.000000000e+00, v14;
	v23 =	vadd.f32 v23, v23;
	v26 =	vpop (erf);
	v22 =	vmul.f32 v16, v16  }
0x343: {  	v20 =	vcvt.s32.f32 v18;
	v18 =	vmul.f32 v26, v24;
	v24 =	vadd.f32 $4.121986030e-01, v25;
	v25 =	vpop (erf)  }
0x344: {  	v21 =	vadd.f32 v21, v29;
	v28 =	vmul.f32 $3.205989000e-01, v22;
	v14 =	vmul.f32 v25, v14  }
0x345: {  	v15 =	vadd.s32 $0xFFFFFF81, v15;
	v26 =	vadd.f32 $-1.000000000e+00, v23;
	v23 =	vmul.f32 v18, v18  }
0x346: {  	v25 =	vmul.f32 v24, v27;
	v28 =	vadd.f32 $4.121986030e-01, v28;
	v24 =	vmul.f32 v14, v14  }
0x347: {  	vm0 =	vmneg vm0;
	v26 =	vmul.f32 $1.442695020e+00, v26;
	v30 =	vmul.f32 $3.205989000e-01, v23  }
0x348: {  	v31 =	vadd.f32 $5.770780440e-01, v25;
	v28 =	vmul.f32 v28, v22;
	v32 =	vmul.f32 $3.205989000e-01, v24  }
0x349: {  	v11 =	vsel vm3, $0x3F800000, v8;
	(erf) = vpow2.f32 v26;
	v30 =	vadd.f32 $4.121986030e-01, v30  }
0x34a: {  	s2 =	simm.s32 $0x0;
	v31 =	vmul.f32 v31, v27;
	v28 =	vadd.f32 $5.770780440e-01, v28;
	v32 =	vadd.f32 $4.121986030e-01, v32  }
0x34b: {  	v12 =	vsel vm4, $0x3F800000, v8;
	v26 =	vor.u32 s2, v10;
	v30 =	vmul.f32 v30, v23  }
0x34c: {  	v31 =	vadd.f32 $9.617967000e-01, v31;
	v28 =	vmul.f32 v28, v22;
	v32 =	vmul.f32 v32, v24  }
0x34d: {  	v25 =	vsel vm1, $0x3F800000, v8;
	vm1 =	veq.s32 v26, v4;
	v29 =	vadd.f32 $5.770780440e-01, v30  }
0x34e: {  	s15 =	simm.s32 $0x1040;
	v27 =	vmul.f32 v31, v27;
	v28 =	vadd.f32 $9.617967000e-01, v28;
	v30 =	vadd.f32 $5.770780440e-01, v32  }
.LBB2_12:
0x34f: {  	s16 =	sshra.s32 s15, $0x2;
	p0 =	sne.s32 s15, $0x13C0;
	s15 =	sadd.s32 $0x40, s15;
	v29 =	vmul.f32 v29, v23;
	vm2 =	vlt.u32 v26, v4;
	(erf) = vpow2.f32 v19  }
0x350: {  	v26 =	vld [tilespmem:s16+$0x2400];
	v19 =	vmul.f32 v28, v22;
	v22 =	vmul.f32 v30, v24;
	vm3 =	vmand vm2, vm0  }
0x351: {  	v17 =	vcvt.s32.f32 v17;
	v20 =	vadd.f32 v20, v25;
	v28 =	vld [tilespmem:s16+$0x2C00];
	v29 =	vadd.f32 $9.617967000e-01, v29  }
0x352: {  	v15 =	vcvt.s32.f32 v15;
	v27 =	vadd.f32 $2.885390040e+00, v27;
	v25 =	vld [tilespmem:s16+$0x1400];
	v19 =	vadd.f32 $2.885390040e+00, v19  }
0x353: {  	v12 =	vadd.f32 v17, v12;
	v22 =	vadd.f32 $9.617967000e-01, v22;
	v30 =	vld [tilespmem:s16+$0xC00];
	v17 =	vmul.f32 v29, v23;
	v23 =	vpop (erf)  }
0x354: {  	v11 =	vadd.f32 v15, v11;
	v13 =	vmul.f32 v27, v13;
	v15 =	vmul.f32 v19, v16  }
0x355: {  	v19 =	vmul.f32 v22, v24;
	v16 =	vand.u32 $0x7FFFFF, v26;
	v17 =	vadd.f32 $2.885390040e+00, v17  }
0x356: {  	v22 =	vand.u32 $0x7FFFFF, v28;
	v24 =	vadd.f32 v15, v11;
	v11 =	vadd.f32 v13, v20  }
0x357: {  	v13 =	vand.u32 $0x7FFFFF, v25;
	v15 =	vor.u32 $0x3F800000, v22;
	v17 =	vmul.f32 v17, v18  }
0x358: {  	vm2 =	vge.f32 v15, $1.414213540e+00;
	v18 =	vmul.f32 $5.000000000e-01, v15;
	v11 =	vsub.f32 $0.0e+00, v11;
	v20 =	vpop (erf)  }
0x359: {  	v22 =	vand.u32 $0x7FFFFF, v30;
	v13 =	vor.u32 $0x3F800000, v13;
	v12 =	vadd.f32 v17, v12  }
0x35a: {  	v17 =	vor.u32 $0x3F800000, v22;
	v18 =	vsel vm2, v18, v15;
	v11 =	vmul.f32 v11, v20  }
0x35b: {  	v15 =	vmul.f32 $5.000000000e-01, v17;
	v20 =	vadd.f32 $1.000000000e+00, v18;
	v12 =	vxor.u32 $0x80000000, v12  }
0x35c: {  	v16 =	vor.u32 $0x3F800000, v16;
	vm5 =	vge.f32 v17, $1.414213540e+00;
	v22 =	vld [tilespmem:s16+$0x1C00];
	vm4 =	vge.f32 v11, v12  }
0x35d: {  	v11 =	vsel vm5, v15, v17;
	(erf) = vrcp.f32 v20;
	vm3 =	vmand vm3, vm4  }
0x35e: {  	v15 =	vmul.f32 $5.000000000e-01, v16;
	v12 =	vadd.f32 $1.000000000e+00, v11;
	vm4 =	vge.f32 v13, $1.414213540e+00  }
0x35f: {  	vm6 =	vge.f32 v16, $1.414213540e+00;
	v27 =	vadd.f32 $-1.000000000e+00, v11;
	v11 =	vmul.f32 $5.000000000e-01, v13  }
0x360: {  	v29 =	vsel vm6, v15, v16;
	(erf) = vrcp.f32 v12;
	v12 =	vadd.f32 $2.885390040e+00, v19  }
0x361: {  	v31 =	vsel vm4, v11, v13;
	v13 =	vadd.f32 $1.000000000e+00, v29;
	v15 =	vadd.f32 v22, v22  }
0x362: {  	v11 =	vsel vm5, $0x3F800000, v8;
	v16 =	vadd.f32 $1.000000000e+00, v31;
	v14 =	vmul.f32 v12, v14  }
0x363: {  	v12 =	vsel vm6, $0x3F800000, v8;
	v20 =	vld [tilespmem:s16+$0x400];
	v17 =	vadd.f32 $-1.000000000e+00, v15;
	(erf) = vrcp.f32 v13  }
0x364: {  	v13 =	vshra.s32 v30, $0x17;
	(erf) = vrcp.f32 v16;
	v14 =	vadd.f32 v14, v21  }
0x365: {  	v15 =	vadd.s32 $0xFFFFFF81, v13;
	v13 =	vadd.f32 $-1.000000000e+00, v18;
	v19 =	vmul.f32 $1.442695020e+00, v17  }
0x366: {  	v16 =	vshra.s32 v26, $0x17;
	v18 =	vshra.s32 v28, $0x17;
	v21 =	vpop (erf);
	v14 =	vsub.f32 $0.0e+00, v14  }
0x367: {  	v17 =	vadd.s32 $0xFFFFFF81, v16;
	v22 =	vadd.s32 $0xFFFFFF81, v18;
	v13 =	vmul.f32 v21, v13;
	v18 =	vld [tilespmem:s0+$0xFFFFFF00]  }
0x368: {  	v21 =	vadd.f32 v20, v20;
	v20 =	vcvt.s32.f32 v22;
	v14 =	vmul.f32 v14, v23  }
0x369: {  	v28 =	vsel vm4, $0x3F800000, v8;
	v22 =	vxor.u32 $0x80000000, v24;
	v30 =	vmul.f32 v13, v13;
	v16 =	vpop (erf)  }
0x36a: {  	v16 =	vmul.f32 v16, v27;
	v21 =	vadd.f32 $-1.000000000e+00, v21;
	vm4 =	vge.f32 v14, v22  }
0x36b: {  	v32 =	vadd.f32 $-1.000000000e+00, v29;
	v23 =	vmul.f32 $3.205989000e-01, v30;
	v24 =	vsel vm4, $0x3F800000, v8  }
0x36c: {  	v26 =	vadd.f32 $-1.000000000e+00, v31;
	v22 =	vmul.f32 v16, v16;
	v27 =	vpop (erf);
	v29 =	vmul.f32 v24, v18  }
0x36d: {  	v21 =	vmul.f32 $1.442695020e+00, v21;
	v18 =	vmul.f32 v27, v32;
	v24 =	vadd.f32 $4.121986030e-01, v23;
	v14 =	vpop (erf)  }
0x36e: {  	v25 =	vshra.s32 v25, $0x17;
	v27 =	vmul.f32 $3.205989000e-01, v22;
	v14 =	vmul.f32 v14, v26  }
0x36f: {  	v31 =	vsel vm3, $0x0, v9;
	v23 =	vmul.f32 v18, v18;
	v26 =	vmul.f32 v24, v30  }
0x370: {  	v29 =	vmul.f32 v31, v29;
	v27 =	vadd.f32 $4.121986030e-01, v27;
	v24 =	vmul.f32 v14, v14  }
0x371: {  	v31 =	vadd.s32 $0xFFFFFF81, v25;
	v25 =	vmul.f32 $3.205989000e-01, v23;
	v26 =	vadd.f32 $5.770780440e-01, v26  }
0x372: {  	v29 =	vsel vm1, $0x0, v29;
	v27 =	vmul.f32 v27, v22;
	v32 =	vmul.f32 $3.205989000e-01, v24  }
0x373: {  	v33 =	vadd.f32 $4.121986030e-01, v25;
	v25 =	vsel vm2, $0x3F800000, v8;
	v26 =	vmul.f32 v26, v30;
	[tilespmem:s0+$0x3400] =	vst v29;
	s0 =	smov.u32 s16  }
.Ltmp5:
0x374: {  	v27 =	vadd.f32 $5.770780440e-01, v27;
	v29 =	vadd.f32 $4.121986030e-01, v32;
	(erf) = vpow2.f32 v21;
	(pc) =	sbr.rel @p0 .LBB2_12-.Ltmp5, $4  }
0x375: {  	s2 =	sadd.s32 $0x10, s2;
	v21 =	vcvt.s32.f32 v31;
	v31 =	vmul.f32 v33, v23;
	v32 =	vadd.f32 $9.617967000e-01, v26  }
0x376: {  	v26 =	vor.u32 s2, v10;
	v33 =	vmul.f32 v27, v22;
	v34 =	vmul.f32 v29, v24  }
0x377: {  	v21 =	vadd.f32 v21, v28;
	v29 =	vadd.f32 $5.770780440e-01, v31;
	v27 =	vmul.f32 v32, v30  }
0x378: {  	vm1 =	veq.s32 v26, v4;
	v28 =	vadd.f32 $9.617967000e-01, v33;
	v30 =	vadd.f32 $5.770780440e-01, v34  }
0x379: {  	_ = 	snop  }
0x37a: {  	v30 =	vmul.f32 v30, v24;
	_ =	sdelay $0x1  }
0x37b: {  	v30 =	vadd.f32 $9.617967000e-01, v30;
	_ =	sdelay $0x1  }
0x37c: {  	v29 =	vmul.f32 v29, v23;
	v24 =	vmul.f32 v30, v24  }
0x37d: {  	(erf) = vpow2.f32 v19  }
0x37e: {  	v19 =	vadd.f32 $9.617967000e-01, v29;
	v24 =	vadd.f32 $2.885390040e+00, v24  }
0x37f: {  	v27 =	vadd.f32 $2.885390040e+00, v27;
	v15 =	vcvt.s32.f32 v15;
	v22 =	vmul.f32 v28, v22  }
0x380: {  	v20 =	vadd.f32 v20, v25;
	v19 =	vmul.f32 v19, v23;
	v14 =	vmul.f32 v24, v14  }
0x381: {  	v17 =	vcvt.s32.f32 v17;
	v13 =	vmul.f32 v27, v13;
	v22 =	vadd.f32 $2.885390040e+00, v22  }
0x382: {  	v19 =	vadd.f32 $2.885390040e+00, v19;
	v14 =	vadd.f32 v14, v21  }
0x383: {  	v11 =	vadd.f32 v15, v11;
	v13 =	vadd.f32 v13, v20;
	v15 =	vmul.f32 v22, v16  }
0x384: {  	v12 =	vadd.f32 v17, v12;
	v16 =	vmul.f32 v19, v18;
	v14 =	vsub.f32 $0.0e+00, v14  }
0x385: {  	v17 =	vpop (erf);
	v13 =	vsub.f32 $0.0e+00, v13;
	v11 =	vadd.f32 v15, v11;
	v15 =	vld [tilespmem:s0+$0xFFFFFF00]  }
0x386: {  	v18 =	vpop (erf);
	v12 =	vadd.f32 v16, v12;
	v14 =	vmul.f32 v14, v17  }
0x387: {  	v11 =	vxor.u32 $0x80000000, v11;
	v13 =	vmul.f32 v13, v18  }
0x388: {  	vm2 =	vlt.u32 v26, v4;
	v12 =	vxor.u32 $0x80000000, v12;
	vm3 =	vge.f32 v14, v11  }
0x389: {  	vm0 =	vmand vm2, vm0;
	vm2 =	vge.f32 v13, v12;
	v11 =	vsel vm3, $0x3F800000, v8  }
0x38a: {  	vm0 =	vmand vm0, vm2;
	v11 =	vmul.f32 v11, v15  }
0x38b: {  	v12 =	vsel vm0, $0x0, v9  }
0x38c: {  	v11 =	vmul.f32 v12, v11;
	_ =	sdelay $0x1  }
0x38d: {  	v11 =	vsel vm1, $0x0, v11  }
0x38e: {  	[tilespmem:s0+$0x3400] =	vst v11  }
0x38f: {  	[tilespmem:$0x3C00] =	vst v5  }
0x390: {  	[tilespmem:s25], [sflag:$0x1] =	stream.indirect.gather [hbm4b:s1+s23], $0x1, s24, s23, $0xb8;
	[tilespmem:$0x3E00] =	vst v63  }
0x391: {  	_ =	swait.ge [sflag:s26], $0x10  }
0x392: {  	[sflag:s26] =	ssyncset.done $0x0  }
0x393: {  	[sflag:s26] =	ssyncadd.s32 $0xFFFFFFF0  }
0x394: {  	[tilespmem:s28], [sflag:$0x1] =	stream.indirect.gather [hbm4b:s4+s23], $0x1, s24, s23, $0xb8;
	[tilespmem:$0x3E00] =	vst v63  }
0x395: {  	_ =	swait.ge [sflag:s26], $0x10  }
0x396: {  	[sflag:s26] =	ssyncset.done $0x0  }
0x397: {  	[sflag:s26] =	ssyncadd.s32 $0xFFFFFFF0  }
0x398: {  	[tilespmem:s29], [sflag:$0x1] =	stream.indirect.gather [hbm4b:s5+s23], $0x1, s24, s23, $0xb8;
	[tilespmem:$0x3E00] =	vst v63  }
0x399: {  	_ =	swait.ge [sflag:s26], $0x10  }
0x39a: {  	[sflag:s26] =	ssyncset.done $0x0  }
0x39b: {  	[sflag:s26] =	ssyncadd.s32 $0xFFFFFFF0  }
0x39c: {  	v11 =	vld [tilespmem:$0x3D00]  }
0x39d: {  	v12 =	vld [tilespmem:$0x3D80];
	_ =	sdelay $0x3  }
0x39e: {  	v13 =	vand.u32 $0x7FFFFF, v11  }
0x39f: {  	v14 =	vand.u32 $0x7FFFFF, v12;
	v13 =	vor.u32 $0x3F800000, v13  }
0x3a0: {  	v14 =	vor.u32 $0x3F800000, v14;
	v15 =	vmul.f32 $5.000000000e-01, v13  }
0x3a1: {  	vm0 =	vge.f32 v13, $1.414213540e+00;
	v16 =	vmul.f32 $5.000000000e-01, v14  }
0x3a2: {  	vm1 =	vge.f32 v14, $1.414213540e+00;
	v13 =	vsel vm0, v15, v13  }
0x3a3: {  	v14 =	vsel vm1, v16, v14;
	v15 =	vadd.f32 $1.000000000e+00, v13  }
0x3a4: {  	v16 =	vadd.f32 $1.000000000e+00, v14  }
0x3a5: {  	(erf) = vrcp.f32 v15  }
0x3a6: {  	(erf) = vrcp.f32 v16;
	_ =	sdelay $0x7  }
0x3a7: {  	v14 =	vadd.f32 $-1.000000000e+00, v14;
	v15 =	vpop (erf)  }
0x3a8: {  	v13 =	vadd.f32 $-1.000000000e+00, v13;
	v16 =	vpop (erf)  }
0x3a9: {  	v14 =	vmul.f32 v16, v14  }
0x3aa: {  	v13 =	vmul.f32 v15, v13  }
0x3ab: {  	v15 =	vmul.f32 v14, v14  }
0x3ac: {  	v16 =	vmul.f32 v13, v13  }
0x3ad: {  	v17 =	vmul.f32 $3.205989000e-01, v15  }
0x3ae: {  	v18 =	vld [tilespmem:$0x3C80];
	v19 =	vmul.f32 $3.205989000e-01, v16  }
0x3af: {  	v17 =	vadd.f32 $4.121986030e-01, v17  }
0x3b0: {  	v19 =	vadd.f32 $4.121986030e-01, v19  }
0x3b1: {  	v17 =	vmul.f32 v17, v15  }
0x3b2: {  	v19 =	vmul.f32 v19, v16  }
0x3b3: {  	v18 =	vadd.f32 v18, v18;
	v17 =	vadd.f32 $5.770780440e-01, v17  }
0x3b4: {  	v19 =	vadd.f32 $5.770780440e-01, v19  }
0x3b5: {  	v18 =	vadd.f32 $-1.000000000e+00, v18;
	v17 =	vmul.f32 v17, v15  }
0x3b6: {  	v19 =	vmul.f32 v19, v16  }
0x3b7: {  	v18 =	vmul.f32 $1.442695020e+00, v18;
	v17 =	vadd.f32 $9.617967000e-01, v17  }
0x3b8: {  	v11 =	vshra.s32 v11, $0x17;
	v12 =	vshra.s32 v12, $0x17;
	v19 =	vadd.f32 $9.617967000e-01, v19  }
0x3b9: {  	s0 =	simm.s32 $0x500;
	v12 =	vadd.s32 $0xFFFFFF81, v12;
	(erf) = vpow2.f32 v18;
	v15 =	vmul.f32 v17, v15  }
0x3ba: {  	v26 =	vld [tilespmem:s0+$0x400];
	v11 =	vadd.s32 $0xFFFFFF81, v11;
	v12 =	vcvt.s32.f32 v12;
	v16 =	vmul.f32 v19, v16  }
0x3bb: {  	v11 =	vcvt.s32.f32 v11;
	v17 =	vsel vm1, $0x3F800000, v8;
	v15 =	vadd.f32 $2.885390040e+00, v15  }
0x3bc: {  	v18 =	vld [tilespmem:s0+$0x1400];
	v16 =	vadd.f32 $2.885390040e+00, v16;
	v12 =	vadd.f32 v12, v17;
	v17 =	vsel vm0, $0x3F800000, v8  }
0x3bd: {  	v11 =	vadd.f32 v11, v17;
	v17 =	vld [tilespmem:s0+$0x2400];
	v14 =	vmul.f32 v15, v14  }
0x3be: {  	v13 =	vmul.f32 v16, v13;
	v16 =	vld [tilespmem:s0+$0x2C00]  }
0x3bf: {  	v26 =	vadd.f32 v26, v26;
	v12 =	vadd.f32 v14, v12  }
0x3c0: {  	v15 =	vld [tilespmem:s0+$0xC00];
	v11 =	vadd.f32 v13, v11  }
0x3c1: {  	v26 =	vadd.f32 $-1.000000000e+00, v26;
	v12 =	vsub.f32 $0.0e+00, v12  }
0x3c2: {  	v13 =	vpop (erf);
	v14 =	vsub.f32 $0.0e+00, v11;
	v11 =	vand.u32 $0x7FFFFF, v18;
	v20 =	vand.u32 $0x7FFFFF, v17  }
0x3c3: {  	v11 =	vor.u32 $0x3F800000, v11;
	v19 =	vmul.f32 v12, v13;
	v13 =	vand.u32 $0x7FFFFF, v16  }
0x3c4: {  	v20 =	vor.u32 $0x3F800000, v20;
	v21 =	vmul.f32 $5.000000000e-01, v11;
	v13 =	vor.u32 $0x3F800000, v13  }
0x3c5: {  	vm5 =	vge.f32 v11, $1.414213540e+00;
	v12 =	vand.u32 $0x7FFFFF, v15;
	v22 =	vmul.f32 $5.000000000e-01, v13  }
0x3c6: {  	v12 =	vor.u32 $0x3F800000, v12;
	v21 =	vsel vm5, v21, v11;
	vm6 =	vge.f32 v13, $1.414213540e+00  }
0x3c7: {  	v23 =	vmul.f32 $5.000000000e-01, v12;
	v24 =	vadd.f32 $1.000000000e+00, v21;
	v22 =	vsel vm6, v22, v13  }
0x3c8: {  	vm3 =	vge.f32 v12, $1.414213540e+00;
	v13 =	vmul.f32 $5.000000000e-01, v20;
	v27 =	vadd.f32 $1.000000000e+00, v22  }
0x3c9: {  	vm0 =	vge.f32 v20, $1.414213540e+00;
	v23 =	vsel vm3, v23, v12;
	(erf) = vrcp.f32 v24  }
0x3ca: {  	v24 =	vsel vm0, v13, v20;
	v20 =	vadd.f32 $1.000000000e+00, v23;
	(erf) = vrcp.f32 v27  }
0x3cb: {  	s2 =	simm.s32 $0x510;
	v25 =	vld [tilespmem:s0+$0x1C00];
	vm1 =	vge.f32 v19, v14;
	v19 =	vadd.f32 $1.000000000e+00, v24  }
0x3cc: {  	v26 =	vmul.f32 $1.442695020e+00, v26;
	v17 =	vshra.s32 v17, $0x17;
	v11 =	vld [tilespmem:s2+$0x2400];
	(erf) = vrcp.f32 v20  }
0x3cd: {  	v18 =	vshra.s32 v18, $0x17;
	v17 =	vadd.s32 $0xFFFFFF81, v17;
	v14 =	vld [tilespmem:s2+$0x1400];
	(erf) = vrcp.f32 v19  }
0x3ce: {  	v30 =	vadd.s32 $0xFFFFFF81, v18;
	vm7 =	vmmov vm0;
	v15 =	vshra.s32 v15, $0x17;
	v12 =	vld [tilespmem:s2+$0x2C00]  }
0x3cf: {  	v16 =	vshra.s32 v16, $0x17;
	v29 =	vadd.s32 $0xFFFFFF81, v15;
	v21 =	vadd.f32 $-1.000000000e+00, v21;
	v13 =	vld [tilespmem:s2+$0xC00]  }
0x3d0: {  	s15 =	simm.s32 $0x0;
	v32 =	vadd.s32 $0xFFFFFF81, v16;
	v22 =	vadd.f32 $-1.000000000e+00, v22;
	v18 =	vadd.f32 $-1.000000000e+00, v23  }
0x3d1: {  	vm0 =	vmneg vm1;
	v27 =	vor.u32 s15, v10;
	v23 =	vadd.f32 $-1.000000000e+00, v24  }
0x3d2: {  	vm2 =	vlt.u32 v27, v5;
	vm1 =	veq.s32 v27, v5;
	v20 =	vand.u32 $0x7FFFFF, v11;
	v15 =	vpop (erf)  }
0x3d3: {  	v27 =	vand.u32 $0x7FFFFF, v14;
	v19 =	vadd.f32 v25, v25;
	v31 =	vmul.f32 v15, v21;
	v16 =	vpop (erf)  }
0x3d4: {  	v28 =	vand.u32 $0x7FFFFF, v12;
	v25 =	vand.u32 $0x7FFFFF, v13;
	v21 =	vmul.f32 v16, v22  }
0x3d5: {  	v15 =	vor.u32 $0x3F800000, v20;
	v20 =	vcvt.s32.f32 v17;
	v33 =	vmul.f32 v31, v31;
	v17 =	vpop (erf)  }
0x3d6: {  	v16 =	vor.u32 $0x3F800000, v25;
	v22 =	vmul.f32 v17, v18;
	v18 =	vpop (erf);
	v34 =	vmul.f32 v21, v21  }
0x3d7: {  	v17 =	vor.u32 $0x3F800000, v28;
	v25 =	vmul.f32 $3.205989000e-01, v33;
	v23 =	vmul.f32 v18, v23  }
0x3d8: {  	v18 =	vor.u32 $0x3F800000, v27;
	v28 =	vmul.f32 v22, v22;
	v27 =	vmul.f32 $3.205989000e-01, v34  }
0x3d9: {  	v24 =	vcvt.s32.f32 v29;
	v29 =	vadd.f32 $4.121986030e-01, v25;
	v35 =	vmul.f32 v23, v23  }
0x3da: {  	v30 =	vcvt.s32.f32 v30;
	v36 =	vmul.f32 $3.205989000e-01, v28;
	v27 =	vadd.f32 $4.121986030e-01, v27  }
0x3db: {  	v29 =	vmul.f32 v29, v33;
	v60 =	vmul.f32 $3.205989000e-01, v35  }
0x3dc: {  	v63 =	vsel vm5, $0x3F800000, v8;
	v36 =	vadd.f32 $4.121986030e-01, v36;
	v27 =	vmul.f32 v27, v34  }
0x3dd: {  	v25 =	vcvt.s32.f32 v32;
	v29 =	vadd.f32 $5.770780440e-01, v29;
	v32 =	vadd.f32 $4.121986030e-01, v60  }
0x3de: {  	v37 =	vadd.f32 $-1.000000000e+00, v19;
	v36 =	vmul.f32 v36, v28;
	v27 =	vadd.f32 $5.770780440e-01, v27  }
0x3df: {  	v30 =	vadd.f32 v30, v63;
	v29 =	vmul.f32 v29, v33;
	v32 =	vmul.f32 v32, v35  }
0x3e0: {  	v37 =	vmul.f32 $1.442695020e+00, v37;
	v36 =	vadd.f32 $5.770780440e-01, v36;
	v27 =	vmul.f32 v27, v34  }
0x3e1: {  	v19 =	vmul.f32 $5.000000000e-01, v15;
	v29 =	vadd.f32 $9.617967000e-01, v29;
	v32 =	vadd.f32 $5.770780440e-01, v32  }
0x3e2: {  	(erf) = vpow2.f32 v26;
	v36 =	vmul.f32 v36, v28;
	v27 =	vadd.f32 $9.617967000e-01, v27  }
0x3e3: {  	vm2 =	vmand vm2, vm0;
	v29 =	vmul.f32 v29, v33;
	v32 =	vmul.f32 v32, v35  }
0x3e4: {  	(erf) = vpow2.f32 v37;
	v61 =	vadd.f32 $9.617967000e-01, v36;
	v34 =	vmul.f32 v27, v34  }
0x3e5: {  	vm4 =	vge.f32 v15, $1.414213540e+00;
	v62 =	vadd.f32 $2.885390040e+00, v29;
	v32 =	vadd.f32 $9.617967000e-01, v32  }
0x3e6: {  	v26 =	vsel vm7, $0x3F800000, v8;
	v28 =	vmul.f32 v61, v28;
	v29 =	vadd.f32 $2.885390040e+00, v34  }
0x3e7: {  	s16 =	simm.s32 $0x1480;
	v27 =	vsel vm6, $0x3F800000, v8;
	v31 =	vmul.f32 v62, v31;
	v32 =	vmul.f32 v32, v35  }
.LBB2_14:
0x3e8: {  	p0 =	sne.s32 s16, $0x17C0;
	v28 =	vadd.f32 $2.885390040e+00, v28;
	v25 =	vadd.f32 v25, v27;
	v21 =	vmul.f32 v29, v21  }
0x3e9: {  	v27 =	vsel vm3, $0x3F800000, v8;
	v29 =	vadd.f32 v31, v30;
	v30 =	vadd.f32 $2.885390040e+00, v32  }
0x3ea: {  	v24 =	vadd.f32 v24, v27;
	v22 =	vmul.f32 v28, v22;
	v21 =	vadd.f32 v21, v25  }
0x3eb: {  	v20 =	vadd.f32 v20, v26;
	v25 =	vsub.f32 $0.0e+00, v29;
	v28 =	vmul.f32 v30, v23;
	v26 =	vpop (erf)  }
0x3ec: {  	v27 =	vmul.f32 $5.000000000e-01, v16;
	v22 =	vadd.f32 v22, v24;
	v21 =	vsub.f32 $0.0e+00, v21;
	v24 =	vld [tilespmem:s0+$0xFFFFFE00]  }
0x3ed: {  	vm5 =	vge.f32 v17, $1.414213540e+00;
	v25 =	vmul.f32 v25, v26;
	v20 =	vadd.f32 v28, v20;
	v23 =	vpop (erf)  }
0x3ee: {  	vm6 =	vge.f32 v18, $1.414213540e+00;
	v22 =	vxor.u32 $0x80000000, v22;
	v21 =	vmul.f32 v21, v23  }
0x3ef: {  	v23 =	vmul.f32 $5.000000000e-01, v18;
	vm3 =	vge.f32 v25, v22;
	v20 =	vxor.u32 $0x80000000, v20  }
0x3f0: {  	v22 =	vmul.f32 $5.000000000e-01, v17;
	v25 =	vsel vm3, $0x3F800000, v8;
	vm3 =	vge.f32 v21, v20  }
0x3f1: {  	v18 =	vsel vm6, v23, v18;
	v20 =	vmul.f32 v25, v24;
	vm2 =	vmand vm2, vm3  }
0x3f2: {  	v21 =	vadd.f32 $1.000000000e+00, v18;
	v17 =	vsel vm5, v22, v17;
	v23 =	vld [tilespmem:s2+$0x1C00];
	v22 =	vsel vm2, $0x0, v9  }
0x3f3: {  	s17 =	sshra.s32 s16, $0x2;
	vm3 =	vge.f32 v16, $1.414213540e+00;
	v25 =	vadd.f32 $1.000000000e+00, v17;
	v24 =	vld [tilespmem:s2+$0x400];
	v20 =	vmul.f32 v22, v20  }
0x3f4: {  	v19 =	vsel vm4, v19, v15;
	v16 =	vsel vm3, v27, v16;
	v22 =	vld [tilespmem:s17+$0x2400];
	(erf) = vrcp.f32 v21  }
0x3f5: {  	v21 =	vadd.f32 $1.000000000e+00, v16;
	v15 =	vld [tilespmem:s17+$0xC00];
	(erf) = vrcp.f32 v25;
	v20 =	vsel vm1, $0x0, v20  }
0x3f6: {  	s15 =	sadd.s32 $0x10, s15;
	vm7 =	vmmov vm4;
	v26 =	vadd.f32 $1.000000000e+00, v19;
	v25 =	vld [tilespmem:s17+$0x2C00];
	[tilespmem:s0+$0x3400] =	vst v20;
	s0 =	smov.u32 s2;
	s2 =	smov.u32 s17  }
0x3f7: {  	v27 =	vor.u32 s15, v10;
	v20 =	vld [tilespmem:s2+$0x1400];
	(erf) = vrcp.f32 v21  }
0x3f8: {  	vm2 =	vlt.u32 v27, v5;
	vm1 =	veq.s32 v27, v5;
	(erf) = vrcp.f32 v26  }
0x3f9: {  	vm2 =	vmand vm2, vm0;
	v21 =	vshra.s32 v13, $0x17;
	v26 =	vshra.s32 v11, $0x17;
	v11 =	vmovc v22  }
0x3fa: {  	v27 =	vshra.s32 v12, $0x17;
	v28 =	vadd.f32 v23, v23;
	v22 =	vshra.s32 v14, $0x17;
	v13 =	vmovc v15  }
0x3fb: {  	v29 =	vadd.f32 v24, v24;
	v15 =	vand.u32 $0x7FFFFF, v11;
	v23 =	vand.u32 $0x7FFFFF, v13;
	v12 =	vmovc v25  }
0x3fc: {  	v32 =	vadd.f32 $-1.000000000e+00, v18;
	v24 =	vand.u32 $0x7FFFFF, v20;
	v25 =	vand.u32 $0x7FFFFF, v12;
	v14 =	vmovc v20  }
0x3fd: {  	v33 =	vadd.f32 $-1.000000000e+00, v17;
	v30 =	vadd.s32 $0xFFFFFF81, v21;
	v20 =	vadd.s32 $0xFFFFFF81, v26;
	v21 =	vpop (erf)  }
0x3fe: {  	v27 =	vadd.s32 $0xFFFFFF81, v27;
	v26 =	vadd.s32 $0xFFFFFF81, v22;
	v31 =	vmul.f32 v21, v32;
	v18 =	vpop (erf)  }
0x3ff: {  	v15 =	vor.u32 $0x3F800000, v15;
	v22 =	vadd.f32 $-1.000000000e+00, v16;
	v21 =	vmul.f32 v18, v33  }
0x400: {  	v20 =	vcvt.s32.f32 v20;
	v18 =	vadd.f32 $-1.000000000e+00, v19;
	v32 =	vmul.f32 v31, v31;
	v17 =	vpop (erf)  }
0x401: {  	v16 =	vor.u32 $0x3F800000, v23;
	v22 =	vmul.f32 v17, v22;
	v33 =	vmul.f32 v21, v21;
	v19 =	vpop (erf)  }
0x402: {  	v17 =	vor.u32 $0x3F800000, v25;
	v25 =	vmul.f32 $3.205989000e-01, v32;
	v23 =	vmul.f32 v19, v18  }
0x403: {  	v18 =	vor.u32 $0x3F800000, v24;
	v34 =	vmul.f32 v22, v22;
	v19 =	vmul.f32 $3.205989000e-01, v33  }
0x404: {  	v24 =	vcvt.s32.f32 v30;
	v30 =	vadd.f32 $4.121986030e-01, v25;
	v35 =	vmul.f32 v23, v23  }
0x405: {  	v25 =	vcvt.s32.f32 v27;
	v36 =	vmul.f32 $3.205989000e-01, v34;
	v19 =	vadd.f32 $4.121986030e-01, v19  }
0x406: {  	v28 =	vadd.f32 $-1.000000000e+00, v28;
	v27 =	vmul.f32 v30, v32;
	v30 =	vmul.f32 $3.205989000e-01, v35  }
0x407: {  	v29 =	vadd.f32 $-1.000000000e+00, v29;
	v36 =	vadd.f32 $4.121986030e-01, v36;
	v37 =	vmul.f32 v19, v33  }
0x408: {  	v38 =	vcvt.s32.f32 v26;
	v26 =	vadd.f32 $5.770780440e-01, v27;
	v27 =	vadd.f32 $4.121986030e-01, v30  }
0x409: {  	v19 =	vmul.f32 $5.000000000e-01, v15;
	v30 =	vmul.f32 v36, v34;
	v36 =	vadd.f32 $5.770780440e-01, v37  }
0x40a: {  	vm4 =	vge.f32 v15, $1.414213540e+00;
	v26 =	vmul.f32 v26, v32;
	v27 =	vmul.f32 v27, v35  }
0x40b: {  	v29 =	vmul.f32 $1.442695020e+00, v29;
	v30 =	vadd.f32 $5.770780440e-01, v30;
	v36 =	vmul.f32 v36, v33  }
0x40c: {  	v28 =	vmul.f32 $1.442695020e+00, v28;
	v26 =	vadd.f32 $9.617967000e-01, v26;
	v27 =	vadd.f32 $5.770780440e-01, v27  }
0x40d: {  	v30 =	vmul.f32 v30, v34;
	v36 =	vadd.f32 $9.617967000e-01, v36;
	(erf) = vpow2.f32 v29  }
.Ltmp6:
0x40e: {  	v29 =	vmul.f32 v26, v32;
	v26 =	vsel vm7, $0x3F800000, v8;
	v27 =	vmul.f32 v27, v35;
	(pc) =	sbr.rel @p0 .LBB2_14-.Ltmp6, $4  }
0x40f: {  	v30 =	vadd.f32 $9.617967000e-01, v30;
	v32 =	vmul.f32 v36, v33;
	(erf) = vpow2.f32 v28  }
0x410: {  	v33 =	vadd.f32 $2.885390040e+00, v29;
	v36 =	vadd.f32 $9.617967000e-01, v27;
	v27 =	vsel vm5, $0x3F800000, v8  }
0x411: {  	v28 =	vmul.f32 v30, v34;
	v30 =	vsel vm6, $0x3F800000, v8;
	v29 =	vadd.f32 $2.885390040e+00, v32  }
0x412: {  	s16 =	sadd.s32 $0x40, s16;
	v30 =	vadd.f32 v38, v30;
	v31 =	vmul.f32 v33, v31;
	v32 =	vmul.f32 v36, v35  }
0x413: {  	v28 =	vadd.f32 $2.885390040e+00, v28  }
0x414: {  	v25 =	vadd.f32 v25, v27;
	v21 =	vmul.f32 v29, v21;
	v27 =	vsel vm3, $0x3F800000, v8  }
0x415: {  	v20 =	vadd.f32 v20, v26;
	v24 =	vadd.f32 v24, v27;
	v22 =	vmul.f32 v28, v22  }
0x416: {  	v26 =	vmul.f32 $5.000000000e-01, v16;
	v29 =	vadd.f32 v31, v30;
	v30 =	vadd.f32 $2.885390040e+00, v32  }
0x417: {  	vm3 =	vge.f32 v18, $1.414213540e+00;
	v22 =	vadd.f32 v22, v24;
	v24 =	vmul.f32 $5.000000000e-01, v18  }
0x418: {  	vm6 =	vge.f32 v17, $1.414213540e+00;
	v21 =	vadd.f32 v21, v25;
	v23 =	vmul.f32 v30, v23  }
0x419: {  	v28 =	vmul.f32 $5.000000000e-01, v17;
	v25 =	vsub.f32 $0.0e+00, v29;
	v18 =	vsel vm3, v24, v18  }
0x41a: {  	vm5 =	vge.f32 v16, $1.414213540e+00;
	v20 =	vadd.f32 v23, v20;
	v23 =	vadd.f32 $1.000000000e+00, v18  }
0x41b: {  	v16 =	vsel vm5, v26, v16;
	v27 =	vpop (erf);
	v17 =	vsel vm6, v28, v17  }
0x41c: {  	v25 =	vmul.f32 v25, v27;
	v27 =	vpop (erf);
	v28 =	vadd.f32 $1.000000000e+00, v17;
	(erf) = vrcp.f32 v23  }
0x41d: {  	v15 =	vsel vm4, v19, v15;
	v19 =	vadd.f32 $1.000000000e+00, v16;
	v22 =	vxor.u32 $0x80000000, v22  }
0x41e: {  	vm7 =	vge.f32 v25, v22;
	v22 =	vadd.f32 $1.000000000e+00, v15;
	(erf) = vrcp.f32 v28  }
0x41f: {  	(erf) = vrcp.f32 v19  }
0x420: {  	(erf) = vrcp.f32 v22;
	_ =	sdelay $0x1  }
0x421: {  	v13 =	vshra.s32 v13, $0x17;
	v21 =	vsub.f32 $0.0e+00, v21;
	v24 =	vld [tilespmem:s0+$0xFFFFFE00]  }
0x422: {  	v11 =	vshra.s32 v11, $0x17;
	v14 =	vshra.s32 v14, $0x17;
	v13 =	vadd.s32 $0xFFFFFF81, v13  }
0x423: {  	v11 =	vadd.s32 $0xFFFFFF81, v11;
	v21 =	vmul.f32 v21, v27;
	v18 =	vadd.f32 $-1.000000000e+00, v18  }
0x424: {  	v11 =	vcvt.s32.f32 v11;
	v20 =	vxor.u32 $0x80000000, v20;
	v23 =	vsel vm7, $0x3F800000, v8;
	v22 =	vpop (erf)  }
0x425: {  	v17 =	vadd.f32 $-1.000000000e+00, v17;
	vm7 =	vge.f32 v21, v20;
	v18 =	vmul.f32 v22, v18  }
0x426: {  	v15 =	vadd.f32 $-1.000000000e+00, v15;
	vm2 =	vmand vm2, vm7;
	v19 =	vmul.f32 v23, v24;
	v22 =	vpop (erf)  }
0x427: {  	v20 =	vsel vm2, $0x0, v9;
	v17 =	vmul.f32 v22, v17;
	v23 =	vpop (erf);
	v22 =	vmul.f32 v18, v18  }
0x428: {  	v13 =	vcvt.s32.f32 v13;
	v16 =	vadd.f32 $-1.000000000e+00, v16;
	v21 =	vld [tilespmem:s2+$0x1C00];
	v19 =	vmul.f32 v20, v19;
	v24 =	vpop (erf)  }
0x429: {  	v12 =	vshra.s32 v12, $0x17;
	v20 =	vld [tilespmem:s2+$0x400];
	v15 =	vmul.f32 v24, v15;
	v25 =	vmul.f32 $3.205989000e-01, v22  }
0x42a: {  	v12 =	vadd.s32 $0xFFFFFF81, v12;
	v16 =	vmul.f32 v23, v16;
	v23 =	vmul.f32 v17, v17  }
0x42b: {  	v12 =	vcvt.s32.f32 v12;
	v27 =	vmul.f32 v15, v15;
	v25 =	vadd.f32 $4.121986030e-01, v25  }
0x42c: {  	v14 =	vadd.s32 $0xFFFFFF81, v14;
	v24 =	vmul.f32 v16, v16;
	v26 =	vmul.f32 $3.205989000e-01, v23  }
0x42d: {  	v21 =	vadd.f32 v21, v21;
	v29 =	vmul.f32 $3.205989000e-01, v27;
	v25 =	vmul.f32 v25, v22  }
0x42e: {  	v20 =	vadd.f32 v20, v20;
	v28 =	vmul.f32 $3.205989000e-01, v24;
	v26 =	vadd.f32 $4.121986030e-01, v26  }
0x42f: {  	v14 =	vcvt.s32.f32 v14;
	v29 =	vadd.f32 $4.121986030e-01, v29;
	v25 =	vadd.f32 $5.770780440e-01, v25  }
0x430: {  	v20 =	vadd.f32 $-1.000000000e+00, v20;
	v28 =	vadd.f32 $4.121986030e-01, v28;
	v26 =	vmul.f32 v26, v23  }
0x431: {  	v21 =	vadd.f32 $-1.000000000e+00, v21;
	v29 =	vmul.f32 v29, v27;
	v25 =	vmul.f32 v25, v22  }
0x432: {  	v20 =	vmul.f32 $1.442695020e+00, v20;
	v28 =	vmul.f32 v28, v24;
	v26 =	vadd.f32 $5.770780440e-01, v26  }
0x433: {  	v21 =	vmul.f32 $1.442695020e+00, v21;
	v29 =	vadd.f32 $5.770780440e-01, v29;
	v25 =	vadd.f32 $9.617967000e-01, v25  }
0x434: {  	(erf) = vpow2.f32 v20;
	v28 =	vadd.f32 $5.770780440e-01, v28;
	v26 =	vmul.f32 v26, v23  }
0x435: {  	v20 =	vmul.f32 v25, v22;
	v25 =	vmul.f32 v29, v27  }
0x436: {  	v19 =	vsel vm1, $0x0, v19;
	v28 =	vmul.f32 v28, v24;
	v26 =	vadd.f32 $9.617967000e-01, v26  }
0x437: {  	(erf) = vpow2.f32 v21;
	v20 =	vadd.f32 $2.885390040e+00, v20;
	v21 =	vadd.f32 $9.617967000e-01, v25  }
0x438: {  	v28 =	vadd.f32 $9.617967000e-01, v28;
	v23 =	vmul.f32 v26, v23;
	v26 =	vsel vm3, $0x3F800000, v8  }
0x439: {  	v14 =	vadd.f32 v14, v26;
	v18 =	vmul.f32 v20, v18;
	v20 =	vmul.f32 v21, v27  }
0x43a: {  	vm1 =	vmmov vm4;
	v24 =	vmul.f32 v28, v24;
	v23 =	vadd.f32 $2.885390040e+00, v23  }
0x43b: {  	v25 =	vsel vm6, $0x3F800000, v8;
	v14 =	vadd.f32 v18, v14;
	v18 =	vadd.f32 $2.885390040e+00, v20  }
0x43c: {  	v12 =	vadd.f32 v12, v25;
	v21 =	vadd.f32 $2.885390040e+00, v24;
	v17 =	vmul.f32 v23, v17  }
0x43d: {  	v22 =	vsel vm1, $0x3F800000, v8;
	v23 =	vsel vm5, $0x3F800000, v8;
	v15 =	vmul.f32 v18, v15  }
0x43e: {  	v13 =	vadd.f32 v13, v23;
	v16 =	vmul.f32 v21, v16;
	v12 =	vadd.f32 v17, v12  }
0x43f: {  	[tilespmem:s0+$0x3400] =	vst v19;
	v11 =	vadd.f32 v11, v22;
	v14 =	vsub.f32 $0.0e+00, v14  }
0x440: {  	v13 =	vadd.f32 v16, v13;
	v16 =	vld [tilespmem:s2+$0xFFFFFE00];
	v17 =	vpop (erf);
	v12 =	vsub.f32 $0.0e+00, v12  }
0x441: {  	s17 =	sadd.s32 $0x10, s15;
	v14 =	vmul.f32 v14, v17;
	v11 =	vadd.f32 v15, v11;
	v15 =	vpop (erf)  }
0x442: {  	v17 =	vor.u32 s17, v10;
	v13 =	vxor.u32 $0x80000000, v13;
	v12 =	vmul.f32 v12, v15  }
0x443: {  	vm1 =	vlt.u32 v17, v5;
	vm2 =	vge.f32 v14, v13;
	v11 =	vxor.u32 $0x80000000, v11  }
0x444: {  	vm0 =	vmand vm1, vm0;
	v13 =	vsel vm2, $0x3F800000, v8;
	vm1 =	vge.f32 v12, v11  }
0x445: {  	v11 =	vmul.f32 v13, v16;
	vm0 =	vmand vm0, vm1  }
0x446: {  	v12 =	vsel vm0, $0x0, v9  }
0x447: {  	v11 =	vmul.f32 v12, v11  }
0x448: {  	vm0 =	veq.s32 v17, v5  }
0x449: {  	v11 =	vsel vm0, $0x0, v11  }
0x44a: {  	[tilespmem:s2+$0x3400] =	vst v11  }
0x44b: {  	[tilespmem:$0x3C00] =	vst v6  }
0x44c: {  	[tilespmem:s25], [sflag:$0x1] =	stream.indirect.gather [hbm4b:s1+s23], $0x1, s24, s23, $0xb8;
	[tilespmem:$0x3E00] =	vst v63  }
0x44d: {  	_ =	swait.ge [sflag:s26], $0x10  }
0x44e: {  	[sflag:s26] =	ssyncset.done $0x0  }
0x44f: {  	[sflag:s26] =	ssyncadd.s32 $0xFFFFFFF0  }
0x450: {  	[tilespmem:s28], [sflag:$0x1] =	stream.indirect.gather [hbm4b:s4+s23], $0x1, s24, s23, $0xb8;
	[tilespmem:$0x3E00] =	vst v63  }
0x451: {  	_ =	swait.ge [sflag:s26], $0x10  }
0x452: {  	[sflag:s26] =	ssyncset.done $0x0  }
0x453: {  	[sflag:s26] =	ssyncadd.s32 $0xFFFFFFF0  }
0x454: {  	[tilespmem:s29], [sflag:$0x1] =	stream.indirect.gather [hbm4b:s5+s23], $0x1, s24, s23, $0xb8;
	[tilespmem:$0x3E00] =	vst v63  }
0x455: {  	_ =	swait.ge [sflag:s26], $0x10  }
0x456: {  	[sflag:s26] =	ssyncset.done $0x0  }
0x457: {  	[sflag:s26] =	ssyncadd.s32 $0xFFFFFFF0  }
0x458: {  	v11 =	vld [tilespmem:$0x3D00]  }
0x459: {  	v12 =	vld [tilespmem:$0x3D80];
	_ =	sdelay $0x3  }
0x45a: {  	v13 =	vand.u32 $0x7FFFFF, v11  }
0x45b: {  	v14 =	vand.u32 $0x7FFFFF, v12;
	v13 =	vor.u32 $0x3F800000, v13  }
0x45c: {  	v14 =	vor.u32 $0x3F800000, v14;
	v15 =	vmul.f32 $5.000000000e-01, v13  }
0x45d: {  	vm0 =	vge.f32 v13, $1.414213540e+00;
	v16 =	vmul.f32 $5.000000000e-01, v14  }
0x45e: {  	vm1 =	vge.f32 v14, $1.414213540e+00;
	v13 =	vsel vm0, v15, v13  }
0x45f: {  	v14 =	vsel vm1, v16, v14;
	v15 =	vadd.f32 $1.000000000e+00, v13  }
0x460: {  	v16 =	vadd.f32 $1.000000000e+00, v14  }
0x461: {  	(erf) = vrcp.f32 v15  }
0x462: {  	(erf) = vrcp.f32 v16;
	_ =	sdelay $0x7  }
0x463: {  	v14 =	vadd.f32 $-1.000000000e+00, v14;
	v15 =	vpop (erf)  }
0x464: {  	v13 =	vadd.f32 $-1.000000000e+00, v13;
	v16 =	vpop (erf)  }
0x465: {  	v14 =	vmul.f32 v16, v14  }
0x466: {  	v13 =	vmul.f32 v15, v13  }
0x467: {  	v15 =	vmul.f32 v14, v14  }
0x468: {  	v16 =	vmul.f32 v13, v13  }
0x469: {  	v17 =	vmul.f32 $3.205989000e-01, v15  }
0x46a: {  	v18 =	vld [tilespmem:$0x3C80];
	v19 =	vmul.f32 $3.205989000e-01, v16  }
0x46b: {  	v17 =	vadd.f32 $4.121986030e-01, v17  }
0x46c: {  	v19 =	vadd.f32 $4.121986030e-01, v19  }
0x46d: {  	v17 =	vmul.f32 v17, v15  }
0x46e: {  	v19 =	vmul.f32 v19, v16  }
0x46f: {  	v18 =	vadd.f32 v18, v18;
	v17 =	vadd.f32 $5.770780440e-01, v17  }
0x470: {  	v19 =	vadd.f32 $5.770780440e-01, v19  }
0x471: {  	v18 =	vadd.f32 $-1.000000000e+00, v18;
	v17 =	vmul.f32 v17, v15  }
0x472: {  	v19 =	vmul.f32 v19, v16  }
0x473: {  	v18 =	vmul.f32 $1.442695020e+00, v18;
	v17 =	vadd.f32 $9.617967000e-01, v17  }
0x474: {  	v11 =	vshra.s32 v11, $0x17;
	v12 =	vshra.s32 v12, $0x17;
	v19 =	vadd.f32 $9.617967000e-01, v19  }
0x475: {  	v12 =	vadd.s32 $0xFFFFFF81, v12;
	(erf) = vpow2.f32 v18;
	v15 =	vmul.f32 v17, v15  }
0x476: {  	s0 =	simm.s32 $0x600;
	v11 =	vadd.s32 $0xFFFFFF81, v11;
	v12 =	vcvt.s32.f32 v12;
	v16 =	vmul.f32 v19, v16  }
0x477: {  	v26 =	vld [tilespmem:s0+$0x400];
	v11 =	vcvt.s32.f32 v11;
	v17 =	vsel vm1, $0x3F800000, v8;
	v15 =	vadd.f32 $2.885390040e+00, v15  }
0x478: {  	v18 =	vld [tilespmem:s0+$0x1400];
	v16 =	vadd.f32 $2.885390040e+00, v16;
	v12 =	vadd.f32 v12, v17;
	v17 =	vsel vm0, $0x3F800000, v8  }
0x479: {  	v11 =	vadd.f32 v11, v17;
	v17 =	vld [tilespmem:s0+$0x2400];
	v14 =	vmul.f32 v15, v14  }
0x47a: {  	v13 =	vmul.f32 v16, v13;
	v16 =	vld [tilespmem:s0+$0x2C00]  }
0x47b: {  	v12 =	vadd.f32 v14, v12  }
0x47c: {  	v15 =	vld [tilespmem:s0+$0xC00];
	v11 =	vadd.f32 v13, v11  }
0x47d: {  	v26 =	vadd.f32 v26, v26;
	v12 =	vsub.f32 $0.0e+00, v12  }
0x47e: {  	v13 =	vpop (erf);
	v14 =	vsub.f32 $0.0e+00, v11;
	v11 =	vand.u32 $0x7FFFFF, v18;
	v20 =	vand.u32 $0x7FFFFF, v17  }
0x47f: {  	v11 =	vor.u32 $0x3F800000, v11;
	v19 =	vmul.f32 v12, v13;
	v13 =	vand.u32 $0x7FFFFF, v16  }
0x480: {  	v20 =	vor.u32 $0x3F800000, v20;
	v21 =	vmul.f32 $5.000000000e-01, v11;
	v13 =	vor.u32 $0x3F800000, v13  }
0x481: {  	vm5 =	vge.f32 v11, $1.414213540e+00;
	v12 =	vand.u32 $0x7FFFFF, v15;
	v22 =	vmul.f32 $5.000000000e-01, v13  }
0x482: {  	v12 =	vor.u32 $0x3F800000, v12;
	v21 =	vsel vm5, v21, v11;
	vm6 =	vge.f32 v13, $1.414213540e+00  }
0x483: {  	v23 =	vmul.f32 $5.000000000e-01, v12;
	v24 =	vadd.f32 $1.000000000e+00, v21;
	v22 =	vsel vm6, v22, v13  }
0x484: {  	vm3 =	vge.f32 v12, $1.414213540e+00;
	v13 =	vmul.f32 $5.000000000e-01, v20;
	v27 =	vadd.f32 $1.000000000e+00, v22  }
0x485: {  	vm0 =	vge.f32 v20, $1.414213540e+00;
	v23 =	vsel vm3, v23, v12;
	(erf) = vrcp.f32 v24  }
0x486: {  	v24 =	vsel vm0, v13, v20;
	v20 =	vadd.f32 $1.000000000e+00, v23;
	(erf) = vrcp.f32 v27  }
0x487: {  	s2 =	simm.s32 $0x610;
	v25 =	vld [tilespmem:s0+$0x1C00];
	vm1 =	vge.f32 v19, v14;
	v19 =	vadd.f32 $1.000000000e+00, v24  }
0x488: {  	v26 =	vadd.f32 $-1.000000000e+00, v26;
	v17 =	vshra.s32 v17, $0x17;
	v11 =	vld [tilespmem:s2+$0x2400];
	(erf) = vrcp.f32 v20  }
0x489: {  	v18 =	vshra.s32 v18, $0x17;
	v17 =	vadd.s32 $0xFFFFFF81, v17;
	v14 =	vld [tilespmem:s2+$0x1400];
	(erf) = vrcp.f32 v19  }
0x48a: {  	v30 =	vadd.s32 $0xFFFFFF81, v18;
	vm7 =	vmmov vm0;
	v15 =	vshra.s32 v15, $0x17;
	v12 =	vld [tilespmem:s2+$0x2C00]  }
0x48b: {  	v16 =	vshra.s32 v16, $0x17;
	v29 =	vadd.s32 $0xFFFFFF81, v15;
	v21 =	vadd.f32 $-1.000000000e+00, v21;
	v13 =	vld [tilespmem:s2+$0xC00]  }
0x48c: {  	s15 =	simm.s32 $0x0;
	v59 =	vadd.s32 $0xFFFFFF81, v16;
	v22 =	vadd.f32 $-1.000000000e+00, v22;
	v18 =	vadd.f32 $-1.000000000e+00, v23  }
0x48d: {  	vm0 =	vmneg vm1;
	v27 =	vor.u32 s15, v10;
	v23 =	vadd.f32 $-1.000000000e+00, v24  }
0x48e: {  	vm2 =	vlt.u32 v27, v6;
	vm1 =	veq.s32 v27, v6;
	v20 =	vand.u32 $0x7FFFFF, v11;
	v15 =	vpop (erf)  }
0x48f: {  	v27 =	vand.u32 $0x7FFFFF, v14;
	v19 =	vadd.f32 v25, v25;
	v31 =	vmul.f32 v15, v21;
	v16 =	vpop (erf)  }
0x490: {  	v28 =	vand.u32 $0x7FFFFF, v12;
	v25 =	vand.u32 $0x7FFFFF, v13;
	v21 =	vmul.f32 v16, v22  }
0x491: {  	v15 =	vor.u32 $0x3F800000, v20;
	v20 =	vcvt.s32.f32 v17;
	v33 =	vmul.f32 v31, v31;
	v17 =	vpop (erf)  }
0x492: {  	v16 =	vor.u32 $0x3F800000, v25;
	v22 =	vmul.f32 v17, v18;
	v18 =	vpop (erf);
	v34 =	vmul.f32 v21, v21  }
0x493: {  	v17 =	vor.u32 $0x3F800000, v28;
	v25 =	vmul.f32 $3.205989000e-01, v33;
	v23 =	vmul.f32 v18, v23  }
0x494: {  	v18 =	vor.u32 $0x3F800000, v27;
	v28 =	vmul.f32 v22, v22;
	v27 =	vmul.f32 $3.205989000e-01, v34  }
0x495: {  	v24 =	vcvt.s32.f32 v29;
	v29 =	vadd.f32 $4.121986030e-01, v25;
	v35 =	vmul.f32 v23, v23  }
0x496: {  	v30 =	vcvt.s32.f32 v30;
	v36 =	vmul.f32 $3.205989000e-01, v28;
	v27 =	vadd.f32 $4.121986030e-01, v27  }
0x497: {  	v63 =	vsel vm5, $0x3F800000, v8;
	v29 =	vmul.f32 v29, v33;
	v60 =	vmul.f32 $3.205989000e-01, v35  }
0x498: {  	v30 =	vadd.f32 v30, v63;
	v36 =	vadd.f32 $4.121986030e-01, v36;
	v27 =	vmul.f32 v27, v34  }
0x499: {  	v26 =	vmul.f32 $1.442695020e+00, v26;
	v29 =	vadd.f32 $5.770780440e-01, v29;
	v32 =	vadd.f32 $4.121986030e-01, v60  }
0x49a: {  	v37 =	vadd.f32 $-1.000000000e+00, v19;
	v36 =	vmul.f32 v36, v28;
	v27 =	vadd.f32 $5.770780440e-01, v27  }
0x49b: {  	vm2 =	vmand vm2, vm0;
	v29 =	vmul.f32 v29, v33;
	v32 =	vmul.f32 v32, v35  }
0x49c: {  	v37 =	vmul.f32 $1.442695020e+00, v37;
	v36 =	vadd.f32 $5.770780440e-01, v36;
	v27 =	vmul.f32 v27, v34  }
0x49d: {  	v19 =	vmul.f32 $5.000000000e-01, v15;
	v29 =	vadd.f32 $9.617967000e-01, v29;
	v32 =	vadd.f32 $5.770780440e-01, v32  }
0x49e: {  	(erf) = vpow2.f32 v26;
	v36 =	vmul.f32 v36, v28;
	v27 =	vadd.f32 $9.617967000e-01, v27  }
0x49f: {  	vm4 =	vge.f32 v15, $1.414213540e+00;
	v29 =	vmul.f32 v29, v33;
	v32 =	vmul.f32 v32, v35  }
0x4a0: {  	(erf) = vpow2.f32 v37;
	v61 =	vadd.f32 $9.617967000e-01, v36;
	v34 =	vmul.f32 v27, v34  }
0x4a1: {  	v26 =	vsel vm7, $0x3F800000, v8;
	v62 =	vadd.f32 $2.885390040e+00, v29;
	v32 =	vadd.f32 $9.617967000e-01, v32  }
0x4a2: {  	v25 =	vcvt.s32.f32 v59;
	v28 =	vmul.f32 v61, v28;
	v29 =	vadd.f32 $2.885390040e+00, v34  }
0x4a3: {  	s16 =	simm.s32 $0x1880;
	v27 =	vsel vm6, $0x3F800000, v8;
	v31 =	vmul.f32 v62, v31;
	v32 =	vmul.f32 v32, v35  }
.LBB2_16:
0x4a4: {  	p0 =	sne.s32 s16, $0x1BC0;
	v28 =	vadd.f32 $2.885390040e+00, v28;
	v25 =	vadd.f32 v25, v27;
	v21 =	vmul.f32 v29, v21  }
0x4a5: {  	v27 =	vsel vm3, $0x3F800000, v8;
	v29 =	vadd.f32 v31, v30;
	v30 =	vadd.f32 $2.885390040e+00, v32  }
0x4a6: {  	v24 =	vadd.f32 v24, v27;
	v22 =	vmul.f32 v28, v22;
	v21 =	vadd.f32 v21, v25  }
0x4a7: {  	v20 =	vadd.f32 v20, v26;
	v25 =	vsub.f32 $0.0e+00, v29;
	v28 =	vmul.f32 v30, v23;
	v26 =	vpop (erf)  }
0x4a8: {  	v27 =	vmul.f32 $5.000000000e-01, v16;
	v22 =	vadd.f32 v22, v24;
	v21 =	vsub.f32 $0.0e+00, v21;
	v24 =	vld [tilespmem:s0+$0xFFFFFD00]  }
0x4a9: {  	vm5 =	vge.f32 v17, $1.414213540e+00;
	v25 =	vmul.f32 v25, v26;
	v20 =	vadd.f32 v28, v20;
	v23 =	vpop (erf)  }
0x4aa: {  	vm6 =	vge.f32 v18, $1.414213540e+00;
	v22 =	vxor.u32 $0x80000000, v22;
	v21 =	vmul.f32 v21, v23  }
0x4ab: {  	v23 =	vmul.f32 $5.000000000e-01, v18;
	vm3 =	vge.f32 v25, v22;
	v20 =	vxor.u32 $0x80000000, v20  }
0x4ac: {  	v22 =	vmul.f32 $5.000000000e-01, v17;
	v25 =	vsel vm3, $0x3F800000, v8;
	vm3 =	vge.f32 v21, v20  }
0x4ad: {  	v18 =	vsel vm6, v23, v18;
	v20 =	vmul.f32 v25, v24;
	vm2 =	vmand vm2, vm3  }
0x4ae: {  	v21 =	vadd.f32 $1.000000000e+00, v18;
	v17 =	vsel vm5, v22, v17;
	v23 =	vld [tilespmem:s2+$0x1C00];
	v22 =	vsel vm2, $0x0, v9  }
0x4af: {  	s17 =	sshra.s32 s16, $0x2;
	vm3 =	vge.f32 v16, $1.414213540e+00;
	v25 =	vadd.f32 $1.000000000e+00, v17;
	v24 =	vld [tilespmem:s2+$0x400];
	v20 =	vmul.f32 v22, v20  }
0x4b0: {  	v19 =	vsel vm4, v19, v15;
	v16 =	vsel vm3, v27, v16;
	v22 =	vld [tilespmem:s17+$0x2400];
	(erf) = vrcp.f32 v21  }
0x4b1: {  	v21 =	vadd.f32 $1.000000000e+00, v16;
	v15 =	vld [tilespmem:s17+$0xC00];
	(erf) = vrcp.f32 v25;
	v20 =	vsel vm1, $0x0, v20  }
0x4b2: {  	s15 =	sadd.s32 $0x10, s15;
	vm7 =	vmmov vm4;
	v26 =	vadd.f32 $1.000000000e+00, v19;
	v25 =	vld [tilespmem:s17+$0x2C00];
	[tilespmem:s0+$0x3400] =	vst v20;
	s0 =	smov.u32 s2;
	s2 =	smov.u32 s17  }
0x4b3: {  	v27 =	vor.u32 s15, v10;
	v20 =	vld [tilespmem:s2+$0x1400];
	(erf) = vrcp.f32 v21  }
0x4b4: {  	vm2 =	vlt.u32 v27, v6;
	vm1 =	veq.s32 v27, v6;
	(erf) = vrcp.f32 v26  }
0x4b5: {  	vm2 =	vmand vm2, vm0;
	v21 =	vshra.s32 v13, $0x17;
	v26 =	vshra.s32 v11, $0x17;
	v11 =	vmovc v22  }
0x4b6: {  	v27 =	vshra.s32 v12, $0x17;
	v28 =	vadd.f32 v23, v23;
	v22 =	vshra.s32 v14, $0x17;
	v13 =	vmovc v15  }
0x4b7: {  	v29 =	vadd.f32 v24, v24;
	v15 =	vand.u32 $0x7FFFFF, v11;
	v23 =	vand.u32 $0x7FFFFF, v13;
	v12 =	vmovc v25  }
0x4b8: {  	v32 =	vadd.f32 $-1.000000000e+00, v18;
	v24 =	vand.u32 $0x7FFFFF, v20;
	v25 =	vand.u32 $0x7FFFFF, v12;
	v14 =	vmovc v20  }
0x4b9: {  	v33 =	vadd.f32 $-1.000000000e+00, v17;
	v30 =	vadd.s32 $0xFFFFFF81, v21;
	v20 =	vadd.s32 $0xFFFFFF81, v26;
	v21 =	vpop (erf)  }
0x4ba: {  	v27 =	vadd.s32 $0xFFFFFF81, v27;
	v26 =	vadd.s32 $0xFFFFFF81, v22;
	v31 =	vmul.f32 v21, v32;
	v18 =	vpop (erf)  }
0x4bb: {  	v15 =	vor.u32 $0x3F800000, v15;
	v22 =	vadd.f32 $-1.000000000e+00, v16;
	v21 =	vmul.f32 v18, v33  }
0x4bc: {  	v20 =	vcvt.s32.f32 v20;
	v18 =	vadd.f32 $-1.000000000e+00, v19;
	v32 =	vmul.f32 v31, v31;
	v17 =	vpop (erf)  }
0x4bd: {  	v16 =	vor.u32 $0x3F800000, v23;
	v22 =	vmul.f32 v17, v22;
	v33 =	vmul.f32 v21, v21;
	v19 =	vpop (erf)  }
0x4be: {  	v17 =	vor.u32 $0x3F800000, v25;
	v25 =	vmul.f32 $3.205989000e-01, v32;
	v23 =	vmul.f32 v19, v18  }
0x4bf: {  	v18 =	vor.u32 $0x3F800000, v24;
	v34 =	vmul.f32 v22, v22;
	v19 =	vmul.f32 $3.205989000e-01, v33  }
0x4c0: {  	v24 =	vcvt.s32.f32 v30;
	v30 =	vadd.f32 $4.121986030e-01, v25;
	v35 =	vmul.f32 v23, v23  }
0x4c1: {  	v25 =	vcvt.s32.f32 v27;
	v36 =	vmul.f32 $3.205989000e-01, v34;
	v19 =	vadd.f32 $4.121986030e-01, v19  }
0x4c2: {  	v28 =	vadd.f32 $-1.000000000e+00, v28;
	v27 =	vmul.f32 v30, v32;
	v30 =	vmul.f32 $3.205989000e-01, v35  }
0x4c3: {  	v29 =	vadd.f32 $-1.000000000e+00, v29;
	v36 =	vadd.f32 $4.121986030e-01, v36;
	v37 =	vmul.f32 v19, v33  }
0x4c4: {  	v38 =	vcvt.s32.f32 v26;
	v26 =	vadd.f32 $5.770780440e-01, v27;
	v27 =	vadd.f32 $4.121986030e-01, v30  }
0x4c5: {  	v19 =	vmul.f32 $5.000000000e-01, v15;
	v30 =	vmul.f32 v36, v34;
	v36 =	vadd.f32 $5.770780440e-01, v37  }
0x4c6: {  	vm4 =	vge.f32 v15, $1.414213540e+00;
	v26 =	vmul.f32 v26, v32;
	v27 =	vmul.f32 v27, v35  }
0x4c7: {  	v29 =	vmul.f32 $1.442695020e+00, v29;
	v30 =	vadd.f32 $5.770780440e-01, v30;
	v36 =	vmul.f32 v36, v33  }
0x4c8: {  	v28 =	vmul.f32 $1.442695020e+00, v28;
	v26 =	vadd.f32 $9.617967000e-01, v26;
	v27 =	vadd.f32 $5.770780440e-01, v27  }
0x4c9: {  	v30 =	vmul.f32 v30, v34;
	v36 =	vadd.f32 $9.617967000e-01, v36;
	(erf) = vpow2.f32 v29  }
.Ltmp7:
0x4ca: {  	v29 =	vmul.f32 v26, v32;
	v26 =	vsel vm7, $0x3F800000, v8;
	v27 =	vmul.f32 v27, v35;
	(pc) =	sbr.rel @p0 .LBB2_16-.Ltmp7, $4  }
0x4cb: {  	v30 =	vadd.f32 $9.617967000e-01, v30;
	v32 =	vmul.f32 v36, v33;
	(erf) = vpow2.f32 v28  }
0x4cc: {  	v33 =	vadd.f32 $2.885390040e+00, v29;
	v36 =	vadd.f32 $9.617967000e-01, v27;
	v27 =	vsel vm5, $0x3F800000, v8  }
0x4cd: {  	v28 =	vmul.f32 v30, v34;
	v30 =	vsel vm6, $0x3F800000, v8;
	v29 =	vadd.f32 $2.885390040e+00, v32  }
0x4ce: {  	s16 =	sadd.s32 $0x40, s16;
	v30 =	vadd.f32 v38, v30;
	v31 =	vmul.f32 v33, v31;
	v32 =	vmul.f32 v36, v35  }
0x4cf: {  	v28 =	vadd.f32 $2.885390040e+00, v28  }
0x4d0: {  	v25 =	vadd.f32 v25, v27;
	v21 =	vmul.f32 v29, v21;
	v27 =	vsel vm3, $0x3F800000, v8  }
0x4d1: {  	v20 =	vadd.f32 v20, v26;
	v24 =	vadd.f32 v24, v27;
	v22 =	vmul.f32 v28, v22  }
0x4d2: {  	v26 =	vmul.f32 $5.000000000e-01, v16;
	v29 =	vadd.f32 v31, v30;
	v30 =	vadd.f32 $2.885390040e+00, v32  }
0x4d3: {  	vm3 =	vge.f32 v18, $1.414213540e+00;
	v22 =	vadd.f32 v22, v24;
	v24 =	vmul.f32 $5.000000000e-01, v18  }
0x4d4: {  	vm6 =	vge.f32 v17, $1.414213540e+00;
	v21 =	vadd.f32 v21, v25;
	v23 =	vmul.f32 v30, v23  }
0x4d5: {  	v28 =	vmul.f32 $5.000000000e-01, v17;
	v25 =	vsub.f32 $0.0e+00, v29;
	v18 =	vsel vm3, v24, v18  }
0x4d6: {  	vm5 =	vge.f32 v16, $1.414213540e+00;
	v20 =	vadd.f32 v23, v20;
	v23 =	vadd.f32 $1.000000000e+00, v18  }
0x4d7: {  	v16 =	vsel vm5, v26, v16;
	v27 =	vpop (erf);
	v17 =	vsel vm6, v28, v17  }
0x4d8: {  	v25 =	vmul.f32 v25, v27;
	v27 =	vpop (erf);
	v28 =	vadd.f32 $1.000000000e+00, v17;
	(erf) = vrcp.f32 v23  }
0x4d9: {  	v15 =	vsel vm4, v19, v15;
	v19 =	vadd.f32 $1.000000000e+00, v16;
	v22 =	vxor.u32 $0x80000000, v22  }
0x4da: {  	vm7 =	vge.f32 v25, v22;
	v22 =	vadd.f32 $1.000000000e+00, v15;
	(erf) = vrcp.f32 v28  }
0x4db: {  	(erf) = vrcp.f32 v19  }
0x4dc: {  	(erf) = vrcp.f32 v22;
	_ =	sdelay $0x1  }
0x4dd: {  	v13 =	vshra.s32 v13, $0x17;
	v21 =	vsub.f32 $0.0e+00, v21;
	v24 =	vld [tilespmem:s0+$0xFFFFFD00]  }
0x4de: {  	v11 =	vshra.s32 v11, $0x17;
	v14 =	vshra.s32 v14, $0x17;
	v13 =	vadd.s32 $0xFFFFFF81, v13  }
0x4df: {  	v11 =	vadd.s32 $0xFFFFFF81, v11;
	v21 =	vmul.f32 v21, v27;
	v18 =	vadd.f32 $-1.000000000e+00, v18  }
0x4e0: {  	v11 =	vcvt.s32.f32 v11;
	v20 =	vxor.u32 $0x80000000, v20;
	v23 =	vsel vm7, $0x3F800000, v8;
	v22 =	vpop (erf)  }
0x4e1: {  	v17 =	vadd.f32 $-1.000000000e+00, v17;
	vm7 =	vge.f32 v21, v20;
	v18 =	vmul.f32 v22, v18  }
0x4e2: {  	v15 =	vadd.f32 $-1.000000000e+00, v15;
	vm2 =	vmand vm2, vm7;
	v19 =	vmul.f32 v23, v24;
	v22 =	vpop (erf)  }
0x4e3: {  	v20 =	vsel vm2, $0x0, v9;
	v17 =	vmul.f32 v22, v17;
	v23 =	vpop (erf);
	v22 =	vmul.f32 v18, v18  }
0x4e4: {  	v13 =	vcvt.s32.f32 v13;
	v16 =	vadd.f32 $-1.000000000e+00, v16;
	v21 =	vld [tilespmem:s2+$0x1C00];
	v19 =	vmul.f32 v20, v19;
	v24 =	vpop (erf)  }
0x4e5: {  	v12 =	vshra.s32 v12, $0x17;
	v20 =	vld [tilespmem:s2+$0x400];
	v15 =	vmul.f32 v24, v15;
	v25 =	vmul.f32 $3.205989000e-01, v22  }
0x4e6: {  	v12 =	vadd.s32 $0xFFFFFF81, v12;
	v16 =	vmul.f32 v23, v16;
	v23 =	vmul.f32 v17, v17  }
0x4e7: {  	v12 =	vcvt.s32.f32 v12;
	v27 =	vmul.f32 v15, v15;
	v25 =	vadd.f32 $4.121986030e-01, v25  }
0x4e8: {  	v14 =	vadd.s32 $0xFFFFFF81, v14;
	v24 =	vmul.f32 v16, v16;
	v26 =	vmul.f32 $3.205989000e-01, v23  }
0x4e9: {  	v21 =	vadd.f32 v21, v21;
	v29 =	vmul.f32 $3.205989000e-01, v27;
	v25 =	vmul.f32 v25, v22  }
0x4ea: {  	v20 =	vadd.f32 v20, v20;
	v28 =	vmul.f32 $3.205989000e-01, v24;
	v26 =	vadd.f32 $4.121986030e-01, v26  }
0x4eb: {  	v14 =	vcvt.s32.f32 v14;
	v29 =	vadd.f32 $4.121986030e-01, v29;
	v25 =	vadd.f32 $5.770780440e-01, v25  }
0x4ec: {  	v20 =	vadd.f32 $-1.000000000e+00, v20;
	v28 =	vadd.f32 $4.121986030e-01, v28;
	v26 =	vmul.f32 v26, v23  }
0x4ed: {  	v21 =	vadd.f32 $-1.000000000e+00, v21;
	v29 =	vmul.f32 v29, v27;
	v25 =	vmul.f32 v25, v22  }
0x4ee: {  	v20 =	vmul.f32 $1.442695020e+00, v20;
	v28 =	vmul.f32 v28, v24;
	v26 =	vadd.f32 $5.770780440e-01, v26  }
0x4ef: {  	v21 =	vmul.f32 $1.442695020e+00, v21;
	v29 =	vadd.f32 $5.770780440e-01, v29;
	v25 =	vadd.f32 $9.617967000e-01, v25  }
0x4f0: {  	(erf) = vpow2.f32 v20;
	v28 =	vadd.f32 $5.770780440e-01, v28;
	v26 =	vmul.f32 v26, v23  }
0x4f1: {  	v20 =	vmul.f32 v25, v22;
	v25 =	vmul.f32 v29, v27  }
0x4f2: {  	v19 =	vsel vm1, $0x0, v19;
	v28 =	vmul.f32 v28, v24;
	v26 =	vadd.f32 $9.617967000e-01, v26  }
0x4f3: {  	(erf) = vpow2.f32 v21;
	v20 =	vadd.f32 $2.885390040e+00, v20;
	v21 =	vadd.f32 $9.617967000e-01, v25  }
0x4f4: {  	v28 =	vadd.f32 $9.617967000e-01, v28;
	v23 =	vmul.f32 v26, v23;
	v26 =	vsel vm3, $0x3F800000, v8  }
0x4f5: {  	v14 =	vadd.f32 v14, v26;
	v18 =	vmul.f32 v20, v18;
	v20 =	vmul.f32 v21, v27  }
0x4f6: {  	vm1 =	vmmov vm4;
	v24 =	vmul.f32 v28, v24;
	v23 =	vadd.f32 $2.885390040e+00, v23  }
0x4f7: {  	v25 =	vsel vm6, $0x3F800000, v8;
	v14 =	vadd.f32 v18, v14;
	v18 =	vadd.f32 $2.885390040e+00, v20  }
0x4f8: {  	v12 =	vadd.f32 v12, v25;
	v21 =	vadd.f32 $2.885390040e+00, v24;
	v17 =	vmul.f32 v23, v17  }
0x4f9: {  	v22 =	vsel vm1, $0x3F800000, v8;
	v23 =	vsel vm5, $0x3F800000, v8;
	v15 =	vmul.f32 v18, v15  }
0x4fa: {  	v13 =	vadd.f32 v13, v23;
	v16 =	vmul.f32 v21, v16;
	v12 =	vadd.f32 v17, v12  }
0x4fb: {  	[tilespmem:s0+$0x3400] =	vst v19;
	v11 =	vadd.f32 v11, v22;
	v14 =	vsub.f32 $0.0e+00, v14  }
0x4fc: {  	v13 =	vadd.f32 v16, v13;
	v16 =	vld [tilespmem:s2+$0xFFFFFD00];
	v17 =	vpop (erf);
	v12 =	vsub.f32 $0.0e+00, v12  }
0x4fd: {  	s17 =	sadd.s32 $0x10, s15;
	v14 =	vmul.f32 v14, v17;
	v11 =	vadd.f32 v15, v11;
	v15 =	vpop (erf)  }
0x4fe: {  	v17 =	vor.u32 s17, v10;
	v13 =	vxor.u32 $0x80000000, v13;
	v12 =	vmul.f32 v12, v15  }
0x4ff: {  	vm1 =	vlt.u32 v17, v6;
	vm2 =	vge.f32 v14, v13;
	v11 =	vxor.u32 $0x80000000, v11  }
0x500: {  	vm0 =	vmand vm1, vm0;
	v13 =	vsel vm2, $0x3F800000, v8;
	vm1 =	vge.f32 v12, v11  }
0x501: {  	v11 =	vmul.f32 v13, v16;
	vm0 =	vmand vm0, vm1  }
0x502: {  	v12 =	vsel vm0, $0x0, v9  }
0x503: {  	v11 =	vmul.f32 v12, v11  }
0x504: {  	vm0 =	veq.s32 v17, v6  }
0x505: {  	v11 =	vsel vm0, $0x0, v11  }
0x506: {  	[tilespmem:s2+$0x3400] =	vst v11  }
0x507: {  	[tilespmem:$0x3C00] =	vst v7  }
0x508: {  	[tilespmem:s25], [sflag:$0x1] =	stream.indirect.gather [hbm4b:s1+s23], $0x1, s24, s23, $0xb8;
	[tilespmem:$0x3E00] =	vst v63  }
0x509: {  	_ =	swait.ge [sflag:s26], $0x10  }
0x50a: {  	[sflag:s26] =	ssyncset.done $0x0  }
0x50b: {  	[sflag:s26] =	ssyncadd.s32 $0xFFFFFFF0  }
0x50c: {  	[tilespmem:s28], [sflag:$0x1] =	stream.indirect.gather [hbm4b:s4+s23], $0x1, s24, s23, $0xb8;
	[tilespmem:$0x3E00] =	vst v63  }
0x50d: {  	_ =	swait.ge [sflag:s26], $0x10  }
0x50e: {  	[sflag:s26] =	ssyncset.done $0x0  }
0x50f: {  	[sflag:s26] =	ssyncadd.s32 $0xFFFFFFF0  }
0x510: {  	[tilespmem:s29], [sflag:$0x1] =	stream.indirect.gather [hbm4b:s5+s23], $0x1, s24, s23, $0xb8;
	[tilespmem:$0x3E00] =	vst v63  }
0x511: {  	_ =	swait.ge [sflag:s26], $0x10  }
0x512: {  	[sflag:s26] =	ssyncset.done $0x0  }
0x513: {  	[sflag:s26] =	ssyncadd.s32 $0xFFFFFFF0  }
0x514: {  	v11 =	vld [tilespmem:$0x3D00]  }
0x515: {  	v12 =	vld [tilespmem:$0x3D80];
	_ =	sdelay $0x3  }
0x516: {  	v13 =	vand.u32 $0x7FFFFF, v11  }
0x517: {  	v14 =	vand.u32 $0x7FFFFF, v12;
	v13 =	vor.u32 $0x3F800000, v13  }
0x518: {  	v14 =	vor.u32 $0x3F800000, v14;
	v15 =	vmul.f32 $5.000000000e-01, v13  }
0x519: {  	vm0 =	vge.f32 v13, $1.414213540e+00;
	v16 =	vmul.f32 $5.000000000e-01, v14  }
0x51a: {  	vm1 =	vge.f32 v14, $1.414213540e+00;
	v13 =	vsel vm0, v15, v13  }
0x51b: {  	v14 =	vsel vm1, v16, v14;
	v15 =	vadd.f32 $1.000000000e+00, v13  }
0x51c: {  	v16 =	vadd.f32 $1.000000000e+00, v14  }
0x51d: {  	(erf) = vrcp.f32 v15  }
0x51e: {  	(erf) = vrcp.f32 v16;
	_ =	sdelay $0x7  }
0x51f: {  	v14 =	vadd.f32 $-1.000000000e+00, v14;
	v15 =	vpop (erf)  }
0x520: {  	v13 =	vadd.f32 $-1.000000000e+00, v13;
	v16 =	vpop (erf)  }
0x521: {  	v14 =	vmul.f32 v16, v14  }
0x522: {  	v13 =	vmul.f32 v15, v13  }
0x523: {  	v15 =	vmul.f32 v14, v14  }
0x524: {  	v16 =	vmul.f32 v13, v13  }
0x525: {  	v17 =	vmul.f32 $3.205989000e-01, v15  }
0x526: {  	v18 =	vld [tilespmem:$0x3C80];
	v19 =	vmul.f32 $3.205989000e-01, v16  }
0x527: {  	v17 =	vadd.f32 $4.121986030e-01, v17  }
0x528: {  	v19 =	vadd.f32 $4.121986030e-01, v19  }
0x529: {  	v17 =	vmul.f32 v17, v15  }
0x52a: {  	v19 =	vmul.f32 v19, v16  }
0x52b: {  	v18 =	vadd.f32 v18, v18;
	v17 =	vadd.f32 $5.770780440e-01, v17  }
0x52c: {  	v19 =	vadd.f32 $5.770780440e-01, v19  }
0x52d: {  	v18 =	vadd.f32 $-1.000000000e+00, v18;
	v17 =	vmul.f32 v17, v15  }
0x52e: {  	v19 =	vmul.f32 v19, v16  }
0x52f: {  	v18 =	vmul.f32 $1.442695020e+00, v18;
	v17 =	vadd.f32 $9.617967000e-01, v17  }
0x530: {  	v11 =	vshra.s32 v11, $0x17;
	v12 =	vshra.s32 v12, $0x17;
	v19 =	vadd.f32 $9.617967000e-01, v19  }
0x531: {  	v12 =	vadd.s32 $0xFFFFFF81, v12;
	(erf) = vpow2.f32 v18;
	v15 =	vmul.f32 v17, v15  }
0x532: {  	s0 =	simm.s32 $0x700;
	v11 =	vadd.s32 $0xFFFFFF81, v11;
	v12 =	vcvt.s32.f32 v12;
	v16 =	vmul.f32 v19, v16  }
0x533: {  	v26 =	vld [tilespmem:s0+$0x400];
	v11 =	vcvt.s32.f32 v11;
	v17 =	vsel vm1, $0x3F800000, v8;
	v15 =	vadd.f32 $2.885390040e+00, v15  }
0x534: {  	v18 =	vld [tilespmem:s0+$0x1400];
	v16 =	vadd.f32 $2.885390040e+00, v16;
	v12 =	vadd.f32 v12, v17;
	v17 =	vsel vm0, $0x3F800000, v8  }
0x535: {  	v11 =	vadd.f32 v11, v17;
	v17 =	vld [tilespmem:s0+$0x2400];
	v14 =	vmul.f32 v15, v14  }
0x536: {  	v13 =	vmul.f32 v16, v13;
	v16 =	vld [tilespmem:s0+$0x2C00]  }
0x537: {  	v12 =	vadd.f32 v14, v12  }
0x538: {  	v15 =	vld [tilespmem:s0+$0xC00];
	v11 =	vadd.f32 v13, v11  }
0x539: {  	v26 =	vadd.f32 v26, v26;
	v12 =	vsub.f32 $0.0e+00, v12  }
0x53a: {  	v13 =	vpop (erf);
	v14 =	vsub.f32 $0.0e+00, v11;
	v11 =	vand.u32 $0x7FFFFF, v18;
	v20 =	vand.u32 $0x7FFFFF, v17  }
0x53b: {  	v11 =	vor.u32 $0x3F800000, v11;
	v19 =	vmul.f32 v12, v13;
	v13 =	vand.u32 $0x7FFFFF, v16  }
0x53c: {  	v20 =	vor.u32 $0x3F800000, v20;
	v21 =	vmul.f32 $5.000000000e-01, v11;
	v13 =	vor.u32 $0x3F800000, v13  }
0x53d: {  	vm5 =	vge.f32 v11, $1.414213540e+00;
	v12 =	vand.u32 $0x7FFFFF, v15;
	v22 =	vmul.f32 $5.000000000e-01, v13  }
0x53e: {  	v12 =	vor.u32 $0x3F800000, v12;
	v21 =	vsel vm5, v21, v11;
	vm6 =	vge.f32 v13, $1.414213540e+00  }
0x53f: {  	v23 =	vmul.f32 $5.000000000e-01, v12;
	v24 =	vadd.f32 $1.000000000e+00, v21;
	v22 =	vsel vm6, v22, v13  }
0x540: {  	vm3 =	vge.f32 v12, $1.414213540e+00;
	v13 =	vmul.f32 $5.000000000e-01, v20;
	v27 =	vadd.f32 $1.000000000e+00, v22  }
0x541: {  	vm0 =	vge.f32 v20, $1.414213540e+00;
	v23 =	vsel vm3, v23, v12;
	(erf) = vrcp.f32 v24  }
0x542: {  	v24 =	vsel vm0, v13, v20;
	v20 =	vadd.f32 $1.000000000e+00, v23;
	(erf) = vrcp.f32 v27  }
0x543: {  	s2 =	simm.s32 $0x710;
	v25 =	vld [tilespmem:s0+$0x1C00];
	vm1 =	vge.f32 v19, v14;
	v19 =	vadd.f32 $1.000000000e+00, v24  }
0x544: {  	v26 =	vadd.f32 $-1.000000000e+00, v26;
	v17 =	vshra.s32 v17, $0x17;
	v11 =	vld [tilespmem:s2+$0x2400];
	(erf) = vrcp.f32 v20  }
0x545: {  	v18 =	vshra.s32 v18, $0x17;
	v17 =	vadd.s32 $0xFFFFFF81, v17;
	v14 =	vld [tilespmem:s2+$0x1400];
	(erf) = vrcp.f32 v19  }
0x546: {  	v30 =	vadd.s32 $0xFFFFFF81, v18;
	vm7 =	vmmov vm0;
	v15 =	vshra.s32 v15, $0x17;
	v12 =	vld [tilespmem:s2+$0x2C00]  }
0x547: {  	v16 =	vshra.s32 v16, $0x17;
	v29 =	vadd.s32 $0xFFFFFF81, v15;
	v21 =	vadd.f32 $-1.000000000e+00, v21;
	v13 =	vld [tilespmem:s2+$0xC00]  }
0x548: {  	s15 =	simm.s32 $0x0;
	v59 =	vadd.s32 $0xFFFFFF81, v16;
	v22 =	vadd.f32 $-1.000000000e+00, v22;
	v18 =	vadd.f32 $-1.000000000e+00, v23  }
0x549: {  	vm0 =	vmneg vm1;
	v27 =	vor.u32 s15, v10;
	v23 =	vadd.f32 $-1.000000000e+00, v24  }
0x54a: {  	vm2 =	vlt.u32 v27, v7;
	vm1 =	veq.s32 v27, v7;
	v20 =	vand.u32 $0x7FFFFF, v11;
	v15 =	vpop (erf)  }
0x54b: {  	v27 =	vand.u32 $0x7FFFFF, v14;
	v19 =	vadd.f32 v25, v25;
	v31 =	vmul.f32 v15, v21;
	v16 =	vpop (erf)  }
0x54c: {  	v28 =	vand.u32 $0x7FFFFF, v12;
	v25 =	vand.u32 $0x7FFFFF, v13;
	v21 =	vmul.f32 v16, v22  }
0x54d: {  	v15 =	vor.u32 $0x3F800000, v20;
	v20 =	vcvt.s32.f32 v17;
	v33 =	vmul.f32 v31, v31;
	v17 =	vpop (erf)  }
0x54e: {  	v16 =	vor.u32 $0x3F800000, v25;
	v22 =	vmul.f32 v17, v18;
	v18 =	vpop (erf);
	v34 =	vmul.f32 v21, v21  }
0x54f: {  	v17 =	vor.u32 $0x3F800000, v28;
	v25 =	vmul.f32 $3.205989000e-01, v33;
	v23 =	vmul.f32 v18, v23  }
0x550: {  	v18 =	vor.u32 $0x3F800000, v27;
	v28 =	vmul.f32 v22, v22;
	v27 =	vmul.f32 $3.205989000e-01, v34  }
0x551: {  	v24 =	vcvt.s32.f32 v29;
	v29 =	vadd.f32 $4.121986030e-01, v25;
	v35 =	vmul.f32 v23, v23  }
0x552: {  	v30 =	vcvt.s32.f32 v30;
	v36 =	vmul.f32 $3.205989000e-01, v28;
	v27 =	vadd.f32 $4.121986030e-01, v27  }
0x553: {  	v63 =	vsel vm5, $0x3F800000, v8;
	v29 =	vmul.f32 v29, v33;
	v60 =	vmul.f32 $3.205989000e-01, v35  }
0x554: {  	v30 =	vadd.f32 v30, v63;
	v36 =	vadd.f32 $4.121986030e-01, v36;
	v27 =	vmul.f32 v27, v34  }
0x555: {  	v26 =	vmul.f32 $1.442695020e+00, v26;
	v29 =	vadd.f32 $5.770780440e-01, v29;
	v32 =	vadd.f32 $4.121986030e-01, v60  }
0x556: {  	v37 =	vadd.f32 $-1.000000000e+00, v19;
	v36 =	vmul.f32 v36, v28;
	v27 =	vadd.f32 $5.770780440e-01, v27  }
0x557: {  	vm2 =	vmand vm2, vm0;
	v29 =	vmul.f32 v29, v33;
	v32 =	vmul.f32 v32, v35  }
0x558: {  	v37 =	vmul.f32 $1.442695020e+00, v37;
	v36 =	vadd.f32 $5.770780440e-01, v36;
	v27 =	vmul.f32 v27, v34  }
0x559: {  	v19 =	vmul.f32 $5.000000000e-01, v15;
	v29 =	vadd.f32 $9.617967000e-01, v29;
	v32 =	vadd.f32 $5.770780440e-01, v32  }
0x55a: {  	(erf) = vpow2.f32 v26;
	v36 =	vmul.f32 v36, v28;
	v27 =	vadd.f32 $9.617967000e-01, v27  }
0x55b: {  	vm4 =	vge.f32 v15, $1.414213540e+00;
	v29 =	vmul.f32 v29, v33;
	v32 =	vmul.f32 v32, v35  }
0x55c: {  	(erf) = vpow2.f32 v37;
	v61 =	vadd.f32 $9.617967000e-01, v36;
	v34 =	vmul.f32 v27, v34  }
0x55d: {  	v26 =	vsel vm7, $0x3F800000, v8;
	v62 =	vadd.f32 $2.885390040e+00, v29;
	v32 =	vadd.f32 $9.617967000e-01, v32  }
0x55e: {  	v25 =	vcvt.s32.f32 v59;
	v28 =	vmul.f32 v61, v28;
	v29 =	vadd.f32 $2.885390040e+00, v34  }
0x55f: {  	s16 =	simm.s32 $0x1C80;
	v27 =	vsel vm6, $0x3F800000, v8;
	v31 =	vmul.f32 v62, v31;
	v32 =	vmul.f32 v32, v35  }
.LBB2_18:
0x560: {  	p0 =	sne.s32 s16, $0x1FC0;
	v28 =	vadd.f32 $2.885390040e+00, v28;
	v25 =	vadd.f32 v25, v27;
	v21 =	vmul.f32 v29, v21  }
0x561: {  	v27 =	vsel vm3, $0x3F800000, v8;
	v29 =	vadd.f32 v31, v30;
	v30 =	vadd.f32 $2.885390040e+00, v32  }
0x562: {  	v24 =	vadd.f32 v24, v27;
	v22 =	vmul.f32 v28, v22;
	v21 =	vadd.f32 v21, v25  }
0x563: {  	v20 =	vadd.f32 v20, v26;
	v25 =	vsub.f32 $0.0e+00, v29;
	v28 =	vmul.f32 v30, v23;
	v26 =	vpop (erf)  }
0x564: {  	v27 =	vmul.f32 $5.000000000e-01, v16;
	v22 =	vadd.f32 v22, v24;
	v21 =	vsub.f32 $0.0e+00, v21;
	v24 =	vld [tilespmem:s0+$0xFFFFFC00]  }
0x565: {  	vm5 =	vge.f32 v17, $1.414213540e+00;
	v25 =	vmul.f32 v25, v26;
	v20 =	vadd.f32 v28, v20;
	v23 =	vpop (erf)  }
0x566: {  	vm6 =	vge.f32 v18, $1.414213540e+00;
	v22 =	vxor.u32 $0x80000000, v22;
	v21 =	vmul.f32 v21, v23  }
0x567: {  	v23 =	vmul.f32 $5.000000000e-01, v18;
	vm3 =	vge.f32 v25, v22;
	v20 =	vxor.u32 $0x80000000, v20  }
0x568: {  	v22 =	vmul.f32 $5.000000000e-01, v17;
	v25 =	vsel vm3, $0x3F800000, v8;
	vm3 =	vge.f32 v21, v20  }
0x569: {  	v18 =	vsel vm6, v23, v18;
	v20 =	vmul.f32 v25, v24;
	vm2 =	vmand vm2, vm3  }
0x56a: {  	v21 =	vadd.f32 $1.000000000e+00, v18;
	v17 =	vsel vm5, v22, v17;
	v23 =	vld [tilespmem:s2+$0x1C00];
	v22 =	vsel vm2, $0x0, v9  }
0x56b: {  	s17 =	sshra.s32 s16, $0x2;
	vm3 =	vge.f32 v16, $1.414213540e+00;
	v25 =	vadd.f32 $1.000000000e+00, v17;
	v24 =	vld [tilespmem:s2+$0x400];
	v20 =	vmul.f32 v22, v20  }
0x56c: {  	v19 =	vsel vm4, v19, v15;
	v16 =	vsel vm3, v27, v16;
	v22 =	vld [tilespmem:s17+$0x2400];
	(erf) = vrcp.f32 v21  }
0x56d: {  	v21 =	vadd.f32 $1.000000000e+00, v16;
	v15 =	vld [tilespmem:s17+$0xC00];
	(erf) = vrcp.f32 v25;
	v20 =	vsel vm1, $0x0, v20  }
0x56e: {  	s15 =	sadd.s32 $0x10, s15;
	vm7 =	vmmov vm4;
	v26 =	vadd.f32 $1.000000000e+00, v19;
	v25 =	vld [tilespmem:s17+$0x2C00];
	[tilespmem:s0+$0x3400] =	vst v20;
	s0 =	smov.u32 s2;
	s2 =	smov.u32 s17  }
0x56f: {  	v27 =	vor.u32 s15, v10;
	v20 =	vld [tilespmem:s2+$0x1400];
	(erf) = vrcp.f32 v21  }
0x570: {  	vm2 =	vlt.u32 v27, v7;
	vm1 =	veq.s32 v27, v7;
	(erf) = vrcp.f32 v26  }
0x571: {  	vm2 =	vmand vm2, vm0;
	v21 =	vshra.s32 v13, $0x17;
	v26 =	vshra.s32 v11, $0x17;
	v11 =	vmovc v22  }
0x572: {  	v27 =	vshra.s32 v12, $0x17;
	v28 =	vadd.f32 v23, v23;
	v22 =	vshra.s32 v14, $0x17;
	v13 =	vmovc v15  }
0x573: {  	v29 =	vadd.f32 v24, v24;
	v15 =	vand.u32 $0x7FFFFF, v11;
	v23 =	vand.u32 $0x7FFFFF, v13;
	v12 =	vmovc v25  }
0x574: {  	v32 =	vadd.f32 $-1.000000000e+00, v18;
	v24 =	vand.u32 $0x7FFFFF, v20;
	v25 =	vand.u32 $0x7FFFFF, v12;
	v14 =	vmovc v20  }
0x575: {  	v33 =	vadd.f32 $-1.000000000e+00, v17;
	v30 =	vadd.s32 $0xFFFFFF81, v21;
	v20 =	vadd.s32 $0xFFFFFF81, v26;
	v21 =	vpop (erf)  }
0x576: {  	v27 =	vadd.s32 $0xFFFFFF81, v27;
	v26 =	vadd.s32 $0xFFFFFF81, v22;
	v31 =	vmul.f32 v21, v32;
	v18 =	vpop (erf)  }
0x577: {  	v15 =	vor.u32 $0x3F800000, v15;
	v22 =	vadd.f32 $-1.000000000e+00, v16;
	v21 =	vmul.f32 v18, v33  }
0x578: {  	v20 =	vcvt.s32.f32 v20;
	v18 =	vadd.f32 $-1.000000000e+00, v19;
	v32 =	vmul.f32 v31, v31;
	v17 =	vpop (erf)  }
0x579: {  	v16 =	vor.u32 $0x3F800000, v23;
	v22 =	vmul.f32 v17, v22;
	v33 =	vmul.f32 v21, v21;
	v19 =	vpop (erf)  }
0x57a: {  	v17 =	vor.u32 $0x3F800000, v25;
	v25 =	vmul.f32 $3.205989000e-01, v32;
	v23 =	vmul.f32 v19, v18  }
0x57b: {  	v18 =	vor.u32 $0x3F800000, v24;
	v34 =	vmul.f32 v22, v22;
	v19 =	vmul.f32 $3.205989000e-01, v33  }
0x57c: {  	v24 =	vcvt.s32.f32 v30;
	v30 =	vadd.f32 $4.121986030e-01, v25;
	v35 =	vmul.f32 v23, v23  }
0x57d: {  	v25 =	vcvt.s32.f32 v27;
	v36 =	vmul.f32 $3.205989000e-01, v34;
	v19 =	vadd.f32 $4.121986030e-01, v19  }
0x57e: {  	v28 =	vadd.f32 $-1.000000000e+00, v28;
	v27 =	vmul.f32 v30, v32;
	v30 =	vmul.f32 $3.205989000e-01, v35  }
0x57f: {  	v29 =	vadd.f32 $-1.000000000e+00, v29;
	v36 =	vadd.f32 $4.121986030e-01, v36;
	v37 =	vmul.f32 v19, v33  }
0x580: {  	v38 =	vcvt.s32.f32 v26;
	v26 =	vadd.f32 $5.770780440e-01, v27;
	v27 =	vadd.f32 $4.121986030e-01, v30  }
0x581: {  	v19 =	vmul.f32 $5.000000000e-01, v15;
	v30 =	vmul.f32 v36, v34;
	v36 =	vadd.f32 $5.770780440e-01, v37  }
0x582: {  	vm4 =	vge.f32 v15, $1.414213540e+00;
	v26 =	vmul.f32 v26, v32;
	v27 =	vmul.f32 v27, v35  }
0x583: {  	v29 =	vmul.f32 $1.442695020e+00, v29;
	v30 =	vadd.f32 $5.770780440e-01, v30;
	v36 =	vmul.f32 v36, v33  }
0x584: {  	v28 =	vmul.f32 $1.442695020e+00, v28;
	v26 =	vadd.f32 $9.617967000e-01, v26;
	v27 =	vadd.f32 $5.770780440e-01, v27  }
0x585: {  	v30 =	vmul.f32 v30, v34;
	v36 =	vadd.f32 $9.617967000e-01, v36;
	(erf) = vpow2.f32 v29  }
.Ltmp8:
0x586: {  	v29 =	vmul.f32 v26, v32;
	v26 =	vsel vm7, $0x3F800000, v8;
	v27 =	vmul.f32 v27, v35;
	(pc) =	sbr.rel @p0 .LBB2_18-.Ltmp8, $4  }
0x587: {  	v30 =	vadd.f32 $9.617967000e-01, v30;
	v32 =	vmul.f32 v36, v33;
	(erf) = vpow2.f32 v28  }
0x588: {  	v33 =	vadd.f32 $2.885390040e+00, v29;
	v36 =	vadd.f32 $9.617967000e-01, v27;
	v27 =	vsel vm5, $0x3F800000, v8  }
0x589: {  	v28 =	vmul.f32 v30, v34;
	v30 =	vsel vm6, $0x3F800000, v8;
	v29 =	vadd.f32 $2.885390040e+00, v32  }
0x58a: {  	s16 =	sadd.s32 $0x40, s16;
	v30 =	vadd.f32 v38, v30;
	v31 =	vmul.f32 v33, v31;
	v32 =	vmul.f32 v36, v35  }
0x58b: {  	v28 =	vadd.f32 $2.885390040e+00, v28;
	v25 =	vadd.f32 v25, v27  }
0x58c: {  	v21 =	vmul.f32 v29, v21;
	v53 =	vsel vm3, $0x3F800000, v8;
	v20 =	vadd.f32 v20, v26  }
0x58d: {  	v57 =	vmul.f32 $5.000000000e-01, v16;
	v58 =	vmul.f32 $5.000000000e-01, v18;
	vm9 =	vge.f32 v18, $1.414213540e+00  }
0x58e: {  	v60 =	vmul.f32 $5.000000000e-01, v17;
	vm6 =	vge.f32 v17, $1.414213540e+00;
	vm5 =	vge.f32 v16, $1.414213540e+00  }
0x58f: {  	v15 =	vsel vm4, v19, v15;
	vm11 =	vmmov vm4;
	v18 =	vsel vm9, v58, v18  }
0x590: {  	v13 =	vshra.s32 v13, $0x17;
	v17 =	vsel vm6, v60, v17;
	v61 =	vadd.f32 $1.000000000e+00, v18  }
0x591: {  	v11 =	vshra.s32 v11, $0x17;
	v22 =	vmul.f32 v28, v22;
	v59 =	vpop (erf);
	v28 =	vadd.f32 $1.000000000e+00, v17  }
0x592: {  	v14 =	vshra.s32 v14, $0x17;
	v16 =	vsel vm5, v57, v16;
	v63 =	vpop (erf);
	(erf) = vrcp.f32 v61  }
0x593: {  	v54 =	vadd.f32 v31, v30;
	v30 =	vadd.f32 $1.000000000e+00, v16;
	(erf) = vrcp.f32 v28  }
0x594: {  	v12 =	vshra.s32 v12, $0x17;
	v55 =	vadd.f32 $2.885390040e+00, v32;
	v31 =	vadd.f32 $1.000000000e+00, v15  }
0x595: {  	v24 =	vadd.f32 v24, v53;
	v15 =	vadd.f32 $-1.000000000e+00, v15;
	(erf) = vrcp.f32 v30  }
0x596: {  	v13 =	vadd.s32 $0xFFFFFF81, v13;
	v11 =	vadd.s32 $0xFFFFFF81, v11;
	(erf) = vrcp.f32 v31  }
0x597: {  	v14 =	vadd.s32 $0xFFFFFF81, v14;
	v12 =	vadd.s32 $0xFFFFFF81, v12;
	v53 =	vsel vm6, $0x3F800000, v8  }
0x598: {  	v21 =	vadd.f32 v21, v25;
	v13 =	vcvt.s32.f32 v13;
	v12 =	vcvt.s32.f32 v12  }
0x599: {  	v14 =	vcvt.s32.f32 v14;
	v57 =	vsel vm5, $0x3F800000, v8;
	v56 =	vsub.f32 $0.0e+00, v54  }
0x59a: {  	v23 =	vmul.f32 v55, v23;
	v18 =	vadd.f32 $-1.000000000e+00, v18;
	v17 =	vadd.f32 $-1.000000000e+00, v17  }
0x59b: {  	v16 =	vadd.f32 $-1.000000000e+00, v16;
	v54 =	vsel vm9, $0x3F800000, v8;
	v22 =	vadd.f32 v22, v24;
	v37 =	vpop (erf)  }
0x59c: {  	v21 =	vsub.f32 $0.0e+00, v21;
	v14 =	vadd.f32 v14, v54;
	v18 =	vmul.f32 v37, v18;
	v38 =	vpop (erf)  }
0x59d: {  	v12 =	vadd.f32 v12, v53;
	v25 =	vmul.f32 v56, v59;
	v17 =	vmul.f32 v38, v17  }
0x59e: {  	v13 =	vadd.f32 v13, v57;
	v21 =	vmul.f32 v21, v63;
	v40 =	vpop (erf);
	v39 =	vmul.f32 v18, v18  }
0x59f: {  	v35 =	vld [tilespmem:s2+$0x1C00];
	v20 =	vadd.f32 v23, v20;
	v16 =	vmul.f32 v40, v16;
	v42 =	vpop (erf);
	v41 =	vmul.f32 v17, v17  }
0x5a0: {  	v36 =	vld [tilespmem:s2+$0x400];
	v22 =	vxor.u32 $0x80000000, v22;
	v15 =	vmul.f32 v42, v15;
	v43 =	vmul.f32 $3.205989000e-01, v39  }
0x5a1: {  	vm7 =	vge.f32 v25, v22;
	v44 =	vmul.f32 v16, v16;
	v45 =	vmul.f32 $3.205989000e-01, v41  }
0x5a2: {  	v20 =	vxor.u32 $0x80000000, v20;
	v46 =	vmul.f32 v15, v15;
	v25 =	vadd.f32 $4.121986030e-01, v43  }
0x5a3: {  	vm10 =	vge.f32 v21, v20;
	v47 =	vmul.f32 $3.205989000e-01, v44;
	v26 =	vadd.f32 $4.121986030e-01, v45  }
0x5a4: {  	v21 =	vadd.f32 v35, v35;
	v48 =	vmul.f32 $3.205989000e-01, v46;
	v25 =	vmul.f32 v25, v39  }
0x5a5: {  	v20 =	vadd.f32 v36, v36;
	v28 =	vadd.f32 $4.121986030e-01, v47;
	v26 =	vmul.f32 v26, v41  }
0x5a6: {  	v50 =	vsel vm11, $0x3F800000, v8;
	v29 =	vadd.f32 $4.121986030e-01, v48;
	v25 =	vadd.f32 $5.770780440e-01, v25  }
0x5a7: {  	v20 =	vadd.f32 $-1.000000000e+00, v20;
	v28 =	vmul.f32 v28, v44;
	v26 =	vadd.f32 $5.770780440e-01, v26  }
0x5a8: {  	v21 =	vadd.f32 $-1.000000000e+00, v21;
	v29 =	vmul.f32 v29, v46;
	v25 =	vmul.f32 v25, v39  }
0x5a9: {  	v62 =	vld [tilespmem:s0+$0xFFFFFC00];
	v20 =	vmul.f32 $1.442695020e+00, v20;
	v28 =	vadd.f32 $5.770780440e-01, v28;
	v26 =	vmul.f32 v26, v41  }
0x5aa: {  	v21 =	vmul.f32 $1.442695020e+00, v21;
	v29 =	vadd.f32 $5.770780440e-01, v29;
	v25 =	vadd.f32 $9.617967000e-01, v25  }
0x5ab: {  	(erf) = vpow2.f32 v20;
	v28 =	vmul.f32 v28, v44;
	v26 =	vadd.f32 $9.617967000e-01, v26  }
0x5ac: {  	v32 =	vsel vm7, $0x3F800000, v8;
	v51 =	vmul.f32 v29, v46;
	v49 =	vmul.f32 v25, v39  }
0x5ad: {  	(erf) = vpow2.f32 v21;
	v28 =	vadd.f32 $9.617967000e-01, v28;
	v23 =	vmul.f32 v26, v41  }
0x5ae: {  	vm2 =	vmand vm2, vm10;
	v52 =	vadd.f32 $9.617967000e-01, v51;
	v20 =	vadd.f32 $2.885390040e+00, v49  }
0x5af: {  	v33 =	vmul.f32 v32, v62;
	v24 =	vmul.f32 v28, v44;
	v23 =	vadd.f32 $2.885390040e+00, v23  }
0x5b0: {  	v34 =	vsel vm2, $0x0, v9;
	v55 =	vmul.f32 v52, v46;
	v18 =	vmul.f32 v20, v18  }
0x5b1: {  	v19 =	vmul.f32 v34, v33;
	v56 =	vadd.f32 $2.885390040e+00, v24;
	v17 =	vmul.f32 v23, v17  }
0x5b2: {  	v11 =	vcvt.s32.f32 v11;
	v58 =	vadd.f32 $2.885390040e+00, v55;
	v14 =	vadd.f32 v18, v14  }
0x5b3: {  	v19 =	vsel vm1, $0x0, v19;
	v16 =	vmul.f32 v56, v16;
	v12 =	vadd.f32 v17, v12  }
0x5b4: {  	v11 =	vadd.f32 v11, v50;
	[tilespmem:s0+$0x3400] =	vst v19;
	v15 =	vmul.f32 v58, v15;
	v14 =	vsub.f32 $0.0e+00, v14  }
0x5b5: {  	v60 =	vld [tilespmem:s2+$0xFFFFFC00];
	v59 =	vpop (erf);
	v13 =	vadd.f32 v16, v13;
	v12 =	vsub.f32 $0.0e+00, v12  }
0x5b6: {  	s17 =	sadd.s32 $0x10, s15;
	v61 =	vpop (erf);
	v11 =	vadd.f32 v15, v11;
	v14 =	vmul.f32 v14, v59  }
0x5b7: {  	v62 =	vor.u32 s17, v10;
	v13 =	vxor.u32 $0x80000000, v13;
	v12 =	vmul.f32 v12, v61  }
0x5b8: {  	vm12 =	vlt.u32 v62, v7;
	v11 =	vxor.u32 $0x80000000, v11;
	vm13 =	vge.f32 v14, v13  }
0x5b9: {  	vm0 =	vmand vm12, vm0;
	v13 =	vsel vm13, $0x3F800000, v8;
	vm14 =	vge.f32 v12, v11  }
0x5ba: {  	v11 =	vmul.f32 v13, v60;
	vm0 =	vmand vm0, vm14  }
0x5bb: {  	v63 =	vsel vm0, $0x0, v9  }
0x5bc: {  	v11 =	vmul.f32 v63, v11  }
0x5bd: {  	s31 =	sadd.s32 $0x1, s31;
	vm15 =	veq.s32 v62, v7  }
0x5be: {  	p0 =	sne.s32 s31, s13;
	v11 =	vsel vm15, $0x0, v11  }
.Ltmp9:
0x5bf: {  	[tilespmem:s2+$0x3400] =	vst v11;
	(pc) =	sbr.rel @p0 .LBB2_1-.Ltmp9, $4  }
0x5c0: {  	[hbm4b:s12+s3] =	stream.linear.scatter [tilespmem:s30], [sflag:$0x2], $0x800, $0x38;
	[tilespmem:$0x3E00] =	vst v63  }
0x5c1: {  	_ =	swait.ge [sflag:s14], $0x800  }
0x5c2: {  	[sflag:s14] =	ssyncset.done $0x0  }
0x5c3: {  	[sflag:s14] =	ssyncadd.s32 $0xFFFFF800  }
0x5c4: {  	_ =	sfence.sel $0x180000  }
0x5c5: {  	[bflag:$0x0] =	sbarrier.arrive $0xFFFF  }
0x5c6: {  	_ =	strace $0x90000047  }
0x5c7: {  	s0 =	stileid.u32;
	[bflag:$0x2] =	sbarrier.arrive $0xFFFF  }
0x5c8: {  	p0 =	sne.s32 s0, $0x0;
	s0 =	rddreg [dreg:$0x3]  }
0x5c9: {  	s0 =	sadd.s32 @!p0 $0x100000, s0  }
0x5ca: {  	[sflag:s0] =	ssyncadd.tile.s32 @!p0 $0x1;
	_ =	shalt  }
.Lfunc_end2:
_tile_overlayer_lowered:
.L_overlay_start_2:
0x5cb: {  	(tag) =	ssettag $0x2  }
0x5cc: {  	s0 =	rddreg [dreg:$0x0];
	s2 =	stileid.u32  }
0x5cd: {  	s1 =	rddreg [dreg:$0x1];
	p0 =	sne.s32 s2, $0x0  }
0x5ce: {  	s3 =	rddreg [dreg:$0x2];
	[bflag:$0x3] =	sbarrier.arrive $0xFFFF;
	s2 =	simm.s32 @!p0 $0x1C02  }
0x5cf: {  	[timem:s3], [sflag:s2] =	dma.local @!p0 [hbm:s0], s1  }
0x5d0: {  	s0 =	simm.s32 @!p0 $0x2  }
0x5d1: {  	_ =	swait.ge @!p0 [sflag:s0], s1  }
0x5d2: {  	s1 =	ssub.s32 @!p0 $0x0, s1;
	[sflag:s0] =	ssyncset.done @!p0 $0x0  }
0x5d3: {  	[sflag:s0] =	ssyncadd.s32 @!p0 s1  }
0x5d4: {  	[bflag:$0x3] =	sbarrier.arrive $0xFFFF  }
0x5d5: {  	_ =	shalt  }

</sc_bundles>
